<compile_context>
chip_gen: v7x
topology: tpu7x:2x2x1
jax: 0.10.2.dev20260603
libtpu: 0.0.44.dev20260713+nightly
codegen_flags: <defaults>
</compile_context>

<pallas_src>
import functools

import jax
import jax.numpy as jnp
from jax import lax
from jax.experimental import pallas as pl
from jax.experimental.pallas import tpu as pltpu
from jax.experimental.pallas import tpu_sc as plsc

N = 10000
E = 320000
D = 128

NC = 2
NS = 16
NW = NC * NS
EPW = E // NW
CH = 80
NCH = EPW // CH
NP = 10240
RPT = NP // NS

_mesh = plsc.VectorSubcoreMesh(core_axis_name="c", subcore_axis_name="s")


@functools.partial(
    pl.kernel,
    out_type=jax.ShapeDtypeStruct((NC, NP, D), jnp.float32),
    mesh=_mesh,
    scratch_types=[
        pltpu.VMEM((CH,), jnp.int32),
        pltpu.VMEM((CH,), jnp.int32),
        pltpu.VMEM((CH,), jnp.float32),
        pltpu.VMEM((CH, D), jnp.float32),
        pltpu.VMEM_SHARED((NP, D), jnp.float32),
        pltpu.SemaphoreType.DMA,
    ],
)
def _spmm_sc(h_hbm, src_hbm, dst_hbm, w_hbm, z_hbm, out_hbm,
             src_v, dst_v, w_v, rows_v, acc_sh, sem):
    cid = lax.axis_index("c")
    sid = lax.axis_index("s")
    wid = sid * NC + cid

    pltpu.sync_copy(z_hbm, acc_sh.at[pl.ds(sid * RPT, RPT)])
    plsc.subcore_barrier()

    base = wid * EPW

    def chunk_body(c, carry):
        cb = base + c * CH
        pltpu.sync_copy(src_hbm.at[pl.ds(cb, CH)], src_v)
        pltpu.sync_copy(dst_hbm.at[pl.ds(cb, CH)], dst_v)
        pltpu.sync_copy(w_hbm.at[pl.ds(cb, CH)], w_v)
        pltpu.async_copy(h_hbm.at[src_v], rows_v, sem).wait()

        def group_body(g, carry2):
            e0 = g * 16
            wv16 = w_v[pl.ds(e0, 16)]
            for j in range(16):
                wv = jnp.full((16,), wv16[j], jnp.float32)
                for db in range(D // 16):
                    sl = pl.ds(db * 16, 16)
                    rows_v[e0 + j, sl] = rows_v[e0 + j, sl] * wv
            return carry2

        lax.fori_loop(0, CH // 16, group_body, 0)
        pltpu.sync_copy(rows_v, acc_sh.at[dst_v], add=True)
        return carry

    lax.fori_loop(0, NCH, chunk_body, 0)
    plsc.subcore_barrier()
    pltpu.sync_copy(acc_sh.at[pl.ds(sid * RPT, RPT)],
                    out_hbm.at[cid, pl.ds(sid * RPT, RPT)])


_BLK = 1000
_GRID = N // _BLK


def _mm_body(x_ref, w_ref, o_ref):
    o_ref[...] = jnp.dot(x_ref[...], w_ref[...],
                         preferred_element_type=jnp.float32)


def _sum_relu_mm_body(p_ref, w_ref, o_ref):
    h = jnp.maximum(p_ref[0] + p_ref[1], 0.0)
    o_ref[...] = jnp.dot(h, w_ref[...], preferred_element_type=jnp.float32)


def _sum_relu_body(p_ref, o_ref):
    o_ref[...] = jnp.maximum(p_ref[0] + p_ref[1], 0.0)


def _matmul(x, w):
    return pl.pallas_call(
        _mm_body,
        grid=(_GRID,),
        in_specs=[pl.BlockSpec((_BLK, D), lambda i: (i, 0)),
                  pl.BlockSpec((D, D), lambda i: (0, 0))],
        out_specs=pl.BlockSpec((_BLK, D), lambda i: (i, 0)),
        out_shape=jax.ShapeDtypeStruct((N, D), jnp.float32),
    )(x, w)


def _sum_relu_matmul(p, w):
    return pl.pallas_call(
        _sum_relu_mm_body,
        grid=(_GRID,),
        in_specs=[pl.BlockSpec((NC, _BLK, D), lambda i: (0, i, 0)),
                  pl.BlockSpec((D, D), lambda i: (0, 0))],
        out_specs=pl.BlockSpec((_BLK, D), lambda i: (i, 0)),
        out_shape=jax.ShapeDtypeStruct((N, D), jnp.float32),
    )(p, w)


def _sum_relu(p):
    return pl.pallas_call(
        _sum_relu_body,
        grid=(_GRID,),
        in_specs=[pl.BlockSpec((NC, _BLK, D), lambda i: (0, i, 0))],
        out_specs=pl.BlockSpec((_BLK, D), lambda i: (i, 0)),
        out_shape=jax.ShapeDtypeStruct((N, D), jnp.float32),
    )(p)


def kernel(x, edge_index, edge_weight, W0, W1):
    src = edge_index[0].astype(jnp.int32)
    dst = edge_index[1].astype(jnp.int32)
    w = edge_weight.astype(jnp.float32)
    zeros = jnp.zeros((RPT, D), jnp.float32)

    h0 = _matmul(x, W0)
    p1 = _spmm_sc(h0, src, dst, w, zeros)
    h1 = _sum_relu_matmul(p1, W1)
    p2 = _spmm_sc(h1, src, dst, w, zeros)
    return _sum_relu(p2)

# --- scband reference (transcript-rebuilt; emitter-appended) ---
"""Pipeline reference for scband-sp-gcn-89799176225667 (READ-ONLY COPY).

The authoritative reference and input builder live on the scoring server;
editing this copy changes nothing except your own understanding.
"""

import jax, jax.numpy as jnp
import numpy as np

N = 10000
E = 320000
D = 128
H1 = 128
H2 = 128


def setup_inputs(seed: int = 0) -> dict:
    key = jax.random.key(seed)
    k1, k2, k3, k4, k5 = jax.random.split(key, 5)
    x = jax.random.normal(k1, (N, D), dtype=jnp.float32)
    edge_index = jax.random.randint(k2, (2, E), 0, N, dtype=jnp.int64)
    edge_weight = jax.random.uniform(k3, (E,), dtype=jnp.float32)
    W0 = jax.random.normal(k4, (D, H1), dtype=jnp.float32) * 0.05
    W1 = jax.random.normal(k5, (H1, H2), dtype=jnp.float32) * 0.05
    return {"x": x, "edge_index": edge_index, "edge_weight": edge_weight, "W0": W0, "W1": W1}


def reference(x, edge_index, edge_weight, W0, W1):
    # Sp_GCN forward: last_l = relu(Ahat @ (x @ W0)); then relu(Ahat @ (last_l @ W1))
    # Sparse Ahat @ H implemented as gather(src) * w, scatter-add to dst.
    src = edge_index[0]
    dst = edge_index[1]

    def spmm(h):
        msg = edge_weight[:, None] * jnp.take(h, src, axis=0)
        return jax.ops.segment_sum(msg, dst, num_segments=N)

    h = x @ W0
    h = jax.nn.relu(spmm(h))
    h = h @ W1
    h = jax.nn.relu(spmm(h))
    return h

if __name__ == "__main__":
    import jax
    _d = setup_inputs()
    print(jax.jit(kernel)(*tuple(_d.values())))

</pallas_src>

<mosaic_0001>
#map = affine_map<(d0, d1) -> (0, 0)>
#map1 = affine_map<(d0, d1) -> (0)>
#map2 = affine_map<(d0, d1) -> (0, 0, 0)>
module attributes {stable_mosaic.version = 14 : i64} {
  func.func @_spmm_sc(%arg0: i32, %arg1: i32, %arg2: memref<10000x128xf32, #tpu.memory_space<hbm>>, %arg3: memref<320000xi32, #tpu.memory_space<hbm>>, %arg4: memref<320000xi32, #tpu.memory_space<hbm>>, %arg5: memref<320000xf32, #tpu.memory_space<hbm>>, %arg6: memref<640x128xf32, #tpu.memory_space<hbm>>, %arg7: memref<2x10240x128xf32, #tpu.memory_space<hbm>>, %arg8: memref<80xi32, #tpu.memory_space<vmem>>, %arg9: memref<80xi32, #tpu.memory_space<vmem>>, %arg10: memref<80xf32, #tpu.memory_space<vmem>>, %arg11: memref<80x128xf32, #tpu.memory_space<vmem>>, %arg12: memref<10240x128xf32, #tpu.memory_space<vmem_shared>>, %arg13: memref<!tpu.dma_semaphore, #tpu.memory_space<semaphore_mem>>) attributes {dimension_semantics = [#tpu.dimension_semantics<core_parallel>, #tpu.dimension_semantics<subcore_parallel>], iteration_bounds = array<i64: 2, 16>, scalar_prefetch = 0 : i64, scratch_operands = 6 : i64, tpu.core_type = #tpu.core_type<sc_vector_subcore>, window_params = [{transform_indices = #map}, {transform_indices = #map1}, {transform_indices = #map1}, {transform_indices = #map1}, {transform_indices = #map}, {transform_indices = #map2}]} {
    %mul3A = arith.constant 2 : i32
    %mul3A_0 = arith.muli %arg1, %mul3A : i32
    %add3A = arith.addi %mul3A_0, %arg0 : i32
    %mul3A_1 = arith.constant 640 : i32
    %mul3A_2 = arith.muli %arg1, %mul3A_1 : i32
    "tpu.region"() ({
      %run_scoped3A = tpu.sem_alloc : memref<!tpu.dma_semaphore, #tpu.memory_space<semaphore_mem>>
      %dma_start3A = arith.constant 0 : i32
      %dma_start3A_15 = tpu.memref_slice %arg12[%mul3A_2, %dma_start3A] : memref<10240x128xf32, #tpu.memory_space<vmem_shared>> -> memref<640x128xf32, #tpu.memory_space<vmem_shared>>
      tpu.enqueue_dma source(%arg6 : memref<640x128xf32, #tpu.memory_space<hbm>>) target(%dma_start3A_15 : memref<640x128xf32, #tpu.memory_space<vmem_shared>>) target_semaphore(%run_scoped3A : memref<!tpu.dma_semaphore, #tpu.memory_space<semaphore_mem>>)
      %dma_wait3A = arith.constant 0 : i32
      %dma_wait3A_16 = tpu.memref_slice %arg12[%mul3A_2, %dma_wait3A] : memref<10240x128xf32, #tpu.memory_space<vmem_shared>> -> memref<640x128xf32, #tpu.memory_space<vmem_shared>>
      tpu.wait_dma2 semaphore(%run_scoped3A : memref<!tpu.dma_semaphore, #tpu.memory_space<semaphore_mem>>) src(%arg6 : memref<640x128xf32, #tpu.memory_space<hbm>>) dst(%dma_wait3A_16 : memref<640x128xf32, #tpu.memory_space<vmem_shared>>)
      tpu.yield
    }) : () -> ()
    %barrier3A = arith.constant 0 : index
    tpu.barrier barrier_id(%barrier3A)
    %mul3A_3 = arith.constant 10000 : i32
    %mul3A_4 = arith.muli %add3A, %mul3A_3 : i32
    %scan3A = arith.constant 0 : i32
    %scan3A_5 = arith.constant 0 : i32
    %scan3A_6 = arith.constant 125 : i32
    %scan3A_7 = arith.addi %scan3A_5, %scan3A_6 : i32
    %scan3A_8 = arith.constant 1 : i32
    scf.for %scan3A_15 = %scan3A_5 to %scan3A_7 step %scan3A_8  : i32 {
      %mul3A_16 = arith.constant 80 : i32
      %mul3A_17 = arith.muli %scan3A_15, %mul3A_16 : i32
      %add3A_18 = arith.addi %mul3A_4, %mul3A_17 : i32
      "tpu.region"() ({
        %run_scoped3A = tpu.sem_alloc : memref<!tpu.dma_semaphore, #tpu.memory_space<semaphore_mem>>
        %dma_start3A_29 = tpu.memref_slice %arg3[%add3A_18] : memref<320000xi32, #tpu.memory_space<hbm>> -> memref<80xi32, #tpu.memory_space<hbm>>
        %dma_start3A_30 = tpu.memref_slice %arg3[%add3A_18] : memref<320000xi32, #tpu.memory_space<hbm>> -> memref<80xi32, #tpu.memory_space<hbm>>
        tpu.enqueue_dma source(%dma_start3A_30 : memref<80xi32, #tpu.memory_space<hbm>>) target(%arg8 : memref<80xi32, #tpu.memory_space<vmem>>) target_semaphore(%run_scoped3A : memref<!tpu.dma_semaphore, #tpu.memory_space<semaphore_mem>>)
        %dma_wait3A_31 = tpu.memref_slice %arg3[%add3A_18] : memref<320000xi32, #tpu.memory_space<hbm>> -> memref<80xi32, #tpu.memory_space<hbm>>
        %dma_wait3A_32 = tpu.memref_slice %arg3[%add3A_18] : memref<320000xi32, #tpu.memory_space<hbm>> -> memref<80xi32, #tpu.memory_space<hbm>>
        tpu.wait_dma2 semaphore(%run_scoped3A : memref<!tpu.dma_semaphore, #tpu.memory_space<semaphore_mem>>) src(%dma_wait3A_32 : memref<80xi32, #tpu.memory_space<hbm>>) dst(%arg8 : memref<80xi32, #tpu.memory_space<vmem>>)
        tpu.yield
      }) : () -> ()
      "tpu.region"() ({
        %run_scoped3A = tpu.sem_alloc : memref<!tpu.dma_semaphore, #tpu.memory_space<semaphore_mem>>
        %dma_start3A_29 = tpu.memref_slice %arg4[%add3A_18] : memref<320000xi32, #tpu.memory_space<hbm>> -> memref<80xi32, #tpu.memory_space<hbm>>
        %dma_start3A_30 = tpu.memref_slice %arg4[%add3A_18] : memref<320000xi32, #tpu.memory_space<hbm>> -> memref<80xi32, #tpu.memory_space<hbm>>
        tpu.enqueue_dma source(%dma_start3A_30 : memref<80xi32, #tpu.memory_space<hbm>>) target(%arg9 : memref<80xi32, #tpu.memory_space<vmem>>) target_semaphore(%run_scoped3A : memref<!tpu.dma_semaphore, #tpu.memory_space<semaphore_mem>>)
        %dma_wait3A_31 = tpu.memref_slice %arg4[%add3A_18] : memref<320000xi32, #tpu.memory_space<hbm>> -> memref<80xi32, #tpu.memory_space<hbm>>
        %dma_wait3A_32 = tpu.memref_slice %arg4[%add3A_18] : memref<320000xi32, #tpu.memory_space<hbm>> -> memref<80xi32, #tpu.memory_space<hbm>>
        tpu.wait_dma2 semaphore(%run_scoped3A : memref<!tpu.dma_semaphore, #tpu.memory_space<semaphore_mem>>) src(%dma_wait3A_32 : memref<80xi32, #tpu.memory_space<hbm>>) dst(%arg9 : memref<80xi32, #tpu.memory_space<vmem>>)
        tpu.yield
      }) : () -> ()
      "tpu.region"() ({
        %run_scoped3A = tpu.sem_alloc : memref<!tpu.dma_semaphore, #tpu.memory_space<semaphore_mem>>
        %dma_start3A_29 = tpu.memref_slice %arg5[%add3A_18] : memref<320000xf32, #tpu.memory_space<hbm>> -> memref<80xf32, #tpu.memory_space<hbm>>
        %dma_start3A_30 = tpu.memref_slice %arg5[%add3A_18] : memref<320000xf32, #tpu.memory_space<hbm>> -> memref<80xf32, #tpu.memory_space<hbm>>
        tpu.enqueue_dma source(%dma_start3A_30 : memref<80xf32, #tpu.memory_space<hbm>>) target(%arg10 : memref<80xf32, #tpu.memory_space<vmem>>) target_semaphore(%run_scoped3A : memref<!tpu.dma_semaphore, #tpu.memory_space<semaphore_mem>>)
        %dma_wait3A_31 = tpu.memref_slice %arg5[%add3A_18] : memref<320000xf32, #tpu.memory_space<hbm>> -> memref<80xf32, #tpu.memory_space<hbm>>
        %dma_wait3A_32 = tpu.memref_slice %arg5[%add3A_18] : memref<320000xf32, #tpu.memory_space<hbm>> -> memref<80xf32, #tpu.memory_space<hbm>>
        tpu.wait_dma2 semaphore(%run_scoped3A : memref<!tpu.dma_semaphore, #tpu.memory_space<semaphore_mem>>) src(%dma_wait3A_32 : memref<80xf32, #tpu.memory_space<hbm>>) dst(%arg10 : memref<80xf32, #tpu.memory_space<vmem>>)
        tpu.yield
      }) : () -> ()
      %dma_start3A = arith.constant 0 : i32
      %dma_start3A_19 = arith.constant 0 : i32
      %dma_start3A_20 = tpu.memref_slice %arg2[%dma_start3A, %dma_start3A_19] : memref<10000x128xf32, #tpu.memory_space<hbm>> -> memref<10000x128xf32, #tpu.memory_space<hbm>>
      tpu.enqueue_indirect_dma source(%dma_start3A_20 : memref<10000x128xf32, #tpu.memory_space<hbm>>) target(%arg11 : memref<80x128xf32, #tpu.memory_space<vmem>>) offsets(%arg8 : memref<80xi32, #tpu.memory_space<vmem>>) semaphore(%arg13 : memref<!tpu.dma_semaphore, #tpu.memory_space<semaphore_mem>>)
      %dma_wait3A = arith.constant 0 : i32
      %dma_wait3A_21 = arith.constant 0 : i32
      %dma_wait3A_22 = tpu.memref_slice %arg2[%dma_wait3A, %dma_wait3A_21] : memref<10000x128xf32, #tpu.memory_space<hbm>> -> memref<10000x128xf32, #tpu.memory_space<hbm>>
      tpu.wait_indirect_dma semaphore(%arg13 : memref<!tpu.dma_semaphore, #tpu.memory_space<semaphore_mem>>) src(%dma_wait3A_22 : memref<10000x128xf32, #tpu.memory_space<hbm>>) dst(%arg11 : memref<80x128xf32, #tpu.memory_space<vmem>>)
      %scan3A_23 = arith.constant 0 : i32
      %scan3A_24 = arith.constant 0 : i32
      %scan3A_25 = arith.constant 5 : i32
      %scan3A_26 = arith.addi %scan3A_24, %scan3A_25 : i32
      %scan3A_27 = arith.constant 1 : i32
      scf.for %scan3A_29 = %scan3A_24 to %scan3A_26 step %scan3A_27  : i32 {
        %mul3A_30 = arith.constant 16 : i32
        %mul3A_31 = arith.muli %scan3A_29, %mul3A_30 : i32
        %get3A = arith.index_cast %mul3A_31 : i32 to index
        %get3A_32 = tpu.vector_load %arg10[%get3A] {strides = array<i32>} : memref<80xf32, #tpu.memory_space<vmem>>, vector<16xf32>,
        %get3A_33 = vector.shape_cast %get3A_32 : vector<16xf32> to vector<16xf32>
        %slice3A = vector.extract_strided_slice %get3A_33 {offsets = [0], sizes = [1], strides = [1]} : vector<16xf32> to vector<1xf32>
        %squeeze3A = vector.extract %slice3A[0] : f32 from vector<1xf32>
        %broadcast_in_dim3A = vector.broadcast %squeeze3A : f32 to vector<16xf32>
        %add3A_34 = arith.constant 0 : i32
        %add3A_35 = arith.addi %mul3A_31, %add3A_34 : i32
        %get3A_36 = arith.index_cast %add3A_35 : i32 to index
        %get3A_37 = arith.constant 0 : index
        %get3A_38 = tpu.vector_load %arg11[%get3A_36, %get3A_37] {strides = array<i32>} : memref<80x128xf32, #tpu.memory_space<vmem>>, vector<1x16xf32>,
        %get3A_39 = vector.shape_cast %get3A_38 : vector<1x16xf32> to vector<16xf32>
        %mul3A_40 = arith.mulf %get3A_39, %broadcast_in_dim3A : vector<16xf32>
        %add3A_41 = arith.constant 0 : i32
        %add3A_42 = arith.addi %mul3A_31, %add3A_41 : i32
        %swap3A = arith.index_cast %add3A_42 : i32 to index
        %swap3A_43 = arith.constant 0 : index
        %swap3A_44 = tpu.vector_load %arg11[%swap3A, %swap3A_43] {strides = array<i32>} : memref<80x128xf32, #tpu.memory_space<vmem>>, vector<1x16xf32>,
        %swap3A_45 = vector.shape_cast %swap3A_44 : vector<1x16xf32> to vector<16xf32>
        %swap3A_46 = vector.shape_cast %mul3A_40 : vector<16xf32> to vector<1x16xf32>
        tpu.vector_store %arg11[%swap3A, %swap3A_43], %swap3A_46 {strides = array<i32>} : memref<80x128xf32, #tpu.memory_space<vmem>>, vector<1x16xf32>,
        %add3A_47 = arith.constant 0 : i32
        %add3A_48 = arith.addi %mul3A_31, %add3A_47 : i32
        %get3A_49 = arith.index_cast %add3A_48 : i32 to index
        %get3A_50 = arith.constant 16 : index
        %get3A_51 = tpu.vector_load %arg11[%get3A_49, %get3A_50] {strides = array<i32>} : memref<80x128xf32, #tpu.memory_space<vmem>>, vector<1x16xf32>,
        %get3A_52 = vector.shape_cast %get3A_51 : vector<1x16xf32> to vector<16xf32>
        %mul3A_53 = arith.mulf %get3A_52, %broadcast_in_dim3A : vector<16xf32>
        %add3A_54 = arith.constant 0 : i32
        %add3A_55 = arith.addi %mul3A_31, %add3A_54 : i32
        %swap3A_56 = arith.index_cast %add3A_55 : i32 to index
        %swap3A_57 = arith.constant 16 : index
        %swap3A_58 = tpu.vector_load %arg11[%swap3A_56, %swap3A_57] {strides = array<i32>} : memref<80x128xf32, #tpu.memory_space<vmem>>, vector<1x16xf32>,
        %swap3A_59 = vector.shape_cast %swap3A_58 : vector<1x16xf32> to vector<16xf32>
        %swap3A_60 = vector.shape_cast %mul3A_53 : vector<16xf32> to vector<1x16xf32>
        tpu.vector_store %arg11[%swap3A_56, %swap3A_57], %swap3A_60 {strides = array<i32>} : memref<80x128xf32, #tpu.memory_space<vmem>>, vector<1x16xf32>,
        %add3A_61 = arith.constant 0 : i32
        %add3A_62 = arith.addi %mul3A_31, %add3A_61 : i32
        %get3A_63 = arith.index_cast %add3A_62 : i32 to index
        %get3A_64 = arith.constant 32 : index
        %get3A_65 = tpu.vector_load %arg11[%get3A_63, %get3A_64] {strides = array<i32>} : memref<80x128xf32, #tpu.memory_space<vmem>>, vector<1x16xf32>,
        %get3A_66 = vector.shape_cast %get3A_65 : vector<1x16xf32> to vector<16xf32>
        %mul3A_67 = arith.mulf %get3A_66, %broadcast_in_dim3A : vector<16xf32>
        %add3A_68 = arith.constant 0 : i32
        %add3A_69 = arith.addi %mul3A_31, %add3A_68 : i32
        %swap3A_70 = arith.index_cast %add3A_69 : i32 to index
        %swap3A_71 = arith.constant 32 : index
        %swap3A_72 = tpu.vector_load %arg11[%swap3A_70, %swap3A_71] {strides = array<i32>} : memref<80x128xf32, #tpu.memory_space<vmem>>, vector<1x16xf32>,
        %swap3A_73 = vector.shape_cast %swap3A_72 : vector<1x16xf32> to vector<16xf32>
        %swap3A_74 = vector.shape_cast %mul3A_67 : vector<16xf32> to vector<1x16xf32>
        tpu.vector_store %arg11[%swap3A_70, %swap3A_71], %swap3A_74 {strides = array<i32>} : memref<80x128xf32, #tpu.memory_space<vmem>>, vector<1x16xf32>,
        %add3A_75 = arith.constant 0 : i32
        %add3A_76 = arith.addi %mul3A_31, %add3A_75 : i32
        %get3A_77 = arith.index_cast %add3A_76 : i32 to index
        %get3A_78 = arith.constant 48 : index
        %get3A_79 = tpu.vector_load %arg11[%get3A_77, %get3A_78] {strides = array<i32>} : memref<80x128xf32, #tpu.memory_space<vmem>>, vector<1x16xf32>,
        %get3A_80 = vector.shape_cast %get3A_79 : vector<1x16xf32> to vector<16xf32>
        %mul3A_81 = arith.mulf %get3A_80, %broadcast_in_dim3A : vector<16xf32>
        %add3A_82 = arith.constant 0 : i32
        %add3A_83 = arith.addi %mul3A_31, %add3A_82 : i32
        %swap3A_84 = arith.index_cast %add3A_83 : i32 to index
        %swap3A_85 = arith.constant 48 : index
        %swap3A_86 = tpu.vector_load %arg11[%swap3A_84, %swap3A_85] {strides = array<i32>} : memref<80x128xf32, #tpu.memory_space<vmem>>, vector<1x16xf32>,
        %swap3A_87 = vector.shape_cast %swap3A_86 : vector<1x16xf32> to vector<16xf32>
        %swap3A_88 = vector.shape_cast %mul3A_81 : vector<16xf32> to vector<1x16xf32>
        tpu.vector_store %arg11[%swap3A_84, %swap3A_85], %swap3A_88 {strides = array<i32>} : memref<80x128xf32, #tpu.memory_space<vmem>>, vector<1x16xf32>,
        %add3A_89 = arith.constant 0 : i32
        %add3A_90 = arith.addi %mul3A_31, %add3A_89 : i32
        %get3A_91 = arith.index_cast %add3A_90 : i32 to index
        %get3A_92 = arith.constant 64 : index
        %get3A_93 = tpu.vector_load %arg11[%get3A_91, %get3A_92] {strides = array<i32>} : memref<80x128xf32, #tpu.memory_space<vmem>>, vector<1x16xf32>,
        %get3A_94 = vector.shape_cast %get3A_93 : vector<1x16xf32> to vector<16xf32>
        %mul3A_95 = arith.mulf %get3A_94, %broadcast_in_dim3A : vector<16xf32>
        %add3A_96 = arith.constant 0 : i32
        %add3A_97 = arith.addi %mul3A_31, %add3A_96 : i32
        %swap3A_98 = arith.index_cast %add3A_97 : i32 to index
        %swap3A_99 = arith.constant 64 : index
        %swap3A_100 = tpu.vector_load %arg11[%swap3A_98, %swap3A_99] {strides = array<i32>} : memref<80x128xf32, #tpu.memory_space<vmem>>, vector<1x16xf32>,
        %swap3A_101 = vector.shape_cast %swap3A_100 : vector<1x16xf32> to vector<16xf32>
        %swap3A_102 = vector.shape_cast %mul3A_95 : vector<16xf32> to vector<1x16xf32>
        tpu.vector_store %arg11[%swap3A_98, %swap3A_99], %swap3A_102 {strides = array<i32>} : memref<80x128xf32, #tpu.memory_space<vmem>>, vector<1x16xf32>,
        %add3A_103 = arith.constant 0 : i32
        %add3A_104 = arith.addi %mul3A_31, %add3A_103 : i32
        %get3A_105 = arith.index_cast %add3A_104 : i32 to index
        %get3A_106 = arith.constant 80 : index
        %get3A_107 = tpu.vector_load %arg11[%get3A_105, %get3A_106] {strides = array<i32>} : memref<80x128xf32, #tpu.memory_space<vmem>>, vector<1x16xf32>,
        %get3A_108 = vector.shape_cast %get3A_107 : vector<1x16xf32> to vector<16xf32>
        %mul3A_109 = arith.mulf %get3A_108, %broadcast_in_dim3A : vector<16xf32>
        %add3A_110 = arith.constant 0 : i32
        %add3A_111 = arith.addi %mul3A_31, %add3A_110 : i32
        %swap3A_112 = arith.index_cast %add3A_111 : i32 to index
        %swap3A_113 = arith.constant 80 : index
        %swap3A_114 = tpu.vector_load %arg11[%swap3A_112, %swap3A_113] {strides = array<i32>} : memref<80x128xf32, #tpu.memory_space<vmem>>, vector<1x16xf32>,
        %swap3A_115 = vector.shape_cast %swap3A_114 : vector<1x16xf32> to vector<16xf32>
        %swap3A_116 = vector.shape_cast %mul3A_109 : vector<16xf32> to vector<1x16xf32>
        tpu.vector_store %arg11[%swap3A_112, %swap3A_113], %swap3A_116 {strides = array<i32>} : memref<80x128xf32, #tpu.memory_space<vmem>>, vector<1x16xf32>,
        %add3A_117 = arith.constant 0 : i32
        %add3A_118 = arith.addi %mul3A_31, %add3A_117 : i32
        %get3A_119 = arith.index_cast %add3A_118 : i32 to index
        %get3A_120 = arith.constant 96 : index
        %get3A_121 = tpu.vector_load %arg11[%get3A_119, %get3A_120] {strides = array<i32>} : memref<80x128xf32, #tpu.memory_space<vmem>>, vector<1x16xf32>,
        %get3A_122 = vector.shape_cast %get3A_121 : vector<1x16xf32> to vector<16xf32>
        %mul3A_123 = arith.mulf %get3A_122, %broadcast_in_dim3A : vector<16xf32>
        %add3A_124 = arith.constant 0 : i32
        %add3A_125 = arith.addi %mul3A_31, %add3A_124 : i32
        %swap3A_126 = arith.index_cast %add3A_125 : i32 to index
        %swap3A_127 = arith.constant 96 : index
        %swap3A_128 = tpu.vector_load %arg11[%swap3A_126, %swap3A_127] {strides = array<i32>} : memref<80x128xf32, #tpu.memory_space<vmem>>, vector<1x16xf32>,
        %swap3A_129 = vector.shape_cast %swap3A_128 : vector<1x16xf32> to vector<16xf32>
        %swap3A_130 = vector.shape_cast %mul3A_123 : vector<16xf32> to vector<1x16xf32>
        tpu.vector_store %arg11[%swap3A_126, %swap3A_127], %swap3A_130 {strides = array<i32>} : memref<80x128xf32, #tpu.memory_space<vmem>>, vector<1x16xf32>,
        %add3A_131 = arith.constant 0 : i32
        %add3A_132 = arith.addi %mul3A_31, %add3A_131 : i32
        %get3A_133 = arith.index_cast %add3A_132 : i32 to index
        %get3A_134 = arith.constant 112 : index
        %get3A_135 = tpu.vector_load %arg11[%get3A_133, %get3A_134] {strides = array<i32>} : memref<80x128xf32, #tpu.memory_space<vmem>>, vector<1x16xf32>,
        %get3A_136 = vector.shape_cast %get3A_135 : vector<1x16xf32> to vector<16xf32>
        %mul3A_137 = arith.mulf %get3A_136, %broadcast_in_dim3A : vector<16xf32>
        %add3A_138 = arith.constant 0 : i32
        %add3A_139 = arith.addi %mul3A_31, %add3A_138 : i32
        %swap3A_140 = arith.index_cast %add3A_139 : i32 to index
        %swap3A_141 = arith.constant 112 : index
        %swap3A_142 = tpu.vector_load %arg11[%swap3A_140, %swap3A_141] {strides = array<i32>} : memref<80x128xf32, #tpu.memory_space<vmem>>, vector<1x16xf32>,
        %swap3A_143 = vector.shape_cast %swap3A_142 : vector<1x16xf32> to vector<16xf32>
        %swap3A_144 = vector.shape_cast %mul3A_137 : vector<16xf32> to vector<1x16xf32>
        tpu.vector_store %arg11[%swap3A_140, %swap3A_141], %swap3A_144 {strides = array<i32>} : memref<80x128xf32, #tpu.memory_space<vmem>>, vector<1x16xf32>,
        %slice3A_145 = vector.extract_strided_slice %get3A_33 {offsets = [1], sizes = [1], strides = [1]} : vector<16xf32> to vector<1xf32>
        %squeeze3A_146 = vector.extract %slice3A_145[0] : f32 from vector<1xf32>
        %broadcast_in_dim3A_147 = vector.broadcast %squeeze3A_146 : f32 to vector<16xf32>
        %add3A_148 = arith.constant 1 : i32
        %add3A_149 = arith.addi %mul3A_31, %add3A_148 : i32
        %get3A_150 = arith.index_cast %add3A_149 : i32 to index
        %get3A_151 = arith.constant 0 : index
        %get3A_152 = tpu.vector_load %arg11[%get3A_150, %get3A_151] {strides = array<i32>} : memref<80x128xf32, #tpu.memory_space<vmem>>, vector<1x16xf32>,
        %get3A_153 = vector.shape_cast %get3A_152 : vector<1x16xf32> to vector<16xf32>
        %mul3A_154 = arith.mulf %get3A_153, %broadcast_in_dim3A_147 : vector<16xf32>
        %add3A_155 = arith.constant 1 : i32
        %add3A_156 = arith.addi %mul3A_31, %add3A_155 : i32
        %swap3A_157 = arith.index_cast %add3A_156 : i32 to index
        %swap3A_158 = arith.constant 0 : index
        %swap3A_159 = tpu.vector_load %arg11[%swap3A_157, %swap3A_158] {strides = array<i32>} : memref<80x128xf32, #tpu.memory_space<vmem>>, vector<1x16xf32>,
        %swap3A_160 = vector.shape_cast %swap3A_159 : vector<1x16xf32> to vector<16xf32>
        %swap3A_161 = vector.shape_cast %mul3A_154 : vector<16xf32> to vector<1x16xf32>
        tpu.vector_store %arg11[%swap3A_157, %swap3A_158], %swap3A_161 {strides = array<i32>} : memref<80x128xf32, #tpu.memory_space<vmem>>, vector<1x16xf32>,
        %add3A_162 = arith.constant 1 : i32
        %add3A_163 = arith.addi %mul3A_31, %add3A_162 : i32
        %get3A_164 = arith.index_cast %add3A_163 : i32 to index
        %get3A_165 = arith.constant 16 : index
        %get3A_166 = tpu.vector_load %arg11[%get3A_164, %get3A_165] {strides = array<i32>} : memref<80x128xf32, #tpu.memory_space<vmem>>, vector<1x16xf32>,
        %get3A_167 = vector.shape_cast %get3A_166 : vector<1x16xf32> to vector<16xf32>
        %mul3A_168 = arith.mulf %get3A_167, %broadcast_in_dim3A_147 : vector<16xf32>
        %add3A_169 = arith.constant 1 : i32
        %add3A_170 = arith.addi %mul3A_31, %add3A_169 : i32
        %swap3A_171 = arith.index_cast %add3A_170 : i32 to index
        %swap3A_172 = arith.constant 16 : index
        %swap3A_173 = tpu.vector_load %arg11[%swap3A_171, %swap3A_172] {strides = array<i32>} : memref<80x128xf32, #tpu.memory_space<vmem>>, vector<1x16xf32>,
        %swap3A_174 = vector.shape_cast %swap3A_173 : vector<1x16xf32> to vector<16xf32>
        %swap3A_175 = vector.shape_cast %mul3A_168 : vector<16xf32> to vector<1x16xf32>
        tpu.vector_store %arg11[%swap3A_171, %swap3A_172], %swap3A_175 {strides = array<i32>} : memref<80x128xf32, #tpu.memory_space<vmem>>, vector<1x16xf32>,
        %add3A_176 = arith.constant 1 : i32
        %add3A_177 = arith.addi %mul3A_31, %add3A_176 : i32
        %get3A_178 = arith.index_cast %add3A_177 : i32 to index
        %get3A_179 = arith.constant 32 : index
        %get3A_180 = tpu.vector_load %arg11[%get3A_178, %get3A_179] {strides = array<i32>} : memref<80x128xf32, #tpu.memory_space<vmem>>, vector<1x16xf32>,
        %get3A_181 = vector.shape_cast %get3A_180 : vector<1x16xf32> to vector<16xf32>
        %mul3A_182 = arith.mulf %get3A_181, %broadcast_in_dim3A_147 : vector<16xf32>
        %add3A_183 = arith.constant 1 : i32
        %add3A_184 = arith.addi %mul3A_31, %add3A_183 : i32
        %swap3A_185 = arith.index_cast %add3A_184 : i32 to index
        %swap3A_186 = arith.constant 32 : index
        %swap3A_187 = tpu.vector_load %arg11[%swap3A_185, %swap3A_186] {strides = array<i32>} : memref<80x128xf32, #tpu.memory_space<vmem>>, vector<1x16xf32>,
        %swap3A_188 = vector.shape_cast %swap3A_187 : vector<1x16xf32> to vector<16xf32>
        %swap3A_189 = vector.shape_cast %mul3A_182 : vector<16xf32> to vector<1x16xf32>
        tpu.vector_store %arg11[%swap3A_185, %swap3A_186], %swap3A_189 {strides = array<i32>} : memref<80x128xf32, #tpu.memory_space<vmem>>, vector<1x16xf32>,
        %add3A_190 = arith.constant 1 : i32
        %add3A_191 = arith.addi %mul3A_31, %add3A_190 : i32
        %get3A_192 = arith.index_cast %add3A_191 : i32 to index
        %get3A_193 = arith.constant 48 : index
        %get3A_194 = tpu.vector_load %arg11[%get3A_192, %get3A_193] {strides = array<i32>} : memref<80x128xf32, #tpu.memory_space<vmem>>, vector<1x16xf32>,
        %get3A_195 = vector.shape_cast %get3A_194 : vector<1x16xf32> to vector<16xf32>
        %mul3A_196 = arith.mulf %get3A_195, %broadcast_in_dim3A_147 : vector<16xf32>
        %add3A_197 = arith.constant 1 : i32
        %add3A_198 = arith.addi %mul3A_31, %add3A_197 : i32
        %swap3A_199 = arith.index_cast %add3A_198 : i32 to index
        %swap3A_200 = arith.constant 48 : index
        %swap3A_201 = tpu.vector_load %arg11[%swap3A_199, %swap3A_200] {strides = array<i32>} : memref<80x128xf32, #tpu.memory_space<vmem>>, vector<1x16xf32>,
        %swap3A_202 = vector.shape_cast %swap3A_201 : vector<1x16xf32> to vector<16xf32>
        %swap3A_203 = vector.shape_cast %mul3A_196 : vector<16xf32> to vector<1x16xf32>
        tpu.vector_store %arg11[%swap3A_199, %swap3A_200], %swap3A_203 {strides = array<i32>} : memref<80x128xf32, #tpu.memory_space<vmem>>, vector<1x16xf32>,
        %add3A_204 = arith.constant 1 : i32
        %add3A_205 = arith.addi %mul3A_31, %add3A_204 : i32
        %get3A_206 = arith.index_cast %add3A_205 : i32 to index
        %get3A_207 = arith.constant 64 : index
        %get3A_208 = tpu.vector_load %arg11[%get3A_206, %get3A_207] {strides = array<i32>} : memref<80x128xf32, #tpu.memory_space<vmem>>, vector<1x16xf32>,
        %get3A_209 = vector.shape_cast %get3A_208 : vector<1x16xf32> to vector<16xf32>
        %mul3A_210 = arith.mulf %get3A_209, %broadcast_in_dim3A_147 : vector<16xf32>
        %add3A_211 = arith.constant 1 : i32
        %add3A_212 = arith.addi %mul3A_31, %add3A_211 : i32
        %swap3A_213 = arith.index_cast %add3A_212 : i32 to index
        %swap3A_214 = arith.constant 64 : index
        %swap3A_215 = tpu.vector_load %arg11[%swap3A_213, %swap3A_214] {strides = array<i32>} : memref<80x128xf32, #tpu.memory_space<vmem>>, vector<1x16xf32>,
        %swap3A_216 = vector.shape_cast %swap3A_215 : vector<1x16xf32> to vector<16xf32>
        %swap3A_217 = vector.shape_cast %mul3A_210 : vector<16xf32> to vector<1x16xf32>
        tpu.vector_store %arg11[%swap3A_213, %swap3A_214], %swap3A_217 {strides = array<i32>} : memref<80x128xf32, #tpu.memory_space<vmem>>, vector<1x16xf32>,
        %add3A_218 = arith.constant 1 : i32
        %add3A_219 = arith.addi %mul3A_31, %add3A_218 : i32
        %get3A_220 = arith.index_cast %add3A_219 : i32 to index
        %get3A_221 = arith.constant 80 : index
        %get3A_222 = tpu.vector_load %arg11[%get3A_220, %get3A_221] {strides = array<i32>} : memref<80x128xf32, #tpu.memory_space<vmem>>, vector<1x16xf32>,
        %get3A_223 = vector.shape_cast %get3A_222 : vector<1x16xf32> to vector<16xf32>
        %mul3A_224 = arith.mulf %get3A_223, %broadcast_in_dim3A_147 : vector<16xf32>
        %add3A_225 = arith.constant 1 : i32
        %add3A_226 = arith.addi %mul3A_31, %add3A_225 : i32
        %swap3A_227 = arith.index_cast %add3A_226 : i32 to index
        %swap3A_228 = arith.constant 80 : index
        %swap3A_229 = tpu.vector_load %arg11[%swap3A_227, %swap3A_228] {strides = array<i32>} : memref<80x128xf32, #tpu.memory_space<vmem>>, vector<1x16xf32>,
        %swap3A_230 = vector.shape_cast %swap3A_229 : vector<1x16xf32> to vector<16xf32>
        %swap3A_231 = vector.shape_cast %mul3A_224 : vector<16xf32> to vector<1x16xf32>
        tpu.vector_store %arg11[%swap3A_227, %swap3A_228], %swap3A_231 {strides = array<i32>} : memref<80x128xf32, #tpu.memory_space<vmem>>, vector<1x16xf32>,
        %add3A_232 = arith.constant 1 : i32
        %add3A_233 = arith.addi %mul3A_31, %add3A_232 : i32
        %get3A_234 = arith.index_cast %add3A_233 : i32 to index
        %get3A_235 = arith.constant 96 : index
        %get3A_236 = tpu.vector_load %arg11[%get3A_234, %get3A_235] {strides = array<i32>} : memref<80x128xf32, #tpu.memory_space<vmem>>, vector<1x16xf32>,
        %get3A_237 = vector.shape_cast %get3A_236 : vector<1x16xf32> to vector<16xf32>
        %mul3A_238 = arith.mulf %get3A_237, %broadcast_in_dim3A_147 : vector<16xf32>
        %add3A_239 = arith.constant 1 : i32
        %add3A_240 = arith.addi %mul3A_31, %add3A_239 : i32
        %swap3A_241 = arith.index_cast %add3A_240 : i32 to index
        %swap3A_242 = arith.constant 96 : index
        %swap3A_243 = tpu.vector_load %arg11[%swap3A_241, %swap3A_242] {strides = array<i32>} : memref<80x128xf32, #tpu.memory_space<vmem>>, vector<1x16xf32>,
        %swap3A_244 = vector.shape_cast %swap3A_243 : vector<1x16xf32> to vector<16xf32>
        %swap3A_245 = vector.shape_cast %mul3A_238 : vector<16xf32> to vector<1x16xf32>
        tpu.vector_store %arg11[%swap3A_241, %swap3A_242], %swap3A_245 {strides = array<i32>} : memref<80x128xf32, #tpu.memory_space<vmem>>, vector<1x16xf32>,
        %add3A_246 = arith.constant 1 : i32
        %add3A_247 = arith.addi %mul3A_31, %add3A_246 : i32
        %get3A_248 = arith.index_cast %add3A_247 : i32 to index
        %get3A_249 = arith.constant 112 : index
        %get3A_250 = tpu.vector_load %arg11[%get3A_248, %get3A_249] {strides = array<i32>} : memref<80x128xf32, #tpu.memory_space<vmem>>, vector<1x16xf32>,
        %get3A_251 = vector.shape_cast %get3A_250 : vector<1x16xf32> to vector<16xf32>
        %mul3A_252 = arith.mulf %get3A_251, %broadcast_in_dim3A_147 : vector<16xf32>
        %add3A_253 = arith.constant 1 : i32
        %add3A_254 = arith.addi %mul3A_31, %add3A_253 : i32
        %swap3A_255 = arith.index_cast %add3A_254 : i32 to index
        %swap3A_256 = arith.constant 112 : index
        %swap3A_257 = tpu.vector_load %arg11[%swap3A_255, %swap3A_256] {strides = array<i32>} : memref<80x128xf32, #tpu.memory_space<vmem>>, vector<1x16xf32>,
        %swap3A_258 = vector.shape_cast %swap3A_257 : vector<1x16xf32> to vector<16xf32>
        %swap3A_259 = vector.shape_cast %mul3A_252 : vector<16xf32> to vector<1x16xf32>
        tpu.vector_store %arg11[%swap3A_255, %swap3A_256], %swap3A_259 {strides = array<i32>} : memref<80x128xf32, #tpu.memory_space<vmem>>, vector<1x16xf32>,
        %slice3A_260 = vector.extract_strided_slice %get3A_33 {offsets = [2], sizes = [1], strides = [1]} : vector<16xf32> to vector<1xf32>
        %squeeze3A_261 = vector.extract %slice3A_260[0] : f32 from vector<1xf32>
        %broadcast_in_dim3A_262 = vector.broadcast %squeeze3A_261 : f32 to vector<16xf32>
        %add3A_263 = arith.constant 2 : i32
        %add3A_264 = arith.addi %mul3A_31, %add3A_263 : i32
        %get3A_265 = arith.index_cast %add3A_264 : i32 to index
        %get3A_266 = arith.constant 0 : index
        %get3A_267 = tpu.vector_load %arg11[%get3A_265, %get3A_266] {strides = array<i32>} : memref<80x128xf32, #tpu.memory_space<vmem>>, vector<1x16xf32>,
        %get3A_268 = vector.shape_cast %get3A_267 : vector<1x16xf32> to vector<16xf32>
        %mul3A_269 = arith.mulf %get3A_268, %broadcast_in_dim3A_262 : vector<16xf32>
        %add3A_270 = arith.constant 2 : i32
        %add3A_271 = arith.addi %mul3A_31, %add3A_270 : i32
        %swap3A_272 = arith.index_cast %add3A_271 : i32 to index
        %swap3A_273 = arith.constant 0 : index
        %swap3A_274 = tpu.vector_load %arg11[%swap3A_272, %swap3A_273] {strides = array<i32>} : memref<80x128xf32, #tpu.memory_space<vmem>>, vector<1x16xf32>,
        %swap3A_275 = vector.shape_cast %swap3A_274 : vector<1x16xf32> to vector<16xf32>
        %swap3A_276 = vector.shape_cast %mul3A_269 : vector<16xf32> to vector<1x16xf32>
        tpu.vector_store %arg11[%swap3A_272, %swap3A_273], %swap3A_276 {strides = array<i32>} : memref<80x128xf32, #tpu.memory_space<vmem>>, vector<1x16xf32>,
        %add3A_277 = arith.constant 2 : i32
        %add3A_278 = arith.addi %mul3A_31, %add3A_277 : i32
        %get3A_279 = arith.index_cast %add3A_278 : i32 to index
        %get3A_280 = arith.constant 16 : index
        %get3A_281 = tpu.vector_load %arg11[%get3A_279, %get3A_280] {strides = array<i32>} : memref<80x128xf32, #tpu.memory_space<vmem>>, vector<1x16xf32>,
        %get3A_282 = vector.shape_cast %get3A_281 : vector<1x16xf32> to vector<16xf32>
        %mul3A_283 = arith.mulf %get3A_282, %broadcast_in_dim3A_262 : vector<16xf32>
        %add3A_284 = arith.constant 2 : i32
        %add3A_285 = arith.addi %mul3A_31, %add3A_284 : i32
        %swap3A_286 = arith.index_cast %add3A_285 : i32 to index
        %swap3A_287 = arith.constant 16 : index
        %swap3A_288 = tpu.vector_load %arg11[%swap3A_286, %swap3A_287] {strides = array<i32>} : memref<80x128xf32, #tpu.memory_space<vmem>>, vector<1x16xf32>,
        %swap3A_289 = vector.shape_cast %swap3A_288 : vector<1x16xf32> to vector<16xf32>
        %swap3A_290 = vector.shape_cast %mul3A_283 : vector<16xf32> to vector<1x16xf32>
        tpu.vector_store %arg11[%swap3A_286, %swap3A_287], %swap3A_290 {strides = array<i32>} : memref<80x128xf32, #tpu.memory_space<vmem>>, vector<1x16xf32>,
        %add3A_291 = arith.constant 2 : i32
        %add3A_292 = arith.addi %mul3A_31, %add3A_291 : i32
        %get3A_293 = arith.index_cast %add3A_292 : i32 to index
        %get3A_294 = arith.constant 32 : index
        %get3A_295 = tpu.vector_load %arg11[%get3A_293, %get3A_294] {strides = array<i32>} : memref<80x128xf32, #tpu.memory_space<vmem>>, vector<1x16xf32>,
        %get3A_296 = vector.shape_cast %get3A_295 : vector<1x16xf32> to vector<16xf32>
        %mul3A_297 = arith.mulf %get3A_296, %broadcast_in_dim3A_262 : vector<16xf32>
        %add3A_298 = arith.constant 2 : i32
        %add3A_299 = arith.addi %mul3A_31, %add3A_298 : i32
        %swap3A_300 = arith.index_cast %add3A_299 : i32 to index
        %swap3A_301 = arith.constant 32 : index
        %swap3A_302 = tpu.vector_load %arg11[%swap3A_300, %swap3A_301] {strides = array<i32>} : memref<80x128xf32, #tpu.memory_space<vmem>>, vector<1x16xf32>,
        %swap3A_303 = vector.shape_cast %swap3A_302 : vector<1x16xf32> to vector<16xf32>
        %swap3A_304 = vector.shape_cast %mul3A_297 : vector<16xf32> to vector<1x16xf32>
        tpu.vector_store %arg11[%swap3A_300, %swap3A_301], %swap3A_304 {strides = array<i32>} : memref<80x128xf32, #tpu.memory_space<vmem>>, vector<1x16xf32>,
        %add3A_305 = arith.constant 2 : i32
        %add3A_306 = arith.addi %mul3A_31, %add3A_305 : i32
        %get3A_307 = arith.index_cast %add3A_306 : i32 to index
        %get3A_308 = arith.constant 48 : index
        %get3A_309 = tpu.vector_load %arg11[%get3A_307, %get3A_308] {strides = array<i32>} : memref<80x128xf32, #tpu.memory_space<vmem>>, vector<1x16xf32>,
        %get3A_310 = vector.shape_cast %get3A_309 : vector<1x16xf32> to vector<16xf32>
        %mul3A_311 = arith.mulf %get3A_310, %broadcast_in_dim3A_262 : vector<16xf32>
        %add3A_312 = arith.constant 2 : i32
        %add3A_313 = arith.addi %mul3A_31, %add3A_312 : i32
        %swap3A_314 = arith.index_cast %add3A_313 : i32 to index
        %swap3A_315 = arith.constant 48 : index
        %swap3A_316 = tpu.vector_load %arg11[%swap3A_314, %swap3A_315] {strides = array<i32>} : memref<80x128xf32, #tpu.memory_space<vmem>>, vector<1x16xf32>,
        %swap3A_317 = vector.shape_cast %swap3A_316 : vector<1x16xf32> to vector<16xf32>
        %swap3A_318 = vector.shape_cast %mul3A_311 : vector<16xf32> to vector<1x16xf32>
        tpu.vector_store %arg11[%swap3A_314, %swap3A_315], %swap3A_318 {strides = array<i32>} : memref<80x128xf32, #tpu.memory_space<vmem>>, vector<1x16xf32>,
        %add3A_319 = arith.constant 2 : i32
        %add3A_320 = arith.addi %mul3A_31, %add3A_319 : i32
        %get3A_321 = arith.index_cast %add3A_320 : i32 to index
        %get3A_322 = arith.constant 64 : index
        %get3A_323 = tpu.vector_load %arg11[%get3A_321, %get3A_322] {strides = array<i32>} : memref<80x128xf32, #tpu.memory_space<vmem>>, vector<1x16xf32>,
        %get3A_324 = vector.shape_cast %get3A_323 : vector<1x16xf32> to vector<16xf32>
        %mul3A_325 = arith.mulf %get3A_324, %broadcast_in_dim3A_262 : vector<16xf32>
        %add3A_326 = arith.constant 2 : i32
        %add3A_327 = arith.addi %mul3A_31, %add3A_326 : i32
        %swap3A_328 = arith.index_cast %add3A_327 : i32 to index
        %swap3A_329 = arith.constant 64 : index
        %swap3A_330 = tpu.vector_load %arg11[%swap3A_328, %swap3A_329] {strides = array<i32>} : memref<80x128xf32, #tpu.memory_space<vmem>>, vector<1x16xf32>,
        %swap3A_331 = vector.shape_cast %swap3A_330 : vector<1x16xf32> to vector<16xf32>
        %swap3A_332 = vector.shape_cast %mul3A_325 : vector<16xf32> to vector<1x16xf32>
        tpu.vector_store %arg11[%swap3A_328, %swap3A_329], %swap3A_332 {strides = array<i32>} : memref<80x128xf32, #tpu.memory_space<vmem>>, vector<1x16xf32>,
        %add3A_333 = arith.constant 2 : i32
        %add3A_334 = arith.addi %mul3A_31, %add3A_333 : i32
        %get3A_335 = arith.index_cast %add3A_334 : i32 to index
        %get3A_336 = arith.constant 80 : index
        %get3A_337 = tpu.vector_load %arg11[%get3A_335, %get3A_336] {strides = array<i32>} : memref<80x128xf32, #tpu.memory_space<vmem>>, vector<1x16xf32>,
        %get3A_338 = vector.shape_cast %get3A_337 : vector<1x16xf32> to vector<16xf32>
        %mul3A_339 = arith.mulf %get3A_338, %broadcast_in_dim3A_262 : vector<16xf32>
        %add3A_340 = arith.constant 2 : i32
        %add3A_341 = arith.addi %mul3A_31, %add3A_340 : i32
        %swap3A_342 = arith.index_cast %add3A_341 : i32 to index
        %swap3A_343 = arith.constant 80 : index
        %swap3A_344 = tpu.vector_load %arg11[%swap3A_342, %swap3A_343] {strides = array<i32>} : memref<80x128xf32, #tpu.memory_space<vmem>>, vector<1x16xf32>,
        %swap3A_345 = vector.shape_cast %swap3A_344 : vector<1x16xf32> to vector<16xf32>
        %swap3A_346 = vector.shape_cast %mul3A_339 : vector<16xf32> to vector<1x16xf32>
        tpu.vector_store %arg11[%swap3A_342, %swap3A_343], %swap3A_346 {strides = array<i32>} : memref<80x128xf32, #tpu.memory_space<vmem>>, vector<1x16xf32>,
        %add3A_347 = arith.constant 2 : i32
        %add3A_348 = arith.addi %mul3A_31, %add3A_347 : i32
        %get3A_349 = arith.index_cast %add3A_348 : i32 to index
        %get3A_350 = arith.constant 96 : index
        %get3A_351 = tpu.vector_load %arg11[%get3A_349, %get3A_350] {strides = array<i32>} : memref<80x128xf32, #tpu.memory_space<vmem>>, vector<1x16xf32>,
        %get3A_352 = vector.shape_cast %get3A_351 : vector<1x16xf32> to vector<16xf32>
        %mul3A_353 = arith.mulf %get3A_352, %broadcast_in_dim3A_262 : vector<16xf32>
        %add3A_354 = arith.constant 2 : i32
        %add3A_355 = arith.addi %mul3A_31, %add3A_354 : i32
        %swap3A_356 = arith.index_cast %add3A_355 : i32 to index
        %swap3A_357 = arith.constant 96 : index
        %swap3A_358 = tpu.vector_load %arg11[%swap3A_356, %swap3A_357] {strides = array<i32>} : memref<80x128xf32, #tpu.memory_space<vmem>>, vector<1x16xf32>,
        %swap3A_359 = vector.shape_cast %swap3A_358 : vector<1x16xf32> to vector<16xf32>
        %swap3A_360 = vector.shape_cast %mul3A_353 : vector<16xf32> to vector<1x16xf32>
        tpu.vector_store %arg11[%swap3A_356, %swap3A_357], %swap3A_360 {strides = array<i32>} : memref<80x128xf32, #tpu.memory_space<vmem>>, vector<1x16xf32>,
        %add3A_361 = arith.constant 2 : i32
        %add3A_362 = arith.addi %mul3A_31, %add3A_361 : i32
        %get3A_363 = arith.index_cast %add3A_362 : i32 to index
        %get3A_364 = arith.constant 112 : index
        %get3A_365 = tpu.vector_load %arg11[%get3A_363, %get3A_364] {strides = array<i32>} : memref<80x128xf32, #tpu.memory_space<vmem>>, vector<1x16xf32>,
        %get3A_366 = vector.shape_cast %get3A_365 : vector<1x16xf32> to vector<16xf32>
        %mul3A_367 = arith.mulf %get3A_366, %broadcast_in_dim3A_262 : vector<16xf32>
        %add3A_368 = arith.constant 2 : i32
        %add3A_369 = arith.addi %mul3A_31, %add3A_368 : i32
        %swap3A_370 = arith.index_cast %add3A_369 : i32 to index
        %swap3A_371 = arith.constant 112 : index
        %swap3A_372 = tpu.vector_load %arg11[%swap3A_370, %swap3A_371] {strides = array<i32>} : memref<80x128xf32, #tpu.memory_space<vmem>>, vector<1x16xf32>,
        %swap3A_373 = vector.shape_cast %swap3A_372 : vector<1x16xf32> to vector<16xf32>
        %swap3A_374 = vector.shape_cast %mul3A_367 : vector<16xf32> to vector<1x16xf32>
        tpu.vector_store %arg11[%swap3A_370, %swap3A_371], %swap3A_374 {strides = array<i32>} : memref<80x128xf32, #tpu.memory_space<vmem>>, vector<1x16xf32>,
        %slice3A_375 = vector.extract_strided_slice %get3A_33 {offsets = [3], sizes = [1], strides = [1]} : vector<16xf32> to vector<1xf32>
        %squeeze3A_376 = vector.extract %slice3A_375[0] : f32 from vector<1xf32>
        %broadcast_in_dim3A_377 = vector.broadcast %squeeze3A_376 : f32 to vector<16xf32>
        %add3A_378 = arith.constant 3 : i32
        %add3A_379 = arith.addi %mul3A_31, %add3A_378 : i32
        %get3A_380 = arith.index_cast %add3A_379 : i32 to index
        %get3A_381 = arith.constant 0 : index
        %get3A_382 = tpu.vector_load %arg11[%get3A_380, %get3A_381] {strides = array<i32>} : memref<80x128xf32, #tpu.memory_space<vmem>>, vector<1x16xf32>,
        %get3A_383 = vector.shape_cast %get3A_382 : vector<1x16xf32> to vector<16xf32>
        %mul3A_384 = arith.mulf %get3A_383, %broadcast_in_dim3A_377 : vector<16xf32>
        %add3A_385 = arith.constant 3 : i32
        %add3A_386 = arith.addi %mul3A_31, %add3A_385 : i32
        %swap3A_387 = arith.index_cast %add3A_386 : i32 to index
        %swap3A_388 = arith.constant 0 : index
        %swap3A_389 = tpu.vector_load %arg11[%swap3A_387, %swap3A_388] {strides = array<i32>} : memref<80x128xf32, #tpu.memory_space<vmem>>, vector<1x16xf32>,
        %swap3A_390 = vector.shape_cast %swap3A_389 : vector<1x16xf32> to vector<16xf32>
        %swap3A_391 = vector.shape_cast %mul3A_384 : vector<16xf32> to vector<1x16xf32>
        tpu.vector_store %arg11[%swap3A_387, %swap3A_388], %swap3A_391 {strides = array<i32>} : memref<80x128xf32, #tpu.memory_space<vmem>>, vector<1x16xf32>,
        %add3A_392 = arith.constant 3 : i32
        %add3A_393 = arith.addi %mul3A_31, %add3A_392 : i32
        %get3A_394 = arith.index_cast %add3A_393 : i32 to index
        %get3A_395 = arith.constant 16 : index
        %get3A_396 = tpu.vector_load %arg11[%get3A_394, %get3A_395] {strides = array<i32>} : memref<80x128xf32, #tpu.memory_space<vmem>>, vector<1x16xf32>,
        %get3A_397 = vector.shape_cast %get3A_396 : vector<1x16xf32> to vector<16xf32>
        %mul3A_398 = arith.mulf %get3A_397, %broadcast_in_dim3A_377 : vector<16xf32>
        %add3A_399 = arith.constant 3 : i32
        %add3A_400 = arith.addi %mul3A_31, %add3A_399 : i32
        %swap3A_401 = arith.index_cast %add3A_400 : i32 to index
        %swap3A_402 = arith.constant 16 : index
        %swap3A_403 = tpu.vector_load %arg11[%swap3A_401, %swap3A_402] {strides = array<i32>} : memref<80x128xf32, #tpu.memory_space<vmem>>, vector<1x16xf32>,
        %swap3A_404 = vector.shape_cast %swap3A_403 : vector<1x16xf32> to vector<16xf32>
        %swap3A_405 = vector.shape_cast %mul3A_398 : vector<16xf32> to vector<1x16xf32>
        tpu.vector_store %arg11[%swap3A_401, %swap3A_402], %swap3A_405 {strides = array<i32>} : memref<80x128xf32, #tpu.memory_space<vmem>>, vector<1x16xf32>,
        %add3A_406 = arith.constant 3 : i32
        %add3A_407 = arith.addi %mul3A_31, %add3A_406 : i32
        %get3A_408 = arith.index_cast %add3A_407 : i32 to index
        %get3A_409 = arith.constant 32 : index
        %get3A_410 = tpu.vector_load %arg11[%get3A_408, %get3A_409] {strides = array<i32>} : memref<80x128xf32, #tpu.memory_space<vmem>>, vector<1x16xf32>,
        %get3A_411 = vector.shape_cast %get3A_410 : vector<1x16xf32> to vector<16xf32>
        %mul3A_412 = arith.mulf %get3A_411, %broadcast_in_dim3A_377 : vector<16xf32>
        %add3A_413 = arith.constant 3 : i32
        %add3A_414 = arith.addi %mul3A_31, %add3A_413 : i32
        %swap3A_415 = arith.index_cast %add3A_414 : i32 to index
        %swap3A_416 = arith.constant 32 : index
        %swap3A_417 = tpu.vector_load %arg11[%swap3A_415, %swap3A_416] {strides = array<i32>} : memref<80x128xf32, #tpu.memory_space<vmem>>, vector<1x16xf32>,
        %swap3A_418 = vector.shape_cast %swap3A_417 : vector<1x16xf32> to vector<16xf32>
        %swap3A_419 = vector.shape_cast %mul3A_412 : vector<16xf32> to vector<1x16xf32>
        tpu.vector_store %arg11[%swap3A_415, %swap3A_416], %swap3A_419 {strides = array<i32>} : memref<80x128xf32, #tpu.memory_space<vmem>>, vector<1x16xf32>,
        %add3A_420 = arith.constant 3 : i32
        %add3A_421 = arith.addi %mul3A_31, %add3A_420 : i32
        %get3A_422 = arith.index_cast %add3A_421 : i32 to index
        %get3A_423 = arith.constant 48 : index
        %get3A_424 = tpu.vector_load %arg11[%get3A_422, %get3A_423] {strides = array<i32>} : memref<80x128xf32, #tpu.memory_space<vmem>>, vector<1x16xf32>,
        %get3A_425 = vector.shape_cast %get3A_424 : vector<1x16xf32> to vector<16xf32>
        %mul3A_426 = arith.mulf %get3A_425, %broadcast_in_dim3A_377 : vector<16xf32>
        %add3A_427 = arith.constant 3 : i32
        %add3A_428 = arith.addi %mul3A_31, %add3A_427 : i32
        %swap3A_429 = arith.index_cast %add3A_428 : i32 to index
        %swap3A_430 = arith.constant 48 : index
        %swap3A_431 = tpu.vector_load %arg11[%swap3A_429, %swap3A_430] {strides = array<i32>} : memref<80x128xf32, #tpu.memory_space<vmem>>, vector<1x16xf32>,
        %swap3A_432 = vector.shape_cast %swap3A_431 : vector<1x16xf32> to vector<16xf32>
        %swap3A_433 = vector.shape_cast %mul3A_426 : vector<16xf32> to vector<1x16xf32>
        tpu.vector_store %arg11[%swap3A_429, %swap3A_430], %swap3A_433 {strides = array<i32>} : memref<80x128xf32, #tpu.memory_space<vmem>>, vector<1x16xf32>,
        %add3A_434 = arith.constant 3 : i32
        %add3A_435 = arith.addi %mul3A_31, %add3A_434 : i32
        %get3A_436 = arith.index_cast %add3A_435 : i32 to index
        %get3A_437 = arith.constant 64 : index
        %get3A_438 = tpu.vector_load %arg11[%get3A_436, %get3A_437] {strides = array<i32>} : memref<80x128xf32, #tpu.memory_space<vmem>>, vector<1x16xf32>,
        %get3A_439 = vector.shape_cast %get3A_438 : vector<1x16xf32> to vector<16xf32>
        %mul3A_440 = arith.mulf %get3A_439, %broadcast_in_dim3A_377 : vector<16xf32>
        %add3A_441 = arith.constant 3 : i32
        %add3A_442 = arith.addi %mul3A_31, %add3A_441 : i32
        %swap3A_443 = arith.index_cast %add3A_442 : i32 to index
        %swap3A_444 = arith.constant 64 : index
        %swap3A_445 = tpu.vector_load %arg11[%swap3A_443, %swap3A_444] {strides = array<i32>} : memref<80x128xf32, #tpu.memory_space<vmem>>, vector<1x16xf32>,
        %swap3A_446 = vector.shape_cast %swap3A_445 : vector<1x16xf32> to vector<16xf32>
        %swap3A_447 = vector.shape_cast %mul3A_440 : vector<16xf32> to vector<1x16xf32>
        tpu.vector_store %arg11[%swap3A_443, %swap3A_444], %swap3A_447 {strides = array<i32>} : memref<80x128xf32, #tpu.memory_space<vmem>>, vector<1x16xf32>,
        %add3A_448 = arith.constant 3 : i32
        %add3A_449 = arith.addi %mul3A_31, %add3A_448 : i32
        %get3A_450 = arith.index_cast %add3A_449 : i32 to index
        %get3A_451 = arith.constant 80 : index
        %get3A_452 = tpu.vector_load %arg11[%get3A_450, %get3A_451] {strides = array<i32>} : memref<80x128xf32, #tpu.memory_space<vmem>>, vector<1x16xf32>,
        %get3A_453 = vector.shape_cast %get3A_452 : vector<1x16xf32> to vector<16xf32>
        %mul3A_454 = arith.mulf %get3A_453, %broadcast_in_dim3A_377 : vector<16xf32>
        %add3A_455 = arith.constant 3 : i32
        %add3A_456 = arith.addi %mul3A_31, %add3A_455 : i32
        %swap3A_457 = arith.index_cast %add3A_456 : i32 to index
        %swap3A_458 = arith.constant 80 : index
        %swap3A_459 = tpu.vector_load %arg11[%swap3A_457, %swap3A_458] {strides = array<i32>} : memref<80x128xf32, #tpu.memory_space<vmem>>, vector<1x16xf32>,
        %swap3A_460 = vector.shape_cast %swap3A_459 : vector<1x16xf32> to vector<16xf32>
        %swap3A_461 = vector.shape_cast %mul3A_454 : vector<16xf32> to vector<1x16xf32>
        tpu.vector_store %arg11[%swap3A_457, %swap3A_458], %swap3A_461 {strides = array<i32>} : memref<80x128xf32, #tpu.memory_space<vmem>>, vector<1x16xf32>,
        %add3A_462 = arith.constant 3 : i32
        %add3A_463 = arith.addi %mul3A_31, %add3A_462 : i32
        %get3A_464 = arith.index_cast %add3A_463 : i32 to index
        %get3A_465 = arith.constant 96 : index
        %get3A_466 = tpu.vector_load %arg11[%get3A_464, %get3A_465] {strides = array<i32>} : memref<80x128xf32, #tpu.memory_space<vmem>>, vector<1x16xf32>,
        %get3A_467 = vector.shape_cast %get3A_466 : vector<1x16xf32> to vector<16xf32>
        %mul3A_468 = arith.mulf %get3A_467, %broadcast_in_dim3A_377 : vector<16xf32>
        %add3A_469 = arith.constant 3 : i32
        %add3A_470 = arith.addi %mul3A_31, %add3A_469 : i32
        %swap3A_471 = arith.index_cast %add3A_470 : i32 to index
        %swap3A_472 = arith.constant 96 : index
        %swap3A_473 = tpu.vector_load %arg11[%swap3A_471, %swap3A_472] {strides = array<i32>} : memref<80x128xf32, #tpu.memory_space<vmem>>, vector<1x16xf32>,
        %swap3A_474 = vector.shape_cast %swap3A_473 : vector<1x16xf32> to vector<16xf32>
        %swap3A_475 = vector.shape_cast %mul3A_468 : vector<16xf32> to vector<1x16xf32>
        tpu.vector_store %arg11[%swap3A_471, %swap3A_472], %swap3A_475 {strides = array<i32>} : memref<80x128xf32, #tpu.memory_space<vmem>>, vector<1x16xf32>,
        %add3A_476 = arith.constant 3 : i32
        %add3A_477 = arith.addi %mul3A_31, %add3A_476 : i32
        %get3A_478 = arith.index_cast %add3A_477 : i32 to index
        %get3A_479 = arith.constant 112 : index
        %get3A_480 = tpu.vector_load %arg11[%get3A_478, %get3A_479] {strides = array<i32>} : memref<80x128xf32, #tpu.memory_space<vmem>>, vector<1x16xf32>,
        %get3A_481 = vector.shape_cast %get3A_480 : vector<1x16xf32> to vector<16xf32>
        %mul3A_482 = arith.mulf %get3A_481, %broadcast_in_dim3A_377 : vector<16xf32>
        %add3A_483 = arith.constant 3 : i32
        %add3A_484 = arith.addi %mul3A_31, %add3A_483 : i32
        %swap3A_485 = arith.index_cast %add3A_484 : i32 to index
        %swap3A_486 = arith.constant 112 : index
        %swap3A_487 = tpu.vector_load %arg11[%swap3A_485, %swap3A_486] {strides = array<i32>} : memref<80x128xf32, #tpu.memory_space<vmem>>, vector<1x16xf32>,
        %swap3A_488 = vector.shape_cast %swap3A_487 : vector<1x16xf32> to vector<16xf32>
        %swap3A_489 = vector.shape_cast %mul3A_482 : vector<16xf32> to vector<1x16xf32>
        tpu.vector_store %arg11[%swap3A_485, %swap3A_486], %swap3A_489 {strides = array<i32>} : memref<80x128xf32, #tpu.memory_space<vmem>>, vector<1x16xf32>,
        %slice3A_490 = vector.extract_strided_slice %get3A_33 {offsets = [4], sizes = [1], strides = [1]} : vector<16xf32> to vector<1xf32>
        %squeeze3A_491 = vector.extract %slice3A_490[0] : f32 from vector<1xf32>
        %broadcast_in_dim3A_492 = vector.broadcast %squeeze3A_491 : f32 to vector<16xf32>
        %add3A_493 = arith.constant 4 : i32
        %add3A_494 = arith.addi %mul3A_31, %add3A_493 : i32
        %get3A_495 = arith.index_cast %add3A_494 : i32 to index
        %get3A_496 = arith.constant 0 : index
        %get3A_497 = tpu.vector_load %arg11[%get3A_495, %get3A_496] {strides = array<i32>} : memref<80x128xf32, #tpu.memory_space<vmem>>, vector<1x16xf32>,
        %get3A_498 = vector.shape_cast %get3A_497 : vector<1x16xf32> to vector<16xf32>
        %mul3A_499 = arith.mulf %get3A_498, %broadcast_in_dim3A_492 : vector<16xf32>
        %add3A_500 = arith.constant 4 : i32
        %add3A_501 = arith.addi %mul3A_31, %add3A_500 : i32
        %swap3A_502 = arith.index_cast %add3A_501 : i32 to index
        %swap3A_503 = arith.constant 0 : index
        %swap3A_504 = tpu.vector_load %arg11[%swap3A_502, %swap3A_503] {strides = array<i32>} : memref<80x128xf32, #tpu.memory_space<vmem>>, vector<1x16xf32>,
        %swap3A_505 = vector.shape_cast %swap3A_504 : vector<1x16xf32> to vector<16xf32>
        %swap3A_506 = vector.shape_cast %mul3A_499 : vector<16xf32> to vector<1x16xf32>
        tpu.vector_store %arg11[%swap3A_502, %swap3A_503], %swap3A_506 {strides = array<i32>} : memref<80x128xf32, #tpu.memory_space<vmem>>, vector<1x16xf32>,
        %add3A_507 = arith.constant 4 : i32
        %add3A_508 = arith.addi %mul3A_31, %add3A_507 : i32
        %get3A_509 = arith.index_cast %add3A_508 : i32 to index
        %get3A_510 = arith.constant 16 : index
        %get3A_511 = tpu.vector_load %arg11[%get3A_509, %get3A_510] {strides = array<i32>} : memref<80x128xf32, #tpu.memory_space<vmem>>, vector<1x16xf32>,
        %get3A_512 = vector.shape_cast %get3A_511 : vector<1x16xf32> to vector<16xf32>
        %mul3A_513 = arith.mulf %get3A_512, %broadcast_in_dim3A_492 : vector<16xf32>
        %add3A_514 = arith.constant 4 : i32
        %add3A_515 = arith.addi %mul3A_31, %add3A_514 : i32
        %swap3A_516 = arith.index_cast %add3A_515 : i32 to index
        %swap3A_517 = arith.constant 16 : index
        %swap3A_518 = tpu.vector_load %arg11[%swap3A_516, %swap3A_517] {strides = array<i32>} : memref<80x128xf32, #tpu.memory_space<vmem>>, vector<1x16xf32>,
        %swap3A_519 = vector.shape_cast %swap3A_518 : vector<1x16xf32> to vector<16xf32>
        %swap3A_520 = vector.shape_cast %mul3A_513 : vector<16xf32> to vector<1x16xf32>
        tpu.vector_store %arg11[%swap3A_516, %swap3A_517], %swap3A_520 {strides = array<i32>} : memref<80x128xf32, #tpu.memory_space<vmem>>, vector<1x16xf32>,
        %add3A_521 = arith.constant 4 : i32
        %add3A_522 = arith.addi %mul3A_31, %add3A_521 : i32
        %get3A_523 = arith.index_cast %add3A_522 : i32 to index
        %get3A_524 = arith.constant 32 : index
        %get3A_525 = tpu.vector_load %arg11[%get3A_523, %get3A_524] {strides = array<i32>} : memref<80x128xf32, #tpu.memory_space<vmem>>, vector<1x16xf32>,
        %get3A_526 = vector.shape_cast %get3A_525 : vector<1x16xf32> to vector<16xf32>
        %mul3A_527 = arith.mulf %get3A_526, %broadcast_in_dim3A_492 : vector<16xf32>
        %add3A_528 = arith.constant 4 : i32
        %add3A_529 = arith.addi %mul3A_31, %add3A_528 : i32
        %swap3A_530 = arith.index_cast %add3A_529 : i32 to index
        %swap3A_531 = arith.constant 32 : index
        %swap3A_532 = tpu.vector_load %arg11[%swap3A_530, %swap3A_531] {strides = array<i32>} : memref<80x128xf32, #tpu.memory_space<vmem>>, vector<1x16xf32>,
        %swap3A_533 = vector.shape_cast %swap3A_532 : vector<1x16xf32> to vector<16xf32>
        %swap3A_534 = vector.shape_cast %mul3A_527 : vector<16xf32> to vector<1x16xf32>
        tpu.vector_store %arg11[%swap3A_530, %swap3A_531], %swap3A_534 {strides = array<i32>} : memref<80x128xf32, #tpu.memory_space<vmem>>, vector<1x16xf32>,
        %add3A_535 = arith.constant 4 : i32
        %add3A_536 = arith.addi %mul3A_31, %add3A_535 : i32
        %get3A_537 = arith.index_cast %add3A_536 : i32 to index
        %get3A_538 = arith.constant 48 : index
        %get3A_539 = tpu.vector_load %arg11[%get3A_537, %get3A_538] {strides = array<i32>} : memref<80x128xf32, #tpu.memory_space<vmem>>, vector<1x16xf32>,
        %get3A_540 = vector.shape_cast %get3A_539 : vector<1x16xf32> to vector<16xf32>
        %mul3A_541 = arith.mulf %get3A_540, %broadcast_in_dim3A_492 : vector<16xf32>
        %add3A_542 = arith.constant 4 : i32
        %add3A_543 = arith.addi %mul3A_31, %add3A_542 : i32
        %swap3A_544 = arith.index_cast %add3A_543 : i32 to index
        %swap3A_545 = arith.constant 48 : index
        %swap3A_546 = tpu.vector_load %arg11[%swap3A_544, %swap3A_545] {strides = array<i32>} : memref<80x128xf32, #tpu.memory_space<vmem>>, vector<1x16xf32>,
        %swap3A_547 = vector.shape_cast %swap3A_546 : vector<1x16xf32> to vector<16xf32>
        %swap3A_548 = vector.shape_cast %mul3A_541 : vector<16xf32> to vector<1x16xf32>
        tpu.vector_store %arg11[%swap3A_544, %swap3A_545], %swap3A_548 {strides = array<i32>} : memref<80x128xf32, #tpu.memory_space<vmem>>, vector<1x16xf32>,
        %add3A_549 = arith.constant 4 : i32
        %add3A_550 = arith.addi %mul3A_31, %add3A_549 : i32
        %get3A_551 = arith.index_cast %add3A_550 : i32 to index
        %get3A_552 = arith.constant 64 : index
        %get3A_553 = tpu.vector_load %arg11[%get3A_551, %get3A_552] {strides = array<i32>} : memref<80x128xf32, #tpu.memory_space<vmem>>, vector<1x16xf32>,
        %get3A_554 = vector.shape_cast %get3A_553 : vector<1x16xf32> to vector<16xf32>
        %mul3A_555 = arith.mulf %get3A_554, %broadcast_in_dim3A_492 : vector<16xf32>
        %add3A_556 = arith.constant 4 : i32
        %add3A_557 = arith.addi %mul3A_31, %add3A_556 : i32
        %swap3A_558 = arith.index_cast %add3A_557 : i32 to index
        %swap3A_559 = arith.constant 64 : index
        %swap3A_560 = tpu.vector_load %arg11[%swap3A_558, %swap3A_559] {strides = array<i32>} : memref<80x128xf32, #tpu.memory_space<vmem>>, vector<1x16xf32>,
        %swap3A_561 = vector.shape_cast %swap3A_560 : vector<1x16xf32> to vector<16xf32>
        %swap3A_562 = vector.shape_cast %mul3A_555 : vector<16xf32> to vector<1x16xf32>
        tpu.vector_store %arg11[%swap3A_558, %swap3A_559], %swap3A_562 {strides = array<i32>} : memref<80x128xf32, #tpu.memory_space<vmem>>, vector<1x16xf32>,
        %add3A_563 = arith.constant 4 : i32
        %add3A_564 = arith.addi %mul3A_31, %add3A_563 : i32
        %get3A_565 = arith.index_cast %add3A_564 : i32 to index
        %get3A_566 = arith.constant 80 : index
        %get3A_567 = tpu.vector_load %arg11[%get3A_565, %get3A_566] {strides = array<i32>} : memref<80x128xf32, #tpu.memory_space<vmem>>, vector<1x16xf32>,
        %get3A_568 = vector.shape_cast %get3A_567 : vector<1x16xf32> to vector<16xf32>
        %mul3A_569 = arith.mulf %get3A_568, %broadcast_in_dim3A_492 : vector<16xf32>
        %add3A_570 = arith.constant 4 : i32
        %add3A_571 = arith.addi %mul3A_31, %add3A_570 : i32
        %swap3A_572 = arith.index_cast %add3A_571 : i32 to index
        %swap3A_573 = arith.constant 80 : index
        %swap3A_574 = tpu.vector_load %arg11[%swap3A_572, %swap3A_573] {strides = array<i32>} : memref<80x128xf32, #tpu.memory_space<vmem>>, vector<1x16xf32>,
        %swap3A_575 = vector.shape_cast %swap3A_574 : vector<1x16xf32> to vector<16xf32>
        %swap3A_576 = vector.shape_cast %mul3A_569 : vector<16xf32> to vector<1x16xf32>
        tpu.vector_store %arg11[%swap3A_572, %swap3A_573], %swap3A_576 {strides = array<i32>} : memref<80x128xf32, #tpu.memory_space<vmem>>, vector<1x16xf32>,
        %add3A_577 = arith.constant 4 : i32
        %add3A_578 = arith.addi %mul3A_31, %add3A_577 : i32
        %get3A_579 = arith.index_cast %add3A_578 : i32 to index
        %get3A_580 = arith.constant 96 : index
        %get3A_581 = tpu.vector_load %arg11[%get3A_579, %get3A_580] {strides = array<i32>} : memref<80x128xf32, #tpu.memory_space<vmem>>, vector<1x16xf32>,
        %get3A_582 = vector.shape_cast %get3A_581 : vector<1x16xf32> to vector<16xf32>
        %mul3A_583 = arith.mulf %get3A_582, %broadcast_in_dim3A_492 : vector<16xf32>
        %add3A_584 = arith.constant 4 : i32
        %add3A_585 = arith.addi %mul3A_31, %add3A_584 : i32
        %swap3A_586 = arith.index_cast %add3A_585 : i32 to index
        %swap3A_587 = arith.constant 96 : index
        %swap3A_588 = tpu.vector_load %arg11[%swap3A_586, %swap3A_587] {strides = array<i32>} : memref<80x128xf32, #tpu.memory_space<vmem>>, vector<1x16xf32>,
        %swap3A_589 = vector.shape_cast %swap3A_588 : vector<1x16xf32> to vector<16xf32>
        %swap3A_590 = vector.shape_cast %mul3A_583 : vector<16xf32> to vector<1x16xf32>
        tpu.vector_store %arg11[%swap3A_586, %swap3A_587], %swap3A_590 {strides = array<i32>} : memref<80x128xf32, #tpu.memory_space<vmem>>, vector<1x16xf32>,
        %add3A_591 = arith.constant 4 : i32
        %add3A_592 = arith.addi %mul3A_31, %add3A_591 : i32
        %get3A_593 = arith.index_cast %add3A_592 : i32 to index
        %get3A_594 = arith.constant 112 : index
        %get3A_595 = tpu.vector_load %arg11[%get3A_593, %get3A_594] {strides = array<i32>} : memref<80x128xf32, #tpu.memory_space<vmem>>, vector<1x16xf32>,
        %get3A_596 = vector.shape_cast %get3A_595 : vector<1x16xf32> to vector<16xf32>
        %mul3A_597 = arith.mulf %get3A_596, %broadcast_in_dim3A_492 : vector<16xf32>
        %add3A_598 = arith.constant 4 : i32
        %add3A_599 = arith.addi %mul3A_31, %add3A_598 : i32
        %swap3A_600 = arith.index_cast %add3A_599 : i32 to index
        %swap3A_601 = arith.constant 112 : index
        %swap3A_602 = tpu.vector_load %arg11[%swap3A_600, %swap3A_601] {strides = array<i32>} : memref<80x128xf32, #tpu.memory_space<vmem>>, vector<1x16xf32>,
        %swap3A_603 = vector.shape_cast %swap3A_602 : vector<1x16xf32> to vector<16xf32>
        %swap3A_604 = vector.shape_cast %mul3A_597 : vector<16xf32> to vector<1x16xf32>
        tpu.vector_store %arg11[%swap3A_600, %swap3A_601], %swap3A_604 {strides = array<i32>} : memref<80x128xf32, #tpu.memory_space<vmem>>, vector<1x16xf32>,
        %slice3A_605 = vector.extract_strided_slice %get3A_33 {offsets = [5], sizes = [1], strides = [1]} : vector<16xf32> to vector<1xf32>
        %squeeze3A_606 = vector.extract %slice3A_605[0] : f32 from vector<1xf32>
        %broadcast_in_dim3A_607 = vector.broadcast %squeeze3A_606 : f32 to vector<16xf32>
        %add3A_608 = arith.constant 5 : i32
        %add3A_609 = arith.addi %mul3A_31, %add3A_608 : i32
        %get3A_610 = arith.index_cast %add3A_609 : i32 to index
        %get3A_611 = arith.constant 0 : index
        %get3A_612 = tpu.vector_load %arg11[%get3A_610, %get3A_611] {strides = array<i32>} : memref<80x128xf32, #tpu.memory_space<vmem>>, vector<1x16xf32>,
        %get3A_613 = vector.shape_cast %get3A_612 : vector<1x16xf32> to vector<16xf32>
        %mul3A_614 = arith.mulf %get3A_613, %broadcast_in_dim3A_607 : vector<16xf32>
        %add3A_615 = arith.constant 5 : i32
        %add3A_616 = arith.addi %mul3A_31, %add3A_615 : i32
        %swap3A_617 = arith.index_cast %add3A_616 : i32 to index
        %swap3A_618 = arith.constant 0 : index
        %swap3A_619 = tpu.vector_load %arg11[%swap3A_617, %swap3A_618] {strides = array<i32>} : memref<80x128xf32, #tpu.memory_space<vmem>>, vector<1x16xf32>,
        %swap3A_620 = vector.shape_cast %swap3A_619 : vector<1x16xf32> to vector<16xf32>
        %swap3A_621 = vector.shape_cast %mul3A_614 : vector<16xf32> to vector<1x16xf32>
        tpu.vector_store %arg11[%swap3A_617, %swap3A_618], %swap3A_621 {strides = array<i32>} : memref<80x128xf32, #tpu.memory_space<vmem>>, vector<1x16xf32>,
        %add3A_622 = arith.constant 5 : i32
        %add3A_623 = arith.addi %mul3A_31, %add3A_622 : i32
        %get3A_624 = arith.index_cast %add3A_623 : i32 to index
        %get3A_625 = arith.constant 16 : index
        %get3A_626 = tpu.vector_load %arg11[%get3A_624, %get3A_625] {strides = array<i32>} : memref<80x128xf32, #tpu.memory_space<vmem>>, vector<1x16xf32>,
        %get3A_627 = vector.shape_cast %get3A_626 : vector<1x16xf32> to vector<16xf32>
        %mul3A_628 = arith.mulf %get3A_627, %broadcast_in_dim3A_607 : vector<16xf32>
        %add3A_629 = arith.constant 5 : i32
        %add3A_630 = arith.addi %mul3A_31, %add3A_629 : i32
        %swap3A_631 = arith.index_cast %add3A_630 : i32 to index
        %swap3A_632 = arith.constant 16 : index
        %swap3A_633 = tpu.vector_load %arg11[%swap3A_631, %swap3A_632] {strides = array<i32>} : memref<80x128xf32, #tpu.memory_space<vmem>>, vector<1x16xf32>,
        %swap3A_634 = vector.shape_cast %swap3A_633 : vector<1x16xf32> to vector<16xf32>
        %swap3A_635 = vector.shape_cast %mul3A_628 : vector<16xf32> to vector<1x16xf32>
        tpu.vector_store %arg11[%swap3A_631, %swap3A_632], %swap3A_635 {strides = array<i32>} : memref<80x128xf32, #tpu.memory_space<vmem>>, vector<1x16xf32>,
        %add3A_636 = arith.constant 5 : i32
        %add3A_637 = arith.addi %mul3A_31, %add3A_636 : i32
        %get3A_638 = arith.index_cast %add3A_637 : i32 to index
        %get3A_639 = arith.constant 32 : index
        %get3A_640 = tpu.vector_load %arg11[%get3A_638, %get3A_639] {strides = array<i32>} : memref<80x128xf32, #tpu.memory_space<vmem>>, vector<1x16xf32>,
        %get3A_641 = vector.shape_cast %get3A_640 : vector<1x16xf32> to vector<16xf32>
        %mul3A_642 = arith.mulf %get3A_641, %broadcast_in_dim3A_607 : vector<16xf32>
        %add3A_643 = arith.constant 5 : i32
        %add3A_644 = arith.addi %mul3A_31, %add3A_643 : i32
        %swap3A_645 = arith.index_cast %add3A_644 : i32 to index
        %swap3A_646 = arith.constant 32 : index
        %swap3A_647 = tpu.vector_load %arg11[%swap3A_645, %swap3A_646] {strides = array<i32>} : memref<80x128xf32, #tpu.memory_space<vmem>>, vector<1x16xf32>,
        %swap3A_648 = vector.shape_cast %swap3A_647 : vector<1x16xf32> to vector<16xf32>
        %swap3A_649 = vector.shape_cast %mul3A_642 : vector<16xf32> to vector<1x16xf32>
        tpu.vector_store %arg11[%swap3A_645, %swap3A_646], %swap3A_649 {strides = array<i32>} : memref<80x128xf32, #tpu.memory_space<vmem>>, vector<1x16xf32>,
        %add3A_650 = arith.constant 5 : i32
        %add3A_651 = arith.addi %mul3A_31, %add3A_650 : i32
        %get3A_652 = arith.index_cast %add3A_651 : i32 to index
        %get3A_653 = arith.constant 48 : index
        %get3A_654 = tpu.vector_load %arg11[%get3A_652, %get3A_653] {strides = array<i32>} : memref<80x128xf32, #tpu.memory_space<vmem>>, vector<1x16xf32>,
        %get3A_655 = vector.shape_cast %get3A_654 : vector<1x16xf32> to vector<16xf32>
        %mul3A_656 = arith.mulf %get3A_655, %broadcast_in_dim3A_607 : vector<16xf32>
        %add3A_657 = arith.constant 5 : i32
        %add3A_658 = arith.addi %mul3A_31, %add3A_657 : i32
        %swap3A_659 = arith.index_cast %add3A_658 : i32 to index
        %swap3A_660 = arith.constant 48 : index
        %swap3A_661 = tpu.vector_load %arg11[%swap3A_659, %swap3A_660] {strides = array<i32>} : memref<80x128xf32, #tpu.memory_space<vmem>>, vector<1x16xf32>,
        %swap3A_662 = vector.shape_cast %swap3A_661 : vector<1x16xf32> to vector<16xf32>
        %swap3A_663 = vector.shape_cast %mul3A_656 : vector<16xf32> to vector<1x16xf32>
        tpu.vector_store %arg11[%swap3A_659, %swap3A_660], %swap3A_663 {strides = array<i32>} : memref<80x128xf32, #tpu.memory_space<vmem>>, vector<1x16xf32>,
        %add3A_664 = arith.constant 5 : i32
        %add3A_665 = arith.addi %mul3A_31, %add3A_664 : i32
        %get3A_666 = arith.index_cast %add3A_665 : i32 to index
        %get3A_667 = arith.constant 64 : index
        %get3A_668 = tpu.vector_load %arg11[%get3A_666, %get3A_667] {strides = array<i32>} : memref<80x128xf32, #tpu.memory_space<vmem>>, vector<1x16xf32>,
        %get3A_669 = vector.shape_cast %get3A_668 : vector<1x16xf32> to vector<16xf32>
        %mul3A_670 = arith.mulf %get3A_669, %broadcast_in_dim3A_607 : vector<16xf32>
        %add3A_671 = arith.constant 5 : i32
        %add3A_672 = arith.addi %mul3A_31, %add3A_671 : i32
        %swap3A_673 = arith.index_cast %add3A_672 : i32 to index
        %swap3A_674 = arith.constant 64 : index
        %swap3A_675 = tpu.vector_load %arg11[%swap3A_673, %swap3A_674] {strides = array<i32>} : memref<80x128xf32, #tpu.memory_space<vmem>>, vector<1x16xf32>,
        %swap3A_676 = vector.shape_cast %swap3A_675 : vector<1x16xf32> to vector<16xf32>
        %swap3A_677 = vector.shape_cast %mul3A_670 : vector<16xf32> to vector<1x16xf32>
        tpu.vector_store %arg11[%swap3A_673, %swap3A_674], %swap3A_677 {strides = array<i32>} : memref<80x128xf32, #tpu.memory_space<vmem>>, vector<1x16xf32>,
        %add3A_678 = arith.constant 5 : i32
        %add3A_679 = arith.addi %mul3A_31, %add3A_678 : i32
        %get3A_680 = arith.index_cast %add3A_679 : i32 to index
        %get3A_681 = arith.constant 80 : index
        %get3A_682 = tpu.vector_load %arg11[%get3A_680, %get3A_681] {strides = array<i32>} : memref<80x128xf32, #tpu.memory_space<vmem>>, vector<1x16xf32>,
        %get3A_683 = vector.shape_cast %get3A_682 : vector<1x16xf32> to vector<16xf32>
        %mul3A_684 = arith.mulf %get3A_683, %broadcast_in_dim3A_607 : vector<16xf32>
        %add3A_685 = arith.constant 5 : i32
        %add3A_686 = arith.addi %mul3A_31, %add3A_685 : i32
        %swap3A_687 = arith.index_cast %add3A_686 : i32 to index
        %swap3A_688 = arith.constant 80 : index
        %swap3A_689 = tpu.vector_load %arg11[%swap3A_687, %swap3A_688] {strides = array<i32>} : memref<80x128xf32, #tpu.memory_space<vmem>>, vector<1x16xf32>,
        %swap3A_690 = vector.shape_cast %swap3A_689 : vector<1x16xf32> to vector<16xf32>
        %swap3A_691 = vector.shape_cast %mul3A_684 : vector<16xf32> to vector<1x16xf32>
        tpu.vector_store %arg11[%swap3A_687, %swap3A_688], %swap3A_691 {strides = array<i32>} : memref<80x128xf32, #tpu.memory_space<vmem>>, vector<1x16xf32>,
        %add3A_692 = arith.constant 5 : i32
        %add3A_693 = arith.addi %mul3A_31, %add3A_692 : i32
        %get3A_694 = arith.index_cast %add3A_693 : i32 to index
        %get3A_695 = arith.constant 96 : index
        %get3A_696 = tpu.vector_load %arg11[%get3A_694, %get3A_695] {strides = array<i32>} : memref<80x128xf32, #tpu.memory_space<vmem>>, vector<1x16xf32>,
        %get3A_697 = vector.shape_cast %get3A_696 : vector<1x16xf32> to vector<16xf32>
        %mul3A_698 = arith.mulf %get3A_697, %broadcast_in_dim3A_607 : vector<16xf32>
        %add3A_699 = arith.constant 5 : i32
        %add3A_700 = arith.addi %mul3A_31, %add3A_699 : i32
        %swap3A_701 = arith.index_cast %add3A_700 : i32 to index
        %swap3A_702 = arith.constant 96 : index
        %swap3A_703 = tpu.vector_load %arg11[%swap3A_701, %swap3A_702] {strides = array<i32>} : memref<80x128xf32, #tpu.memory_space<vmem>>, vector<1x16xf32>,
        %swap3A_704 = vector.shape_cast %swap3A_703 : vector<1x16xf32> to vector<16xf32>
        %swap3A_705 = vector.shape_cast %mul3A_698 : vector<16xf32> to vector<1x16xf32>
        tpu.vector_store %arg11[%swap3A_701, %swap3A_702], %swap3A_705 {strides = array<i32>} : memref<80x128xf32, #tpu.memory_space<vmem>>, vector<1x16xf32>,
        %add3A_706 = arith.constant 5 : i32
        %add3A_707 = arith.addi %mul3A_31, %add3A_706 : i32
        %get3A_708 = arith.index_cast %add3A_707 : i32 to index
        %get3A_709 = arith.constant 112 : index
        %get3A_710 = tpu.vector_load %arg11[%get3A_708, %get3A_709] {strides = array<i32>} : memref<80x128xf32, #tpu.memory_space<vmem>>, vector<1x16xf32>,
        %get3A_711 = vector.shape_cast %get3A_710 : vector<1x16xf32> to vector<16xf32>
        %mul3A_712 = arith.mulf %get3A_711, %broadcast_in_dim3A_607 : vector<16xf32>
        %add3A_713 = arith.constant 5 : i32
        %add3A_714 = arith.addi %mul3A_31, %add3A_713 : i32
        %swap3A_715 = arith.index_cast %add3A_714 : i32 to index
        %swap3A_716 = arith.constant 112 : index
        %swap3A_717 = tpu.vector_load %arg11[%swap3A_715, %swap3A_716] {strides = array<i32>} : memref<80x128xf32, #tpu.memory_space<vmem>>, vector<1x16xf32>,
        %swap3A_718 = vector.shape_cast %swap3A_717 : vector<1x16xf32> to vector<16xf32>
        %swap3A_719 = vector.shape_cast %mul3A_712 : vector<16xf32> to vector<1x16xf32>
        tpu.vector_store %arg11[%swap3A_715, %swap3A_716], %swap3A_719 {strides = array<i32>} : memref<80x128xf32, #tpu.memory_space<vmem>>, vector<1x16xf32>,
        %slice3A_720 = vector.extract_strided_slice %get3A_33 {offsets = [6], sizes = [1], strides = [1]} : vector<16xf32> to vector<1xf32>
        %squeeze3A_721 = vector.extract %slice3A_720[0] : f32 from vector<1xf32>
        %broadcast_in_dim3A_722 = vector.broadcast %squeeze3A_721 : f32 to vector<16xf32>
        %add3A_723 = arith.constant 6 : i32
        %add3A_724 = arith.addi %mul3A_31, %add3A_723 : i32
        %get3A_725 = arith.index_cast %add3A_724 : i32 to index
        %get3A_726 = arith.constant 0 : index
        %get3A_727 = tpu.vector_load %arg11[%get3A_725, %get3A_726] {strides = array<i32>} : memref<80x128xf32, #tpu.memory_space<vmem>>, vector<1x16xf32>,
        %get3A_728 = vector.shape_cast %get3A_727 : vector<1x16xf32> to vector<16xf32>
        %mul3A_729 = arith.mulf %get3A_728, %broadcast_in_dim3A_722 : vector<16xf32>
        %add3A_730 = arith.constant 6 : i32
        %add3A_731 = arith.addi %mul3A_31, %add3A_730 : i32
        %swap3A_732 = arith.index_cast %add3A_731 : i32 to index
        %swap3A_733 = arith.constant 0 : index
        %swap3A_734 = tpu.vector_load %arg11[%swap3A_732, %swap3A_733] {strides = array<i32>} : memref<80x128xf32, #tpu.memory_space<vmem>>, vector<1x16xf32>,
        %swap3A_735 = vector.shape_cast %swap3A_734 : vector<1x16xf32> to vector<16xf32>
        %swap3A_736 = vector.shape_cast %mul3A_729 : vector<16xf32> to vector<1x16xf32>
        tpu.vector_store %arg11[%swap3A_732, %swap3A_733], %swap3A_736 {strides = array<i32>} : memref<80x128xf32, #tpu.memory_space<vmem>>, vector<1x16xf32>,
        %add3A_737 = arith.constant 6 : i32
        %add3A_738 = arith.addi %mul3A_31, %add3A_737 : i32
        %get3A_739 = arith.index_cast %add3A_738 : i32 to index
        %get3A_740 = arith.constant 16 : index
        %get3A_741 = tpu.vector_load %arg11[%get3A_739, %get3A_740] {strides = array<i32>} : memref<80x128xf32, #tpu.memory_space<vmem>>, vector<1x16xf32>,
        %get3A_742 = vector.shape_cast %get3A_741 : vector<1x16xf32> to vector<16xf32>
        %mul3A_743 = arith.mulf %get3A_742, %broadcast_in_dim3A_722 : vector<16xf32>
        %add3A_744 = arith.constant 6 : i32
        %add3A_745 = arith.addi %mul3A_31, %add3A_744 : i32
        %swap3A_746 = arith.index_cast %add3A_745 : i32 to index
        %swap3A_747 = arith.constant 16 : index
        %swap3A_748 = tpu.vector_load %arg11[%swap3A_746, %swap3A_747] {strides = array<i32>} : memref<80x128xf32, #tpu.memory_space<vmem>>, vector<1x16xf32>,
        %swap3A_749 = vector.shape_cast %swap3A_748 : vector<1x16xf32> to vector<16xf32>
        %swap3A_750 = vector.shape_cast %mul3A_743 : vector<16xf32> to vector<1x16xf32>
        tpu.vector_store %arg11[%swap3A_746, %swap3A_747], %swap3A_750 {strides = array<i32>} : memref<80x128xf32, #tpu.memory_space<vmem>>, vector<1x16xf32>,
        %add3A_751 = arith.constant 6 : i32
        %add3A_752 = arith.addi %mul3A_31, %add3A_751 : i32
        %get3A_753 = arith.index_cast %add3A_752 : i32 to index
        %get3A_754 = arith.constant 32 : index
        %get3A_755 = tpu.vector_load %arg11[%get3A_753, %get3A_754] {strides = array<i32>} : memref<80x128xf32, #tpu.memory_space<vmem>>, vector<1x16xf32>,
        %get3A_756 = vector.shape_cast %get3A_755 : vector<1x16xf32> to vector<16xf32>
        %mul3A_757 = arith.mulf %get3A_756, %broadcast_in_dim3A_722 : vector<16xf32>
        %add3A_758 = arith.constant 6 : i32
        %add3A_759 = arith.addi %mul3A_31, %add3A_758 : i32
        %swap3A_760 = arith.index_cast %add3A_759 : i32 to index
        %swap3A_761 = arith.constant 32 : index
        %swap3A_762 = tpu.vector_load %arg11[%swap3A_760, %swap3A_761] {strides = array<i32>} : memref<80x128xf32, #tpu.memory_space<vmem>>, vector<1x16xf32>,
        %swap3A_763 = vector.shape_cast %swap3A_762 : vector<1x16xf32> to vector<16xf32>
        %swap3A_764 = vector.shape_cast %mul3A_757 : vector<16xf32> to vector<1x16xf32>
        tpu.vector_store %arg11[%swap3A_760, %swap3A_761], %swap3A_764 {strides = array<i32>} : memref<80x128xf32, #tpu.memory_space<vmem>>, vector<1x16xf32>,
        %add3A_765 = arith.constant 6 : i32
        %add3A_766 = arith.addi %mul3A_31, %add3A_765 : i32
        %get3A_767 = arith.index_cast %add3A_766 : i32 to index
        %get3A_768 = arith.constant 48 : index
        %get3A_769 = tpu.vector_load %arg11[%get3A_767, %get3A_768] {strides = array<i32>} : memref<80x128xf32, #tpu.memory_space<vmem>>, vector<1x16xf32>,
        %get3A_770 = vector.shape_cast %get3A_769 : vector<1x16xf32> to vector<16xf32>
        %mul3A_771 = arith.mulf %get3A_770, %broadcast_in_dim3A_722 : vector<16xf32>
        %add3A_772 = arith.constant 6 : i32
        %add3A_773 = arith.addi %mul3A_31, %add3A_772 : i32
        %swap3A_774 = arith.index_cast %add3A_773 : i32 to index
        %swap3A_775 = arith.constant 48 : index
        %swap3A_776 = tpu.vector_load %arg11[%swap3A_774, %swap3A_775] {strides = array<i32>} : memref<80x128xf32, #tpu.memory_space<vmem>>, vector<1x16xf32>,
        %swap3A_777 = vector.shape_cast %swap3A_776 : vector<1x16xf32> to vector<16xf32>
        %swap3A_778 = vector.shape_cast %mul3A_771 : vector<16xf32> to vector<1x16xf32>
        tpu.vector_store %arg11[%swap3A_774, %swap3A_775], %swap3A_778 {strides = array<i32>} : memref<80x128xf32, #tpu.memory_space<vmem>>, vector<1x16xf32>,
        %add3A_779 = arith.constant 6 : i32
        %add3A_780 = arith.addi %mul3A_31, %add3A_779 : i32
        %get3A_781 = arith.index_cast %add3A_780 : i32 to index
        %get3A_782 = arith.constant 64 : index
        %get3A_783 = tpu.vector_load %arg11[%get3A_781, %get3A_782] {strides = array<i32>} : memref<80x128xf32, #tpu.memory_space<vmem>>, vector<1x16xf32>,
        %get3A_784 = vector.shape_cast %get3A_783 : vector<1x16xf32> to vector<16xf32>
        %mul3A_785 = arith.mulf %get3A_784, %broadcast_in_dim3A_722 : vector<16xf32>
        %add3A_786 = arith.constant 6 : i32
        %add3A_787 = arith.addi %mul3A_31, %add3A_786 : i32
        %swap3A_788 = arith.index_cast %add3A_787 : i32 to index
        %swap3A_789 = arith.constant 64 : index
        %swap3A_790 = tpu.vector_load %arg11[%swap3A_788, %swap3A_789] {strides = array<i32>} : memref<80x128xf32, #tpu.memory_space<vmem>>, vector<1x16xf32>,
        %swap3A_791 = vector.shape_cast %swap3A_790 : vector<1x16xf32> to vector<16xf32>
        %swap3A_792 = vector.shape_cast %mul3A_785 : vector<16xf32> to vector<1x16xf32>
        tpu.vector_store %arg11[%swap3A_788, %swap3A_789], %swap3A_792 {strides = array<i32>} : memref<80x128xf32, #tpu.memory_space<vmem>>, vector<1x16xf32>,
        %add3A_793 = arith.constant 6 : i32
        %add3A_794 = arith.addi %mul3A_31, %add3A_793 : i32
        %get3A_795 = arith.index_cast %add3A_794 : i32 to index
        %get3A_796 = arith.constant 80 : index
        %get3A_797 = tpu.vector_load %arg11[%get3A_795, %get3A_796] {strides = array<i32>} : memref<80x128xf32, #tpu.memory_space<vmem>>, vector<1x16xf32>,
        %get3A_798 = vector.shape_cast %get3A_797 : vector<1x16xf32> to vector<16xf32>
        %mul3A_799 = arith.mulf %get3A_798, %broadcast_in_dim3A_722 : vector<16xf32>
        %add3A_800 = arith.constant 6 : i32
        %add3A_801 = arith.addi %mul3A_31, %add3A_800 : i32
        %swap3A_802 = arith.index_cast %add3A_801 : i32 to index
        %swap3A_803 = arith.constant 80 : index
        %swap3A_804 = tpu.vector_load %arg11[%swap3A_802, %swap3A_803] {strides = array<i32>} : memref<80x128xf32, #tpu.memory_space<vmem>>, vector<1x16xf32>,
        %swap3A_805 = vector.shape_cast %swap3A_804 : vector<1x16xf32> to vector<16xf32>
        %swap3A_806 = vector.shape_cast %mul3A_799 : vector<16xf32> to vector<1x16xf32>
        tpu.vector_store %arg11[%swap3A_802, %swap3A_803], %swap3A_806 {strides = array<i32>} : memref<80x128xf32, #tpu.memory_space<vmem>>, vector<1x16xf32>,
        %add3A_807 = arith.constant 6 : i32
        %add3A_808 = arith.addi %mul3A_31, %add3A_807 : i32
        %get3A_809 = arith.index_cast %add3A_808 : i32 to index
        %get3A_810 = arith.constant 96 : index
        %get3A_811 = tpu.vector_load %arg11[%get3A_809, %get3A_810] {strides = array<i32>} : memref<80x128xf32, #tpu.memory_space<vmem>>, vector<1x16xf32>,
        %get3A_812 = vector.shape_cast %get3A_811 : vector<1x16xf32> to vector<16xf32>
        %mul3A_813 = arith.mulf %get3A_812, %broadcast_in_dim3A_722 : vector<16xf32>
        %add3A_814 = arith.constant 6 : i32
        %add3A_815 = arith.addi %mul3A_31, %add3A_814 : i32
        %swap3A_816 = arith.index_cast %add3A_815 : i32 to index
        %swap3A_817 = arith.constant 96 : index
        %swap3A_818 = tpu.vector_load %arg11[%swap3A_816, %swap3A_817] {strides = array<i32>} : memref<80x128xf32, #tpu.memory_space<vmem>>, vector<1x16xf32>,
        %swap3A_819 = vector.shape_cast %swap3A_818 : vector<1x16xf32> to vector<16xf32>
        %swap3A_820 = vector.shape_cast %mul3A_813 : vector<16xf32> to vector<1x16xf32>
        tpu.vector_store %arg11[%swap3A_816, %swap3A_817], %swap3A_820 {strides = array<i32>} : memref<80x128xf32, #tpu.memory_space<vmem>>, vector<1x16xf32>,
        %add3A_821 = arith.constant 6 : i32
        %add3A_822 = arith.addi %mul3A_31, %add3A_821 : i32
        %get3A_823 = arith.index_cast %add3A_822 : i32 to index
        %get3A_824 = arith.constant 112 : index
        %get3A_825 = tpu.vector_load %arg11[%get3A_823, %get3A_824] {strides = array<i32>} : memref<80x128xf32, #tpu.memory_space<vmem>>, vector<1x16xf32>,
        %get3A_826 = vector.shape_cast %get3A_825 : vector<1x16xf32> to vector<16xf32>
        %mul3A_827 = arith.mulf %get3A_826, %broadcast_in_dim3A_722 : vector<16xf32>
        %add3A_828 = arith.constant 6 : i32
        %add3A_829 = arith.addi %mul3A_31, %add3A_828 : i32
        %swap3A_830 = arith.index_cast %add3A_829 : i32 to index
        %swap3A_831 = arith.constant 112 : index
        %swap3A_832 = tpu.vector_load %arg11[%swap3A_830, %swap3A_831] {strides = array<i32>} : memref<80x128xf32, #tpu.memory_space<vmem>>, vector<1x16xf32>,
        %swap3A_833 = vector.shape_cast %swap3A_832 : vector<1x16xf32> to vector<16xf32>
        %swap3A_834 = vector.shape_cast %mul3A_827 : vector<16xf32> to vector<1x16xf32>
        tpu.vector_store %arg11[%swap3A_830, %swap3A_831], %swap3A_834 {strides = array<i32>} : memref<80x128xf32, #tpu.memory_space<vmem>>, vector<1x16xf32>,
        %slice3A_835 = vector.extract_strided_slice %get3A_33 {offsets = [7], sizes = [1], strides = [1]} : vector<16xf32> to vector<1xf32>
        %squeeze3A_836 = vector.extract %slice3A_835[0] : f32 from vector<1xf32>
        %broadcast_in_dim3A_837 = vector.broadcast %squeeze3A_836 : f32 to vector<16xf32>
        %add3A_838 = arith.constant 7 : i32
        %add3A_839 = arith.addi %mul3A_31, %add3A_838 : i32
        %get3A_840 = arith.index_cast %add3A_839 : i32 to index
        %get3A_841 = arith.constant 0 : index
        %get3A_842 = tpu.vector_load %arg11[%get3A_840, %get3A_841] {strides = array<i32>} : memref<80x128xf32, #tpu.memory_space<vmem>>, vector<1x16xf32>,
        %get3A_843 = vector.shape_cast %get3A_842 : vector<1x16xf32> to vector<16xf32>
        %mul3A_844 = arith.mulf %get3A_843, %broadcast_in_dim3A_837 : vector<16xf32>
        %add3A_845 = arith.constant 7 : i32
        %add3A_846 = arith.addi %mul3A_31, %add3A_845 : i32
        %swap3A_847 = arith.index_cast %add3A_846 : i32 to index
        %swap3A_848 = arith.constant 0 : index
        %swap3A_849 = tpu.vector_load %arg11[%swap3A_847, %swap3A_848] {strides = array<i32>} : memref<80x128xf32, #tpu.memory_space<vmem>>, vector<1x16xf32>,
        %swap3A_850 = vector.shape_cast %swap3A_849 : vector<1x16xf32> to vector<16xf32>
        %swap3A_851 = vector.shape_cast %mul3A_844 : vector<16xf32> to vector<1x16xf32>
        tpu.vector_store %arg11[%swap3A_847, %swap3A_848], %swap3A_851 {strides = array<i32>} : memref<80x128xf32, #tpu.memory_space<vmem>>, vector<1x16xf32>,
        %add3A_852 = arith.constant 7 : i32
        %add3A_853 = arith.addi %mul3A_31, %add3A_852 : i32
        %get3A_854 = arith.index_cast %add3A_853 : i32 to index
        %get3A_855 = arith.constant 16 : index
        %get3A_856 = tpu.vector_load %arg11[%get3A_854, %get3A_855] {strides = array<i32>} : memref<80x128xf32, #tpu.memory_space<vmem>>, vector<1x16xf32>,
        %get3A_857 = vector.shape_cast %get3A_856 : vector<1x16xf32> to vector<16xf32>
        %mul3A_858 = arith.mulf %get3A_857, %broadcast_in_dim3A_837 : vector<16xf32>
        %add3A_859 = arith.constant 7 : i32
        %add3A_860 = arith.addi %mul3A_31, %add3A_859 : i32
        %swap3A_861 = arith.index_cast %add3A_860 : i32 to index
        %swap3A_862 = arith.constant 16 : index
        %swap3A_863 = tpu.vector_load %arg11[%swap3A_861, %swap3A_862] {strides = array<i32>} : memref<80x128xf32, #tpu.memory_space<vmem>>, vector<1x16xf32>,
        %swap3A_864 = vector.shape_cast %swap3A_863 : vector<1x16xf32> to vector<16xf32>
        %swap3A_865 = vector.shape_cast %mul3A_858 : vector<16xf32> to vector<1x16xf32>
        tpu.vector_store %arg11[%swap3A_861, %swap3A_862], %swap3A_865 {strides = array<i32>} : memref<80x128xf32, #tpu.memory_space<vmem>>, vector<1x16xf32>,
        %add3A_866 = arith.constant 7 : i32
        %add3A_867 = arith.addi %mul3A_31, %add3A_866 : i32
        %get3A_868 = arith.index_cast %add3A_867 : i32 to index
        %get3A_869 = arith.constant 32 : index
        %get3A_870 = tpu.vector_load %arg11[%get3A_868, %get3A_869] {strides = array<i32>} : memref<80x128xf32, #tpu.memory_space<vmem>>, vector<1x16xf32>,
        %get3A_871 = vector.shape_cast %get3A_870 : vector<1x16xf32> to vector<16xf32>
        %mul3A_872 = arith.mulf %get3A_871, %broadcast_in_dim3A_837 : vector<16xf32>
        %add3A_873 = arith.constant 7 : i32
        %add3A_874 = arith.addi %mul3A_31, %add3A_873 : i32
        %swap3A_875 = arith.index_cast %add3A_874 : i32 to index
        %swap3A_876 = arith.constant 32 : index
        %swap3A_877 = tpu.vector_load %arg11[%swap3A_875, %swap3A_876] {strides = array<i32>} : memref<80x128xf32, #tpu.memory_space<vmem>>, vector<1x16xf32>,
        %swap3A_878 = vector.shape_cast %swap3A_877 : vector<1x16xf32> to vector<16xf32>
        %swap3A_879 = vector.shape_cast %mul3A_872 : vector<16xf32> to vector<1x16xf32>
        tpu.vector_store %arg11[%swap3A_875, %swap3A_876], %swap3A_879 {strides = array<i32>} : memref<80x128xf32, #tpu.memory_space<vmem>>, vector<1x16xf32>,
        %add3A_880 = arith.constant 7 : i32
        %add3A_881 = arith.addi %mul3A_31, %add3A_880 : i32
        %get3A_882 = arith.index_cast %add3A_881 : i32 to index
        %get3A_883 = arith.constant 48 : index
        %get3A_884 = tpu.vector_load %arg11[%get3A_882, %get3A_883] {strides = array<i32>} : memref<80x128xf32, #tpu.memory_space<vmem>>, vector<1x16xf32>,
        %get3A_885 = vector.shape_cast %get3A_884 : vector<1x16xf32> to vector<16xf32>
        %mul3A_886 = arith.mulf %get3A_885, %broadcast_in_dim3A_837 : vector<16xf32>
        %add3A_887 = arith.constant 7 : i32
        %add3A_888 = arith.addi %mul3A_31, %add3A_887 : i32
        %swap3A_889 = arith.index_cast %add3A_888 : i32 to index
        %swap3A_890 = arith.constant 48 : index
        %swap3A_891 = tpu.vector_load %arg11[%swap3A_889, %swap3A_890] {strides = array<i32>} : memref<80x128xf32, #tpu.memory_space<vmem>>, vector<1x16xf32>,
        %swap3A_892 = vector.shape_cast %swap3A_891 : vector<1x16xf32> to vector<16xf32>
        %swap3A_893 = vector.shape_cast %mul3A_886 : vector<16xf32> to vector<1x16xf32>
        tpu.vector_store %arg11[%swap3A_889, %swap3A_890], %swap3A_893 {strides = array<i32>} : memref<80x128xf32, #tpu.memory_space<vmem>>, vector<1x16xf32>,
        %add3A_894 = arith.constant 7 : i32
        %add3A_895 = arith.addi %mul3A_31, %add3A_894 : i32
        %get3A_896 = arith.index_cast %add3A_895 : i32 to index
        %get3A_897 = arith.constant 64 : index
        %get3A_898 = tpu.vector_load %arg11[%get3A_896, %get3A_897] {strides = array<i32>} : memref<80x128xf32, #tpu.memory_space<vmem>>, vector<1x16xf32>,
        %get3A_899 = vector.shape_cast %get3A_898 : vector<1x16xf32> to vector<16xf32>
        %mul3A_900 = arith.mulf %get3A_899, %broadcast_in_dim3A_837 : vector<16xf32>
        %add3A_901 = arith.constant 7 : i32
        %add3A_902 = arith.addi %mul3A_31, %add3A_901 : i32
        %swap3A_903 = arith.index_cast %add3A_902 : i32 to index
        %swap3A_904 = arith.constant 64 : index
        %swap3A_905 = tpu.vector_load %arg11[%swap3A_903, %swap3A_904] {strides = array<i32>} : memref<80x128xf32, #tpu.memory_space<vmem>>, vector<1x16xf32>,
        %swap3A_906 = vector.shape_cast %swap3A_905 : vector<1x16xf32> to vector<16xf32>
        %swap3A_907 = vector.shape_cast %mul3A_900 : vector<16xf32> to vector<1x16xf32>
        tpu.vector_store %arg11[%swap3A_903, %swap3A_904], %swap3A_907 {strides = array<i32>} : memref<80x128xf32, #tpu.memory_space<vmem>>, vector<1x16xf32>,
        %add3A_908 = arith.constant 7 : i32
        %add3A_909 = arith.addi %mul3A_31, %add3A_908 : i32
        %get3A_910 = arith.index_cast %add3A_909 : i32 to index
        %get3A_911 = arith.constant 80 : index
        %get3A_912 = tpu.vector_load %arg11[%get3A_910, %get3A_911] {strides = array<i32>} : memref<80x128xf32, #tpu.memory_space<vmem>>, vector<1x16xf32>,
        %get3A_913 = vector.shape_cast %get3A_912 : vector<1x16xf32> to vector<16xf32>
        %mul3A_914 = arith.mulf %get3A_913, %broadcast_in_dim3A_837 : vector<16xf32>
        %add3A_915 = arith.constant 7 : i32
        %add3A_916 = arith.addi %mul3A_31, %add3A_915 : i32
        %swap3A_917 = arith.index_cast %add3A_916 : i32 to index
        %swap3A_918 = arith.constant 80 : index
        %swap3A_919 = tpu.vector_load %arg11[%swap3A_917, %swap3A_918] {strides = array<i32>} : memref<80x128xf32, #tpu.memory_space<vmem>>, vector<1x16xf32>,
        %swap3A_920 = vector.shape_cast %swap3A_919 : vector<1x16xf32> to vector<16xf32>
        %swap3A_921 = vector.shape_cast %mul3A_914 : vector<16xf32> to vector<1x16xf32>
        tpu.vector_store %arg11[%swap3A_917, %swap3A_918], %swap3A_921 {strides = array<i32>} : memref<80x128xf32, #tpu.memory_space<vmem>>, vector<1x16xf32>,
        %add3A_922 = arith.constant 7 : i32
        %add3A_923 = arith.addi %mul3A_31, %add3A_922 : i32
        %get3A_924 = arith.index_cast %add3A_923 : i32 to index
        %get3A_925 = arith.constant 96 : index
        %get3A_926 = tpu.vector_load %arg11[%get3A_924, %get3A_925] {strides = array<i32>} : memref<80x128xf32, #tpu.memory_space<vmem>>, vector<1x16xf32>,
        %get3A_927 = vector.shape_cast %get3A_926 : vector<1x16xf32> to vector<16xf32>
        %mul3A_928 = arith.mulf %get3A_927, %broadcast_in_dim3A_837 : vector<16xf32>
        %add3A_929 = arith.constant 7 : i32
        %add3A_930 = arith.addi %mul3A_31, %add3A_929 : i32
        %swap3A_931 = arith.index_cast %add3A_930 : i32 to index
        %swap3A_932 = arith.constant 96 : index
        %swap3A_933 = tpu.vector_load %arg11[%swap3A_931, %swap3A_932] {strides = array<i32>} : memref<80x128xf32, #tpu.memory_space<vmem>>, vector<1x16xf32>,
        %swap3A_934 = vector.shape_cast %swap3A_933 : vector<1x16xf32> to vector<16xf32>
        %swap3A_935 = vector.shape_cast %mul3A_928 : vector<16xf32> to vector<1x16xf32>
        tpu.vector_store %arg11[%swap3A_931, %swap3A_932], %swap3A_935 {strides = array<i32>} : memref<80x128xf32, #tpu.memory_space<vmem>>, vector<1x16xf32>,
        %add3A_936 = arith.constant 7 : i32
        %add3A_937 = arith.addi %mul3A_31, %add3A_936 : i32
        %get3A_938 = arith.index_cast %add3A_937 : i32 to index
        %get3A_939 = arith.constant 112 : index
        %get3A_940 = tpu.vector_load %arg11[%get3A_938, %get3A_939] {strides = array<i32>} : memref<80x128xf32, #tpu.memory_space<vmem>>, vector<1x16xf32>,
        %get3A_941 = vector.shape_cast %get3A_940 : vector<1x16xf32> to vector<16xf32>
        %mul3A_942 = arith.mulf %get3A_941, %broadcast_in_dim3A_837 : vector<16xf32>
        %add3A_943 = arith.constant 7 : i32
        %add3A_944 = arith.addi %mul3A_31, %add3A_943 : i32
        %swap3A_945 = arith.index_cast %add3A_944 : i32 to index
        %swap3A_946 = arith.constant 112 : index
        %swap3A_947 = tpu.vector_load %arg11[%swap3A_945, %swap3A_946] {strides = array<i32>} : memref<80x128xf32, #tpu.memory_space<vmem>>, vector<1x16xf32>,
        %swap3A_948 = vector.shape_cast %swap3A_947 : vector<1x16xf32> to vector<16xf32>
        %swap3A_949 = vector.shape_cast %mul3A_942 : vector<16xf32> to vector<1x16xf32>
        tpu.vector_store %arg11[%swap3A_945, %swap3A_946], %swap3A_949 {strides = array<i32>} : memref<80x128xf32, #tpu.memory_space<vmem>>, vector<1x16xf32>,
        %slice3A_950 = vector.extract_strided_slice %get3A_33 {offsets = [8], sizes = [1], strides = [1]} : vector<16xf32> to vector<1xf32>
        %squeeze3A_951 = vector.extract %slice3A_950[0] : f32 from vector<1xf32>
        %broadcast_in_dim3A_952 = vector.broadcast %squeeze3A_951 : f32 to vector<16xf32>
        %add3A_953 = arith.constant 8 : i32
        %add3A_954 = arith.addi %mul3A_31, %add3A_953 : i32
        %get3A_955 = arith.index_cast %add3A_954 : i32 to index
        %get3A_956 = arith.constant 0 : index
        %get3A_957 = tpu.vector_load %arg11[%get3A_955, %get3A_956] {strides = array<i32>} : memref<80x128xf32, #tpu.memory_space<vmem>>, vector<1x16xf32>,
        %get3A_958 = vector.shape_cast %get3A_957 : vector<1x16xf32> to vector<16xf32>
        %mul3A_959 = arith.mulf %get3A_958, %broadcast_in_dim3A_952 : vector<16xf32>
        %add3A_960 = arith.constant 8 : i32
        %add3A_961 = arith.addi %mul3A_31, %add3A_960 : i32
        %swap3A_962 = arith.index_cast %add3A_961 : i32 to index
        %swap3A_963 = arith.constant 0 : index
        %swap3A_964 = tpu.vector_load %arg11[%swap3A_962, %swap3A_963] {strides = array<i32>} : memref<80x128xf32, #tpu.memory_space<vmem>>, vector<1x16xf32>,
        %swap3A_965 = vector.shape_cast %swap3A_964 : vector<1x16xf32> to vector<16xf32>
        %swap3A_966 = vector.shape_cast %mul3A_959 : vector<16xf32> to vector<1x16xf32>
        tpu.vector_store %arg11[%swap3A_962, %swap3A_963], %swap3A_966 {strides = array<i32>} : memref<80x128xf32, #tpu.memory_space<vmem>>, vector<1x16xf32>,
        %add3A_967 = arith.constant 8 : i32
        %add3A_968 = arith.addi %mul3A_31, %add3A_967 : i32
        %get3A_969 = arith.index_cast %add3A_968 : i32 to index
        %get3A_970 = arith.constant 16 : index
        %get3A_971 = tpu.vector_load %arg11[%get3A_969, %get3A_970] {strides = array<i32>} : memref<80x128xf32, #tpu.memory_space<vmem>>, vector<1x16xf32>,
        %get3A_972 = vector.shape_cast %get3A_971 : vector<1x16xf32> to vector<16xf32>
        %mul3A_973 = arith.mulf %get3A_972, %broadcast_in_dim3A_952 : vector<16xf32>
        %add3A_974 = arith.constant 8 : i32
        %add3A_975 = arith.addi %mul3A_31, %add3A_974 : i32
        %swap3A_976 = arith.index_cast %add3A_975 : i32 to index
        %swap3A_977 = arith.constant 16 : index
        %swap3A_978 = tpu.vector_load %arg11[%swap3A_976, %swap3A_977] {strides = array<i32>} : memref<80x128xf32, #tpu.memory_space<vmem>>, vector<1x16xf32>,
        %swap3A_979 = vector.shape_cast %swap3A_978 : vector<1x16xf32> to vector<16xf32>
        %swap3A_980 = vector.shape_cast %mul3A_973 : vector<16xf32> to vector<1x16xf32>
        tpu.vector_store %arg11[%swap3A_976, %swap3A_977], %swap3A_980 {strides = array<i32>} : memref<80x128xf32, #tpu.memory_space<vmem>>, vector<1x16xf32>,
        %add3A_981 = arith.constant 8 : i32
        %add3A_982 = arith.addi %mul3A_31, %add3A_981 : i32
        %get3A_983 = arith.index_cast %add3A_982 : i32 to index
        %get3A_984 = arith.constant 32 : index
        %get3A_985 = tpu.vector_load %arg11[%get3A_983, %get3A_984] {strides = array<i32>} : memref<80x128xf32, #tpu.memory_space<vmem>>, vector<1x16xf32>,
        %get3A_986 = vector.shape_cast %get3A_985 : vector<1x16xf32> to vector<16xf32>
        %mul3A_987 = arith.mulf %get3A_986, %broadcast_in_dim3A_952 : vector<16xf32>
        %add3A_988 = arith.constant 8 : i32
        %add3A_989 = arith.addi %mul3A_31, %add3A_988 : i32
        %swap3A_990 = arith.index_cast %add3A_989 : i32 to index
        %swap3A_991 = arith.constant 32 : index
        %swap3A_992 = tpu.vector_load %arg11[%swap3A_990, %swap3A_991] {strides = array<i32>} : memref<80x128xf32, #tpu.memory_space<vmem>>, vector<1x16xf32>,
        %swap3A_993 = vector.shape_cast %swap3A_992 : vector<1x16xf32> to vector<16xf32>
        %swap3A_994 = vector.shape_cast %mul3A_987 : vector<16xf32> to vector<1x16xf32>
        tpu.vector_store %arg11[%swap3A_990, %swap3A_991], %swap3A_994 {strides = array<i32>} : memref<80x128xf32, #tpu.memory_space<vmem>>, vector<1x16xf32>,
        %add3A_995 = arith.constant 8 : i32
        %add3A_996 = arith.addi %mul3A_31, %add3A_995 : i32
        %get3A_997 = arith.index_cast %add3A_996 : i32 to index
        %get3A_998 = arith.constant 48 : index
        %get3A_999 = tpu.vector_load %arg11[%get3A_997, %get3A_998] {strides = array<i32>} : memref<80x128xf32, #tpu.memory_space<vmem>>, vector<1x16xf32>,
        %get3A_1000 = vector.shape_cast %get3A_999 : vector<1x16xf32> to vector<16xf32>
        %mul3A_1001 = arith.mulf %get3A_1000, %broadcast_in_dim3A_952 : vector<16xf32>
        %add3A_1002 = arith.constant 8 : i32
        %add3A_1003 = arith.addi %mul3A_31, %add3A_1002 : i32
        %swap3A_1004 = arith.index_cast %add3A_1003 : i32 to index
        %swap3A_1005 = arith.constant 48 : index
        %swap3A_1006 = tpu.vector_load %arg11[%swap3A_1004, %swap3A_1005] {strides = array<i32>} : memref<80x128xf32, #tpu.memory_space<vmem>>, vector<1x16xf32>,
        %swap3A_1007 = vector.shape_cast %swap3A_1006 : vector<1x16xf32> to vector<16xf32>
        %swap3A_1008 = vector.shape_cast %mul3A_1001 : vector<16xf32> to vector<1x16xf32>
        tpu.vector_store %arg11[%swap3A_1004, %swap3A_1005], %swap3A_1008 {strides = array<i32>} : memref<80x128xf32, #tpu.memory_space<vmem>>, vector<1x16xf32>,
        %add3A_1009 = arith.constant 8 : i32
        %add3A_1010 = arith.addi %mul3A_31, %add3A_1009 : i32
        %get3A_1011 = arith.index_cast %add3A_1010 : i32 to index
        %get3A_1012 = arith.constant 64 : index
        %get3A_1013 = tpu.vector_load %arg11[%get3A_1011, %get3A_1012] {strides = array<i32>} : memref<80x128xf32, #tpu.memory_space<vmem>>, vector<1x16xf32>,
        %get3A_1014 = vector.shape_cast %get3A_1013 : vector<1x16xf32> to vector<16xf32>
        %mul3A_1015 = arith.mulf %get3A_1014, %broadcast_in_dim3A_952 : vector<16xf32>
        %add3A_1016 = arith.constant 8 : i32
        %add3A_1017 = arith.addi %mul3A_31, %add3A_1016 : i32
        %swap3A_1018 = arith.index_cast %add3A_1017 : i32 to index
        %swap3A_1019 = arith.constant 64 : index
        %swap3A_1020 = tpu.vector_load %arg11[%swap3A_1018, %swap3A_1019] {strides = array<i32>} : memref<80x128xf32, #tpu.memory_space<vmem>>, vector<1x16xf32>,
        %swap3A_1021 = vector.shape_cast %swap3A_1020 : vector<1x16xf32> to vector<16xf32>
        %swap3A_1022 = vector.shape_cast %mul3A_1015 : vector<16xf32> to vector<1x16xf32>
        tpu.vector_store %arg11[%swap3A_1018, %swap3A_1019], %swap3A_1022 {strides = array<i32>} : memref<80x128xf32, #tpu.memory_space<vmem>>, vector<1x16xf32>,
        %add3A_1023 = arith.constant 8 : i32
        %add3A_1024 = arith.addi %mul3A_31, %add3A_1023 : i32
        %get3A_1025 = arith.index_cast %add3A_1024 : i32 to index
        %get3A_1026 = arith.constant 80 : index
        %get3A_1027 = tpu.vector_load %arg11[%get3A_1025, %get3A_1026] {strides = array<i32>} : memref<80x128xf32, #tpu.memory_space<vmem>>, vector<1x16xf32>,
        %get3A_1028 = vector.shape_cast %get3A_1027 : vector<1x16xf32> to vector<16xf32>
        %mul3A_1029 = arith.mulf %get3A_1028, %broadcast_in_dim3A_952 : vector<16xf32>
        %add3A_1030 = arith.constant 8 : i32
        %add3A_1031 = arith.addi %mul3A_31, %add3A_1030 : i32
        %swap3A_1032 = arith.index_cast %add3A_1031 : i32 to index
        %swap3A_1033 = arith.constant 80 : index
        %swap3A_1034 = tpu.vector_load %arg11[%swap3A_1032, %swap3A_1033] {strides = array<i32>} : memref<80x128xf32, #tpu.memory_space<vmem>>, vector<1x16xf32>,
        %swap3A_1035 = vector.shape_cast %swap3A_1034 : vector<1x16xf32> to vector<16xf32>
        %swap3A_1036 = vector.shape_cast %mul3A_1029 : vector<16xf32> to vector<1x16xf32>
        tpu.vector_store %arg11[%swap3A_1032, %swap3A_1033], %swap3A_1036 {strides = array<i32>} : memref<80x128xf32, #tpu.memory_space<vmem>>, vector<1x16xf32>,
        %add3A_1037 = arith.constant 8 : i32
        %add3A_1038 = arith.addi %mul3A_31, %add3A_1037 : i32
        %get3A_1039 = arith.index_cast %add3A_1038 : i32 to index
        %get3A_1040 = arith.constant 96 : index
        %get3A_1041 = tpu.vector_load %arg11[%get3A_1039, %get3A_1040] {strides = array<i32>} : memref<80x128xf32, #tpu.memory_space<vmem>>, vector<1x16xf32>,
        %get3A_1042 = vector.shape_cast %get3A_1041 : vector<1x16xf32> to vector<16xf32>
        %mul3A_1043 = arith.mulf %get3A_1042, %broadcast_in_dim3A_952 : vector<16xf32>
        %add3A_1044 = arith.constant 8 : i32
        %add3A_1045 = arith.addi %mul3A_31, %add3A_1044 : i32
        %swap3A_1046 = arith.index_cast %add3A_1045 : i32 to index
        %swap3A_1047 = arith.constant 96 : index
        %swap3A_1048 = tpu.vector_load %arg11[%swap3A_1046, %swap3A_1047] {strides = array<i32>} : memref<80x128xf32, #tpu.memory_space<vmem>>, vector<1x16xf32>,
        %swap3A_1049 = vector.shape_cast %swap3A_1048 : vector<1x16xf32> to vector<16xf32>
        %swap3A_1050 = vector.shape_cast %mul3A_1043 : vector<16xf32> to vector<1x16xf32>
        tpu.vector_store %arg11[%swap3A_1046, %swap3A_1047], %swap3A_1050 {strides = array<i32>} : memref<80x128xf32, #tpu.memory_space<vmem>>, vector<1x16xf32>,
        %add3A_1051 = arith.constant 8 : i32
        %add3A_1052 = arith.addi %mul3A_31, %add3A_1051 : i32
        %get3A_1053 = arith.index_cast %add3A_1052 : i32 to index
        %get3A_1054 = arith.constant 112 : index
        %get3A_1055 = tpu.vector_load %arg11[%get3A_1053, %get3A_1054] {strides = array<i32>} : memref<80x128xf32, #tpu.memory_space<vmem>>, vector<1x16xf32>,
        %get3A_1056 = vector.shape_cast %get3A_1055 : vector<1x16xf32> to vector<16xf32>
        %mul3A_1057 = arith.mulf %get3A_1056, %broadcast_in_dim3A_952 : vector<16xf32>
        %add3A_1058 = arith.constant 8 : i32
        %add3A_1059 = arith.addi %mul3A_31, %add3A_1058 : i32
        %swap3A_1060 = arith.index_cast %add3A_1059 : i32 to index
        %swap3A_1061 = arith.constant 112 : index
        %swap3A_1062 = tpu.vector_load %arg11[%swap3A_1060, %swap3A_1061] {strides = array<i32>} : memref<80x128xf32, #tpu.memory_space<vmem>>, vector<1x16xf32>,
        %swap3A_1063 = vector.shape_cast %swap3A_1062 : vector<1x16xf32> to vector<16xf32>
        %swap3A_1064 = vector.shape_cast %mul3A_1057 : vector<16xf32> to vector<1x16xf32>
        tpu.vector_store %arg11[%swap3A_1060, %swap3A_1061], %swap3A_1064 {strides = array<i32>} : memref<80x128xf32, #tpu.memory_space<vmem>>, vector<1x16xf32>,
        %slice3A_1065 = vector.extract_strided_slice %get3A_33 {offsets = [9], sizes = [1], strides = [1]} : vector<16xf32> to vector<1xf32>
        %squeeze3A_1066 = vector.extract %slice3A_1065[0] : f32 from vector<1xf32>
        %broadcast_in_dim3A_1067 = vector.broadcast %squeeze3A_1066 : f32 to vector<16xf32>
        %add3A_1068 = arith.constant 9 : i32
        %add3A_1069 = arith.addi %mul3A_31, %add3A_1068 : i32
        %get3A_1070 = arith.index_cast %add3A_1069 : i32 to index
        %get3A_1071 = arith.constant 0 : index
        %get3A_1072 = tpu.vector_load %arg11[%get3A_1070, %get3A_1071] {strides = array<i32>} : memref<80x128xf32, #tpu.memory_space<vmem>>, vector<1x16xf32>,
        %get3A_1073 = vector.shape_cast %get3A_1072 : vector<1x16xf32> to vector<16xf32>
        %mul3A_1074 = arith.mulf %get3A_1073, %broadcast_in_dim3A_1067 : vector<16xf32>
        %add3A_1075 = arith.constant 9 : i32
        %add3A_1076 = arith.addi %mul3A_31, %add3A_1075 : i32
        %swap3A_1077 = arith.index_cast %add3A_1076 : i32 to index
        %swap3A_1078 = arith.constant 0 : index
        %swap3A_1079 = tpu.vector_load %arg11[%swap3A_1077, %swap3A_1078] {strides = array<i32>} : memref<80x128xf32, #tpu.memory_space<vmem>>, vector<1x16xf32>,
        %swap3A_1080 = vector.shape_cast %swap3A_1079 : vector<1x16xf32> to vector<16xf32>
        %swap3A_1081 = vector.shape_cast %mul3A_1074 : vector<16xf32> to vector<1x16xf32>
        tpu.vector_store %arg11[%swap3A_1077, %swap3A_1078], %swap3A_1081 {strides = array<i32>} : memref<80x128xf32, #tpu.memory_space<vmem>>, vector<1x16xf32>,
        %add3A_1082 = arith.constant 9 : i32
        %add3A_1083 = arith.addi %mul3A_31, %add3A_1082 : i32
        %get3A_1084 = arith.index_cast %add3A_1083 : i32 to index
        %get3A_1085 = arith.constant 16 : index
        %get3A_1086 = tpu.vector_load %arg11[%get3A_1084, %get3A_1085] {strides = array<i32>} : memref<80x128xf32, #tpu.memory_space<vmem>>, vector<1x16xf32>,
        %get3A_1087 = vector.shape_cast %get3A_1086 : vector<1x16xf32> to vector<16xf32>
        %mul3A_1088 = arith.mulf %get3A_1087, %broadcast_in_dim3A_1067 : vector<16xf32>
        %add3A_1089 = arith.constant 9 : i32
        %add3A_1090 = arith.addi %mul3A_31, %add3A_1089 : i32
        %swap3A_1091 = arith.index_cast %add3A_1090 : i32 to index
        %swap3A_1092 = arith.constant 16 : index
        %swap3A_1093 = tpu.vector_load %arg11[%swap3A_1091, %swap3A_1092] {strides = array<i32>} : memref<80x128xf32, #tpu.memory_space<vmem>>, vector<1x16xf32>,
        %swap3A_1094 = vector.shape_cast %swap3A_1093 : vector<1x16xf32> to vector<16xf32>
        %swap3A_1095 = vector.shape_cast %mul3A_1088 : vector<16xf32> to vector<1x16xf32>
        tpu.vector_store %arg11[%swap3A_1091, %swap3A_1092], %swap3A_1095 {strides = array<i32>} : memref<80x128xf32, #tpu.memory_space<vmem>>, vector<1x16xf32>,
        %add3A_1096 = arith.constant 9 : i32
        %add3A_1097 = arith.addi %mul3A_31, %add3A_1096 : i32
        %get3A_1098 = arith.index_cast %add3A_1097 : i32 to index
        %get3A_1099 = arith.constant 32 : index
        %get3A_1100 = tpu.vector_load %arg11[%get3A_1098, %get3A_1099] {strides = array<i32>} : memref<80x128xf32, #tpu.memory_space<vmem>>, vector<1x16xf32>,
        %get3A_1101 = vector.shape_cast %get3A_1100 : vector<1x16xf32> to vector<16xf32>
        %mul3A_1102 = arith.mulf %get3A_1101, %broadcast_in_dim3A_1067 : vector<16xf32>
        %add3A_1103 = arith.constant 9 : i32
        %add3A_1104 = arith.addi %mul3A_31, %add3A_1103 : i32
        %swap3A_1105 = arith.index_cast %add3A_1104 : i32 to index
        %swap3A_1106 = arith.constant 32 : index
        %swap3A_1107 = tpu.vector_load %arg11[%swap3A_1105, %swap3A_1106] {strides = array<i32>} : memref<80x128xf32, #tpu.memory_space<vmem>>, vector<1x16xf32>,
        %swap3A_1108 = vector.shape_cast %swap3A_1107 : vector<1x16xf32> to vector<16xf32>
        %swap3A_1109 = vector.shape_cast %mul3A_1102 : vector<16xf32> to vector<1x16xf32>
        tpu.vector_store %arg11[%swap3A_1105, %swap3A_1106], %swap3A_1109 {strides = array<i32>} : memref<80x128xf32, #tpu.memory_space<vmem>>, vector<1x16xf32>,
        %add3A_1110 = arith.constant 9 : i32
        %add3A_1111 = arith.addi %mul3A_31, %add3A_1110 : i32
        %get3A_1112 = arith.index_cast %add3A_1111 : i32 to index
        %get3A_1113 = arith.constant 48 : index
        %get3A_1114 = tpu.vector_load %arg11[%get3A_1112, %get3A_1113] {strides = array<i32>} : memref<80x128xf32, #tpu.memory_space<vmem>>, vector<1x16xf32>,
        %get3A_1115 = vector.shape_cast %get3A_1114 : vector<1x16xf32> to vector<16xf32>
        %mul3A_1116 = arith.mulf %get3A_1115, %broadcast_in_dim3A_1067 : vector<16xf32>
        %add3A_1117 = arith.constant 9 : i32
        %add3A_1118 = arith.addi %mul3A_31, %add3A_1117 : i32
        %swap3A_1119 = arith.index_cast %add3A_1118 : i32 to index
        %swap3A_1120 = arith.constant 48 : index
        %swap3A_1121 = tpu.vector_load %arg11[%swap3A_1119, %swap3A_1120] {strides = array<i32>} : memref<80x128xf32, #tpu.memory_space<vmem>>, vector<1x16xf32>,
        %swap3A_1122 = vector.shape_cast %swap3A_1121 : vector<1x16xf32> to vector<16xf32>
        %swap3A_1123 = vector.shape_cast %mul3A_1116 : vector<16xf32> to vector<1x16xf32>
        tpu.vector_store %arg11[%swap3A_1119, %swap3A_1120], %swap3A_1123 {strides = array<i32>} : memref<80x128xf32, #tpu.memory_space<vmem>>, vector<1x16xf32>,
        %add3A_1124 = arith.constant 9 : i32
        %add3A_1125 = arith.addi %mul3A_31, %add3A_1124 : i32
        %get3A_1126 = arith.index_cast %add3A_1125 : i32 to index
        %get3A_1127 = arith.constant 64 : index
        %get3A_1128 = tpu.vector_load %arg11[%get3A_1126, %get3A_1127] {strides = array<i32>} : memref<80x128xf32, #tpu.memory_space<vmem>>, vector<1x16xf32>,
        %get3A_1129 = vector.shape_cast %get3A_1128 : vector<1x16xf32> to vector<16xf32>
        %mul3A_1130 = arith.mulf %get3A_1129, %broadcast_in_dim3A_1067 : vector<16xf32>
        %add3A_1131 = arith.constant 9 : i32
        %add3A_1132 = arith.addi %mul3A_31, %add3A_1131 : i32
        %swap3A_1133 = arith.index_cast %add3A_1132 : i32 to index
        %swap3A_1134 = arith.constant 64 : index
        %swap3A_1135 = tpu.vector_load %arg11[%swap3A_1133, %swap3A_1134] {strides = array<i32>} : memref<80x128xf32, #tpu.memory_space<vmem>>, vector<1x16xf32>,
        %swap3A_1136 = vector.shape_cast %swap3A_1135 : vector<1x16xf32> to vector<16xf32>
        %swap3A_1137 = vector.shape_cast %mul3A_1130 : vector<16xf32> to vector<1x16xf32>
        tpu.vector_store %arg11[%swap3A_1133, %swap3A_1134], %swap3A_1137 {strides = array<i32>} : memref<80x128xf32, #tpu.memory_space<vmem>>, vector<1x16xf32>,
        %add3A_1138 = arith.constant 9 : i32
        %add3A_1139 = arith.addi %mul3A_31, %add3A_1138 : i32
        %get3A_1140 = arith.index_cast %add3A_1139 : i32 to index
        %get3A_1141 = arith.constant 80 : index
        %get3A_1142 = tpu.vector_load %arg11[%get3A_1140, %get3A_1141] {strides = array<i32>} : memref<80x128xf32, #tpu.memory_space<vmem>>, vector<1x16xf32>,
        %get3A_1143 = vector.shape_cast %get3A_1142 : vector<1x16xf32> to vector<16xf32>
        %mul3A_1144 = arith.mulf %get3A_1143, %broadcast_in_dim3A_1067 : vector<16xf32>
        %add3A_1145 = arith.constant 9 : i32
        %add3A_1146 = arith.addi %mul3A_31, %add3A_1145 : i32
        %swap3A_1147 = arith.index_cast %add3A_1146 : i32 to index
        %swap3A_1148 = arith.constant 80 : index
        %swap3A_1149 = tpu.vector_load %arg11[%swap3A_1147, %swap3A_1148] {strides = array<i32>} : memref<80x128xf32, #tpu.memory_space<vmem>>, vector<1x16xf32>,
        %swap3A_1150 = vector.shape_cast %swap3A_1149 : vector<1x16xf32> to vector<16xf32>
        %swap3A_1151 = vector.shape_cast %mul3A_1144 : vector<16xf32> to vector<1x16xf32>
        tpu.vector_store %arg11[%swap3A_1147, %swap3A_1148], %swap3A_1151 {strides = array<i32>} : memref<80x128xf32, #tpu.memory_space<vmem>>, vector<1x16xf32>,
        %add3A_1152 = arith.constant 9 : i32
        %add3A_1153 = arith.addi %mul3A_31, %add3A_1152 : i32
        %get3A_1154 = arith.index_cast %add3A_1153 : i32 to index
        %get3A_1155 = arith.constant 96 : index
        %get3A_1156 = tpu.vector_load %arg11[%get3A_1154, %get3A_1155] {strides = array<i32>} : memref<80x128xf32, #tpu.memory_space<vmem>>, vector<1x16xf32>,
        %get3A_1157 = vector.shape_cast %get3A_1156 : vector<1x16xf32> to vector<16xf32>
        %mul3A_1158 = arith.mulf %get3A_1157, %broadcast_in_dim3A_1067 : vector<16xf32>
        %add3A_1159 = arith.constant 9 : i32
        %add3A_1160 = arith.addi %mul3A_31, %add3A_1159 : i32
        %swap3A_1161 = arith.index_cast %add3A_1160 : i32 to index
        %swap3A_1162 = arith.constant 96 : index
        %swap3A_1163 = tpu.vector_load %arg11[%swap3A_1161, %swap3A_1162] {strides = array<i32>} : memref<80x128xf32, #tpu.memory_space<vmem>>, vector<1x16xf32>,
        %swap3A_1164 = vector.shape_cast %swap3A_1163 : vector<1x16xf32> to vector<16xf32>
        %swap3A_1165 = vector.shape_cast %mul3A_1158 : vector<16xf32> to vector<1x16xf32>
        tpu.vector_store %arg11[%swap3A_1161, %swap3A_1162], %swap3A_1165 {strides = array<i32>} : memref<80x128xf32, #tpu.memory_space<vmem>>, vector<1x16xf32>,
        %add3A_1166 = arith.constant 9 : i32
        %add3A_1167 = arith.addi %mul3A_31, %add3A_1166 : i32
        %get3A_1168 = arith.index_cast %add3A_1167 : i32 to index
        %get3A_1169 = arith.constant 112 : index
        %get3A_1170 = tpu.vector_load %arg11[%get3A_1168, %get3A_1169] {strides = array<i32>} : memref<80x128xf32, #tpu.memory_space<vmem>>, vector<1x16xf32>,
        %get3A_1171 = vector.shape_cast %get3A_1170 : vector<1x16xf32> to vector<16xf32>
        %mul3A_1172 = arith.mulf %get3A_1171, %broadcast_in_dim3A_1067 : vector<16xf32>
        %add3A_1173 = arith.constant 9 : i32
        %add3A_1174 = arith.addi %mul3A_31, %add3A_1173 : i32
        %swap3A_1175 = arith.index_cast %add3A_1174 : i32 to index
        %swap3A_1176 = arith.constant 112 : index
        %swap3A_1177 = tpu.vector_load %arg11[%swap3A_1175, %swap3A_1176] {strides = array<i32>} : memref<80x128xf32, #tpu.memory_space<vmem>>, vector<1x16xf32>,
        %swap3A_1178 = vector.shape_cast %swap3A_1177 : vector<1x16xf32> to vector<16xf32>
        %swap3A_1179 = vector.shape_cast %mul3A_1172 : vector<16xf32> to vector<1x16xf32>
        tpu.vector_store %arg11[%swap3A_1175, %swap3A_1176], %swap3A_1179 {strides = array<i32>} : memref<80x128xf32, #tpu.memory_space<vmem>>, vector<1x16xf32>,
        %slice3A_1180 = vector.extract_strided_slice %get3A_33 {offsets = [10], sizes = [1], strides = [1]} : vector<16xf32> to vector<1xf32>
        %squeeze3A_1181 = vector.extract %slice3A_1180[0] : f32 from vector<1xf32>
        %broadcast_in_dim3A_1182 = vector.broadcast %squeeze3A_1181 : f32 to vector<16xf32>
        %add3A_1183 = arith.constant 10 : i32
        %add3A_1184 = arith.addi %mul3A_31, %add3A_1183 : i32
        %get3A_1185 = arith.index_cast %add3A_1184 : i32 to index
        %get3A_1186 = arith.constant 0 : index
        %get3A_1187 = tpu.vector_load %arg11[%get3A_1185, %get3A_1186] {strides = array<i32>} : memref<80x128xf32, #tpu.memory_space<vmem>>, vector<1x16xf32>,
        %get3A_1188 = vector.shape_cast %get3A_1187 : vector<1x16xf32> to vector<16xf32>
        %mul3A_1189 = arith.mulf %get3A_1188, %broadcast_in_dim3A_1182 : vector<16xf32>
        %add3A_1190 = arith.constant 10 : i32
        %add3A_1191 = arith.addi %mul3A_31, %add3A_1190 : i32
        %swap3A_1192 = arith.index_cast %add3A_1191 : i32 to index
        %swap3A_1193 = arith.constant 0 : index
        %swap3A_1194 = tpu.vector_load %arg11[%swap3A_1192, %swap3A_1193] {strides = array<i32>} : memref<80x128xf32, #tpu.memory_space<vmem>>, vector<1x16xf32>,
        %swap3A_1195 = vector.shape_cast %swap3A_1194 : vector<1x16xf32> to vector<16xf32>
        %swap3A_1196 = vector.shape_cast %mul3A_1189 : vector<16xf32> to vector<1x16xf32>
        tpu.vector_store %arg11[%swap3A_1192, %swap3A_1193], %swap3A_1196 {strides = array<i32>} : memref<80x128xf32, #tpu.memory_space<vmem>>, vector<1x16xf32>,
        %add3A_1197 = arith.constant 10 : i32
        %add3A_1198 = arith.addi %mul3A_31, %add3A_1197 : i32
        %get3A_1199 = arith.index_cast %add3A_1198 : i32 to index
        %get3A_1200 = arith.constant 16 : index
        %get3A_1201 = tpu.vector_load %arg11[%get3A_1199, %get3A_1200] {strides = array<i32>} : memref<80x128xf32, #tpu.memory_space<vmem>>, vector<1x16xf32>,
        %get3A_1202 = vector.shape_cast %get3A_1201 : vector<1x16xf32> to vector<16xf32>
        %mul3A_1203 = arith.mulf %get3A_1202, %broadcast_in_dim3A_1182 : vector<16xf32>
        %add3A_1204 = arith.constant 10 : i32
        %add3A_1205 = arith.addi %mul3A_31, %add3A_1204 : i32
        %swap3A_1206 = arith.index_cast %add3A_1205 : i32 to index
        %swap3A_1207 = arith.constant 16 : index
        %swap3A_1208 = tpu.vector_load %arg11[%swap3A_1206, %swap3A_1207] {strides = array<i32>} : memref<80x128xf32, #tpu.memory_space<vmem>>, vector<1x16xf32>,
        %swap3A_1209 = vector.shape_cast %swap3A_1208 : vector<1x16xf32> to vector<16xf32>
        %swap3A_1210 = vector.shape_cast %mul3A_1203 : vector<16xf32> to vector<1x16xf32>
        tpu.vector_store %arg11[%swap3A_1206, %swap3A_1207], %swap3A_1210 {strides = array<i32>} : memref<80x128xf32, #tpu.memory_space<vmem>>, vector<1x16xf32>,
        %add3A_1211 = arith.constant 10 : i32
        %add3A_1212 = arith.addi %mul3A_31, %add3A_1211 : i32
        %get3A_1213 = arith.index_cast %add3A_1212 : i32 to index
        %get3A_1214 = arith.constant 32 : index
        %get3A_1215 = tpu.vector_load %arg11[%get3A_1213, %get3A_1214] {strides = array<i32>} : memref<80x128xf32, #tpu.memory_space<vmem>>, vector<1x16xf32>,
        %get3A_1216 = vector.shape_cast %get3A_1215 : vector<1x16xf32> to vector<16xf32>
        %mul3A_1217 = arith.mulf %get3A_1216, %broadcast_in_dim3A_1182 : vector<16xf32>
        %add3A_1218 = arith.constant 10 : i32
        %add3A_1219 = arith.addi %mul3A_31, %add3A_1218 : i32
        %swap3A_1220 = arith.index_cast %add3A_1219 : i32 to index
        %swap3A_1221 = arith.constant 32 : index
        %swap3A_1222 = tpu.vector_load %arg11[%swap3A_1220, %swap3A_1221] {strides = array<i32>} : memref<80x128xf32, #tpu.memory_space<vmem>>, vector<1x16xf32>,
        %swap3A_1223 = vector.shape_cast %swap3A_1222 : vector<1x16xf32> to vector<16xf32>
        %swap3A_1224 = vector.shape_cast %mul3A_1217 : vector<16xf32> to vector<1x16xf32>
        tpu.vector_store %arg11[%swap3A_1220, %swap3A_1221], %swap3A_1224 {strides = array<i32>} : memref<80x128xf32, #tpu.memory_space<vmem>>, vector<1x16xf32>,
        %add3A_1225 = arith.constant 10 : i32
        %add3A_1226 = arith.addi %mul3A_31, %add3A_1225 : i32
        %get3A_1227 = arith.index_cast %add3A_1226 : i32 to index
        %get3A_1228 = arith.constant 48 : index
        %get3A_1229 = tpu.vector_load %arg11[%get3A_1227, %get3A_1228] {strides = array<i32>} : memref<80x128xf32, #tpu.memory_space<vmem>>, vector<1x16xf32>,
        %get3A_1230 = vector.shape_cast %get3A_1229 : vector<1x16xf32> to vector<16xf32>
        %mul3A_1231 = arith.mulf %get3A_1230, %broadcast_in_dim3A_1182 : vector<16xf32>
        %add3A_1232 = arith.constant 10 : i32
        %add3A_1233 = arith.addi %mul3A_31, %add3A_1232 : i32
        %swap3A_1234 = arith.index_cast %add3A_1233 : i32 to index
        %swap3A_1235 = arith.constant 48 : index
        %swap3A_1236 = tpu.vector_load %arg11[%swap3A_1234, %swap3A_1235] {strides = array<i32>} : memref<80x128xf32, #tpu.memory_space<vmem>>, vector<1x16xf32>,
        %swap3A_1237 = vector.shape_cast %swap3A_1236 : vector<1x16xf32> to vector<16xf32>
        %swap3A_1238 = vector.shape_cast %mul3A_1231 : vector<16xf32> to vector<1x16xf32>
        tpu.vector_store %arg11[%swap3A_1234, %swap3A_1235], %swap3A_1238 {strides = array<i32>} : memref<80x128xf32, #tpu.memory_space<vmem>>, vector<1x16xf32>,
        %add3A_1239 = arith.constant 10 : i32
        %add3A_1240 = arith.addi %mul3A_31, %add3A_1239 : i32
        %get3A_1241 = arith.index_cast %add3A_1240 : i32 to index
        %get3A_1242 = arith.constant 64 : index
        %get3A_1243 = tpu.vector_load %arg11[%get3A_1241, %get3A_1242] {strides = array<i32>} : memref<80x128xf32, #tpu.memory_space<vmem>>, vector<1x16xf32>,
        %get3A_1244 = vector.shape_cast %get3A_1243 : vector<1x16xf32> to vector<16xf32>
        %mul3A_1245 = arith.mulf %get3A_1244, %broadcast_in_dim3A_1182 : vector<16xf32>
        %add3A_1246 = arith.constant 10 : i32
        %add3A_1247 = arith.addi %mul3A_31, %add3A_1246 : i32
        %swap3A_1248 = arith.index_cast %add3A_1247 : i32 to index
        %swap3A_1249 = arith.constant 64 : index
        %swap3A_1250 = tpu.vector_load %arg11[%swap3A_1248, %swap3A_1249] {strides = array<i32>} : memref<80x128xf32, #tpu.memory_space<vmem>>, vector<1x16xf32>,
        %swap3A_1251 = vector.shape_cast %swap3A_1250 : vector<1x16xf32> to vector<16xf32>
        %swap3A_1252 = vector.shape_cast %mul3A_1245 : vector<16xf32> to vector<1x16xf32>
        tpu.vector_store %arg11[%swap3A_1248, %swap3A_1249], %swap3A_1252 {strides = array<i32>} : memref<80x128xf32, #tpu.memory_space<vmem>>, vector<1x16xf32>,
        %add3A_1253 = arith.constant 10 : i32
        %add3A_1254 = arith.addi %mul3A_31, %add3A_1253 : i32
        %get3A_1255 = arith.index_cast %add3A_1254 : i32 to index
        %get3A_1256 = arith.constant 80 : index
        %get3A_1257 = tpu.vector_load %arg11[%get3A_1255, %get3A_1256] {strides = array<i32>} : memref<80x128xf32, #tpu.memory_space<vmem>>, vector<1x16xf32>,
        %get3A_1258 = vector.shape_cast %get3A_1257 : vector<1x16xf32> to vector<16xf32>
        %mul3A_1259 = arith.mulf %get3A_1258, %broadcast_in_dim3A_1182 : vector<16xf32>
        %add3A_1260 = arith.constant 10 : i32
        %add3A_1261 = arith.addi %mul3A_31, %add3A_1260 : i32
        %swap3A_1262 = arith.index_cast %add3A_1261 : i32 to index
        %swap3A_1263 = arith.constant 80 : index
        %swap3A_1264 = tpu.vector_load %arg11[%swap3A_1262, %swap3A_1263] {strides = array<i32>} : memref<80x128xf32, #tpu.memory_space<vmem>>, vector<1x16xf32>,
        %swap3A_1265 = vector.shape_cast %swap3A_1264 : vector<1x16xf32> to vector<16xf32>
        %swap3A_1266 = vector.shape_cast %mul3A_1259 : vector<16xf32> to vector<1x16xf32>
        tpu.vector_store %arg11[%swap3A_1262, %swap3A_1263], %swap3A_1266 {strides = array<i32>} : memref<80x128xf32, #tpu.memory_space<vmem>>, vector<1x16xf32>,
        %add3A_1267 = arith.constant 10 : i32
        %add3A_1268 = arith.addi %mul3A_31, %add3A_1267 : i32
        %get3A_1269 = arith.index_cast %add3A_1268 : i32 to index
        %get3A_1270 = arith.constant 96 : index
        %get3A_1271 = tpu.vector_load %arg11[%get3A_1269, %get3A_1270] {strides = array<i32>} : memref<80x128xf32, #tpu.memory_space<vmem>>, vector<1x16xf32>,
        %get3A_1272 = vector.shape_cast %get3A_1271 : vector<1x16xf32> to vector<16xf32>
        %mul3A_1273 = arith.mulf %get3A_1272, %broadcast_in_dim3A_1182 : vector<16xf32>
        %add3A_1274 = arith.constant 10 : i32
        %add3A_1275 = arith.addi %mul3A_31, %add3A_1274 : i32
        %swap3A_1276 = arith.index_cast %add3A_1275 : i32 to index
        %swap3A_1277 = arith.constant 96 : index
        %swap3A_1278 = tpu.vector_load %arg11[%swap3A_1276, %swap3A_1277] {strides = array<i32>} : memref<80x128xf32, #tpu.memory_space<vmem>>, vector<1x16xf32>,
        %swap3A_1279 = vector.shape_cast %swap3A_1278 : vector<1x16xf32> to vector<16xf32>
        %swap3A_1280 = vector.shape_cast %mul3A_1273 : vector<16xf32> to vector<1x16xf32>
        tpu.vector_store %arg11[%swap3A_1276, %swap3A_1277], %swap3A_1280 {strides = array<i32>} : memref<80x128xf32, #tpu.memory_space<vmem>>, vector<1x16xf32>,
        %add3A_1281 = arith.constant 10 : i32
        %add3A_1282 = arith.addi %mul3A_31, %add3A_1281 : i32
        %get3A_1283 = arith.index_cast %add3A_1282 : i32 to index
        %get3A_1284 = arith.constant 112 : index
        %get3A_1285 = tpu.vector_load %arg11[%get3A_1283, %get3A_1284] {strides = array<i32>} : memref<80x128xf32, #tpu.memory_space<vmem>>, vector<1x16xf32>,
        %get3A_1286 = vector.shape_cast %get3A_1285 : vector<1x16xf32> to vector<16xf32>
        %mul3A_1287 = arith.mulf %get3A_1286, %broadcast_in_dim3A_1182 : vector<16xf32>
        %add3A_1288 = arith.constant 10 : i32
        %add3A_1289 = arith.addi %mul3A_31, %add3A_1288 : i32
        %swap3A_1290 = arith.index_cast %add3A_1289 : i32 to index
        %swap3A_1291 = arith.constant 112 : index
        %swap3A_1292 = tpu.vector_load %arg11[%swap3A_1290, %swap3A_1291] {strides = array<i32>} : memref<80x128xf32, #tpu.memory_space<vmem>>, vector<1x16xf32>,
        %swap3A_1293 = vector.shape_cast %swap3A_1292 : vector<1x16xf32> to vector<16xf32>
        %swap3A_1294 = vector.shape_cast %mul3A_1287 : vector<16xf32> to vector<1x16xf32>
        tpu.vector_store %arg11[%swap3A_1290, %swap3A_1291], %swap3A_1294 {strides = array<i32>} : memref<80x128xf32, #tpu.memory_space<vmem>>, vector<1x16xf32>,
        %slice3A_1295 = vector.extract_strided_slice %get3A_33 {offsets = [11], sizes = [1], strides = [1]} : vector<16xf32> to vector<1xf32>
        %squeeze3A_1296 = vector.extract %slice3A_1295[0] : f32 from vector<1xf32>
        %broadcast_in_dim3A_1297 = vector.broadcast %squeeze3A_1296 : f32 to vector<16xf32>
        %add3A_1298 = arith.constant 11 : i32
        %add3A_1299 = arith.addi %mul3A_31, %add3A_1298 : i32
        %get3A_1300 = arith.index_cast %add3A_1299 : i32 to index
        %get3A_1301 = arith.constant 0 : index
        %get3A_1302 = tpu.vector_load %arg11[%get3A_1300, %get3A_1301] {strides = array<i32>} : memref<80x128xf32, #tpu.memory_space<vmem>>, vector<1x16xf32>,
        %get3A_1303 = vector.shape_cast %get3A_1302 : vector<1x16xf32> to vector<16xf32>
        %mul3A_1304 = arith.mulf %get3A_1303, %broadcast_in_dim3A_1297 : vector<16xf32>
        %add3A_1305 = arith.constant 11 : i32
        %add3A_1306 = arith.addi %mul3A_31, %add3A_1305 : i32
        %swap3A_1307 = arith.index_cast %add3A_1306 : i32 to index
        %swap3A_1308 = arith.constant 0 : index
        %swap3A_1309 = tpu.vector_load %arg11[%swap3A_1307, %swap3A_1308] {strides = array<i32>} : memref<80x128xf32, #tpu.memory_space<vmem>>, vector<1x16xf32>,
        %swap3A_1310 = vector.shape_cast %swap3A_1309 : vector<1x16xf32> to vector<16xf32>
        %swap3A_1311 = vector.shape_cast %mul3A_1304 : vector<16xf32> to vector<1x16xf32>
        tpu.vector_store %arg11[%swap3A_1307, %swap3A_1308], %swap3A_1311 {strides = array<i32>} : memref<80x128xf32, #tpu.memory_space<vmem>>, vector<1x16xf32>,
        %add3A_1312 = arith.constant 11 : i32
        %add3A_1313 = arith.addi %mul3A_31, %add3A_1312 : i32
        %get3A_1314 = arith.index_cast %add3A_1313 : i32 to index
        %get3A_1315 = arith.constant 16 : index
        %get3A_1316 = tpu.vector_load %arg11[%get3A_1314, %get3A_1315] {strides = array<i32>} : memref<80x128xf32, #tpu.memory_space<vmem>>, vector<1x16xf32>,
        %get3A_1317 = vector.shape_cast %get3A_1316 : vector<1x16xf32> to vector<16xf32>
        %mul3A_1318 = arith.mulf %get3A_1317, %broadcast_in_dim3A_1297 : vector<16xf32>
        %add3A_1319 = arith.constant 11 : i32
        %add3A_1320 = arith.addi %mul3A_31, %add3A_1319 : i32
        %swap3A_1321 = arith.index_cast %add3A_1320 : i32 to index
        %swap3A_1322 = arith.constant 16 : index
        %swap3A_1323 = tpu.vector_load %arg11[%swap3A_1321, %swap3A_1322] {strides = array<i32>} : memref<80x128xf32, #tpu.memory_space<vmem>>, vector<1x16xf32>,
        %swap3A_1324 = vector.shape_cast %swap3A_1323 : vector<1x16xf32> to vector<16xf32>
        %swap3A_1325 = vector.shape_cast %mul3A_1318 : vector<16xf32> to vector<1x16xf32>
        tpu.vector_store %arg11[%swap3A_1321, %swap3A_1322], %swap3A_1325 {strides = array<i32>} : memref<80x128xf32, #tpu.memory_space<vmem>>, vector<1x16xf32>,
        %add3A_1326 = arith.constant 11 : i32
        %add3A_1327 = arith.addi %mul3A_31, %add3A_1326 : i32
        %get3A_1328 = arith.index_cast %add3A_1327 : i32 to index
        %get3A_1329 = arith.constant 32 : index
        %get3A_1330 = tpu.vector_load %arg11[%get3A_1328, %get3A_1329] {strides = array<i32>} : memref<80x128xf32, #tpu.memory_space<vmem>>, vector<1x16xf32>,
        %get3A_1331 = vector.shape_cast %get3A_1330 : vector<1x16xf32> to vector<16xf32>
        %mul3A_1332 = arith.mulf %get3A_1331, %broadcast_in_dim3A_1297 : vector<16xf32>
        %add3A_1333 = arith.constant 11 : i32
        %add3A_1334 = arith.addi %mul3A_31, %add3A_1333 : i32
        %swap3A_1335 = arith.index_cast %add3A_1334 : i32 to index
        %swap3A_1336 = arith.constant 32 : index
        %swap3A_1337 = tpu.vector_load %arg11[%swap3A_1335, %swap3A_1336] {strides = array<i32>} : memref<80x128xf32, #tpu.memory_space<vmem>>, vector<1x16xf32>,
        %swap3A_1338 = vector.shape_cast %swap3A_1337 : vector<1x16xf32> to vector<16xf32>
        %swap3A_1339 = vector.shape_cast %mul3A_1332 : vector<16xf32> to vector<1x16xf32>
        tpu.vector_store %arg11[%swap3A_1335, %swap3A_1336], %swap3A_1339 {strides = array<i32>} : memref<80x128xf32, #tpu.memory_space<vmem>>, vector<1x16xf32>,
        %add3A_1340 = arith.constant 11 : i32
        %add3A_1341 = arith.addi %mul3A_31, %add3A_1340 : i32
        %get3A_1342 = arith.index_cast %add3A_1341 : i32 to index
        %get3A_1343 = arith.constant 48 : index
        %get3A_1344 = tpu.vector_load %arg11[%get3A_1342, %get3A_1343] {strides = array<i32>} : memref<80x128xf32, #tpu.memory_space<vmem>>, vector<1x16xf32>,
        %get3A_1345 = vector.shape_cast %get3A_1344 : vector<1x16xf32> to vector<16xf32>
        %mul3A_1346 = arith.mulf %get3A_1345, %broadcast_in_dim3A_1297 : vector<16xf32>
        %add3A_1347 = arith.constant 11 : i32
        %add3A_1348 = arith.addi %mul3A_31, %add3A_1347 : i32
        %swap3A_1349 = arith.index_cast %add3A_1348 : i32 to index
        %swap3A_1350 = arith.constant 48 : index
        %swap3A_1351 = tpu.vector_load %arg11[%swap3A_1349, %swap3A_1350] {strides = array<i32>} : memref<80x128xf32, #tpu.memory_space<vmem>>, vector<1x16xf32>,
        %swap3A_1352 = vector.shape_cast %swap3A_1351 : vector<1x16xf32> to vector<16xf32>
        %swap3A_1353 = vector.shape_cast %mul3A_1346 : vector<16xf32> to vector<1x16xf32>
        tpu.vector_store %arg11[%swap3A_1349, %swap3A_1350], %swap3A_1353 {strides = array<i32>} : memref<80x128xf32, #tpu.memory_space<vmem>>, vector<1x16xf32>,
        %add3A_1354 = arith.constant 11 : i32
        %add3A_1355 = arith.addi %mul3A_31, %add3A_1354 : i32
        %get3A_1356 = arith.index_cast %add3A_1355 : i32 to index
        %get3A_1357 = arith.constant 64 : index
        %get3A_1358 = tpu.vector_load %arg11[%get3A_1356, %get3A_1357] {strides = array<i32>} : memref<80x128xf32, #tpu.memory_space<vmem>>, vector<1x16xf32>,
        %get3A_1359 = vector.shape_cast %get3A_1358 : vector<1x16xf32> to vector<16xf32>
        %mul3A_1360 = arith.mulf %get3A_1359, %broadcast_in_dim3A_1297 : vector<16xf32>
        %add3A_1361 = arith.constant 11 : i32
        %add3A_1362 = arith.addi %mul3A_31, %add3A_1361 : i32
        %swap3A_1363 = arith.index_cast %add3A_1362 : i32 to index
        %swap3A_1364 = arith.constant 64 : index
        %swap3A_1365 = tpu.vector_load %arg11[%swap3A_1363, %swap3A_1364] {strides = array<i32>} : memref<80x128xf32, #tpu.memory_space<vmem>>, vector<1x16xf32>,
        %swap3A_1366 = vector.shape_cast %swap3A_1365 : vector<1x16xf32> to vector<16xf32>
        %swap3A_1367 = vector.shape_cast %mul3A_1360 : vector<16xf32> to vector<1x16xf32>
        tpu.vector_store %arg11[%swap3A_1363, %swap3A_1364], %swap3A_1367 {strides = array<i32>} : memref<80x128xf32, #tpu.memory_space<vmem>>, vector<1x16xf32>,
        %add3A_1368 = arith.constant 11 : i32
        %add3A_1369 = arith.addi %mul3A_31, %add3A_1368 : i32
        %get3A_1370 = arith.index_cast %add3A_1369 : i32 to index
        %get3A_1371 = arith.constant 80 : index
        %get3A_1372 = tpu.vector_load %arg11[%get3A_1370, %get3A_1371] {strides = array<i32>} : memref<80x128xf32, #tpu.memory_space<vmem>>, vector<1x16xf32>,
        %get3A_1373 = vector.shape_cast %get3A_1372 : vector<1x16xf32> to vector<16xf32>
        %mul3A_1374 = arith.mulf %get3A_1373, %broadcast_in_dim3A_1297 : vector<16xf32>
        %add3A_1375 = arith.constant 11 : i32
        %add3A_1376 = arith.addi %mul3A_31, %add3A_1375 : i32
        %swap3A_1377 = arith.index_cast %add3A_1376 : i32 to index
        %swap3A_1378 = arith.constant 80 : index
        %swap3A_1379 = tpu.vector_load %arg11[%swap3A_1377, %swap3A_1378] {strides = array<i32>} : memref<80x128xf32, #tpu.memory_space<vmem>>, vector<1x16xf32>,
        %swap3A_1380 = vector.shape_cast %swap3A_1379 : vector<1x16xf32> to vector<16xf32>
        %swap3A_1381 = vector.shape_cast %mul3A_1374 : vector<16xf32> to vector<1x16xf32>
        tpu.vector_store %arg11[%swap3A_1377, %swap3A_1378], %swap3A_1381 {strides = array<i32>} : memref<80x128xf32, #tpu.memory_space<vmem>>, vector<1x16xf32>,
        %add3A_1382 = arith.constant 11 : i32
        %add3A_1383 = arith.addi %mul3A_31, %add3A_1382 : i32
        %get3A_1384 = arith.index_cast %add3A_1383 : i32 to index
        %get3A_1385 = arith.constant 96 : index
        %get3A_1386 = tpu.vector_load %arg11[%get3A_1384, %get3A_1385] {strides = array<i32>} : memref<80x128xf32, #tpu.memory_space<vmem>>, vector<1x16xf32>,
        %get3A_1387 = vector.shape_cast %get3A_1386 : vector<1x16xf32> to vector<16xf32>
        %mul3A_1388 = arith.mulf %get3A_1387, %broadcast_in_dim3A_1297 : vector<16xf32>
        %add3A_1389 = arith.constant 11 : i32
        %add3A_1390 = arith.addi %mul3A_31, %add3A_1389 : i32
        %swap3A_1391 = arith.index_cast %add3A_1390 : i32 to index
        %swap3A_1392 = arith.constant 96 : index
        %swap3A_1393 = tpu.vector_load %arg11[%swap3A_1391, %swap3A_1392] {strides = array<i32>} : memref<80x128xf32, #tpu.memory_space<vmem>>, vector<1x16xf32>,
        %swap3A_1394 = vector.shape_cast %swap3A_1393 : vector<1x16xf32> to vector<16xf32>
        %swap3A_1395 = vector.shape_cast %mul3A_1388 : vector<16xf32> to vector<1x16xf32>
        tpu.vector_store %arg11[%swap3A_1391, %swap3A_1392], %swap3A_1395 {strides = array<i32>} : memref<80x128xf32, #tpu.memory_space<vmem>>, vector<1x16xf32>,
        %add3A_1396 = arith.constant 11 : i32
        %add3A_1397 = arith.addi %mul3A_31, %add3A_1396 : i32
        %get3A_1398 = arith.index_cast %add3A_1397 : i32 to index
        %get3A_1399 = arith.constant 112 : index
        %get3A_1400 = tpu.vector_load %arg11[%get3A_1398, %get3A_1399] {strides = array<i32>} : memref<80x128xf32, #tpu.memory_space<vmem>>, vector<1x16xf32>,
        %get3A_1401 = vector.shape_cast %get3A_1400 : vector<1x16xf32> to vector<16xf32>
        %mul3A_1402 = arith.mulf %get3A_1401, %broadcast_in_dim3A_1297 : vector<16xf32>
        %add3A_1403 = arith.constant 11 : i32
        %add3A_1404 = arith.addi %mul3A_31, %add3A_1403 : i32
        %swap3A_1405 = arith.index_cast %add3A_1404 : i32 to index
        %swap3A_1406 = arith.constant 112 : index
        %swap3A_1407 = tpu.vector_load %arg11[%swap3A_1405, %swap3A_1406] {strides = array<i32>} : memref<80x128xf32, #tpu.memory_space<vmem>>, vector<1x16xf32>,
        %swap3A_1408 = vector.shape_cast %swap3A_1407 : vector<1x16xf32> to vector<16xf32>
        %swap3A_1409 = vector.shape_cast %mul3A_1402 : vector<16xf32> to vector<1x16xf32>
        tpu.vector_store %arg11[%swap3A_1405, %swap3A_1406], %swap3A_1409 {strides = array<i32>} : memref<80x128xf32, #tpu.memory_space<vmem>>, vector<1x16xf32>,
        %slice3A_1410 = vector.extract_strided_slice %get3A_33 {offsets = [12], sizes = [1], strides = [1]} : vector<16xf32> to vector<1xf32>
        %squeeze3A_1411 = vector.extract %slice3A_1410[0] : f32 from vector<1xf32>
        %broadcast_in_dim3A_1412 = vector.broadcast %squeeze3A_1411 : f32 to vector<16xf32>
        %add3A_1413 = arith.constant 12 : i32
        %add3A_1414 = arith.addi %mul3A_31, %add3A_1413 : i32
        %get3A_1415 = arith.index_cast %add3A_1414 : i32 to index
        %get3A_1416 = arith.constant 0 : index
        %get3A_1417 = tpu.vector_load %arg11[%get3A_1415, %get3A_1416] {strides = array<i32>} : memref<80x128xf32, #tpu.memory_space<vmem>>, vector<1x16xf32>,
        %get3A_1418 = vector.shape_cast %get3A_1417 : vector<1x16xf32> to vector<16xf32>
        %mul3A_1419 = arith.mulf %get3A_1418, %broadcast_in_dim3A_1412 : vector<16xf32>
        %add3A_1420 = arith.constant 12 : i32
        %add3A_1421 = arith.addi %mul3A_31, %add3A_1420 : i32
        %swap3A_1422 = arith.index_cast %add3A_1421 : i32 to index
        %swap3A_1423 = arith.constant 0 : index
        %swap3A_1424 = tpu.vector_load %arg11[%swap3A_1422, %swap3A_1423] {strides = array<i32>} : memref<80x128xf32, #tpu.memory_space<vmem>>, vector<1x16xf32>,
        %swap3A_1425 = vector.shape_cast %swap3A_1424 : vector<1x16xf32> to vector<16xf32>
        %swap3A_1426 = vector.shape_cast %mul3A_1419 : vector<16xf32> to vector<1x16xf32>
        tpu.vector_store %arg11[%swap3A_1422, %swap3A_1423], %swap3A_1426 {strides = array<i32>} : memref<80x128xf32, #tpu.memory_space<vmem>>, vector<1x16xf32>,
        %add3A_1427 = arith.constant 12 : i32
        %add3A_1428 = arith.addi %mul3A_31, %add3A_1427 : i32
        %get3A_1429 = arith.index_cast %add3A_1428 : i32 to index
        %get3A_1430 = arith.constant 16 : index
        %get3A_1431 = tpu.vector_load %arg11[%get3A_1429, %get3A_1430] {strides = array<i32>} : memref<80x128xf32, #tpu.memory_space<vmem>>, vector<1x16xf32>,
        %get3A_1432 = vector.shape_cast %get3A_1431 : vector<1x16xf32> to vector<16xf32>
        %mul3A_1433 = arith.mulf %get3A_1432, %broadcast_in_dim3A_1412 : vector<16xf32>
        %add3A_1434 = arith.constant 12 : i32
        %add3A_1435 = arith.addi %mul3A_31, %add3A_1434 : i32
        %swap3A_1436 = arith.index_cast %add3A_1435 : i32 to index
        %swap3A_1437 = arith.constant 16 : index
        %swap3A_1438 = tpu.vector_load %arg11[%swap3A_1436, %swap3A_1437] {strides = array<i32>} : memref<80x128xf32, #tpu.memory_space<vmem>>, vector<1x16xf32>,
        %swap3A_1439 = vector.shape_cast %swap3A_1438 : vector<1x16xf32> to vector<16xf32>
        %swap3A_1440 = vector.shape_cast %mul3A_1433 : vector<16xf32> to vector<1x16xf32>
        tpu.vector_store %arg11[%swap3A_1436, %swap3A_1437], %swap3A_1440 {strides = array<i32>} : memref<80x128xf32, #tpu.memory_space<vmem>>, vector<1x16xf32>,
        %add3A_1441 = arith.constant 12 : i32
        %add3A_1442 = arith.addi %mul3A_31, %add3A_1441 : i32
        %get3A_1443 = arith.index_cast %add3A_1442 : i32 to index
        %get3A_1444 = arith.constant 32 : index
        %get3A_1445 = tpu.vector_load %arg11[%get3A_1443, %get3A_1444] {strides = array<i32>} : memref<80x128xf32, #tpu.memory_space<vmem>>, vector<1x16xf32>,
        %get3A_1446 = vector.shape_cast %get3A_1445 : vector<1x16xf32> to vector<16xf32>
        %mul3A_1447 = arith.mulf %get3A_1446, %broadcast_in_dim3A_1412 : vector<16xf32>
        %add3A_1448 = arith.constant 12 : i32
        %add3A_1449 = arith.addi %mul3A_31, %add3A_1448 : i32
        %swap3A_1450 = arith.index_cast %add3A_1449 : i32 to index
        %swap3A_1451 = arith.constant 32 : index
        %swap3A_1452 = tpu.vector_load %arg11[%swap3A_1450, %swap3A_1451] {strides = array<i32>} : memref<80x128xf32, #tpu.memory_space<vmem>>, vector<1x16xf32>,
        %swap3A_1453 = vector.shape_cast %swap3A_1452 : vector<1x16xf32> to vector<16xf32>
        %swap3A_1454 = vector.shape_cast %mul3A_1447 : vector<16xf32> to vector<1x16xf32>
        tpu.vector_store %arg11[%swap3A_1450, %swap3A_1451], %swap3A_1454 {strides = array<i32>} : memref<80x128xf32, #tpu.memory_space<vmem>>, vector<1x16xf32>,
        %add3A_1455 = arith.constant 12 : i32
        %add3A_1456 = arith.addi %mul3A_31, %add3A_1455 : i32
        %get3A_1457 = arith.index_cast %add3A_1456 : i32 to index
        %get3A_1458 = arith.constant 48 : index
        %get3A_1459 = tpu.vector_load %arg11[%get3A_1457, %get3A_1458] {strides = array<i32>} : memref<80x128xf32, #tpu.memory_space<vmem>>, vector<1x16xf32>,
        %get3A_1460 = vector.shape_cast %get3A_1459 : vector<1x16xf32> to vector<16xf32>
        %mul3A_1461 = arith.mulf %get3A_1460, %broadcast_in_dim3A_1412 : vector<16xf32>
        %add3A_1462 = arith.constant 12 : i32
        %add3A_1463 = arith.addi %mul3A_31, %add3A_1462 : i32
        %swap3A_1464 = arith.index_cast %add3A_1463 : i32 to index
        %swap3A_1465 = arith.constant 48 : index
        %swap3A_1466 = tpu.vector_load %arg11[%swap3A_1464, %swap3A_1465] {strides = array<i32>} : memref<80x128xf32, #tpu.memory_space<vmem>>, vector<1x16xf32>,
        %swap3A_1467 = vector.shape_cast %swap3A_1466 : vector<1x16xf32> to vector<16xf32>
        %swap3A_1468 = vector.shape_cast %mul3A_1461 : vector<16xf32> to vector<1x16xf32>
        tpu.vector_store %arg11[%swap3A_1464, %swap3A_1465], %swap3A_1468 {strides = array<i32>} : memref<80x128xf32, #tpu.memory_space<vmem>>, vector<1x16xf32>,
        %add3A_1469 = arith.constant 12 : i32
        %add3A_1470 = arith.addi %mul3A_31, %add3A_1469 : i32
        %get3A_1471 = arith.index_cast %add3A_1470 : i32 to index
        %get3A_1472 = arith.constant 64 : index
        %get3A_1473 = tpu.vector_load %arg11[%get3A_1471, %get3A_1472] {strides = array<i32>} : memref<80x128xf32, #tpu.memory_space<vmem>>, vector<1x16xf32>,
        %get3A_1474 = vector.shape_cast %get3A_1473 : vector<1x16xf32> to vector<16xf32>
        %mul3A_1475 = arith.mulf %get3A_1474, %broadcast_in_dim3A_1412 : vector<16xf32>
        %add3A_1476 = arith.constant 12 : i32
        %add3A_1477 = arith.addi %mul3A_31, %add3A_1476 : i32
        %swap3A_1478 = arith.index_cast %add3A_1477 : i32 to index
        %swap3A_1479 = arith.constant 64 : index
        %swap3A_1480 = tpu.vector_load %arg11[%swap3A_1478, %swap3A_1479] {strides = array<i32>} : memref<80x128xf32, #tpu.memory_space<vmem>>, vector<1x16xf32>,
        %swap3A_1481 = vector.shape_cast %swap3A_1480 : vector<1x16xf32> to vector<16xf32>
        %swap3A_1482 = vector.shape_cast %mul3A_1475 : vector<16xf32> to vector<1x16xf32>
        tpu.vector_store %arg11[%swap3A_1478, %swap3A_1479], %swap3A_1482 {strides = array<i32>} : memref<80x128xf32, #tpu.memory_space<vmem>>, vector<1x16xf32>,
        %add3A_1483 = arith.constant 12 : i32
        %add3A_1484 = arith.addi %mul3A_31, %add3A_1483 : i32
        %get3A_1485 = arith.index_cast %add3A_1484 : i32 to index
        %get3A_1486 = arith.constant 80 : index
        %get3A_1487 = tpu.vector_load %arg11[%get3A_1485, %get3A_1486] {strides = array<i32>} : memref<80x128xf32, #tpu.memory_space<vmem>>, vector<1x16xf32>,
        %get3A_1488 = vector.shape_cast %get3A_1487 : vector<1x16xf32> to vector<16xf32>
        %mul3A_1489 = arith.mulf %get3A_1488, %broadcast_in_dim3A_1412 : vector<16xf32>
        %add3A_1490 = arith.constant 12 : i32
        %add3A_1491 = arith.addi %mul3A_31, %add3A_1490 : i32
        %swap3A_1492 = arith.index_cast %add3A_1491 : i32 to index
        %swap3A_1493 = arith.constant 80 : index
        %swap3A_1494 = tpu.vector_load %arg11[%swap3A_1492, %swap3A_1493] {strides = array<i32>} : memref<80x128xf32, #tpu.memory_space<vmem>>, vector<1x16xf32>,
        %swap3A_1495 = vector.shape_cast %swap3A_1494 : vector<1x16xf32> to vector<16xf32>
        %swap3A_1496 = vector.shape_cast %mul3A_1489 : vector<16xf32> to vector<1x16xf32>
        tpu.vector_store %arg11[%swap3A_1492, %swap3A_1493], %swap3A_1496 {strides = array<i32>} : memref<80x128xf32, #tpu.memory_space<vmem>>, vector<1x16xf32>,
        %add3A_1497 = arith.constant 12 : i32
        %add3A_1498 = arith.addi %mul3A_31, %add3A_1497 : i32
        %get3A_1499 = arith.index_cast %add3A_1498 : i32 to index
        %get3A_1500 = arith.constant 96 : index
        %get3A_1501 = tpu.vector_load %arg11[%get3A_1499, %get3A_1500] {strides = array<i32>} : memref<80x128xf32, #tpu.memory_space<vmem>>, vector<1x16xf32>,
        %get3A_1502 = vector.shape_cast %get3A_1501 : vector<1x16xf32> to vector<16xf32>
        %mul3A_1503 = arith.mulf %get3A_1502, %broadcast_in_dim3A_1412 : vector<16xf32>
        %add3A_1504 = arith.constant 12 : i32
        %add3A_1505 = arith.addi %mul3A_31, %add3A_1504 : i32
        %swap3A_1506 = arith.index_cast %add3A_1505 : i32 to index
        %swap3A_1507 = arith.constant 96 : index
        %swap3A_1508 = tpu.vector_load %arg11[%swap3A_1506, %swap3A_1507] {strides = array<i32>} : memref<80x128xf32, #tpu.memory_space<vmem>>, vector<1x16xf32>,
        %swap3A_1509 = vector.shape_cast %swap3A_1508 : vector<1x16xf32> to vector<16xf32>
        %swap3A_1510 = vector.shape_cast %mul3A_1503 : vector<16xf32> to vector<1x16xf32>
        tpu.vector_store %arg11[%swap3A_1506, %swap3A_1507], %swap3A_1510 {strides = array<i32>} : memref<80x128xf32, #tpu.memory_space<vmem>>, vector<1x16xf32>,
        %add3A_1511 = arith.constant 12 : i32
        %add3A_1512 = arith.addi %mul3A_31, %add3A_1511 : i32
        %get3A_1513 = arith.index_cast %add3A_1512 : i32 to index
        %get3A_1514 = arith.constant 112 : index
        %get3A_1515 = tpu.vector_load %arg11[%get3A_1513, %get3A_1514] {strides = array<i32>} : memref<80x128xf32, #tpu.memory_space<vmem>>, vector<1x16xf32>,
        %get3A_1516 = vector.shape_cast %get3A_1515 : vector<1x16xf32> to vector<16xf32>
        %mul3A_1517 = arith.mulf %get3A_1516, %broadcast_in_dim3A_1412 : vector<16xf32>
        %add3A_1518 = arith.constant 12 : i32
        %add3A_1519 = arith.addi %mul3A_31, %add3A_1518 : i32
        %swap3A_1520 = arith.index_cast %add3A_1519 : i32 to index
        %swap3A_1521 = arith.constant 112 : index
        %swap3A_1522 = tpu.vector_load %arg11[%swap3A_1520, %swap3A_1521] {strides = array<i32>} : memref<80x128xf32, #tpu.memory_space<vmem>>, vector<1x16xf32>,
        %swap3A_1523 = vector.shape_cast %swap3A_1522 : vector<1x16xf32> to vector<16xf32>
        %swap3A_1524 = vector.shape_cast %mul3A_1517 : vector<16xf32> to vector<1x16xf32>
        tpu.vector_store %arg11[%swap3A_1520, %swap3A_1521], %swap3A_1524 {strides = array<i32>} : memref<80x128xf32, #tpu.memory_space<vmem>>, vector<1x16xf32>,
        %slice3A_1525 = vector.extract_strided_slice %get3A_33 {offsets = [13], sizes = [1], strides = [1]} : vector<16xf32> to vector<1xf32>
        %squeeze3A_1526 = vector.extract %slice3A_1525[0] : f32 from vector<1xf32>
        %broadcast_in_dim3A_1527 = vector.broadcast %squeeze3A_1526 : f32 to vector<16xf32>
        %add3A_1528 = arith.constant 13 : i32
        %add3A_1529 = arith.addi %mul3A_31, %add3A_1528 : i32
        %get3A_1530 = arith.index_cast %add3A_1529 : i32 to index
        %get3A_1531 = arith.constant 0 : index
        %get3A_1532 = tpu.vector_load %arg11[%get3A_1530, %get3A_1531] {strides = array<i32>} : memref<80x128xf32, #tpu.memory_space<vmem>>, vector<1x16xf32>,
        %get3A_1533 = vector.shape_cast %get3A_1532 : vector<1x16xf32> to vector<16xf32>
        %mul3A_1534 = arith.mulf %get3A_1533, %broadcast_in_dim3A_1527 : vector<16xf32>
        %add3A_1535 = arith.constant 13 : i32
        %add3A_1536 = arith.addi %mul3A_31, %add3A_1535 : i32
        %swap3A_1537 = arith.index_cast %add3A_1536 : i32 to index
        %swap3A_1538 = arith.constant 0 : index
        %swap3A_1539 = tpu.vector_load %arg11[%swap3A_1537, %swap3A_1538] {strides = array<i32>} : memref<80x128xf32, #tpu.memory_space<vmem>>, vector<1x16xf32>,
        %swap3A_1540 = vector.shape_cast %swap3A_1539 : vector<1x16xf32> to vector<16xf32>
        %swap3A_1541 = vector.shape_cast %mul3A_1534 : vector<16xf32> to vector<1x16xf32>
        tpu.vector_store %arg11[%swap3A_1537, %swap3A_1538], %swap3A_1541 {strides = array<i32>} : memref<80x128xf32, #tpu.memory_space<vmem>>, vector<1x16xf32>,
        %add3A_1542 = arith.constant 13 : i32
        %add3A_1543 = arith.addi %mul3A_31, %add3A_1542 : i32
        %get3A_1544 = arith.index_cast %add3A_1543 : i32 to index
        %get3A_1545 = arith.constant 16 : index
        %get3A_1546 = tpu.vector_load %arg11[%get3A_1544, %get3A_1545] {strides = array<i32>} : memref<80x128xf32, #tpu.memory_space<vmem>>, vector<1x16xf32>,
        %get3A_1547 = vector.shape_cast %get3A_1546 : vector<1x16xf32> to vector<16xf32>
        %mul3A_1548 = arith.mulf %get3A_1547, %broadcast_in_dim3A_1527 : vector<16xf32>
        %add3A_1549 = arith.constant 13 : i32
        %add3A_1550 = arith.addi %mul3A_31, %add3A_1549 : i32
        %swap3A_1551 = arith.index_cast %add3A_1550 : i32 to index
        %swap3A_1552 = arith.constant 16 : index
        %swap3A_1553 = tpu.vector_load %arg11[%swap3A_1551, %swap3A_1552] {strides = array<i32>} : memref<80x128xf32, #tpu.memory_space<vmem>>, vector<1x16xf32>,
        %swap3A_1554 = vector.shape_cast %swap3A_1553 : vector<1x16xf32> to vector<16xf32>
        %swap3A_1555 = vector.shape_cast %mul3A_1548 : vector<16xf32> to vector<1x16xf32>
        tpu.vector_store %arg11[%swap3A_1551, %swap3A_1552], %swap3A_1555 {strides = array<i32>} : memref<80x128xf32, #tpu.memory_space<vmem>>, vector<1x16xf32>,
        %add3A_1556 = arith.constant 13 : i32
        %add3A_1557 = arith.addi %mul3A_31, %add3A_1556 : i32
        %get3A_1558 = arith.index_cast %add3A_1557 : i32 to index
        %get3A_1559 = arith.constant 32 : index
        %get3A_1560 = tpu.vector_load %arg11[%get3A_1558, %get3A_1559] {strides = array<i32>} : memref<80x128xf32, #tpu.memory_space<vmem>>, vector<1x16xf32>,
        %get3A_1561 = vector.shape_cast %get3A_1560 : vector<1x16xf32> to vector<16xf32>
        %mul3A_1562 = arith.mulf %get3A_1561, %broadcast_in_dim3A_1527 : vector<16xf32>
        %add3A_1563 = arith.constant 13 : i32
        %add3A_1564 = arith.addi %mul3A_31, %add3A_1563 : i32
        %swap3A_1565 = arith.index_cast %add3A_1564 : i32 to index
        %swap3A_1566 = arith.constant 32 : index
        %swap3A_1567 = tpu.vector_load %arg11[%swap3A_1565, %swap3A_1566] {strides = array<i32>} : memref<80x128xf32, #tpu.memory_space<vmem>>, vector<1x16xf32>,
        %swap3A_1568 = vector.shape_cast %swap3A_1567 : vector<1x16xf32> to vector<16xf32>
        %swap3A_1569 = vector.shape_cast %mul3A_1562 : vector<16xf32> to vector<1x16xf32>
        tpu.vector_store %arg11[%swap3A_1565, %swap3A_1566], %swap3A_1569 {strides = array<i32>} : memref<80x128xf32, #tpu.memory_space<vmem>>, vector<1x16xf32>,
        %add3A_1570 = arith.constant 13 : i32
        %add3A_1571 = arith.addi %mul3A_31, %add3A_1570 : i32
        %get3A_1572 = arith.index_cast %add3A_1571 : i32 to index
        %get3A_1573 = arith.constant 48 : index
        %get3A_1574 = tpu.vector_load %arg11[%get3A_1572, %get3A_1573] {strides = array<i32>} : memref<80x128xf32, #tpu.memory_space<vmem>>, vector<1x16xf32>,
        %get3A_1575 = vector.shape_cast %get3A_1574 : vector<1x16xf32> to vector<16xf32>
        %mul3A_1576 = arith.mulf %get3A_1575, %broadcast_in_dim3A_1527 : vector<16xf32>
        %add3A_1577 = arith.constant 13 : i32
        %add3A_1578 = arith.addi %mul3A_31, %add3A_1577 : i32
        %swap3A_1579 = arith.index_cast %add3A_1578 : i32 to index
        %swap3A_1580 = arith.constant 48 : index
        %swap3A_1581 = tpu.vector_load %arg11[%swap3A_1579, %swap3A_1580] {strides = array<i32>} : memref<80x128xf32, #tpu.memory_space<vmem>>, vector<1x16xf32>,
        %swap3A_1582 = vector.shape_cast %swap3A_1581 : vector<1x16xf32> to vector<16xf32>
        %swap3A_1583 = vector.shape_cast %mul3A_1576 : vector<16xf32> to vector<1x16xf32>
        tpu.vector_store %arg11[%swap3A_1579, %swap3A_1580], %swap3A_1583 {strides = array<i32>} : memref<80x128xf32, #tpu.memory_space<vmem>>, vector<1x16xf32>,
        %add3A_1584 = arith.constant 13 : i32
        %add3A_1585 = arith.addi %mul3A_31, %add3A_1584 : i32
        %get3A_1586 = arith.index_cast %add3A_1585 : i32 to index
        %get3A_1587 = arith.constant 64 : index
        %get3A_1588 = tpu.vector_load %arg11[%get3A_1586, %get3A_1587] {strides = array<i32>} : memref<80x128xf32, #tpu.memory_space<vmem>>, vector<1x16xf32>,
        %get3A_1589 = vector.shape_cast %get3A_1588 : vector<1x16xf32> to vector<16xf32>
        %mul3A_1590 = arith.mulf %get3A_1589, %broadcast_in_dim3A_1527 : vector<16xf32>
        %add3A_1591 = arith.constant 13 : i32
        %add3A_1592 = arith.addi %mul3A_31, %add3A_1591 : i32
        %swap3A_1593 = arith.index_cast %add3A_1592 : i32 to index
        %swap3A_1594 = arith.constant 64 : index
        %swap3A_1595 = tpu.vector_load %arg11[%swap3A_1593, %swap3A_1594] {strides = array<i32>} : memref<80x128xf32, #tpu.memory_space<vmem>>, vector<1x16xf32>,
        %swap3A_1596 = vector.shape_cast %swap3A_1595 : vector<1x16xf32> to vector<16xf32>
        %swap3A_1597 = vector.shape_cast %mul3A_1590 : vector<16xf32> to vector<1x16xf32>
        tpu.vector_store %arg11[%swap3A_1593, %swap3A_1594], %swap3A_1597 {strides = array<i32>} : memref<80x128xf32, #tpu.memory_space<vmem>>, vector<1x16xf32>,
        %add3A_1598 = arith.constant 13 : i32
        %add3A_1599 = arith.addi %mul3A_31, %add3A_1598 : i32
        %get3A_1600 = arith.index_cast %add3A_1599 : i32 to index
        %get3A_1601 = arith.constant 80 : index
        %get3A_1602 = tpu.vector_load %arg11[%get3A_1600, %get3A_1601] {strides = array<i32>} : memref<80x128xf32, #tpu.memory_space<vmem>>, vector<1x16xf32>,
        %get3A_1603 = vector.shape_cast %get3A_1602 : vector<1x16xf32> to vector<16xf32>
        %mul3A_1604 = arith.mulf %get3A_1603, %broadcast_in_dim3A_1527 : vector<16xf32>
        %add3A_1605 = arith.constant 13 : i32
        %add3A_1606 = arith.addi %mul3A_31, %add3A_1605 : i32
        %swap3A_1607 = arith.index_cast %add3A_1606 : i32 to index
        %swap3A_1608 = arith.constant 80 : index
        %swap3A_1609 = tpu.vector_load %arg11[%swap3A_1607, %swap3A_1608] {strides = array<i32>} : memref<80x128xf32, #tpu.memory_space<vmem>>, vector<1x16xf32>,
        %swap3A_1610 = vector.shape_cast %swap3A_1609 : vector<1x16xf32> to vector<16xf32>
        %swap3A_1611 = vector.shape_cast %mul3A_1604 : vector<16xf32> to vector<1x16xf32>
        tpu.vector_store %arg11[%swap3A_1607, %swap3A_1608], %swap3A_1611 {strides = array<i32>} : memref<80x128xf32, #tpu.memory_space<vmem>>, vector<1x16xf32>,
        %add3A_1612 = arith.constant 13 : i32
        %add3A_1613 = arith.addi %mul3A_31, %add3A_1612 : i32
        %get3A_1614 = arith.index_cast %add3A_1613 : i32 to index
        %get3A_1615 = arith.constant 96 : index
        %get3A_1616 = tpu.vector_load %arg11[%get3A_1614, %get3A_1615] {strides = array<i32>} : memref<80x128xf32, #tpu.memory_space<vmem>>, vector<1x16xf32>,
        %get3A_1617 = vector.shape_cast %get3A_1616 : vector<1x16xf32> to vector<16xf32>
        %mul3A_1618 = arith.mulf %get3A_1617, %broadcast_in_dim3A_1527 : vector<16xf32>
        %add3A_1619 = arith.constant 13 : i32
        %add3A_1620 = arith.addi %mul3A_31, %add3A_1619 : i32
        %swap3A_1621 = arith.index_cast %add3A_1620 : i32 to index
        %swap3A_1622 = arith.constant 96 : index
        %swap3A_1623 = tpu.vector_load %arg11[%swap3A_1621, %swap3A_1622] {strides = array<i32>} : memref<80x128xf32, #tpu.memory_space<vmem>>, vector<1x16xf32>,
        %swap3A_1624 = vector.shape_cast %swap3A_1623 : vector<1x16xf32> to vector<16xf32>
        %swap3A_1625 = vector.shape_cast %mul3A_1618 : vector<16xf32> to vector<1x16xf32>
        tpu.vector_store %arg11[%swap3A_1621, %swap3A_1622], %swap3A_1625 {strides = array<i32>} : memref<80x128xf32, #tpu.memory_space<vmem>>, vector<1x16xf32>,
        %add3A_1626 = arith.constant 13 : i32
        %add3A_1627 = arith.addi %mul3A_31, %add3A_1626 : i32
        %get3A_1628 = arith.index_cast %add3A_1627 : i32 to index
        %get3A_1629 = arith.constant 112 : index
        %get3A_1630 = tpu.vector_load %arg11[%get3A_1628, %get3A_1629] {strides = array<i32>} : memref<80x128xf32, #tpu.memory_space<vmem>>, vector<1x16xf32>,
        %get3A_1631 = vector.shape_cast %get3A_1630 : vector<1x16xf32> to vector<16xf32>
        %mul3A_1632 = arith.mulf %get3A_1631, %broadcast_in_dim3A_1527 : vector<16xf32>
        %add3A_1633 = arith.constant 13 : i32
        %add3A_1634 = arith.addi %mul3A_31, %add3A_1633 : i32
        %swap3A_1635 = arith.index_cast %add3A_1634 : i32 to index
        %swap3A_1636 = arith.constant 112 : index
        %swap3A_1637 = tpu.vector_load %arg11[%swap3A_1635, %swap3A_1636] {strides = array<i32>} : memref<80x128xf32, #tpu.memory_space<vmem>>, vector<1x16xf32>,
        %swap3A_1638 = vector.shape_cast %swap3A_1637 : vector<1x16xf32> to vector<16xf32>
        %swap3A_1639 = vector.shape_cast %mul3A_1632 : vector<16xf32> to vector<1x16xf32>
        tpu.vector_store %arg11[%swap3A_1635, %swap3A_1636], %swap3A_1639 {strides = array<i32>} : memref<80x128xf32, #tpu.memory_space<vmem>>, vector<1x16xf32>,
        %slice3A_1640 = vector.extract_strided_slice %get3A_33 {offsets = [14], sizes = [1], strides = [1]} : vector<16xf32> to vector<1xf32>
        %squeeze3A_1641 = vector.extract %slice3A_1640[0] : f32 from vector<1xf32>
        %broadcast_in_dim3A_1642 = vector.broadcast %squeeze3A_1641 : f32 to vector<16xf32>
        %add3A_1643 = arith.constant 14 : i32
        %add3A_1644 = arith.addi %mul3A_31, %add3A_1643 : i32
        %get3A_1645 = arith.index_cast %add3A_1644 : i32 to index
        %get3A_1646 = arith.constant 0 : index
        %get3A_1647 = tpu.vector_load %arg11[%get3A_1645, %get3A_1646] {strides = array<i32>} : memref<80x128xf32, #tpu.memory_space<vmem>>, vector<1x16xf32>,
        %get3A_1648 = vector.shape_cast %get3A_1647 : vector<1x16xf32> to vector<16xf32>
        %mul3A_1649 = arith.mulf %get3A_1648, %broadcast_in_dim3A_1642 : vector<16xf32>
        %add3A_1650 = arith.constant 14 : i32
        %add3A_1651 = arith.addi %mul3A_31, %add3A_1650 : i32
        %swap3A_1652 = arith.index_cast %add3A_1651 : i32 to index
        %swap3A_1653 = arith.constant 0 : index
        %swap3A_1654 = tpu.vector_load %arg11[%swap3A_1652, %swap3A_1653] {strides = array<i32>} : memref<80x128xf32, #tpu.memory_space<vmem>>, vector<1x16xf32>,
        %swap3A_1655 = vector.shape_cast %swap3A_1654 : vector<1x16xf32> to vector<16xf32>
        %swap3A_1656 = vector.shape_cast %mul3A_1649 : vector<16xf32> to vector<1x16xf32>
        tpu.vector_store %arg11[%swap3A_1652, %swap3A_1653], %swap3A_1656 {strides = array<i32>} : memref<80x128xf32, #tpu.memory_space<vmem>>, vector<1x16xf32>,
        %add3A_1657 = arith.constant 14 : i32
        %add3A_1658 = arith.addi %mul3A_31, %add3A_1657 : i32
        %get3A_1659 = arith.index_cast %add3A_1658 : i32 to index
        %get3A_1660 = arith.constant 16 : index
        %get3A_1661 = tpu.vector_load %arg11[%get3A_1659, %get3A_1660] {strides = array<i32>} : memref<80x128xf32, #tpu.memory_space<vmem>>, vector<1x16xf32>,
        %get3A_1662 = vector.shape_cast %get3A_1661 : vector<1x16xf32> to vector<16xf32>
        %mul3A_1663 = arith.mulf %get3A_1662, %broadcast_in_dim3A_1642 : vector<16xf32>
        %add3A_1664 = arith.constant 14 : i32
        %add3A_1665 = arith.addi %mul3A_31, %add3A_1664 : i32
        %swap3A_1666 = arith.index_cast %add3A_1665 : i32 to index
        %swap3A_1667 = arith.constant 16 : index
        %swap3A_1668 = tpu.vector_load %arg11[%swap3A_1666, %swap3A_1667] {strides = array<i32>} : memref<80x128xf32, #tpu.memory_space<vmem>>, vector<1x16xf32>,
        %swap3A_1669 = vector.shape_cast %swap3A_1668 : vector<1x16xf32> to vector<16xf32>
        %swap3A_1670 = vector.shape_cast %mul3A_1663 : vector<16xf32> to vector<1x16xf32>
        tpu.vector_store %arg11[%swap3A_1666, %swap3A_1667], %swap3A_1670 {strides = array<i32>} : memref<80x128xf32, #tpu.memory_space<vmem>>, vector<1x16xf32>,
        %add3A_1671 = arith.constant 14 : i32
        %add3A_1672 = arith.addi %mul3A_31, %add3A_1671 : i32
        %get3A_1673 = arith.index_cast %add3A_1672 : i32 to index
        %get3A_1674 = arith.constant 32 : index
        %get3A_1675 = tpu.vector_load %arg11[%get3A_1673, %get3A_1674] {strides = array<i32>} : memref<80x128xf32, #tpu.memory_space<vmem>>, vector<1x16xf32>,
        %get3A_1676 = vector.shape_cast %get3A_1675 : vector<1x16xf32> to vector<16xf32>
        %mul3A_1677 = arith.mulf %get3A_1676, %broadcast_in_dim3A_1642 : vector<16xf32>
        %add3A_1678 = arith.constant 14 : i32
        %add3A_1679 = arith.addi %mul3A_31, %add3A_1678 : i32
        %swap3A_1680 = arith.index_cast %add3A_1679 : i32 to index
        %swap3A_1681 = arith.constant 32 : index
        %swap3A_1682 = tpu.vector_load %arg11[%swap3A_1680, %swap3A_1681] {strides = array<i32>} : memref<80x128xf32, #tpu.memory_space<vmem>>, vector<1x16xf32>,
        %swap3A_1683 = vector.shape_cast %swap3A_1682 : vector<1x16xf32> to vector<16xf32>
        %swap3A_1684 = vector.shape_cast %mul3A_1677 : vector<16xf32> to vector<1x16xf32>
        tpu.vector_store %arg11[%swap3A_1680, %swap3A_1681], %swap3A_1684 {strides = array<i32>} : memref<80x128xf32, #tpu.memory_space<vmem>>, vector<1x16xf32>,
        %add3A_1685 = arith.constant 14 : i32
        %add3A_1686 = arith.addi %mul3A_31, %add3A_1685 : i32
        %get3A_1687 = arith.index_cast %add3A_1686 : i32 to index
        %get3A_1688 = arith.constant 48 : index
        %get3A_1689 = tpu.vector_load %arg11[%get3A_1687, %get3A_1688] {strides = array<i32>} : memref<80x128xf32, #tpu.memory_space<vmem>>, vector<1x16xf32>,
        %get3A_1690 = vector.shape_cast %get3A_1689 : vector<1x16xf32> to vector<16xf32>
        %mul3A_1691 = arith.mulf %get3A_1690, %broadcast_in_dim3A_1642 : vector<16xf32>
        %add3A_1692 = arith.constant 14 : i32
        %add3A_1693 = arith.addi %mul3A_31, %add3A_1692 : i32
        %swap3A_1694 = arith.index_cast %add3A_1693 : i32 to index
        %swap3A_1695 = arith.constant 48 : index
        %swap3A_1696 = tpu.vector_load %arg11[%swap3A_1694, %swap3A_1695] {strides = array<i32>} : memref<80x128xf32, #tpu.memory_space<vmem>>, vector<1x16xf32>,
        %swap3A_1697 = vector.shape_cast %swap3A_1696 : vector<1x16xf32> to vector<16xf32>
        %swap3A_1698 = vector.shape_cast %mul3A_1691 : vector<16xf32> to vector<1x16xf32>
        tpu.vector_store %arg11[%swap3A_1694, %swap3A_1695], %swap3A_1698 {strides = array<i32>} : memref<80x128xf32, #tpu.memory_space<vmem>>, vector<1x16xf32>,
        %add3A_1699 = arith.constant 14 : i32
        %add3A_1700 = arith.addi %mul3A_31, %add3A_1699 : i32
        %get3A_1701 = arith.index_cast %add3A_1700 : i32 to index
        %get3A_1702 = arith.constant 64 : index
        %get3A_1703 = tpu.vector_load %arg11[%get3A_1701, %get3A_1702] {strides = array<i32>} : memref<80x128xf32, #tpu.memory_space<vmem>>, vector<1x16xf32>,
        %get3A_1704 = vector.shape_cast %get3A_1703 : vector<1x16xf32> to vector<16xf32>
        %mul3A_1705 = arith.mulf %get3A_1704, %broadcast_in_dim3A_1642 : vector<16xf32>
        %add3A_1706 = arith.constant 14 : i32
        %add3A_1707 = arith.addi %mul3A_31, %add3A_1706 : i32
        %swap3A_1708 = arith.index_cast %add3A_1707 : i32 to index
        %swap3A_1709 = arith.constant 64 : index
        %swap3A_1710 = tpu.vector_load %arg11[%swap3A_1708, %swap3A_1709] {strides = array<i32>} : memref<80x128xf32, #tpu.memory_space<vmem>>, vector<1x16xf32>,
        %swap3A_1711 = vector.shape_cast %swap3A_1710 : vector<1x16xf32> to vector<16xf32>
        %swap3A_1712 = vector.shape_cast %mul3A_1705 : vector<16xf32> to vector<1x16xf32>
        tpu.vector_store %arg11[%swap3A_1708, %swap3A_1709], %swap3A_1712 {strides = array<i32>} : memref<80x128xf32, #tpu.memory_space<vmem>>, vector<1x16xf32>,
        %add3A_1713 = arith.constant 14 : i32
        %add3A_1714 = arith.addi %mul3A_31, %add3A_1713 : i32
        %get3A_1715 = arith.index_cast %add3A_1714 : i32 to index
        %get3A_1716 = arith.constant 80 : index
        %get3A_1717 = tpu.vector_load %arg11[%get3A_1715, %get3A_1716] {strides = array<i32>} : memref<80x128xf32, #tpu.memory_space<vmem>>, vector<1x16xf32>,
        %get3A_1718 = vector.shape_cast %get3A_1717 : vector<1x16xf32> to vector<16xf32>
        %mul3A_1719 = arith.mulf %get3A_1718, %broadcast_in_dim3A_1642 : vector<16xf32>
        %add3A_1720 = arith.constant 14 : i32
        %add3A_1721 = arith.addi %mul3A_31, %add3A_1720 : i32
        %swap3A_1722 = arith.index_cast %add3A_1721 : i32 to index
        %swap3A_1723 = arith.constant 80 : index
        %swap3A_1724 = tpu.vector_load %arg11[%swap3A_1722, %swap3A_1723] {strides = array<i32>} : memref<80x128xf32, #tpu.memory_space<vmem>>, vector<1x16xf32>,
        %swap3A_1725 = vector.shape_cast %swap3A_1724 : vector<1x16xf32> to vector<16xf32>
        %swap3A_1726 = vector.shape_cast %mul3A_1719 : vector<16xf32> to vector<1x16xf32>
        tpu.vector_store %arg11[%swap3A_1722, %swap3A_1723], %swap3A_1726 {strides = array<i32>} : memref<80x128xf32, #tpu.memory_space<vmem>>, vector<1x16xf32>,
        %add3A_1727 = arith.constant 14 : i32
        %add3A_1728 = arith.addi %mul3A_31, %add3A_1727 : i32
        %get3A_1729 = arith.index_cast %add3A_1728 : i32 to index
        %get3A_1730 = arith.constant 96 : index
        %get3A_1731 = tpu.vector_load %arg11[%get3A_1729, %get3A_1730] {strides = array<i32>} : memref<80x128xf32, #tpu.memory_space<vmem>>, vector<1x16xf32>,
        %get3A_1732 = vector.shape_cast %get3A_1731 : vector<1x16xf32> to vector<16xf32>
        %mul3A_1733 = arith.mulf %get3A_1732, %broadcast_in_dim3A_1642 : vector<16xf32>
        %add3A_1734 = arith.constant 14 : i32
        %add3A_1735 = arith.addi %mul3A_31, %add3A_1734 : i32
        %swap3A_1736 = arith.index_cast %add3A_1735 : i32 to index
        %swap3A_1737 = arith.constant 96 : index
        %swap3A_1738 = tpu.vector_load %arg11[%swap3A_1736, %swap3A_1737] {strides = array<i32>} : memref<80x128xf32, #tpu.memory_space<vmem>>, vector<1x16xf32>,
        %swap3A_1739 = vector.shape_cast %swap3A_1738 : vector<1x16xf32> to vector<16xf32>
        %swap3A_1740 = vector.shape_cast %mul3A_1733 : vector<16xf32> to vector<1x16xf32>
        tpu.vector_store %arg11[%swap3A_1736, %swap3A_1737], %swap3A_1740 {strides = array<i32>} : memref<80x128xf32, #tpu.memory_space<vmem>>, vector<1x16xf32>,
        %add3A_1741 = arith.constant 14 : i32
        %add3A_1742 = arith.addi %mul3A_31, %add3A_1741 : i32
        %get3A_1743 = arith.index_cast %add3A_1742 : i32 to index
        %get3A_1744 = arith.constant 112 : index
        %get3A_1745 = tpu.vector_load %arg11[%get3A_1743, %get3A_1744] {strides = array<i32>} : memref<80x128xf32, #tpu.memory_space<vmem>>, vector<1x16xf32>,
        %get3A_1746 = vector.shape_cast %get3A_1745 : vector<1x16xf32> to vector<16xf32>
        %mul3A_1747 = arith.mulf %get3A_1746, %broadcast_in_dim3A_1642 : vector<16xf32>
        %add3A_1748 = arith.constant 14 : i32
        %add3A_1749 = arith.addi %mul3A_31, %add3A_1748 : i32
        %swap3A_1750 = arith.index_cast %add3A_1749 : i32 to index
        %swap3A_1751 = arith.constant 112 : index
        %swap3A_1752 = tpu.vector_load %arg11[%swap3A_1750, %swap3A_1751] {strides = array<i32>} : memref<80x128xf32, #tpu.memory_space<vmem>>, vector<1x16xf32>,
        %swap3A_1753 = vector.shape_cast %swap3A_1752 : vector<1x16xf32> to vector<16xf32>
        %swap3A_1754 = vector.shape_cast %mul3A_1747 : vector<16xf32> to vector<1x16xf32>
        tpu.vector_store %arg11[%swap3A_1750, %swap3A_1751], %swap3A_1754 {strides = array<i32>} : memref<80x128xf32, #tpu.memory_space<vmem>>, vector<1x16xf32>,
        %slice3A_1755 = vector.extract_strided_slice %get3A_33 {offsets = [15], sizes = [1], strides = [1]} : vector<16xf32> to vector<1xf32>
        %squeeze3A_1756 = vector.extract %slice3A_1755[0] : f32 from vector<1xf32>
        %broadcast_in_dim3A_1757 = vector.broadcast %squeeze3A_1756 : f32 to vector<16xf32>
        %add3A_1758 = arith.constant 15 : i32
        %add3A_1759 = arith.addi %mul3A_31, %add3A_1758 : i32
        %get3A_1760 = arith.index_cast %add3A_1759 : i32 to index
        %get3A_1761 = arith.constant 0 : index
        %get3A_1762 = tpu.vector_load %arg11[%get3A_1760, %get3A_1761] {strides = array<i32>} : memref<80x128xf32, #tpu.memory_space<vmem>>, vector<1x16xf32>,
        %get3A_1763 = vector.shape_cast %get3A_1762 : vector<1x16xf32> to vector<16xf32>
        %mul3A_1764 = arith.mulf %get3A_1763, %broadcast_in_dim3A_1757 : vector<16xf32>
        %add3A_1765 = arith.constant 15 : i32
        %add3A_1766 = arith.addi %mul3A_31, %add3A_1765 : i32
        %swap3A_1767 = arith.index_cast %add3A_1766 : i32 to index
        %swap3A_1768 = arith.constant 0 : index
        %swap3A_1769 = tpu.vector_load %arg11[%swap3A_1767, %swap3A_1768] {strides = array<i32>} : memref<80x128xf32, #tpu.memory_space<vmem>>, vector<1x16xf32>,
        %swap3A_1770 = vector.shape_cast %swap3A_1769 : vector<1x16xf32> to vector<16xf32>
        %swap3A_1771 = vector.shape_cast %mul3A_1764 : vector<16xf32> to vector<1x16xf32>
        tpu.vector_store %arg11[%swap3A_1767, %swap3A_1768], %swap3A_1771 {strides = array<i32>} : memref<80x128xf32, #tpu.memory_space<vmem>>, vector<1x16xf32>,
        %add3A_1772 = arith.constant 15 : i32
        %add3A_1773 = arith.addi %mul3A_31, %add3A_1772 : i32
        %get3A_1774 = arith.index_cast %add3A_1773 : i32 to index
        %get3A_1775 = arith.constant 16 : index
        %get3A_1776 = tpu.vector_load %arg11[%get3A_1774, %get3A_1775] {strides = array<i32>} : memref<80x128xf32, #tpu.memory_space<vmem>>, vector<1x16xf32>,
        %get3A_1777 = vector.shape_cast %get3A_1776 : vector<1x16xf32> to vector<16xf32>
        %mul3A_1778 = arith.mulf %get3A_1777, %broadcast_in_dim3A_1757 : vector<16xf32>
        %add3A_1779 = arith.constant 15 : i32
        %add3A_1780 = arith.addi %mul3A_31, %add3A_1779 : i32
        %swap3A_1781 = arith.index_cast %add3A_1780 : i32 to index
        %swap3A_1782 = arith.constant 16 : index
        %swap3A_1783 = tpu.vector_load %arg11[%swap3A_1781, %swap3A_1782] {strides = array<i32>} : memref<80x128xf32, #tpu.memory_space<vmem>>, vector<1x16xf32>,
        %swap3A_1784 = vector.shape_cast %swap3A_1783 : vector<1x16xf32> to vector<16xf32>
        %swap3A_1785 = vector.shape_cast %mul3A_1778 : vector<16xf32> to vector<1x16xf32>
        tpu.vector_store %arg11[%swap3A_1781, %swap3A_1782], %swap3A_1785 {strides = array<i32>} : memref<80x128xf32, #tpu.memory_space<vmem>>, vector<1x16xf32>,
        %add3A_1786 = arith.constant 15 : i32
        %add3A_1787 = arith.addi %mul3A_31, %add3A_1786 : i32
        %get3A_1788 = arith.index_cast %add3A_1787 : i32 to index
        %get3A_1789 = arith.constant 32 : index
        %get3A_1790 = tpu.vector_load %arg11[%get3A_1788, %get3A_1789] {strides = array<i32>} : memref<80x128xf32, #tpu.memory_space<vmem>>, vector<1x16xf32>,
        %get3A_1791 = vector.shape_cast %get3A_1790 : vector<1x16xf32> to vector<16xf32>
        %mul3A_1792 = arith.mulf %get3A_1791, %broadcast_in_dim3A_1757 : vector<16xf32>
        %add3A_1793 = arith.constant 15 : i32
        %add3A_1794 = arith.addi %mul3A_31, %add3A_1793 : i32
        %swap3A_1795 = arith.index_cast %add3A_1794 : i32 to index
        %swap3A_1796 = arith.constant 32 : index
        %swap3A_1797 = tpu.vector_load %arg11[%swap3A_1795, %swap3A_1796] {strides = array<i32>} : memref<80x128xf32, #tpu.memory_space<vmem>>, vector<1x16xf32>,
        %swap3A_1798 = vector.shape_cast %swap3A_1797 : vector<1x16xf32> to vector<16xf32>
        %swap3A_1799 = vector.shape_cast %mul3A_1792 : vector<16xf32> to vector<1x16xf32>
        tpu.vector_store %arg11[%swap3A_1795, %swap3A_1796], %swap3A_1799 {strides = array<i32>} : memref<80x128xf32, #tpu.memory_space<vmem>>, vector<1x16xf32>,
        %add3A_1800 = arith.constant 15 : i32
        %add3A_1801 = arith.addi %mul3A_31, %add3A_1800 : i32
        %get3A_1802 = arith.index_cast %add3A_1801 : i32 to index
        %get3A_1803 = arith.constant 48 : index
        %get3A_1804 = tpu.vector_load %arg11[%get3A_1802, %get3A_1803] {strides = array<i32>} : memref<80x128xf32, #tpu.memory_space<vmem>>, vector<1x16xf32>,
        %get3A_1805 = vector.shape_cast %get3A_1804 : vector<1x16xf32> to vector<16xf32>
        %mul3A_1806 = arith.mulf %get3A_1805, %broadcast_in_dim3A_1757 : vector<16xf32>
        %add3A_1807 = arith.constant 15 : i32
        %add3A_1808 = arith.addi %mul3A_31, %add3A_1807 : i32
        %swap3A_1809 = arith.index_cast %add3A_1808 : i32 to index
        %swap3A_1810 = arith.constant 48 : index
        %swap3A_1811 = tpu.vector_load %arg11[%swap3A_1809, %swap3A_1810] {strides = array<i32>} : memref<80x128xf32, #tpu.memory_space<vmem>>, vector<1x16xf32>,
        %swap3A_1812 = vector.shape_cast %swap3A_1811 : vector<1x16xf32> to vector<16xf32>
        %swap3A_1813 = vector.shape_cast %mul3A_1806 : vector<16xf32> to vector<1x16xf32>
        tpu.vector_store %arg11[%swap3A_1809, %swap3A_1810], %swap3A_1813 {strides = array<i32>} : memref<80x128xf32, #tpu.memory_space<vmem>>, vector<1x16xf32>,
        %add3A_1814 = arith.constant 15 : i32
        %add3A_1815 = arith.addi %mul3A_31, %add3A_1814 : i32
        %get3A_1816 = arith.index_cast %add3A_1815 : i32 to index
        %get3A_1817 = arith.constant 64 : index
        %get3A_1818 = tpu.vector_load %arg11[%get3A_1816, %get3A_1817] {strides = array<i32>} : memref<80x128xf32, #tpu.memory_space<vmem>>, vector<1x16xf32>,
        %get3A_1819 = vector.shape_cast %get3A_1818 : vector<1x16xf32> to vector<16xf32>
        %mul3A_1820 = arith.mulf %get3A_1819, %broadcast_in_dim3A_1757 : vector<16xf32>
        %add3A_1821 = arith.constant 15 : i32
        %add3A_1822 = arith.addi %mul3A_31, %add3A_1821 : i32
        %swap3A_1823 = arith.index_cast %add3A_1822 : i32 to index
        %swap3A_1824 = arith.constant 64 : index
        %swap3A_1825 = tpu.vector_load %arg11[%swap3A_1823, %swap3A_1824] {strides = array<i32>} : memref<80x128xf32, #tpu.memory_space<vmem>>, vector<1x16xf32>,
        %swap3A_1826 = vector.shape_cast %swap3A_1825 : vector<1x16xf32> to vector<16xf32>
        %swap3A_1827 = vector.shape_cast %mul3A_1820 : vector<16xf32> to vector<1x16xf32>
        tpu.vector_store %arg11[%swap3A_1823, %swap3A_1824], %swap3A_1827 {strides = array<i32>} : memref<80x128xf32, #tpu.memory_space<vmem>>, vector<1x16xf32>,
        %add3A_1828 = arith.constant 15 : i32
        %add3A_1829 = arith.addi %mul3A_31, %add3A_1828 : i32
        %get3A_1830 = arith.index_cast %add3A_1829 : i32 to index
        %get3A_1831 = arith.constant 80 : index
        %get3A_1832 = tpu.vector_load %arg11[%get3A_1830, %get3A_1831] {strides = array<i32>} : memref<80x128xf32, #tpu.memory_space<vmem>>, vector<1x16xf32>,
        %get3A_1833 = vector.shape_cast %get3A_1832 : vector<1x16xf32> to vector<16xf32>
        %mul3A_1834 = arith.mulf %get3A_1833, %broadcast_in_dim3A_1757 : vector<16xf32>
        %add3A_1835 = arith.constant 15 : i32
        %add3A_1836 = arith.addi %mul3A_31, %add3A_1835 : i32
        %swap3A_1837 = arith.index_cast %add3A_1836 : i32 to index
        %swap3A_1838 = arith.constant 80 : index
        %swap3A_1839 = tpu.vector_load %arg11[%swap3A_1837, %swap3A_1838] {strides = array<i32>} : memref<80x128xf32, #tpu.memory_space<vmem>>, vector<1x16xf32>,
        %swap3A_1840 = vector.shape_cast %swap3A_1839 : vector<1x16xf32> to vector<16xf32>
        %swap3A_1841 = vector.shape_cast %mul3A_1834 : vector<16xf32> to vector<1x16xf32>
        tpu.vector_store %arg11[%swap3A_1837, %swap3A_1838], %swap3A_1841 {strides = array<i32>} : memref<80x128xf32, #tpu.memory_space<vmem>>, vector<1x16xf32>,
        %add3A_1842 = arith.constant 15 : i32
        %add3A_1843 = arith.addi %mul3A_31, %add3A_1842 : i32
        %get3A_1844 = arith.index_cast %add3A_1843 : i32 to index
        %get3A_1845 = arith.constant 96 : index
        %get3A_1846 = tpu.vector_load %arg11[%get3A_1844, %get3A_1845] {strides = array<i32>} : memref<80x128xf32, #tpu.memory_space<vmem>>, vector<1x16xf32>,
        %get3A_1847 = vector.shape_cast %get3A_1846 : vector<1x16xf32> to vector<16xf32>
        %mul3A_1848 = arith.mulf %get3A_1847, %broadcast_in_dim3A_1757 : vector<16xf32>
        %add3A_1849 = arith.constant 15 : i32
        %add3A_1850 = arith.addi %mul3A_31, %add3A_1849 : i32
        %swap3A_1851 = arith.index_cast %add3A_1850 : i32 to index
        %swap3A_1852 = arith.constant 96 : index
        %swap3A_1853 = tpu.vector_load %arg11[%swap3A_1851, %swap3A_1852] {strides = array<i32>} : memref<80x128xf32, #tpu.memory_space<vmem>>, vector<1x16xf32>,
        %swap3A_1854 = vector.shape_cast %swap3A_1853 : vector<1x16xf32> to vector<16xf32>
        %swap3A_1855 = vector.shape_cast %mul3A_1848 : vector<16xf32> to vector<1x16xf32>
        tpu.vector_store %arg11[%swap3A_1851, %swap3A_1852], %swap3A_1855 {strides = array<i32>} : memref<80x128xf32, #tpu.memory_space<vmem>>, vector<1x16xf32>,
        %add3A_1856 = arith.constant 15 : i32
        %add3A_1857 = arith.addi %mul3A_31, %add3A_1856 : i32
        %get3A_1858 = arith.index_cast %add3A_1857 : i32 to index
        %get3A_1859 = arith.constant 112 : index
        %get3A_1860 = tpu.vector_load %arg11[%get3A_1858, %get3A_1859] {strides = array<i32>} : memref<80x128xf32, #tpu.memory_space<vmem>>, vector<1x16xf32>,
        %get3A_1861 = vector.shape_cast %get3A_1860 : vector<1x16xf32> to vector<16xf32>
        %mul3A_1862 = arith.mulf %get3A_1861, %broadcast_in_dim3A_1757 : vector<16xf32>
        %add3A_1863 = arith.constant 15 : i32
        %add3A_1864 = arith.addi %mul3A_31, %add3A_1863 : i32
        %swap3A_1865 = arith.index_cast %add3A_1864 : i32 to index
        %swap3A_1866 = arith.constant 112 : index
        %swap3A_1867 = tpu.vector_load %arg11[%swap3A_1865, %swap3A_1866] {strides = array<i32>} : memref<80x128xf32, #tpu.memory_space<vmem>>, vector<1x16xf32>,
        %swap3A_1868 = vector.shape_cast %swap3A_1867 : vector<1x16xf32> to vector<16xf32>
        %swap3A_1869 = vector.shape_cast %mul3A_1862 : vector<16xf32> to vector<1x16xf32>
        tpu.vector_store %arg11[%swap3A_1865, %swap3A_1866], %swap3A_1869 {strides = array<i32>} : memref<80x128xf32, #tpu.memory_space<vmem>>, vector<1x16xf32>,
      }
      %scan3A_28 = arith.constant 5 : i32
      "tpu.region"() ({
        %run_scoped3A = tpu.sem_alloc : memref<!tpu.dma_semaphore, #tpu.memory_space<semaphore_mem>>
        %dma_start3A_29 = arith.constant 0 : i32
        %dma_start3A_30 = arith.constant 0 : i32
        %dma_start3A_31 = tpu.memref_slice %arg12[%dma_start3A_29, %dma_start3A_30] : memref<10240x128xf32, #tpu.memory_space<vmem_shared>> -> memref<10240x128xf32, #tpu.memory_space<vmem_shared>>
        tpu.enqueue_indirect_dma source(%arg11 : memref<80x128xf32, #tpu.memory_space<vmem>>) target(%dma_start3A_31 : memref<10240x128xf32, #tpu.memory_space<vmem_shared>>) offsets(%arg9 : memref<80xi32, #tpu.memory_space<vmem>>) semaphore(%run_scoped3A : memref<!tpu.dma_semaphore, #tpu.memory_space<semaphore_mem>>) {add = true}
        %dma_wait3A_32 = arith.constant 0 : i32
        %dma_wait3A_33 = arith.constant 0 : i32
        %dma_wait3A_34 = tpu.memref_slice %arg12[%dma_wait3A_32, %dma_wait3A_33] : memref<10240x128xf32, #tpu.memory_space<vmem_shared>> -> memref<10240x128xf32, #tpu.memory_space<vmem_shared>>
        tpu.wait_indirect_dma semaphore(%run_scoped3A : memref<!tpu.dma_semaphore, #tpu.memory_space<semaphore_mem>>) src(%arg11 : memref<80x128xf32, #tpu.memory_space<vmem>>) dst(%dma_wait3A_34 : memref<10240x128xf32, #tpu.memory_space<vmem_shared>>)
        tpu.yield
      }) : () -> ()
    }
    %scan3A_9 = arith.constant 125 : i32
    %barrier3A_10 = arith.constant 0 : index
    tpu.barrier barrier_id(%barrier3A_10)
    %mul3A_11 = arith.constant 640 : i32
    %mul3A_12 = arith.muli %arg1, %mul3A_11 : i32
    %mul3A_13 = arith.constant 640 : i32
    %mul3A_14 = arith.muli %arg1, %mul3A_13 : i32
    "tpu.region"() ({
      %run_scoped3A = tpu.sem_alloc : memref<!tpu.dma_semaphore, #tpu.memory_space<semaphore_mem>>
      %dma_start3A = arith.constant 0 : i32
      %dma_start3A_15 = tpu.memref_slice %arg7[%arg0, %mul3A_14, %dma_start3A] : memref<2x10240x128xf32, #tpu.memory_space<hbm>> -> memref<1x640x128xf32, #tpu.memory_space<hbm>>
      %dma_start3A_16 = tpu.memref_squeeze %dma_start3A_15 : memref<1x640x128xf32, #tpu.memory_space<hbm>> -> memref<640x128xf32, #tpu.memory_space<hbm>>
      %dma_start3A_17 = arith.constant 0 : i32
      %dma_start3A_18 = tpu.memref_slice %arg12[%mul3A_12, %dma_start3A_17] : memref<10240x128xf32, #tpu.memory_space<vmem_shared>> -> memref<640x128xf32, #tpu.memory_space<vmem_shared>>
      tpu.enqueue_dma source(%dma_start3A_18 : memref<640x128xf32, #tpu.memory_space<vmem_shared>>) target(%dma_start3A_16 : memref<640x128xf32, #tpu.memory_space<hbm>>) target_semaphore(%run_scoped3A : memref<!tpu.dma_semaphore, #tpu.memory_space<semaphore_mem>>)
      %dma_wait3A = arith.constant 0 : i32
      %dma_wait3A_19 = tpu.memref_slice %arg7[%arg0, %mul3A_14, %dma_wait3A] : memref<2x10240x128xf32, #tpu.memory_space<hbm>> -> memref<1x640x128xf32, #tpu.memory_space<hbm>>
      %dma_wait3A_20 = tpu.memref_squeeze %dma_wait3A_19 : memref<1x640x128xf32, #tpu.memory_space<hbm>> -> memref<640x128xf32, #tpu.memory_space<hbm>>
      %dma_wait3A_21 = arith.constant 0 : i32
      %dma_wait3A_22 = tpu.memref_slice %arg12[%mul3A_12, %dma_wait3A_21] : memref<10240x128xf32, #tpu.memory_space<vmem_shared>> -> memref<640x128xf32, #tpu.memory_space<vmem_shared>>
      tpu.wait_dma2 semaphore(%run_scoped3A : memref<!tpu.dma_semaphore, #tpu.memory_space<semaphore_mem>>) src(%dma_wait3A_22 : memref<640x128xf32, #tpu.memory_space<vmem_shared>>) dst(%dma_wait3A_20 : memref<640x128xf32, #tpu.memory_space<hbm>>)
      tpu.yield
    }) : () -> ()
    return
  }
}

#map = affine_map<(d0, d1) -> (0, 0)>
#map1 = affine_map<(d0, d1) -> (0)>
#map2 = affine_map<(d0, d1) -> (0, 0, 0)>
module attributes {stable_mosaic.version = 14 : i64} {
  func.func @_spmm_sc(%arg0: i32, %arg1: i32, %arg2: memref<10000x128xf32, #tpu.memory_space<hbm>>, %arg3: memref<320000xi32, #tpu.memory_space<hbm>>, %arg4: memref<320000xi32, #tpu.memory_space<hbm>>, %arg5: memref<320000xf32, #tpu.memory_space<hbm>>, %arg6: memref<640x128xf32, #tpu.memory_space<hbm>>, %arg7: memref<2x10240x128xf32, #tpu.memory_space<hbm>>, %arg8: memref<80xi32, #tpu.memory_space<vmem>>, %arg9: memref<80xi32, #tpu.memory_space<vmem>>, %arg10: memref<80xf32, #tpu.memory_space<vmem>>, %arg11: memref<80x128xf32, #tpu.memory_space<vmem>>, %arg12: memref<10240x128xf32, #tpu.memory_space<vmem_shared>>, %arg13: memref<!tpu.dma_semaphore, #tpu.memory_space<semaphore_mem>>) attributes {dimension_semantics = [#tpu.dimension_semantics<core_parallel>, #tpu.dimension_semantics<subcore_parallel>], iteration_bounds = array<i64: 2, 16>, scalar_prefetch = 0 : i64, scratch_operands = 6 : i64, tpu.core_type = #tpu.core_type<sc_vector_subcore>, window_params = [{transform_indices = #map}, {transform_indices = #map1}, {transform_indices = #map1}, {transform_indices = #map1}, {transform_indices = #map}, {transform_indices = #map2}]} {
    %mul3A = arith.constant 2 : i32
    %mul3A_0 = arith.muli %arg1, %mul3A : i32
    %add3A = arith.addi %mul3A_0, %arg0 : i32
    %mul3A_1 = arith.constant 640 : i32
    %mul3A_2 = arith.muli %arg1, %mul3A_1 : i32
    "tpu.region"() ({
      %run_scoped3A = tpu.sem_alloc : memref<!tpu.dma_semaphore, #tpu.memory_space<semaphore_mem>>
      %dma_start3A = arith.constant 0 : i32
      %dma_start3A_15 = tpu.memref_slice %arg12[%mul3A_2, %dma_start3A] : memref<10240x128xf32, #tpu.memory_space<vmem_shared>> -> memref<640x128xf32, #tpu.memory_space<vmem_shared>>
      tpu.enqueue_dma source(%arg6 : memref<640x128xf32, #tpu.memory_space<hbm>>) target(%dma_start3A_15 : memref<640x128xf32, #tpu.memory_space<vmem_shared>>) target_semaphore(%run_scoped3A : memref<!tpu.dma_semaphore, #tpu.memory_space<semaphore_mem>>)
      %dma_wait3A = arith.constant 0 : i32
      %dma_wait3A_16 = tpu.memref_slice %arg12[%mul3A_2, %dma_wait3A] : memref<10240x128xf32, #tpu.memory_space<vmem_shared>> -> memref<640x128xf32, #tpu.memory_space<vmem_shared>>
      tpu.wait_dma2 semaphore(%run_scoped3A : memref<!tpu.dma_semaphore, #tpu.memory_space<semaphore_mem>>) src(%arg6 : memref<640x128xf32, #tpu.memory_space<hbm>>) dst(%dma_wait3A_16 : memref<640x128xf32, #tpu.memory_space<vmem_shared>>)
      tpu.yield
    }) : () -> ()
    %barrier3A = arith.constant 0 : index
    tpu.barrier barrier_id(%barrier3A)
    %mul3A_3 = arith.constant 10000 : i32
    %mul3A_4 = arith.muli %add3A, %mul3A_3 : i32
    %scan3A = arith.constant 0 : i32
    %scan3A_5 = arith.constant 0 : i32
    %scan3A_6 = arith.constant 125 : i32
    %scan3A_7 = arith.addi %scan3A_5, %scan3A_6 : i32
    %scan3A_8 = arith.constant 1 : i32
    scf.for %scan3A_15 = %scan3A_5 to %scan3A_7 step %scan3A_8  : i32 {
      %mul3A_16 = arith.constant 80 : i32
      %mul3A_17 = arith.muli %scan3A_15, %mul3A_16 : i32
      %add3A_18 = arith.addi %mul3A_4, %mul3A_17 : i32
      "tpu.region"() ({
        %run_scoped3A = tpu.sem_alloc : memref<!tpu.dma_semaphore, #tpu.memory_space<semaphore_mem>>
        %dma_start3A_29 = tpu.memref_slice %arg3[%add3A_18] : memref<320000xi32, #tpu.memory_space<hbm>> -> memref<80xi32, #tpu.memory_space<hbm>>
        %dma_start3A_30 = tpu.memref_slice %arg3[%add3A_18] : memref<320000xi32, #tpu.memory_space<hbm>> -> memref<80xi32, #tpu.memory_space<hbm>>
        tpu.enqueue_dma source(%dma_start3A_30 : memref<80xi32, #tpu.memory_space<hbm>>) target(%arg8 : memref<80xi32, #tpu.memory_space<vmem>>) target_semaphore(%run_scoped3A : memref<!tpu.dma_semaphore, #tpu.memory_space<semaphore_mem>>)
        %dma_wait3A_31 = tpu.memref_slice %arg3[%add3A_18] : memref<320000xi32, #tpu.memory_space<hbm>> -> memref<80xi32, #tpu.memory_space<hbm>>
        %dma_wait3A_32 = tpu.memref_slice %arg3[%add3A_18] : memref<320000xi32, #tpu.memory_space<hbm>> -> memref<80xi32, #tpu.memory_space<hbm>>
        tpu.wait_dma2 semaphore(%run_scoped3A : memref<!tpu.dma_semaphore, #tpu.memory_space<semaphore_mem>>) src(%dma_wait3A_32 : memref<80xi32, #tpu.memory_space<hbm>>) dst(%arg8 : memref<80xi32, #tpu.memory_space<vmem>>)
        tpu.yield
      }) : () -> ()
      "tpu.region"() ({
        %run_scoped3A = tpu.sem_alloc : memref<!tpu.dma_semaphore, #tpu.memory_space<semaphore_mem>>
        %dma_start3A_29 = tpu.memref_slice %arg4[%add3A_18] : memref<320000xi32, #tpu.memory_space<hbm>> -> memref<80xi32, #tpu.memory_space<hbm>>
        %dma_start3A_30 = tpu.memref_slice %arg4[%add3A_18] : memref<320000xi32, #tpu.memory_space<hbm>> -> memref<80xi32, #tpu.memory_space<hbm>>
        tpu.enqueue_dma source(%dma_start3A_30 : memref<80xi32, #tpu.memory_space<hbm>>) target(%arg9 : memref<80xi32, #tpu.memory_space<vmem>>) target_semaphore(%run_scoped3A : memref<!tpu.dma_semaphore, #tpu.memory_space<semaphore_mem>>)
        %dma_wait3A_31 = tpu.memref_slice %arg4[%add3A_18] : memref<320000xi32, #tpu.memory_space<hbm>> -> memref<80xi32, #tpu.memory_space<hbm>>
        %dma_wait3A_32 = tpu.memref_slice %arg4[%add3A_18] : memref<320000xi32, #tpu.memory_space<hbm>> -> memref<80xi32, #tpu.memory_space<hbm>>
        tpu.wait_dma2 semaphore(%run_scoped3A : memref<!tpu.dma_semaphore, #tpu.memory_space<semaphore_mem>>) src(%dma_wait3A_32 : memref<80xi32, #tpu.memory_space<hbm>>) dst(%arg9 : memref<80xi32, #tpu.memory_space<vmem>>)
        tpu.yield
      }) : () -> ()
      "tpu.region"() ({
        %run_scoped3A = tpu.sem_alloc : memref<!tpu.dma_semaphore, #tpu.memory_space<semaphore_mem>>
        %dma_start3A_29 = tpu.memref_slice %arg5[%add3A_18] : memref<320000xf32, #tpu.memory_space<hbm>> -> memref<80xf32, #tpu.memory_space<hbm>>
        %dma_start3A_30 = tpu.memref_slice %arg5[%add3A_18] : memref<320000xf32, #tpu.memory_space<hbm>> -> memref<80xf32, #tpu.memory_space<hbm>>
        tpu.enqueue_dma source(%dma_start3A_30 : memref<80xf32, #tpu.memory_space<hbm>>) target(%arg10 : memref<80xf32, #tpu.memory_space<vmem>>) target_semaphore(%run_scoped3A : memref<!tpu.dma_semaphore, #tpu.memory_space<semaphore_mem>>)
        %dma_wait3A_31 = tpu.memref_slice %arg5[%add3A_18] : memref<320000xf32, #tpu.memory_space<hbm>> -> memref<80xf32, #tpu.memory_space<hbm>>
        %dma_wait3A_32 = tpu.memref_slice %arg5[%add3A_18] : memref<320000xf32, #tpu.memory_space<hbm>> -> memref<80xf32, #tpu.memory_space<hbm>>
        tpu.wait_dma2 semaphore(%run_scoped3A : memref<!tpu.dma_semaphore, #tpu.memory_space<semaphore_mem>>) src(%dma_wait3A_32 : memref<80xf32, #tpu.memory_space<hbm>>) dst(%arg10 : memref<80xf32, #tpu.memory_space<vmem>>)
        tpu.yield
      }) : () -> ()
      %dma_start3A = arith.constant 0 : i32
      %dma_start3A_19 = arith.constant 0 : i32
      %dma_start3A_20 = tpu.memref_slice %arg2[%dma_start3A, %dma_start3A_19] : memref<10000x128xf32, #tpu.memory_space<hbm>> -> memref<10000x128xf32, #tpu.memory_space<hbm>>
      tpu.enqueue_indirect_dma source(%dma_start3A_20 : memref<10000x128xf32, #tpu.memory_space<hbm>>) target(%arg11 : memref<80x128xf32, #tpu.memory_space<vmem>>) offsets(%arg8 : memref<80xi32, #tpu.memory_space<vmem>>) semaphore(%arg13 : memref<!tpu.dma_semaphore, #tpu.memory_space<semaphore_mem>>)
      %dma_wait3A = arith.constant 0 : i32
      %dma_wait3A_21 = arith.constant 0 : i32
      %dma_wait3A_22 = tpu.memref_slice %arg2[%dma_wait3A, %dma_wait3A_21] : memref<10000x128xf32, #tpu.memory_space<hbm>> -> memref<10000x128xf32, #tpu.memory_space<hbm>>
      tpu.wait_indirect_dma semaphore(%arg13 : memref<!tpu.dma_semaphore, #tpu.memory_space<semaphore_mem>>) src(%dma_wait3A_22 : memref<10000x128xf32, #tpu.memory_space<hbm>>) dst(%arg11 : memref<80x128xf32, #tpu.memory_space<vmem>>)
      %scan3A_23 = arith.constant 0 : i32
      %scan3A_24 = arith.constant 0 : i32
      %scan3A_25 = arith.constant 5 : i32
      %scan3A_26 = arith.addi %scan3A_24, %scan3A_25 : i32
      %scan3A_27 = arith.constant 1 : i32
      scf.for %scan3A_29 = %scan3A_24 to %scan3A_26 step %scan3A_27  : i32 {
        %mul3A_30 = arith.constant 16 : i32
        %mul3A_31 = arith.muli %scan3A_29, %mul3A_30 : i32
        %get3A = arith.index_cast %mul3A_31 : i32 to index
        %get3A_32 = tpu.vector_load %arg10[%get3A] {strides = array<i32>} : memref<80xf32, #tpu.memory_space<vmem>>, vector<16xf32>,
        %get3A_33 = vector.shape_cast %get3A_32 : vector<16xf32> to vector<16xf32>
        %slice3A = vector.extract_strided_slice %get3A_33 {offsets = [0], sizes = [1], strides = [1]} : vector<16xf32> to vector<1xf32>
        %squeeze3A = vector.extract %slice3A[0] : f32 from vector<1xf32>
        %broadcast_in_dim3A = vector.broadcast %squeeze3A : f32 to vector<16xf32>
        %add3A_34 = arith.constant 0 : i32
        %add3A_35 = arith.addi %mul3A_31, %add3A_34 : i32
        %get3A_36 = arith.index_cast %add3A_35 : i32 to index
        %get3A_37 = arith.constant 0 : index
        %get3A_38 = tpu.vector_load %arg11[%get3A_36, %get3A_37] {strides = array<i32>} : memref<80x128xf32, #tpu.memory_space<vmem>>, vector<1x16xf32>,
        %get3A_39 = vector.shape_cast %get3A_38 : vector<1x16xf32> to vector<16xf32>
        %mul3A_40 = arith.mulf %get3A_39, %broadcast_in_dim3A : vector<16xf32>
        %add3A_41 = arith.constant 0 : i32
        %add3A_42 = arith.addi %mul3A_31, %add3A_41 : i32
        %swap3A = arith.index_cast %add3A_42 : i32 to index
        %swap3A_43 = arith.constant 0 : index
        %swap3A_44 = tpu.vector_load %arg11[%swap3A, %swap3A_43] {strides = array<i32>} : memref<80x128xf32, #tpu.memory_space<vmem>>, vector<1x16xf32>,
        %swap3A_45 = vector.shape_cast %swap3A_44 : vector<1x16xf32> to vector<16xf32>
        %swap3A_46 = vector.shape_cast %mul3A_40 : vector<16xf32> to vector<1x16xf32>
        tpu.vector_store %arg11[%swap3A, %swap3A_43], %swap3A_46 {strides = array<i32>} : memref<80x128xf32, #tpu.memory_space<vmem>>, vector<1x16xf32>,
        %add3A_47 = arith.constant 0 : i32
        %add3A_48 = arith.addi %mul3A_31, %add3A_47 : i32
        %get3A_49 = arith.index_cast %add3A_48 : i32 to index
        %get3A_50 = arith.constant 16 : index
        %get3A_51 = tpu.vector_load %arg11[%get3A_49, %get3A_50] {strides = array<i32>} : memref<80x128xf32, #tpu.memory_space<vmem>>, vector<1x16xf32>,
        %get3A_52 = vector.shape_cast %get3A_51 : vector<1x16xf32> to vector<16xf32>
        %mul3A_53 = arith.mulf %get3A_52, %broadcast_in_dim3A : vector<16xf32>
        %add3A_54 = arith.constant 0 : i32
        %add3A_55 = arith.addi %mul3A_31, %add3A_54 : i32
        %swap3A_56 = arith.index_cast %add3A_55 : i32 to index
        %swap3A_57 = arith.constant 16 : index
        %swap3A_58 = tpu.vector_load %arg11[%swap3A_56, %swap3A_57] {strides = array<i32>} : memref<80x128xf32, #tpu.memory_space<vmem>>, vector<1x16xf32>,
        %swap3A_59 = vector.shape_cast %swap3A_58 : vector<1x16xf32> to vector<16xf32>
        %swap3A_60 = vector.shape_cast %mul3A_53 : vector<16xf32> to vector<1x16xf32>
        tpu.vector_store %arg11[%swap3A_56, %swap3A_57], %swap3A_60 {strides = array<i32>} : memref<80x128xf32, #tpu.memory_space<vmem>>, vector<1x16xf32>,
        %add3A_61 = arith.constant 0 : i32
        %add3A_62 = arith.addi %mul3A_31, %add3A_61 : i32
        %get3A_63 = arith.index_cast %add3A_62 : i32 to index
        %get3A_64 = arith.constant 32 : index
        %get3A_65 = tpu.vector_load %arg11[%get3A_63, %get3A_64] {strides = array<i32>} : memref<80x128xf32, #tpu.memory_space<vmem>>, vector<1x16xf32>,
        %get3A_66 = vector.shape_cast %get3A_65 : vector<1x16xf32> to vector<16xf32>
        %mul3A_67 = arith.mulf %get3A_66, %broadcast_in_dim3A : vector<16xf32>
        %add3A_68 = arith.constant 0 : i32
        %add3A_69 = arith.addi %mul3A_31, %add3A_68 : i32
        %swap3A_70 = arith.index_cast %add3A_69 : i32 to index
        %swap3A_71 = arith.constant 32 : index
        %swap3A_72 = tpu.vector_load %arg11[%swap3A_70, %swap3A_71] {strides = array<i32>} : memref<80x128xf32, #tpu.memory_space<vmem>>, vector<1x16xf32>,
        %swap3A_73 = vector.shape_cast %swap3A_72 : vector<1x16xf32> to vector<16xf32>
        %swap3A_74 = vector.shape_cast %mul3A_67 : vector<16xf32> to vector<1x16xf32>
        tpu.vector_store %arg11[%swap3A_70, %swap3A_71], %swap3A_74 {strides = array<i32>} : memref<80x128xf32, #tpu.memory_space<vmem>>, vector<1x16xf32>,
        %add3A_75 = arith.constant 0 : i32
        %add3A_76 = arith.addi %mul3A_31, %add3A_75 : i32
        %get3A_77 = arith.index_cast %add3A_76 : i32 to index
        %get3A_78 = arith.constant 48 : index
        %get3A_79 = tpu.vector_load %arg11[%get3A_77, %get3A_78] {strides = array<i32>} : memref<80x128xf32, #tpu.memory_space<vmem>>, vector<1x16xf32>,
        %get3A_80 = vector.shape_cast %get3A_79 : vector<1x16xf32> to vector<16xf32>
        %mul3A_81 = arith.mulf %get3A_80, %broadcast_in_dim3A : vector<16xf32>
        %add3A_82 = arith.constant 0 : i32
        %add3A_83 = arith.addi %mul3A_31, %add3A_82 : i32
        %swap3A_84 = arith.index_cast %add3A_83 : i32 to index
        %swap3A_85 = arith.constant 48 : index
        %swap3A_86 = tpu.vector_load %arg11[%swap3A_84, %swap3A_85] {strides = array<i32>} : memref<80x128xf32, #tpu.memory_space<vmem>>, vector<1x16xf32>,
        %swap3A_87 = vector.shape_cast %swap3A_86 : vector<1x16xf32> to vector<16xf32>
        %swap3A_88 = vector.shape_cast %mul3A_81 : vector<16xf32> to vector<1x16xf32>
        tpu.vector_store %arg11[%swap3A_84, %swap3A_85], %swap3A_88 {strides = array<i32>} : memref<80x128xf32, #tpu.memory_space<vmem>>, vector<1x16xf32>,
        %add3A_89 = arith.constant 0 : i32
        %add3A_90 = arith.addi %mul3A_31, %add3A_89 : i32
        %get3A_91 = arith.index_cast %add3A_90 : i32 to index
        %get3A_92 = arith.constant 64 : index
        %get3A_93 = tpu.vector_load %arg11[%get3A_91, %get3A_92] {strides = array<i32>} : memref<80x128xf32, #tpu.memory_space<vmem>>, vector<1x16xf32>,
        %get3A_94 = vector.shape_cast %get3A_93 : vector<1x16xf32> to vector<16xf32>
        %mul3A_95 = arith.mulf %get3A_94, %broadcast_in_dim3A : vector<16xf32>
        %add3A_96 = arith.constant 0 : i32
        %add3A_97 = arith.addi %mul3A_31, %add3A_96 : i32
        %swap3A_98 = arith.index_cast %add3A_97 : i32 to index
        %swap3A_99 = arith.constant 64 : index
        %swap3A_100 = tpu.vector_load %arg11[%swap3A_98, %swap3A_99] {strides = array<i32>} : memref<80x128xf32, #tpu.memory_space<vmem>>, vector<1x16xf32>,
        %swap3A_101 = vector.shape_cast %swap3A_100 : vector<1x16xf32> to vector<16xf32>
        %swap3A_102 = vector.shape_cast %mul3A_95 : vector<16xf32> to vector<1x16xf32>
        tpu.vector_store %arg11[%swap3A_98, %swap3A_99], %swap3A_102 {strides = array<i32>} : memref<80x128xf32, #tpu.memory_space<vmem>>, vector<1x16xf32>,
        %add3A_103 = arith.constant 0 : i32
        %add3A_104 = arith.addi %mul3A_31, %add3A_103 : i32
        %get3A_105 = arith.index_cast %add3A_104 : i32 to index
        %get3A_106 = arith.constant 80 : index
        %get3A_107 = tpu.vector_load %arg11[%get3A_105, %get3A_106] {strides = array<i32>} : memref<80x128xf32, #tpu.memory_space<vmem>>, vector<1x16xf32>,
        %get3A_108 = vector.shape_cast %get3A_107 : vector<1x16xf32> to vector<16xf32>
        %mul3A_109 = arith.mulf %get3A_108, %broadcast_in_dim3A : vector<16xf32>
        %add3A_110 = arith.constant 0 : i32
        %add3A_111 = arith.addi %mul3A_31, %add3A_110 : i32
        %swap3A_112 = arith.index_cast %add3A_111 : i32 to index
        %swap3A_113 = arith.constant 80 : index
        %swap3A_114 = tpu.vector_load %arg11[%swap3A_112, %swap3A_113] {strides = array<i32>} : memref<80x128xf32, #tpu.memory_space<vmem>>, vector<1x16xf32>,
        %swap3A_115 = vector.shape_cast %swap3A_114 : vector<1x16xf32> to vector<16xf32>
        %swap3A_116 = vector.shape_cast %mul3A_109 : vector<16xf32> to vector<1x16xf32>
        tpu.vector_store %arg11[%swap3A_112, %swap3A_113], %swap3A_116 {strides = array<i32>} : memref<80x128xf32, #tpu.memory_space<vmem>>, vector<1x16xf32>,
        %add3A_117 = arith.constant 0 : i32
        %add3A_118 = arith.addi %mul3A_31, %add3A_117 : i32
        %get3A_119 = arith.index_cast %add3A_118 : i32 to index
        %get3A_120 = arith.constant 96 : index
        %get3A_121 = tpu.vector_load %arg11[%get3A_119, %get3A_120] {strides = array<i32>} : memref<80x128xf32, #tpu.memory_space<vmem>>, vector<1x16xf32>,
        %get3A_122 = vector.shape_cast %get3A_121 : vector<1x16xf32> to vector<16xf32>
        %mul3A_123 = arith.mulf %get3A_122, %broadcast_in_dim3A : vector<16xf32>
        %add3A_124 = arith.constant 0 : i32
        %add3A_125 = arith.addi %mul3A_31, %add3A_124 : i32
        %swap3A_126 = arith.index_cast %add3A_125 : i32 to index
        %swap3A_127 = arith.constant 96 : index
        %swap3A_128 = tpu.vector_load %arg11[%swap3A_126, %swap3A_127] {strides = array<i32>} : memref<80x128xf32, #tpu.memory_space<vmem>>, vector<1x16xf32>,
        %swap3A_129 = vector.shape_cast %swap3A_128 : vector<1x16xf32> to vector<16xf32>
        %swap3A_130 = vector.shape_cast %mul3A_123 : vector<16xf32> to vector<1x16xf32>
        tpu.vector_store %arg11[%swap3A_126, %swap3A_127], %swap3A_130 {strides = array<i32>} : memref<80x128xf32, #tpu.memory_space<vmem>>, vector<1x16xf32>,
        %add3A_131 = arith.constant 0 : i32
        %add3A_132 = arith.addi %mul3A_31, %add3A_131 : i32
        %get3A_133 = arith.index_cast %add3A_132 : i32 to index
        %get3A_134 = arith.constant 112 : index
        %get3A_135 = tpu.vector_load %arg11[%get3A_133, %get3A_134] {strides = array<i32>} : memref<80x128xf32, #tpu.memory_space<vmem>>, vector<1x16xf32>,
        %get3A_136 = vector.shape_cast %get3A_135 : vector<1x16xf32> to vector<16xf32>
        %mul3A_137 = arith.mulf %get3A_136, %broadcast_in_dim3A : vector<16xf32>
        %add3A_138 = arith.constant 0 : i32
        %add3A_139 = arith.addi %mul3A_31, %add3A_138 : i32
        %swap3A_140 = arith.index_cast %add3A_139 : i32 to index
        %swap3A_141 = arith.constant 112 : index
        %swap3A_142 = tpu.vector_load %arg11[%swap3A_140, %swap3A_141] {strides = array<i32>} : memref<80x128xf32, #tpu.memory_space<vmem>>, vector<1x16xf32>,
        %swap3A_143 = vector.shape_cast %swap3A_142 : vector<1x16xf32> to vector<16xf32>
        %swap3A_144 = vector.shape_cast %mul3A_137 : vector<16xf32> to vector<1x16xf32>
        tpu.vector_store %arg11[%swap3A_140, %swap3A_141], %swap3A_144 {strides = array<i32>} : memref<80x128xf32, #tpu.memory_space<vmem>>, vector<1x16xf32>,
        %slice3A_145 = vector.extract_strided_slice %get3A_33 {offsets = [1], sizes = [1], strides = [1]} : vector<16xf32> to vector<1xf32>
        %squeeze3A_146 = vector.extract %slice3A_145[0] : f32 from vector<1xf32>
        %broadcast_in_dim3A_147 = vector.broadcast %squeeze3A_146 : f32 to vector<16xf32>
        %add3A_148 = arith.constant 1 : i32
        %add3A_149 = arith.addi %mul3A_31, %add3A_148 : i32
        %get3A_150 = arith.index_cast %add3A_149 : i32 to index
        %get3A_151 = arith.constant 0 : index
        %get3A_152 = tpu.vector_load %arg11[%get3A_150, %get3A_151] {strides = array<i32>} : memref<80x128xf32, #tpu.memory_space<vmem>>, vector<1x16xf32>,
        %get3A_153 = vector.shape_cast %get3A_152 : vector<1x16xf32> to vector<16xf32>
        %mul3A_154 = arith.mulf %get3A_153, %broadcast_in_dim3A_147 : vector<16xf32>
        %add3A_155 = arith.constant 1 : i32
        %add3A_156 = arith.addi %mul3A_31, %add3A_155 : i32
        %swap3A_157 = arith.index_cast %add3A_156 : i32 to index
        %swap3A_158 = arith.constant 0 : index
        %swap3A_159 = tpu.vector_load %arg11[%swap3A_157, %swap3A_158] {strides = array<i32>} : memref<80x128xf32, #tpu.memory_space<vmem>>, vector<1x16xf32>,
        %swap3A_160 = vector.shape_cast %swap3A_159 : vector<1x16xf32> to vector<16xf32>
        %swap3A_161 = vector.shape_cast %mul3A_154 : vector<16xf32> to vector<1x16xf32>
        tpu.vector_store %arg11[%swap3A_157, %swap3A_158], %swap3A_161 {strides = array<i32>} : memref<80x128xf32, #tpu.memory_space<vmem>>, vector<1x16xf32>,
        %add3A_162 = arith.constant 1 : i32
        %add3A_163 = arith.addi %mul3A_31, %add3A_162 : i32
        %get3A_164 = arith.index_cast %add3A_163 : i32 to index
        %get3A_165 = arith.constant 16 : index
        %get3A_166 = tpu.vector_load %arg11[%get3A_164, %get3A_165] {strides = array<i32>} : memref<80x128xf32, #tpu.memory_space<vmem>>, vector<1x16xf32>,
        %get3A_167 = vector.shape_cast %get3A_166 : vector<1x16xf32> to vector<16xf32>
        %mul3A_168 = arith.mulf %get3A_167, %broadcast_in_dim3A_147 : vector<16xf32>
        %add3A_169 = arith.constant 1 : i32
        %add3A_170 = arith.addi %mul3A_31, %add3A_169 : i32
        %swap3A_171 = arith.index_cast %add3A_170 : i32 to index
        %swap3A_172 = arith.constant 16 : index
        %swap3A_173 = tpu.vector_load %arg11[%swap3A_171, %swap3A_172] {strides = array<i32>} : memref<80x128xf32, #tpu.memory_space<vmem>>, vector<1x16xf32>,
        %swap3A_174 = vector.shape_cast %swap3A_173 : vector<1x16xf32> to vector<16xf32>
        %swap3A_175 = vector.shape_cast %mul3A_168 : vector<16xf32> to vector<1x16xf32>
        tpu.vector_store %arg11[%swap3A_171, %swap3A_172], %swap3A_175 {strides = array<i32>} : memref<80x128xf32, #tpu.memory_space<vmem>>, vector<1x16xf32>,
        %add3A_176 = arith.constant 1 : i32
        %add3A_177 = arith.addi %mul3A_31, %add3A_176 : i32
        %get3A_178 = arith.index_cast %add3A_177 : i32 to index
        %get3A_179 = arith.constant 32 : index
        %get3A_180 = tpu.vector_load %arg11[%get3A_178, %get3A_179] {strides = array<i32>} : memref<80x128xf32, #tpu.memory_space<vmem>>, vector<1x16xf32>,
        %get3A_181 = vector.shape_cast %get3A_180 : vector<1x16xf32> to vector<16xf32>
        %mul3A_182 = arith.mulf %get3A_181, %broadcast_in_dim3A_147 : vector<16xf32>
        %add3A_183 = arith.constant 1 : i32
        %add3A_184 = arith.addi %mul3A_31, %add3A_183 : i32
        %swap3A_185 = arith.index_cast %add3A_184 : i32 to index
        %swap3A_186 = arith.constant 32 : index
        %swap3A_187 = tpu.vector_load %arg11[%swap3A_185, %swap3A_186] {strides = array<i32>} : memref<80x128xf32, #tpu.memory_space<vmem>>, vector<1x16xf32>,
        %swap3A_188 = vector.shape_cast %swap3A_187 : vector<1x16xf32> to vector<16xf32>
        %swap3A_189 = vector.shape_cast %mul3A_182 : vector<16xf32> to vector<1x16xf32>
        tpu.vector_store %arg11[%swap3A_185, %swap3A_186], %swap3A_189 {strides = array<i32>} : memref<80x128xf32, #tpu.memory_space<vmem>>, vector<1x16xf32>,
        %add3A_190 = arith.constant 1 : i32
        %add3A_191 = arith.addi %mul3A_31, %add3A_190 : i32
        %get3A_192 = arith.index_cast %add3A_191 : i32 to index
        %get3A_193 = arith.constant 48 : index
        %get3A_194 = tpu.vector_load %arg11[%get3A_192, %get3A_193] {strides = array<i32>} : memref<80x128xf32, #tpu.memory_space<vmem>>, vector<1x16xf32>,
        %get3A_195 = vector.shape_cast %get3A_194 : vector<1x16xf32> to vector<16xf32>
        %mul3A_196 = arith.mulf %get3A_195, %broadcast_in_dim3A_147 : vector<16xf32>
        %add3A_197 = arith.constant 1 : i32
        %add3A_198 = arith.addi %mul3A_31, %add3A_197 : i32
        %swap3A_199 = arith.index_cast %add3A_198 : i32 to index
        %swap3A_200 = arith.constant 48 : index
        %swap3A_201 = tpu.vector_load %arg11[%swap3A_199, %swap3A_200] {strides = array<i32>} : memref<80x128xf32, #tpu.memory_space<vmem>>, vector<1x16xf32>,
        %swap3A_202 = vector.shape_cast %swap3A_201 : vector<1x16xf32> to vector<16xf32>
        %swap3A_203 = vector.shape_cast %mul3A_196 : vector<16xf32> to vector<1x16xf32>
        tpu.vector_store %arg11[%swap3A_199, %swap3A_200], %swap3A_203 {strides = array<i32>} : memref<80x128xf32, #tpu.memory_space<vmem>>, vector<1x16xf32>,
        %add3A_204 = arith.constant 1 : i32
        %add3A_205 = arith.addi %mul3A_31, %add3A_204 : i32
        %get3A_206 = arith.index_cast %add3A_205 : i32 to index
        %get3A_207 = arith.constant 64 : index
        %get3A_208 = tpu.vector_load %arg11[%get3A_206, %get3A_207] {strides = array<i32>} : memref<80x128xf32, #tpu.memory_space<vmem>>, vector<1x16xf32>,
        %get3A_209 = vector.shape_cast %get3A_208 : vector<1x16xf32> to vector<16xf32>
        %mul3A_210 = arith.mulf %get3A_209, %broadcast_in_dim3A_147 : vector<16xf32>
        %add3A_211 = arith.constant 1 : i32
        %add3A_212 = arith.addi %mul3A_31, %add3A_211 : i32
        %swap3A_213 = arith.index_cast %add3A_212 : i32 to index
        %swap3A_214 = arith.constant 64 : index
        %swap3A_215 = tpu.vector_load %arg11[%swap3A_213, %swap3A_214] {strides = array<i32>} : memref<80x128xf32, #tpu.memory_space<vmem>>, vector<1x16xf32>,
        %swap3A_216 = vector.shape_cast %swap3A_215 : vector<1x16xf32> to vector<16xf32>
        %swap3A_217 = vector.shape_cast %mul3A_210 : vector<16xf32> to vector<1x16xf32>
        tpu.vector_store %arg11[%swap3A_213, %swap3A_214], %swap3A_217 {strides = array<i32>} : memref<80x128xf32, #tpu.memory_space<vmem>>, vector<1x16xf32>,
        %add3A_218 = arith.constant 1 : i32
        %add3A_219 = arith.addi %mul3A_31, %add3A_218 : i32
        %get3A_220 = arith.index_cast %add3A_219 : i32 to index
        %get3A_221 = arith.constant 80 : index
        %get3A_222 = tpu.vector_load %arg11[%get3A_220, %get3A_221] {strides = array<i32>} : memref<80x128xf32, #tpu.memory_space<vmem>>, vector<1x16xf32>,
        %get3A_223 = vector.shape_cast %get3A_222 : vector<1x16xf32> to vector<16xf32>
        %mul3A_224 = arith.mulf %get3A_223, %broadcast_in_dim3A_147 : vector<16xf32>
        %add3A_225 = arith.constant 1 : i32
        %add3A_226 = arith.addi %mul3A_31, %add3A_225 : i32
        %swap3A_227 = arith.index_cast %add3A_226 : i32 to index
        %swap3A_228 = arith.constant 80 : index
        %swap3A_229 = tpu.vector_load %arg11[%swap3A_227, %swap3A_228] {strides = array<i32>} : memref<80x128xf32, #tpu.memory_space<vmem>>, vector<1x16xf32>,
        %swap3A_230 = vector.shape_cast %swap3A_229 : vector<1x16xf32> to vector<16xf32>
        %swap3A_231 = vector.shape_cast %mul3A_224 : vector<16xf32> to vector<1x16xf32>
        tpu.vector_store %arg11[%swap3A_227, %swap3A_228], %swap3A_231 {strides = array<i32>} : memref<80x128xf32, #tpu.memory_space<vmem>>, vector<1x16xf32>,
        %add3A_232 = arith.constant 1 : i32
        %add3A_233 = arith.addi %mul3A_31, %add3A_232 : i32
        %get3A_234 = arith.index_cast %add3A_233 : i32 to index
        %get3A_235 = arith.constant 96 : index
        %get3A_236 = tpu.vector_load %arg11[%get3A_234, %get3A_235] {strides = array<i32>} : memref<80x128xf32, #tpu.memory_space<vmem>>, vector<1x16xf32>,
        %get3A_237 = vector.shape_cast %get3A_236 : vector<1x16xf32> to vector<16xf32>
        %mul3A_238 = arith.mulf %get3A_237, %broadcast_in_dim3A_147 : vector<16xf32>
        %add3A_239 = arith.constant 1 : i32
        %add3A_240 = arith.addi %mul3A_31, %add3A_239 : i32
        %swap3A_241 = arith.index_cast %add3A_240 : i32 to index
        %swap3A_242 = arith.constant 96 : index
        %swap3A_243 = tpu.vector_load %arg11[%swap3A_241, %swap3A_242] {strides = array<i32>} : memref<80x128xf32, #tpu.memory_space<vmem>>, vector<1x16xf32>,
        %swap3A_244 = vector.shape_cast %swap3A_243 : vector<1x16xf32> to vector<16xf32>
        %swap3A_245 = vector.shape_cast %mul3A_238 : vector<16xf32> to vector<1x16xf32>
        tpu.vector_store %arg11[%swap3A_241, %swap3A_242], %swap3A_245 {strides = array<i32>} : memref<80x128xf32, #tpu.memory_space<vmem>>, vector<1x16xf32>,
        %add3A_246 = arith.constant 1 : i32
        %add3A_247 = arith.addi %mul3A_31, %add3A_246 : i32
        %get3A_248 = arith.index_cast %add3A_247 : i32 to index
        %get3A_249 = arith.constant 112 : index
        %get3A_250 = tpu.vector_load %arg11[%get3A_248, %get3A_249] {strides = array<i32>} : memref<80x128xf32, #tpu.memory_space<vmem>>, vector<1x16xf32>,
        %get3A_251 = vector.shape_cast %get3A_250 : vector<1x16xf32> to vector<16xf32>
        %mul3A_252 = arith.mulf %get3A_251, %broadcast_in_dim3A_147 : vector<16xf32>
        %add3A_253 = arith.constant 1 : i32
        %add3A_254 = arith.addi %mul3A_31, %add3A_253 : i32
        %swap3A_255 = arith.index_cast %add3A_254 : i32 to index
        %swap3A_256 = arith.constant 112 : index
        %swap3A_257 = tpu.vector_load %arg11[%swap3A_255, %swap3A_256] {strides = array<i32>} : memref<80x128xf32, #tpu.memory_space<vmem>>, vector<1x16xf32>,
        %swap3A_258 = vector.shape_cast %swap3A_257 : vector<1x16xf32> to vector<16xf32>
        %swap3A_259 = vector.shape_cast %mul3A_252 : vector<16xf32> to vector<1x16xf32>
        tpu.vector_store %arg11[%swap3A_255, %swap3A_256], %swap3A_259 {strides = array<i32>} : memref<80x128xf32, #tpu.memory_space<vmem>>, vector<1x16xf32>,
        %slice3A_260 = vector.extract_strided_slice %get3A_33 {offsets = [2], sizes = [1], strides = [1]} : vector<16xf32> to vector<1xf32>
        %squeeze3A_261 = vector.extract %slice3A_260[0] : f32 from vector<1xf32>
        %broadcast_in_dim3A_262 = vector.broadcast %squeeze3A_261 : f32 to vector<16xf32>
        %add3A_263 = arith.constant 2 : i32
        %add3A_264 = arith.addi %mul3A_31, %add3A_263 : i32
        %get3A_265 = arith.index_cast %add3A_264 : i32 to index
        %get3A_266 = arith.constant 0 : index
        %get3A_267 = tpu.vector_load %arg11[%get3A_265, %get3A_266] {strides = array<i32>} : memref<80x128xf32, #tpu.memory_space<vmem>>, vector<1x16xf32>,
        %get3A_268 = vector.shape_cast %get3A_267 : vector<1x16xf32> to vector<16xf32>
        %mul3A_269 = arith.mulf %get3A_268, %broadcast_in_dim3A_262 : vector<16xf32>
        %add3A_270 = arith.constant 2 : i32
        %add3A_271 = arith.addi %mul3A_31, %add3A_270 : i32
        %swap3A_272 = arith.index_cast %add3A_271 : i32 to index
        %swap3A_273 = arith.constant 0 : index
        %swap3A_274 = tpu.vector_load %arg11[%swap3A_272, %swap3A_273] {strides = array<i32>} : memref<80x128xf32, #tpu.memory_space<vmem>>, vector<1x16xf32>,
        %swap3A_275 = vector.shape_cast %swap3A_274 : vector<1x16xf32> to vector<16xf32>
        %swap3A_276 = vector.shape_cast %mul3A_269 : vector<16xf32> to vector<1x16xf32>
        tpu.vector_store %arg11[%swap3A_272, %swap3A_273], %swap3A_276 {strides = array<i32>} : memref<80x128xf32, #tpu.memory_space<vmem>>, vector<1x16xf32>,
        %add3A_277 = arith.constant 2 : i32
        %add3A_278 = arith.addi %mul3A_31, %add3A_277 : i32
        %get3A_279 = arith.index_cast %add3A_278 : i32 to index
        %get3A_280 = arith.constant 16 : index
        %get3A_281 = tpu.vector_load %arg11[%get3A_279, %get3A_280] {strides = array<i32>} : memref<80x128xf32, #tpu.memory_space<vmem>>, vector<1x16xf32>,
        %get3A_282 = vector.shape_cast %get3A_281 : vector<1x16xf32> to vector<16xf32>
        %mul3A_283 = arith.mulf %get3A_282, %broadcast_in_dim3A_262 : vector<16xf32>
        %add3A_284 = arith.constant 2 : i32
        %add3A_285 = arith.addi %mul3A_31, %add3A_284 : i32
        %swap3A_286 = arith.index_cast %add3A_285 : i32 to index
        %swap3A_287 = arith.constant 16 : index
        %swap3A_288 = tpu.vector_load %arg11[%swap3A_286, %swap3A_287] {strides = array<i32>} : memref<80x128xf32, #tpu.memory_space<vmem>>, vector<1x16xf32>,
        %swap3A_289 = vector.shape_cast %swap3A_288 : vector<1x16xf32> to vector<16xf32>
        %swap3A_290 = vector.shape_cast %mul3A_283 : vector<16xf32> to vector<1x16xf32>
        tpu.vector_store %arg11[%swap3A_286, %swap3A_287], %swap3A_290 {strides = array<i32>} : memref<80x128xf32, #tpu.memory_space<vmem>>, vector<1x16xf32>,
        %add3A_291 = arith.constant 2 : i32
        %add3A_292 = arith.addi %mul3A_31, %add3A_291 : i32
        %get3A_293 = arith.index_cast %add3A_292 : i32 to index
        %get3A_294 = arith.constant 32 : index
        %get3A_295 = tpu.vector_load %arg11[%get3A_293, %get3A_294] {strides = array<i32>} : memref<80x128xf32, #tpu.memory_space<vmem>>, vector<1x16xf32>,
        %get3A_296 = vector.shape_cast %get3A_295 : vector<1x16xf32> to vector<16xf32>
        %mul3A_297 = arith.mulf %get3A_296, %broadcast_in_dim3A_262 : vector<16xf32>
        %add3A_298 = arith.constant 2 : i32
        %add3A_299 = arith.addi %mul3A_31, %add3A_298 : i32
        %swap3A_300 = arith.index_cast %add3A_299 : i32 to index
        %swap3A_301 = arith.constant 32 : index
        %swap3A_302 = tpu.vector_load %arg11[%swap3A_300, %swap3A_301] {strides = array<i32>} : memref<80x128xf32, #tpu.memory_space<vmem>>, vector<1x16xf32>,
        %swap3A_303 = vector.shape_cast %swap3A_302 : vector<1x16xf32> to vector<16xf32>
        %swap3A_304 = vector.shape_cast %mul3A_297 : vector<16xf32> to vector<1x16xf32>
        tpu.vector_store %arg11[%swap3A_300, %swap3A_301], %swap3A_304 {strides = array<i32>} : memref<80x128xf32, #tpu.memory_space<vmem>>, vector<1x16xf32>,
        %add3A_305 = arith.constant 2 : i32
        %add3A_306 = arith.addi %mul3A_31, %add3A_305 : i32
        %get3A_307 = arith.index_cast %add3A_306 : i32 to index
        %get3A_308 = arith.constant 48 : index
        %get3A_309 = tpu.vector_load %arg11[%get3A_307, %get3A_308] {strides = array<i32>} : memref<80x128xf32, #tpu.memory_space<vmem>>, vector<1x16xf32>,
        %get3A_310 = vector.shape_cast %get3A_309 : vector<1x16xf32> to vector<16xf32>
        %mul3A_311 = arith.mulf %get3A_310, %broadcast_in_dim3A_262 : vector<16xf32>
        %add3A_312 = arith.constant 2 : i32
        %add3A_313 = arith.addi %mul3A_31, %add3A_312 : i32
        %swap3A_314 = arith.index_cast %add3A_313 : i32 to index
        %swap3A_315 = arith.constant 48 : index
        %swap3A_316 = tpu.vector_load %arg11[%swap3A_314, %swap3A_315] {strides = array<i32>} : memref<80x128xf32, #tpu.memory_space<vmem>>, vector<1x16xf32>,
        %swap3A_317 = vector.shape_cast %swap3A_316 : vector<1x16xf32> to vector<16xf32>
        %swap3A_318 = vector.shape_cast %mul3A_311 : vector<16xf32> to vector<1x16xf32>
        tpu.vector_store %arg11[%swap3A_314, %swap3A_315], %swap3A_318 {strides = array<i32>} : memref<80x128xf32, #tpu.memory_space<vmem>>, vector<1x16xf32>,
        %add3A_319 = arith.constant 2 : i32
        %add3A_320 = arith.addi %mul3A_31, %add3A_319 : i32
        %get3A_321 = arith.index_cast %add3A_320 : i32 to index
        %get3A_322 = arith.constant 64 : index
        %get3A_323 = tpu.vector_load %arg11[%get3A_321, %get3A_322] {strides = array<i32>} : memref<80x128xf32, #tpu.memory_space<vmem>>, vector<1x16xf32>,
        %get3A_324 = vector.shape_cast %get3A_323 : vector<1x16xf32> to vector<16xf32>
        %mul3A_325 = arith.mulf %get3A_324, %broadcast_in_dim3A_262 : vector<16xf32>
        %add3A_326 = arith.constant 2 : i32
        %add3A_327 = arith.addi %mul3A_31, %add3A_326 : i32
        %swap3A_328 = arith.index_cast %add3A_327 : i32 to index
        %swap3A_329 = arith.constant 64 : index
        %swap3A_330 = tpu.vector_load %arg11[%swap3A_328, %swap3A_329] {strides = array<i32>} : memref<80x128xf32, #tpu.memory_space<vmem>>, vector<1x16xf32>,
        %swap3A_331 = vector.shape_cast %swap3A_330 : vector<1x16xf32> to vector<16xf32>
        %swap3A_332 = vector.shape_cast %mul3A_325 : vector<16xf32> to vector<1x16xf32>
        tpu.vector_store %arg11[%swap3A_328, %swap3A_329], %swap3A_332 {strides = array<i32>} : memref<80x128xf32, #tpu.memory_space<vmem>>, vector<1x16xf32>,
        %add3A_333 = arith.constant 2 : i32
        %add3A_334 = arith.addi %mul3A_31, %add3A_333 : i32
        %get3A_335 = arith.index_cast %add3A_334 : i32 to index
        %get3A_336 = arith.constant 80 : index
        %get3A_337 = tpu.vector_load %arg11[%get3A_335, %get3A_336] {strides = array<i32>} : memref<80x128xf32, #tpu.memory_space<vmem>>, vector<1x16xf32>,
        %get3A_338 = vector.shape_cast %get3A_337 : vector<1x16xf32> to vector<16xf32>
        %mul3A_339 = arith.mulf %get3A_338, %broadcast_in_dim3A_262 : vector<16xf32>
        %add3A_340 = arith.constant 2 : i32
        %add3A_341 = arith.addi %mul3A_31, %add3A_340 : i32
        %swap3A_342 = arith.index_cast %add3A_341 : i32 to index
        %swap3A_343 = arith.constant 80 : index
        %swap3A_344 = tpu.vector_load %arg11[%swap3A_342, %swap3A_343] {strides = array<i32>} : memref<80x128xf32, #tpu.memory_space<vmem>>, vector<1x16xf32>,
        %swap3A_345 = vector.shape_cast %swap3A_344 : vector<1x16xf32> to vector<16xf32>
        %swap3A_346 = vector.shape_cast %mul3A_339 : vector<16xf32> to vector<1x16xf32>
        tpu.vector_store %arg11[%swap3A_342, %swap3A_343], %swap3A_346 {strides = array<i32>} : memref<80x128xf32, #tpu.memory_space<vmem>>, vector<1x16xf32>,
        %add3A_347 = arith.constant 2 : i32
        %add3A_348 = arith.addi %mul3A_31, %add3A_347 : i32
        %get3A_349 = arith.index_cast %add3A_348 : i32 to index
        %get3A_350 = arith.constant 96 : index
        %get3A_351 = tpu.vector_load %arg11[%get3A_349, %get3A_350] {strides = array<i32>} : memref<80x128xf32, #tpu.memory_space<vmem>>, vector<1x16xf32>,
        %get3A_352 = vector.shape_cast %get3A_351 : vector<1x16xf32> to vector<16xf32>
        %mul3A_353 = arith.mulf %get3A_352, %broadcast_in_dim3A_262 : vector<16xf32>
        %add3A_354 = arith.constant 2 : i32
        %add3A_355 = arith.addi %mul3A_31, %add3A_354 : i32
        %swap3A_356 = arith.index_cast %add3A_355 : i32 to index
        %swap3A_357 = arith.constant 96 : index
        %swap3A_358 = tpu.vector_load %arg11[%swap3A_356, %swap3A_357] {strides = array<i32>} : memref<80x128xf32, #tpu.memory_space<vmem>>, vector<1x16xf32>,
        %swap3A_359 = vector.shape_cast %swap3A_358 : vector<1x16xf32> to vector<16xf32>
        %swap3A_360 = vector.shape_cast %mul3A_353 : vector<16xf32> to vector<1x16xf32>
        tpu.vector_store %arg11[%swap3A_356, %swap3A_357], %swap3A_360 {strides = array<i32>} : memref<80x128xf32, #tpu.memory_space<vmem>>, vector<1x16xf32>,
        %add3A_361 = arith.constant 2 : i32
        %add3A_362 = arith.addi %mul3A_31, %add3A_361 : i32
        %get3A_363 = arith.index_cast %add3A_362 : i32 to index
        %get3A_364 = arith.constant 112 : index
        %get3A_365 = tpu.vector_load %arg11[%get3A_363, %get3A_364] {strides = array<i32>} : memref<80x128xf32, #tpu.memory_space<vmem>>, vector<1x16xf32>,
        %get3A_366 = vector.shape_cast %get3A_365 : vector<1x16xf32> to vector<16xf32>
        %mul3A_367 = arith.mulf %get3A_366, %broadcast_in_dim3A_262 : vector<16xf32>
        %add3A_368 = arith.constant 2 : i32
        %add3A_369 = arith.addi %mul3A_31, %add3A_368 : i32
        %swap3A_370 = arith.index_cast %add3A_369 : i32 to index
        %swap3A_371 = arith.constant 112 : index
        %swap3A_372 = tpu.vector_load %arg11[%swap3A_370, %swap3A_371] {strides = array<i32>} : memref<80x128xf32, #tpu.memory_space<vmem>>, vector<1x16xf32>,
        %swap3A_373 = vector.shape_cast %swap3A_372 : vector<1x16xf32> to vector<16xf32>
        %swap3A_374 = vector.shape_cast %mul3A_367 : vector<16xf32> to vector<1x16xf32>
        tpu.vector_store %arg11[%swap3A_370, %swap3A_371], %swap3A_374 {strides = array<i32>} : memref<80x128xf32, #tpu.memory_space<vmem>>, vector<1x16xf32>,
        %slice3A_375 = vector.extract_strided_slice %get3A_33 {offsets = [3], sizes = [1], strides = [1]} : vector<16xf32> to vector<1xf32>
        %squeeze3A_376 = vector.extract %slice3A_375[0] : f32 from vector<1xf32>
        %broadcast_in_dim3A_377 = vector.broadcast %squeeze3A_376 : f32 to vector<16xf32>
        %add3A_378 = arith.constant 3 : i32
        %add3A_379 = arith.addi %mul3A_31, %add3A_378 : i32
        %get3A_380 = arith.index_cast %add3A_379 : i32 to index
        %get3A_381 = arith.constant 0 : index
        %get3A_382 = tpu.vector_load %arg11[%get3A_380, %get3A_381] {strides = array<i32>} : memref<80x128xf32, #tpu.memory_space<vmem>>, vector<1x16xf32>,
        %get3A_383 = vector.shape_cast %get3A_382 : vector<1x16xf32> to vector<16xf32>
        %mul3A_384 = arith.mulf %get3A_383, %broadcast_in_dim3A_377 : vector<16xf32>
        %add3A_385 = arith.constant 3 : i32
        %add3A_386 = arith.addi %mul3A_31, %add3A_385 : i32
        %swap3A_387 = arith.index_cast %add3A_386 : i32 to index
        %swap3A_388 = arith.constant 0 : index
        %swap3A_389 = tpu.vector_load %arg11[%swap3A_387, %swap3A_388] {strides = array<i32>} : memref<80x128xf32, #tpu.memory_space<vmem>>, vector<1x16xf32>,
        %swap3A_390 = vector.shape_cast %swap3A_389 : vector<1x16xf32> to vector<16xf32>
        %swap3A_391 = vector.shape_cast %mul3A_384 : vector<16xf32> to vector<1x16xf32>
        tpu.vector_store %arg11[%swap3A_387, %swap3A_388], %swap3A_391 {strides = array<i32>} : memref<80x128xf32, #tpu.memory_space<vmem>>, vector<1x16xf32>,
        %add3A_392 = arith.constant 3 : i32
        %add3A_393 = arith.addi %mul3A_31, %add3A_392 : i32
        %get3A_394 = arith.index_cast %add3A_393 : i32 to index
        %get3A_395 = arith.constant 16 : index
        %get3A_396 = tpu.vector_load %arg11[%get3A_394, %get3A_395] {strides = array<i32>} : memref<80x128xf32, #tpu.memory_space<vmem>>, vector<1x16xf32>,
        %get3A_397 = vector.shape_cast %get3A_396 : vector<1x16xf32> to vector<16xf32>
        %mul3A_398 = arith.mulf %get3A_397, %broadcast_in_dim3A_377 : vector<16xf32>
        %add3A_399 = arith.constant 3 : i32
        %add3A_400 = arith.addi %mul3A_31, %add3A_399 : i32
        %swap3A_401 = arith.index_cast %add3A_400 : i32 to index
        %swap3A_402 = arith.constant 16 : index
        %swap3A_403 = tpu.vector_load %arg11[%swap3A_401, %swap3A_402] {strides = array<i32>} : memref<80x128xf32, #tpu.memory_space<vmem>>, vector<1x16xf32>,
        %swap3A_404 = vector.shape_cast %swap3A_403 : vector<1x16xf32> to vector<16xf32>
        %swap3A_405 = vector.shape_cast %mul3A_398 : vector<16xf32> to vector<1x16xf32>
        tpu.vector_store %arg11[%swap3A_401, %swap3A_402], %swap3A_405 {strides = array<i32>} : memref<80x128xf32, #tpu.memory_space<vmem>>, vector<1x16xf32>,
        %add3A_406 = arith.constant 3 : i32
        %add3A_407 = arith.addi %mul3A_31, %add3A_406 : i32
        %get3A_408 = arith.index_cast %add3A_407 : i32 to index
        %get3A_409 = arith.constant 32 : index
        %get3A_410 = tpu.vector_load %arg11[%get3A_408, %get3A_409] {strides = array<i32>} : memref<80x128xf32, #tpu.memory_space<vmem>>, vector<1x16xf32>,
        %get3A_411 = vector.shape_cast %get3A_410 : vector<1x16xf32> to vector<16xf32>
        %mul3A_412 = arith.mulf %get3A_411, %broadcast_in_dim3A_377 : vector<16xf32>
        %add3A_413 = arith.constant 3 : i32
        %add3A_414 = arith.addi %mul3A_31, %add3A_413 : i32
        %swap3A_415 = arith.index_cast %add3A_414 : i32 to index
        %swap3A_416 = arith.constant 32 : index
        %swap3A_417 = tpu.vector_load %arg11[%swap3A_415, %swap3A_416] {strides = array<i32>} : memref<80x128xf32, #tpu.memory_space<vmem>>, vector<1x16xf32>,
        %swap3A_418 = vector.shape_cast %swap3A_417 : vector<1x16xf32> to vector<16xf32>
        %swap3A_419 = vector.shape_cast %mul3A_412 : vector<16xf32> to vector<1x16xf32>
        tpu.vector_store %arg11[%swap3A_415, %swap3A_416], %swap3A_419 {strides = array<i32>} : memref<80x128xf32, #tpu.memory_space<vmem>>, vector<1x16xf32>,
        %add3A_420 = arith.constant 3 : i32
        %add3A_421 = arith.addi %mul3A_31, %add3A_420 : i32
        %get3A_422 = arith.index_cast %add3A_421 : i32 to index
        %get3A_423 = arith.constant 48 : index
        %get3A_424 = tpu.vector_load %arg11[%get3A_422, %get3A_423] {strides = array<i32>} : memref<80x128xf32, #tpu.memory_space<vmem>>, vector<1x16xf32>,
        %get3A_425 = vector.shape_cast %get3A_424 : vector<1x16xf32> to vector<16xf32>
        %mul3A_426 = arith.mulf %get3A_425, %broadcast_in_dim3A_377 : vector<16xf32>
        %add3A_427 = arith.constant 3 : i32
        %add3A_428 = arith.addi %mul3A_31, %add3A_427 : i32
        %swap3A_429 = arith.index_cast %add3A_428 : i32 to index
        %swap3A_430 = arith.constant 48 : index
        %swap3A_431 = tpu.vector_load %arg11[%swap3A_429, %swap3A_430] {strides = array<i32>} : memref<80x128xf32, #tpu.memory_space<vmem>>, vector<1x16xf32>,
        %swap3A_432 = vector.shape_cast %swap3A_431 : vector<1x16xf32> to vector<16xf32>
        %swap3A_433 = vector.shape_cast %mul3A_426 : vector<16xf32> to vector<1x16xf32>
        tpu.vector_store %arg11[%swap3A_429, %swap3A_430], %swap3A_433 {strides = array<i32>} : memref<80x128xf32, #tpu.memory_space<vmem>>, vector<1x16xf32>,
        %add3A_434 = arith.constant 3 : i32
        %add3A_435 = arith.addi %mul3A_31, %add3A_434 : i32
        %get3A_436 = arith.index_cast %add3A_435 : i32 to index
        %get3A_437 = arith.constant 64 : index
        %get3A_438 = tpu.vector_load %arg11[%get3A_436, %get3A_437] {strides = array<i32>} : memref<80x128xf32, #tpu.memory_space<vmem>>, vector<1x16xf32>,
        %get3A_439 = vector.shape_cast %get3A_438 : vector<1x16xf32> to vector<16xf32>
        %mul3A_440 = arith.mulf %get3A_439, %broadcast_in_dim3A_377 : vector<16xf32>
        %add3A_441 = arith.constant 3 : i32
        %add3A_442 = arith.addi %mul3A_31, %add3A_441 : i32
        %swap3A_443 = arith.index_cast %add3A_442 : i32 to index
        %swap3A_444 = arith.constant 64 : index
        %swap3A_445 = tpu.vector_load %arg11[%swap3A_443, %swap3A_444] {strides = array<i32>} : memref<80x128xf32, #tpu.memory_space<vmem>>, vector<1x16xf32>,
        %swap3A_446 = vector.shape_cast %swap3A_445 : vector<1x16xf32> to vector<16xf32>
        %swap3A_447 = vector.shape_cast %mul3A_440 : vector<16xf32> to vector<1x16xf32>
        tpu.vector_store %arg11[%swap3A_443, %swap3A_444], %swap3A_447 {strides = array<i32>} : memref<80x128xf32, #tpu.memory_space<vmem>>, vector<1x16xf32>,
        %add3A_448 = arith.constant 3 : i32
        %add3A_449 = arith.addi %mul3A_31, %add3A_448 : i32
        %get3A_450 = arith.index_cast %add3A_449 : i32 to index
        %get3A_451 = arith.constant 80 : index
        %get3A_452 = tpu.vector_load %arg11[%get3A_450, %get3A_451] {strides = array<i32>} : memref<80x128xf32, #tpu.memory_space<vmem>>, vector<1x16xf32>,
        %get3A_453 = vector.shape_cast %get3A_452 : vector<1x16xf32> to vector<16xf32>
        %mul3A_454 = arith.mulf %get3A_453, %broadcast_in_dim3A_377 : vector<16xf32>
        %add3A_455 = arith.constant 3 : i32
        %add3A_456 = arith.addi %mul3A_31, %add3A_455 : i32
        %swap3A_457 = arith.index_cast %add3A_456 : i32 to index
        %swap3A_458 = arith.constant 80 : index
        %swap3A_459 = tpu.vector_load %arg11[%swap3A_457, %swap3A_458] {strides = array<i32>} : memref<80x128xf32, #tpu.memory_space<vmem>>, vector<1x16xf32>,
        %swap3A_460 = vector.shape_cast %swap3A_459 : vector<1x16xf32> to vector<16xf32>
        %swap3A_461 = vector.shape_cast %mul3A_454 : vector<16xf32> to vector<1x16xf32>
        tpu.vector_store %arg11[%swap3A_457, %swap3A_458], %swap3A_461 {strides = array<i32>} : memref<80x128xf32, #tpu.memory_space<vmem>>, vector<1x16xf32>,
        %add3A_462 = arith.constant 3 : i32
        %add3A_463 = arith.addi %mul3A_31, %add3A_462 : i32
        %get3A_464 = arith.index_cast %add3A_463 : i32 to index
        %get3A_465 = arith.constant 96 : index
        %get3A_466 = tpu.vector_load %arg11[%get3A_464, %get3A_465] {strides = array<i32>} : memref<80x128xf32, #tpu.memory_space<vmem>>, vector<1x16xf32>,
        %get3A_467 = vector.shape_cast %get3A_466 : vector<1x16xf32> to vector<16xf32>
        %mul3A_468 = arith.mulf %get3A_467, %broadcast_in_dim3A_377 : vector<16xf32>
        %add3A_469 = arith.constant 3 : i32
        %add3A_470 = arith.addi %mul3A_31, %add3A_469 : i32
        %swap3A_471 = arith.index_cast %add3A_470 : i32 to index
        %swap3A_472 = arith.constant 96 : index
        %swap3A_473 = tpu.vector_load %arg11[%swap3A_471, %swap3A_472] {strides = array<i32>} : memref<80x128xf32, #tpu.memory_space<vmem>>, vector<1x16xf32>,
        %swap3A_474 = vector.shape_cast %swap3A_473 : vector<1x16xf32> to vector<16xf32>
        %swap3A_475 = vector.shape_cast %mul3A_468 : vector<16xf32> to vector<1x16xf32>
        tpu.vector_store %arg11[%swap3A_471, %swap3A_472], %swap3A_475 {strides = array<i32>} : memref<80x128xf32, #tpu.memory_space<vmem>>, vector<1x16xf32>,
        %add3A_476 = arith.constant 3 : i32
        %add3A_477 = arith.addi %mul3A_31, %add3A_476 : i32
        %get3A_478 = arith.index_cast %add3A_477 : i32 to index
        %get3A_479 = arith.constant 112 : index
        %get3A_480 = tpu.vector_load %arg11[%get3A_478, %get3A_479] {strides = array<i32>} : memref<80x128xf32, #tpu.memory_space<vmem>>, vector<1x16xf32>,
        %get3A_481 = vector.shape_cast %get3A_480 : vector<1x16xf32> to vector<16xf32>
        %mul3A_482 = arith.mulf %get3A_481, %broadcast_in_dim3A_377 : vector<16xf32>
        %add3A_483 = arith.constant 3 : i32
        %add3A_484 = arith.addi %mul3A_31, %add3A_483 : i32
        %swap3A_485 = arith.index_cast %add3A_484 : i32 to index
        %swap3A_486 = arith.constant 112 : index
        %swap3A_487 = tpu.vector_load %arg11[%swap3A_485, %swap3A_486] {strides = array<i32>} : memref<80x128xf32, #tpu.memory_space<vmem>>, vector<1x16xf32>,
        %swap3A_488 = vector.shape_cast %swap3A_487 : vector<1x16xf32> to vector<16xf32>
        %swap3A_489 = vector.shape_cast %mul3A_482 : vector<16xf32> to vector<1x16xf32>
        tpu.vector_store %arg11[%swap3A_485, %swap3A_486], %swap3A_489 {strides = array<i32>} : memref<80x128xf32, #tpu.memory_space<vmem>>, vector<1x16xf32>,
        %slice3A_490 = vector.extract_strided_slice %get3A_33 {offsets = [4], sizes = [1], strides = [1]} : vector<16xf32> to vector<1xf32>
        %squeeze3A_491 = vector.extract %slice3A_490[0] : f32 from vector<1xf32>
        %broadcast_in_dim3A_492 = vector.broadcast %squeeze3A_491 : f32 to vector<16xf32>
        %add3A_493 = arith.constant 4 : i32
        %add3A_494 = arith.addi %mul3A_31, %add3A_493 : i32
        %get3A_495 = arith.index_cast %add3A_494 : i32 to index
        %get3A_496 = arith.constant 0 : index
        %get3A_497 = tpu.vector_load %arg11[%get3A_495, %get3A_496] {strides = array<i32>} : memref<80x128xf32, #tpu.memory_space<vmem>>, vector<1x16xf32>,
        %get3A_498 = vector.shape_cast %get3A_497 : vector<1x16xf32> to vector<16xf32>
        %mul3A_499 = arith.mulf %get3A_498, %broadcast_in_dim3A_492 : vector<16xf32>
        %add3A_500 = arith.constant 4 : i32
        %add3A_501 = arith.addi %mul3A_31, %add3A_500 : i32
        %swap3A_502 = arith.index_cast %add3A_501 : i32 to index
        %swap3A_503 = arith.constant 0 : index
        %swap3A_504 = tpu.vector_load %arg11[%swap3A_502, %swap3A_503] {strides = array<i32>} : memref<80x128xf32, #tpu.memory_space<vmem>>, vector<1x16xf32>,
        %swap3A_505 = vector.shape_cast %swap3A_504 : vector<1x16xf32> to vector<16xf32>
        %swap3A_506 = vector.shape_cast %mul3A_499 : vector<16xf32> to vector<1x16xf32>
        tpu.vector_store %arg11[%swap3A_502, %swap3A_503], %swap3A_506 {strides = array<i32>} : memref<80x128xf32, #tpu.memory_space<vmem>>, vector<1x16xf32>,
        %add3A_507 = arith.constant 4 : i32
        %add3A_508 = arith.addi %mul3A_31, %add3A_507 : i32
        %get3A_509 = arith.index_cast %add3A_508 : i32 to index
        %get3A_510 = arith.constant 16 : index
        %get3A_511 = tpu.vector_load %arg11[%get3A_509, %get3A_510] {strides = array<i32>} : memref<80x128xf32, #tpu.memory_space<vmem>>, vector<1x16xf32>,
        %get3A_512 = vector.shape_cast %get3A_511 : vector<1x16xf32> to vector<16xf32>
        %mul3A_513 = arith.mulf %get3A_512, %broadcast_in_dim3A_492 : vector<16xf32>
        %add3A_514 = arith.constant 4 : i32
        %add3A_515 = arith.addi %mul3A_31, %add3A_514 : i32
        %swap3A_516 = arith.index_cast %add3A_515 : i32 to index
        %swap3A_517 = arith.constant 16 : index
        %swap3A_518 = tpu.vector_load %arg11[%swap3A_516, %swap3A_517] {strides = array<i32>} : memref<80x128xf32, #tpu.memory_space<vmem>>, vector<1x16xf32>,
        %swap3A_519 = vector.shape_cast %swap3A_518 : vector<1x16xf32> to vector<16xf32>
        %swap3A_520 = vector.shape_cast %mul3A_513 : vector<16xf32> to vector<1x16xf32>
        tpu.vector_store %arg11[%swap3A_516, %swap3A_517], %swap3A_520 {strides = array<i32>} : memref<80x128xf32, #tpu.memory_space<vmem>>, vector<1x16xf32>,
        %add3A_521 = arith.constant 4 : i32
        %add3A_522 = arith.addi %mul3A_31, %add3A_521 : i32
        %get3A_523 = arith.index_cast %add3A_522 : i32 to index
        %get3A_524 = arith.constant 32 : index
        %get3A_525 = tpu.vector_load %arg11[%get3A_523, %get3A_524] {strides = array<i32>} : memref<80x128xf32, #tpu.memory_space<vmem>>, vector<1x16xf32>,
        %get3A_526 = vector.shape_cast %get3A_525 : vector<1x16xf32> to vector<16xf32>
        %mul3A_527 = arith.mulf %get3A_526, %broadcast_in_dim3A_492 : vector<16xf32>
        %add3A_528 = arith.constant 4 : i32
        %add3A_529 = arith.addi %mul3A_31, %add3A_528 : i32
        %swap3A_530 = arith.index_cast %add3A_529 : i32 to index
        %swap3A_531 = arith.constant 32 : index
        %swap3A_532 = tpu.vector_load %arg11[%swap3A_530, %swap3A_531] {strides = array<i32>} : memref<80x128xf32, #tpu.memory_space<vmem>>, vector<1x16xf32>,
        %swap3A_533 = vector.shape_cast %swap3A_532 : vector<1x16xf32> to vector<16xf32>
        %swap3A_534 = vector.shape_cast %mul3A_527 : vector<16xf32> to vector<1x16xf32>
        tpu.vector_store %arg11[%swap3A_530, %swap3A_531], %swap3A_534 {strides = array<i32>} : memref<80x128xf32, #tpu.memory_space<vmem>>, vector<1x16xf32>,
        %add3A_535 = arith.constant 4 : i32
        %add3A_536 = arith.addi %mul3A_31, %add3A_535 : i32
        %get3A_537 = arith.index_cast %add3A_536 : i32 to index
        %get3A_538 = arith.constant 48 : index
        %get3A_539 = tpu.vector_load %arg11[%get3A_537, %get3A_538] {strides = array<i32>} : memref<80x128xf32, #tpu.memory_space<vmem>>, vector<1x16xf32>,
        %get3A_540 = vector.shape_cast %get3A_539 : vector<1x16xf32> to vector<16xf32>
        %mul3A_541 = arith.mulf %get3A_540, %broadcast_in_dim3A_492 : vector<16xf32>
        %add3A_542 = arith.constant 4 : i32
        %add3A_543 = arith.addi %mul3A_31, %add3A_542 : i32
        %swap3A_544 = arith.index_cast %add3A_543 : i32 to index
        %swap3A_545 = arith.constant 48 : index
        %swap3A_546 = tpu.vector_load %arg11[%swap3A_544, %swap3A_545] {strides = array<i32>} : memref<80x128xf32, #tpu.memory_space<vmem>>, vector<1x16xf32>,
        %swap3A_547 = vector.shape_cast %swap3A_546 : vector<1x16xf32> to vector<16xf32>
        %swap3A_548 = vector.shape_cast %mul3A_541 : vector<16xf32> to vector<1x16xf32>
        tpu.vector_store %arg11[%swap3A_544, %swap3A_545], %swap3A_548 {strides = array<i32>} : memref<80x128xf32, #tpu.memory_space<vmem>>, vector<1x16xf32>,
        %add3A_549 = arith.constant 4 : i32
        %add3A_550 = arith.addi %mul3A_31, %add3A_549 : i32
        %get3A_551 = arith.index_cast %add3A_550 : i32 to index
        %get3A_552 = arith.constant 64 : index
        %get3A_553 = tpu.vector_load %arg11[%get3A_551, %get3A_552] {strides = array<i32>} : memref<80x128xf32, #tpu.memory_space<vmem>>, vector<1x16xf32>,
        %get3A_554 = vector.shape_cast %get3A_553 : vector<1x16xf32> to vector<16xf32>
        %mul3A_555 = arith.mulf %get3A_554, %broadcast_in_dim3A_492 : vector<16xf32>
        %add3A_556 = arith.constant 4 : i32
        %add3A_557 = arith.addi %mul3A_31, %add3A_556 : i32
        %swap3A_558 = arith.index_cast %add3A_557 : i32 to index
        %swap3A_559 = arith.constant 64 : index
        %swap3A_560 = tpu.vector_load %arg11[%swap3A_558, %swap3A_559] {strides = array<i32>} : memref<80x128xf32, #tpu.memory_space<vmem>>, vector<1x16xf32>,
        %swap3A_561 = vector.shape_cast %swap3A_560 : vector<1x16xf32> to vector<16xf32>
        %swap3A_562 = vector.shape_cast %mul3A_555 : vector<16xf32> to vector<1x16xf32>
        tpu.vector_store %arg11[%swap3A_558, %swap3A_559], %swap3A_562 {strides = array<i32>} : memref<80x128xf32, #tpu.memory_space<vmem>>, vector<1x16xf32>,
        %add3A_563 = arith.constant 4 : i32
        %add3A_564 = arith.addi %mul3A_31, %add3A_563 : i32
        %get3A_565 = arith.index_cast %add3A_564 : i32 to index
        %get3A_566 = arith.constant 80 : index
        %get3A_567 = tpu.vector_load %arg11[%get3A_565, %get3A_566] {strides = array<i32>} : memref<80x128xf32, #tpu.memory_space<vmem>>, vector<1x16xf32>,
        %get3A_568 = vector.shape_cast %get3A_567 : vector<1x16xf32> to vector<16xf32>
        %mul3A_569 = arith.mulf %get3A_568, %broadcast_in_dim3A_492 : vector<16xf32>
        %add3A_570 = arith.constant 4 : i32
        %add3A_571 = arith.addi %mul3A_31, %add3A_570 : i32
        %swap3A_572 = arith.index_cast %add3A_571 : i32 to index
        %swap3A_573 = arith.constant 80 : index
        %swap3A_574 = tpu.vector_load %arg11[%swap3A_572, %swap3A_573] {strides = array<i32>} : memref<80x128xf32, #tpu.memory_space<vmem>>, vector<1x16xf32>,
        %swap3A_575 = vector.shape_cast %swap3A_574 : vector<1x16xf32> to vector<16xf32>
        %swap3A_576 = vector.shape_cast %mul3A_569 : vector<16xf32> to vector<1x16xf32>
        tpu.vector_store %arg11[%swap3A_572, %swap3A_573], %swap3A_576 {strides = array<i32>} : memref<80x128xf32, #tpu.memory_space<vmem>>, vector<1x16xf32>,
        %add3A_577 = arith.constant 4 : i32
        %add3A_578 = arith.addi %mul3A_31, %add3A_577 : i32
        %get3A_579 = arith.index_cast %add3A_578 : i32 to index
        %get3A_580 = arith.constant 96 : index
        %get3A_581 = tpu.vector_load %arg11[%get3A_579, %get3A_580] {strides = array<i32>} : memref<80x128xf32, #tpu.memory_space<vmem>>, vector<1x16xf32>,
        %get3A_582 = vector.shape_cast %get3A_581 : vector<1x16xf32> to vector<16xf32>
        %mul3A_583 = arith.mulf %get3A_582, %broadcast_in_dim3A_492 : vector<16xf32>
        %add3A_584 = arith.constant 4 : i32
        %add3A_585 = arith.addi %mul3A_31, %add3A_584 : i32
        %swap3A_586 = arith.index_cast %add3A_585 : i32 to index
        %swap3A_587 = arith.constant 96 : index
        %swap3A_588 = tpu.vector_load %arg11[%swap3A_586, %swap3A_587] {strides = array<i32>} : memref<80x128xf32, #tpu.memory_space<vmem>>, vector<1x16xf32>,
        %swap3A_589 = vector.shape_cast %swap3A_588 : vector<1x16xf32> to vector<16xf32>
        %swap3A_590 = vector.shape_cast %mul3A_583 : vector<16xf32> to vector<1x16xf32>
        tpu.vector_store %arg11[%swap3A_586, %swap3A_587], %swap3A_590 {strides = array<i32>} : memref<80x128xf32, #tpu.memory_space<vmem>>, vector<1x16xf32>,
        %add3A_591 = arith.constant 4 : i32
        %add3A_592 = arith.addi %mul3A_31, %add3A_591 : i32
        %get3A_593 = arith.index_cast %add3A_592 : i32 to index
        %get3A_594 = arith.constant 112 : index
        %get3A_595 = tpu.vector_load %arg11[%get3A_593, %get3A_594] {strides = array<i32>} : memref<80x128xf32, #tpu.memory_space<vmem>>, vector<1x16xf32>,
        %get3A_596 = vector.shape_cast %get3A_595 : vector<1x16xf32> to vector<16xf32>
        %mul3A_597 = arith.mulf %get3A_596, %broadcast_in_dim3A_492 : vector<16xf32>
        %add3A_598 = arith.constant 4 : i32
        %add3A_599 = arith.addi %mul3A_31, %add3A_598 : i32
        %swap3A_600 = arith.index_cast %add3A_599 : i32 to index
        %swap3A_601 = arith.constant 112 : index
        %swap3A_602 = tpu.vector_load %arg11[%swap3A_600, %swap3A_601] {strides = array<i32>} : memref<80x128xf32, #tpu.memory_space<vmem>>, vector<1x16xf32>,
        %swap3A_603 = vector.shape_cast %swap3A_602 : vector<1x16xf32> to vector<16xf32>
        %swap3A_604 = vector.shape_cast %mul3A_597 : vector<16xf32> to vector<1x16xf32>
        tpu.vector_store %arg11[%swap3A_600, %swap3A_601], %swap3A_604 {strides = array<i32>} : memref<80x128xf32, #tpu.memory_space<vmem>>, vector<1x16xf32>,
        %slice3A_605 = vector.extract_strided_slice %get3A_33 {offsets = [5], sizes = [1], strides = [1]} : vector<16xf32> to vector<1xf32>
        %squeeze3A_606 = vector.extract %slice3A_605[0] : f32 from vector<1xf32>
        %broadcast_in_dim3A_607 = vector.broadcast %squeeze3A_606 : f32 to vector<16xf32>
        %add3A_608 = arith.constant 5 : i32
        %add3A_609 = arith.addi %mul3A_31, %add3A_608 : i32
        %get3A_610 = arith.index_cast %add3A_609 : i32 to index
        %get3A_611 = arith.constant 0 : index
        %get3A_612 = tpu.vector_load %arg11[%get3A_610, %get3A_611] {strides = array<i32>} : memref<80x128xf32, #tpu.memory_space<vmem>>, vector<1x16xf32>,
        %get3A_613 = vector.shape_cast %get3A_612 : vector<1x16xf32> to vector<16xf32>
        %mul3A_614 = arith.mulf %get3A_613, %broadcast_in_dim3A_607 : vector<16xf32>
        %add3A_615 = arith.constant 5 : i32
        %add3A_616 = arith.addi %mul3A_31, %add3A_615 : i32
        %swap3A_617 = arith.index_cast %add3A_616 : i32 to index
        %swap3A_618 = arith.constant 0 : index
        %swap3A_619 = tpu.vector_load %arg11[%swap3A_617, %swap3A_618] {strides = array<i32>} : memref<80x128xf32, #tpu.memory_space<vmem>>, vector<1x16xf32>,
        %swap3A_620 = vector.shape_cast %swap3A_619 : vector<1x16xf32> to vector<16xf32>
        %swap3A_621 = vector.shape_cast %mul3A_614 : vector<16xf32> to vector<1x16xf32>
        tpu.vector_store %arg11[%swap3A_617, %swap3A_618], %swap3A_621 {strides = array<i32>} : memref<80x128xf32, #tpu.memory_space<vmem>>, vector<1x16xf32>,
        %add3A_622 = arith.constant 5 : i32
        %add3A_623 = arith.addi %mul3A_31, %add3A_622 : i32
        %get3A_624 = arith.index_cast %add3A_623 : i32 to index
        %get3A_625 = arith.constant 16 : index
        %get3A_626 = tpu.vector_load %arg11[%get3A_624, %get3A_625] {strides = array<i32>} : memref<80x128xf32, #tpu.memory_space<vmem>>, vector<1x16xf32>,
        %get3A_627 = vector.shape_cast %get3A_626 : vector<1x16xf32> to vector<16xf32>
        %mul3A_628 = arith.mulf %get3A_627, %broadcast_in_dim3A_607 : vector<16xf32>
        %add3A_629 = arith.constant 5 : i32
        %add3A_630 = arith.addi %mul3A_31, %add3A_629 : i32
        %swap3A_631 = arith.index_cast %add3A_630 : i32 to index
        %swap3A_632 = arith.constant 16 : index
        %swap3A_633 = tpu.vector_load %arg11[%swap3A_631, %swap3A_632] {strides = array<i32>} : memref<80x128xf32, #tpu.memory_space<vmem>>, vector<1x16xf32>,
        %swap3A_634 = vector.shape_cast %swap3A_633 : vector<1x16xf32> to vector<16xf32>
        %swap3A_635 = vector.shape_cast %mul3A_628 : vector<16xf32> to vector<1x16xf32>
        tpu.vector_store %arg11[%swap3A_631, %swap3A_632], %swap3A_635 {strides = array<i32>} : memref<80x128xf32, #tpu.memory_space<vmem>>, vector<1x16xf32>,
        %add3A_636 = arith.constant 5 : i32
        %add3A_637 = arith.addi %mul3A_31, %add3A_636 : i32
        %get3A_638 = arith.index_cast %add3A_637 : i32 to index
        %get3A_639 = arith.constant 32 : index
        %get3A_640 = tpu.vector_load %arg11[%get3A_638, %get3A_639] {strides = array<i32>} : memref<80x128xf32, #tpu.memory_space<vmem>>, vector<1x16xf32>,
        %get3A_641 = vector.shape_cast %get3A_640 : vector<1x16xf32> to vector<16xf32>
        %mul3A_642 = arith.mulf %get3A_641, %broadcast_in_dim3A_607 : vector<16xf32>
        %add3A_643 = arith.constant 5 : i32
        %add3A_644 = arith.addi %mul3A_31, %add3A_643 : i32
        %swap3A_645 = arith.index_cast %add3A_644 : i32 to index
        %swap3A_646 = arith.constant 32 : index
        %swap3A_647 = tpu.vector_load %arg11[%swap3A_645, %swap3A_646] {strides = array<i32>} : memref<80x128xf32, #tpu.memory_space<vmem>>, vector<1x16xf32>,
        %swap3A_648 = vector.shape_cast %swap3A_647 : vector<1x16xf32> to vector<16xf32>
        %swap3A_649 = vector.shape_cast %mul3A_642 : vector<16xf32> to vector<1x16xf32>
        tpu.vector_store %arg11[%swap3A_645, %swap3A_646], %swap3A_649 {strides = array<i32>} : memref<80x128xf32, #tpu.memory_space<vmem>>, vector<1x16xf32>,
        %add3A_650 = arith.constant 5 : i32
        %add3A_651 = arith.addi %mul3A_31, %add3A_650 : i32
        %get3A_652 = arith.index_cast %add3A_651 : i32 to index
        %get3A_653 = arith.constant 48 : index
        %get3A_654 = tpu.vector_load %arg11[%get3A_652, %get3A_653] {strides = array<i32>} : memref<80x128xf32, #tpu.memory_space<vmem>>, vector<1x16xf32>,
        %get3A_655 = vector.shape_cast %get3A_654 : vector<1x16xf32> to vector<16xf32>
        %mul3A_656 = arith.mulf %get3A_655, %broadcast_in_dim3A_607 : vector<16xf32>
        %add3A_657 = arith.constant 5 : i32
        %add3A_658 = arith.addi %mul3A_31, %add3A_657 : i32
        %swap3A_659 = arith.index_cast %add3A_658 : i32 to index
        %swap3A_660 = arith.constant 48 : index
        %swap3A_661 = tpu.vector_load %arg11[%swap3A_659, %swap3A_660] {strides = array<i32>} : memref<80x128xf32, #tpu.memory_space<vmem>>, vector<1x16xf32>,
        %swap3A_662 = vector.shape_cast %swap3A_661 : vector<1x16xf32> to vector<16xf32>
        %swap3A_663 = vector.shape_cast %mul3A_656 : vector<16xf32> to vector<1x16xf32>
        tpu.vector_store %arg11[%swap3A_659, %swap3A_660], %swap3A_663 {strides = array<i32>} : memref<80x128xf32, #tpu.memory_space<vmem>>, vector<1x16xf32>,
        %add3A_664 = arith.constant 5 : i32
        %add3A_665 = arith.addi %mul3A_31, %add3A_664 : i32
        %get3A_666 = arith.index_cast %add3A_665 : i32 to index
        %get3A_667 = arith.constant 64 : index
        %get3A_668 = tpu.vector_load %arg11[%get3A_666, %get3A_667] {strides = array<i32>} : memref<80x128xf32, #tpu.memory_space<vmem>>, vector<1x16xf32>,
        %get3A_669 = vector.shape_cast %get3A_668 : vector<1x16xf32> to vector<16xf32>
        %mul3A_670 = arith.mulf %get3A_669, %broadcast_in_dim3A_607 : vector<16xf32>
        %add3A_671 = arith.constant 5 : i32
        %add3A_672 = arith.addi %mul3A_31, %add3A_671 : i32
        %swap3A_673 = arith.index_cast %add3A_672 : i32 to index
        %swap3A_674 = arith.constant 64 : index
        %swap3A_675 = tpu.vector_load %arg11[%swap3A_673, %swap3A_674] {strides = array<i32>} : memref<80x128xf32, #tpu.memory_space<vmem>>, vector<1x16xf32>,
        %swap3A_676 = vector.shape_cast %swap3A_675 : vector<1x16xf32> to vector<16xf32>
        %swap3A_677 = vector.shape_cast %mul3A_670 : vector<16xf32> to vector<1x16xf32>
        tpu.vector_store %arg11[%swap3A_673, %swap3A_674], %swap3A_677 {strides = array<i32>} : memref<80x128xf32, #tpu.memory_space<vmem>>, vector<1x16xf32>,
        %add3A_678 = arith.constant 5 : i32
        %add3A_679 = arith.addi %mul3A_31, %add3A_678 : i32
        %get3A_680 = arith.index_cast %add3A_679 : i32 to index
        %get3A_681 = arith.constant 80 : index
        %get3A_682 = tpu.vector_load %arg11[%get3A_680, %get3A_681] {strides = array<i32>} : memref<80x128xf32, #tpu.memory_space<vmem>>, vector<1x16xf32>,
        %get3A_683 = vector.shape_cast %get3A_682 : vector<1x16xf32> to vector<16xf32>
        %mul3A_684 = arith.mulf %get3A_683, %broadcast_in_dim3A_607 : vector<16xf32>
        %add3A_685 = arith.constant 5 : i32
        %add3A_686 = arith.addi %mul3A_31, %add3A_685 : i32
        %swap3A_687 = arith.index_cast %add3A_686 : i32 to index
        %swap3A_688 = arith.constant 80 : index
        %swap3A_689 = tpu.vector_load %arg11[%swap3A_687, %swap3A_688] {strides = array<i32>} : memref<80x128xf32, #tpu.memory_space<vmem>>, vector<1x16xf32>,
        %swap3A_690 = vector.shape_cast %swap3A_689 : vector<1x16xf32> to vector<16xf32>
        %swap3A_691 = vector.shape_cast %mul3A_684 : vector<16xf32> to vector<1x16xf32>
        tpu.vector_store %arg11[%swap3A_687, %swap3A_688], %swap3A_691 {strides = array<i32>} : memref<80x128xf32, #tpu.memory_space<vmem>>, vector<1x16xf32>,
        %add3A_692 = arith.constant 5 : i32
        %add3A_693 = arith.addi %mul3A_31, %add3A_692 : i32
        %get3A_694 = arith.index_cast %add3A_693 : i32 to index
        %get3A_695 = arith.constant 96 : index
        %get3A_696 = tpu.vector_load %arg11[%get3A_694, %get3A_695] {strides = array<i32>} : memref<80x128xf32, #tpu.memory_space<vmem>>, vector<1x16xf32>,
        %get3A_697 = vector.shape_cast %get3A_696 : vector<1x16xf32> to vector<16xf32>
        %mul3A_698 = arith.mulf %get3A_697, %broadcast_in_dim3A_607 : vector<16xf32>
        %add3A_699 = arith.constant 5 : i32
        %add3A_700 = arith.addi %mul3A_31, %add3A_699 : i32
        %swap3A_701 = arith.index_cast %add3A_700 : i32 to index
        %swap3A_702 = arith.constant 96 : index
        %swap3A_703 = tpu.vector_load %arg11[%swap3A_701, %swap3A_702] {strides = array<i32>} : memref<80x128xf32, #tpu.memory_space<vmem>>, vector<1x16xf32>,
        %swap3A_704 = vector.shape_cast %swap3A_703 : vector<1x16xf32> to vector<16xf32>
        %swap3A_705 = vector.shape_cast %mul3A_698 : vector<16xf32> to vector<1x16xf32>
        tpu.vector_store %arg11[%swap3A_701, %swap3A_702], %swap3A_705 {strides = array<i32>} : memref<80x128xf32, #tpu.memory_space<vmem>>, vector<1x16xf32>,
        %add3A_706 = arith.constant 5 : i32
        %add3A_707 = arith.addi %mul3A_31, %add3A_706 : i32
        %get3A_708 = arith.index_cast %add3A_707 : i32 to index
        %get3A_709 = arith.constant 112 : index
        %get3A_710 = tpu.vector_load %arg11[%get3A_708, %get3A_709] {strides = array<i32>} : memref<80x128xf32, #tpu.memory_space<vmem>>, vector<1x16xf32>,
        %get3A_711 = vector.shape_cast %get3A_710 : vector<1x16xf32> to vector<16xf32>
        %mul3A_712 = arith.mulf %get3A_711, %broadcast_in_dim3A_607 : vector<16xf32>
        %add3A_713 = arith.constant 5 : i32
        %add3A_714 = arith.addi %mul3A_31, %add3A_713 : i32
        %swap3A_715 = arith.index_cast %add3A_714 : i32 to index
        %swap3A_716 = arith.constant 112 : index
        %swap3A_717 = tpu.vector_load %arg11[%swap3A_715, %swap3A_716] {strides = array<i32>} : memref<80x128xf32, #tpu.memory_space<vmem>>, vector<1x16xf32>,
        %swap3A_718 = vector.shape_cast %swap3A_717 : vector<1x16xf32> to vector<16xf32>
        %swap3A_719 = vector.shape_cast %mul3A_712 : vector<16xf32> to vector<1x16xf32>
        tpu.vector_store %arg11[%swap3A_715, %swap3A_716], %swap3A_719 {strides = array<i32>} : memref<80x128xf32, #tpu.memory_space<vmem>>, vector<1x16xf32>,
        %slice3A_720 = vector.extract_strided_slice %get3A_33 {offsets = [6], sizes = [1], strides = [1]} : vector<16xf32> to vector<1xf32>
        %squeeze3A_721 = vector.extract %slice3A_720[0] : f32 from vector<1xf32>
        %broadcast_in_dim3A_722 = vector.broadcast %squeeze3A_721 : f32 to vector<16xf32>
        %add3A_723 = arith.constant 6 : i32
        %add3A_724 = arith.addi %mul3A_31, %add3A_723 : i32
        %get3A_725 = arith.index_cast %add3A_724 : i32 to index
        %get3A_726 = arith.constant 0 : index
        %get3A_727 = tpu.vector_load %arg11[%get3A_725, %get3A_726] {strides = array<i32>} : memref<80x128xf32, #tpu.memory_space<vmem>>, vector<1x16xf32>,
        %get3A_728 = vector.shape_cast %get3A_727 : vector<1x16xf32> to vector<16xf32>
        %mul3A_729 = arith.mulf %get3A_728, %broadcast_in_dim3A_722 : vector<16xf32>
        %add3A_730 = arith.constant 6 : i32
        %add3A_731 = arith.addi %mul3A_31, %add3A_730 : i32
        %swap3A_732 = arith.index_cast %add3A_731 : i32 to index
        %swap3A_733 = arith.constant 0 : index
        %swap3A_734 = tpu.vector_load %arg11[%swap3A_732, %swap3A_733] {strides = array<i32>} : memref<80x128xf32, #tpu.memory_space<vmem>>, vector<1x16xf32>,
        %swap3A_735 = vector.shape_cast %swap3A_734 : vector<1x16xf32> to vector<16xf32>
        %swap3A_736 = vector.shape_cast %mul3A_729 : vector<16xf32> to vector<1x16xf32>
        tpu.vector_store %arg11[%swap3A_732, %swap3A_733], %swap3A_736 {strides = array<i32>} : memref<80x128xf32, #tpu.memory_space<vmem>>, vector<1x16xf32>,
        %add3A_737 = arith.constant 6 : i32
        %add3A_738 = arith.addi %mul3A_31, %add3A_737 : i32
        %get3A_739 = arith.index_cast %add3A_738 : i32 to index
        %get3A_740 = arith.constant 16 : index
        %get3A_741 = tpu.vector_load %arg11[%get3A_739, %get3A_740] {strides = array<i32>} : memref<80x128xf32, #tpu.memory_space<vmem>>, vector<1x16xf32>,
        %get3A_742 = vector.shape_cast %get3A_741 : vector<1x16xf32> to vector<16xf32>
        %mul3A_743 = arith.mulf %get3A_742, %broadcast_in_dim3A_722 : vector<16xf32>
        %add3A_744 = arith.constant 6 : i32
        %add3A_745 = arith.addi %mul3A_31, %add3A_744 : i32
        %swap3A_746 = arith.index_cast %add3A_745 : i32 to index
        %swap3A_747 = arith.constant 16 : index
        %swap3A_748 = tpu.vector_load %arg11[%swap3A_746, %swap3A_747] {strides = array<i32>} : memref<80x128xf32, #tpu.memory_space<vmem>>, vector<1x16xf32>,
        %swap3A_749 = vector.shape_cast %swap3A_748 : vector<1x16xf32> to vector<16xf32>
        %swap3A_750 = vector.shape_cast %mul3A_743 : vector<16xf32> to vector<1x16xf32>
        tpu.vector_store %arg11[%swap3A_746, %swap3A_747], %swap3A_750 {strides = array<i32>} : memref<80x128xf32, #tpu.memory_space<vmem>>, vector<1x16xf32>,
        %add3A_751 = arith.constant 6 : i32
        %add3A_752 = arith.addi %mul3A_31, %add3A_751 : i32
        %get3A_753 = arith.index_cast %add3A_752 : i32 to index
        %get3A_754 = arith.constant 32 : index
        %get3A_755 = tpu.vector_load %arg11[%get3A_753, %get3A_754] {strides = array<i32>} : memref<80x128xf32, #tpu.memory_space<vmem>>, vector<1x16xf32>,
        %get3A_756 = vector.shape_cast %get3A_755 : vector<1x16xf32> to vector<16xf32>
        %mul3A_757 = arith.mulf %get3A_756, %broadcast_in_dim3A_722 : vector<16xf32>
        %add3A_758 = arith.constant 6 : i32
        %add3A_759 = arith.addi %mul3A_31, %add3A_758 : i32
        %swap3A_760 = arith.index_cast %add3A_759 : i32 to index
        %swap3A_761 = arith.constant 32 : index
        %swap3A_762 = tpu.vector_load %arg11[%swap3A_760, %swap3A_761] {strides = array<i32>} : memref<80x128xf32, #tpu.memory_space<vmem>>, vector<1x16xf32>,
        %swap3A_763 = vector.shape_cast %swap3A_762 : vector<1x16xf32> to vector<16xf32>
        %swap3A_764 = vector.shape_cast %mul3A_757 : vector<16xf32> to vector<1x16xf32>
        tpu.vector_store %arg11[%swap3A_760, %swap3A_761], %swap3A_764 {strides = array<i32>} : memref<80x128xf32, #tpu.memory_space<vmem>>, vector<1x16xf32>,
        %add3A_765 = arith.constant 6 : i32
        %add3A_766 = arith.addi %mul3A_31, %add3A_765 : i32
        %get3A_767 = arith.index_cast %add3A_766 : i32 to index
        %get3A_768 = arith.constant 48 : index
        %get3A_769 = tpu.vector_load %arg11[%get3A_767, %get3A_768] {strides = array<i32>} : memref<80x128xf32, #tpu.memory_space<vmem>>, vector<1x16xf32>,
        %get3A_770 = vector.shape_cast %get3A_769 : vector<1x16xf32> to vector<16xf32>
        %mul3A_771 = arith.mulf %get3A_770, %broadcast_in_dim3A_722 : vector<16xf32>
        %add3A_772 = arith.constant 6 : i32
        %add3A_773 = arith.addi %mul3A_31, %add3A_772 : i32
        %swap3A_774 = arith.index_cast %add3A_773 : i32 to index
        %swap3A_775 = arith.constant 48 : index
        %swap3A_776 = tpu.vector_load %arg11[%swap3A_774, %swap3A_775] {strides = array<i32>} : memref<80x128xf32, #tpu.memory_space<vmem>>, vector<1x16xf32>,
        %swap3A_777 = vector.shape_cast %swap3A_776 : vector<1x16xf32> to vector<16xf32>
        %swap3A_778 = vector.shape_cast %mul3A_771 : vector<16xf32> to vector<1x16xf32>
        tpu.vector_store %arg11[%swap3A_774, %swap3A_775], %swap3A_778 {strides = array<i32>} : memref<80x128xf32, #tpu.memory_space<vmem>>, vector<1x16xf32>,
        %add3A_779 = arith.constant 6 : i32
        %add3A_780 = arith.addi %mul3A_31, %add3A_779 : i32
        %get3A_781 = arith.index_cast %add3A_780 : i32 to index
        %get3A_782 = arith.constant 64 : index
        %get3A_783 = tpu.vector_load %arg11[%get3A_781, %get3A_782] {strides = array<i32>} : memref<80x128xf32, #tpu.memory_space<vmem>>, vector<1x16xf32>,
        %get3A_784 = vector.shape_cast %get3A_783 : vector<1x16xf32> to vector<16xf32>
        %mul3A_785 = arith.mulf %get3A_784, %broadcast_in_dim3A_722 : vector<16xf32>
        %add3A_786 = arith.constant 6 : i32
        %add3A_787 = arith.addi %mul3A_31, %add3A_786 : i32
        %swap3A_788 = arith.index_cast %add3A_787 : i32 to index
        %swap3A_789 = arith.constant 64 : index
        %swap3A_790 = tpu.vector_load %arg11[%swap3A_788, %swap3A_789] {strides = array<i32>} : memref<80x128xf32, #tpu.memory_space<vmem>>, vector<1x16xf32>,
        %swap3A_791 = vector.shape_cast %swap3A_790 : vector<1x16xf32> to vector<16xf32>
        %swap3A_792 = vector.shape_cast %mul3A_785 : vector<16xf32> to vector<1x16xf32>
        tpu.vector_store %arg11[%swap3A_788, %swap3A_789], %swap3A_792 {strides = array<i32>} : memref<80x128xf32, #tpu.memory_space<vmem>>, vector<1x16xf32>,
        %add3A_793 = arith.constant 6 : i32
        %add3A_794 = arith.addi %mul3A_31, %add3A_793 : i32
        %get3A_795 = arith.index_cast %add3A_794 : i32 to index
        %get3A_796 = arith.constant 80 : index
        %get3A_797 = tpu.vector_load %arg11[%get3A_795, %get3A_796] {strides = array<i32>} : memref<80x128xf32, #tpu.memory_space<vmem>>, vector<1x16xf32>,
        %get3A_798 = vector.shape_cast %get3A_797 : vector<1x16xf32> to vector<16xf32>
        %mul3A_799 = arith.mulf %get3A_798, %broadcast_in_dim3A_722 : vector<16xf32>
        %add3A_800 = arith.constant 6 : i32
        %add3A_801 = arith.addi %mul3A_31, %add3A_800 : i32
        %swap3A_802 = arith.index_cast %add3A_801 : i32 to index
        %swap3A_803 = arith.constant 80 : index
        %swap3A_804 = tpu.vector_load %arg11[%swap3A_802, %swap3A_803] {strides = array<i32>} : memref<80x128xf32, #tpu.memory_space<vmem>>, vector<1x16xf32>,
        %swap3A_805 = vector.shape_cast %swap3A_804 : vector<1x16xf32> to vector<16xf32>
        %swap3A_806 = vector.shape_cast %mul3A_799 : vector<16xf32> to vector<1x16xf32>
        tpu.vector_store %arg11[%swap3A_802, %swap3A_803], %swap3A_806 {strides = array<i32>} : memref<80x128xf32, #tpu.memory_space<vmem>>, vector<1x16xf32>,
        %add3A_807 = arith.constant 6 : i32
        %add3A_808 = arith.addi %mul3A_31, %add3A_807 : i32
        %get3A_809 = arith.index_cast %add3A_808 : i32 to index
        %get3A_810 = arith.constant 96 : index
        %get3A_811 = tpu.vector_load %arg11[%get3A_809, %get3A_810] {strides = array<i32>} : memref<80x128xf32, #tpu.memory_space<vmem>>, vector<1x16xf32>,
        %get3A_812 = vector.shape_cast %get3A_811 : vector<1x16xf32> to vector<16xf32>
        %mul3A_813 = arith.mulf %get3A_812, %broadcast_in_dim3A_722 : vector<16xf32>
        %add3A_814 = arith.constant 6 : i32
        %add3A_815 = arith.addi %mul3A_31, %add3A_814 : i32
        %swap3A_816 = arith.index_cast %add3A_815 : i32 to index
        %swap3A_817 = arith.constant 96 : index
        %swap3A_818 = tpu.vector_load %arg11[%swap3A_816, %swap3A_817] {strides = array<i32>} : memref<80x128xf32, #tpu.memory_space<vmem>>, vector<1x16xf32>,
        %swap3A_819 = vector.shape_cast %swap3A_818 : vector<1x16xf32> to vector<16xf32>
        %swap3A_820 = vector.shape_cast %mul3A_813 : vector<16xf32> to vector<1x16xf32>
        tpu.vector_store %arg11[%swap3A_816, %swap3A_817], %swap3A_820 {strides = array<i32>} : memref<80x128xf32, #tpu.memory_space<vmem>>, vector<1x16xf32>,
        %add3A_821 = arith.constant 6 : i32
        %add3A_822 = arith.addi %mul3A_31, %add3A_821 : i32
        %get3A_823 = arith.index_cast %add3A_822 : i32 to index
        %get3A_824 = arith.constant 112 : index
        %get3A_825 = tpu.vector_load %arg11[%get3A_823, %get3A_824] {strides = array<i32>} : memref<80x128xf32, #tpu.memory_space<vmem>>, vector<1x16xf32>,
        %get3A_826 = vector.shape_cast %get3A_825 : vector<1x16xf32> to vector<16xf32>
        %mul3A_827 = arith.mulf %get3A_826, %broadcast_in_dim3A_722 : vector<16xf32>
        %add3A_828 = arith.constant 6 : i32
        %add3A_829 = arith.addi %mul3A_31, %add3A_828 : i32
        %swap3A_830 = arith.index_cast %add3A_829 : i32 to index
        %swap3A_831 = arith.constant 112 : index
        %swap3A_832 = tpu.vector_load %arg11[%swap3A_830, %swap3A_831] {strides = array<i32>} : memref<80x128xf32, #tpu.memory_space<vmem>>, vector<1x16xf32>,
        %swap3A_833 = vector.shape_cast %swap3A_832 : vector<1x16xf32> to vector<16xf32>
        %swap3A_834 = vector.shape_cast %mul3A_827 : vector<16xf32> to vector<1x16xf32>
        tpu.vector_store %arg11[%swap3A_830, %swap3A_831], %swap3A_834 {strides = array<i32>} : memref<80x128xf32, #tpu.memory_space<vmem>>, vector<1x16xf32>,
        %slice3A_835 = vector.extract_strided_slice %get3A_33 {offsets = [7], sizes = [1], strides = [1]} : vector<16xf32> to vector<1xf32>
        %squeeze3A_836 = vector.extract %slice3A_835[0] : f32 from vector<1xf32>
        %broadcast_in_dim3A_837 = vector.broadcast %squeeze3A_836 : f32 to vector<16xf32>
        %add3A_838 = arith.constant 7 : i32
        %add3A_839 = arith.addi %mul3A_31, %add3A_838 : i32
        %get3A_840 = arith.index_cast %add3A_839 : i32 to index
        %get3A_841 = arith.constant 0 : index
        %get3A_842 = tpu.vector_load %arg11[%get3A_840, %get3A_841] {strides = array<i32>} : memref<80x128xf32, #tpu.memory_space<vmem>>, vector<1x16xf32>,
        %get3A_843 = vector.shape_cast %get3A_842 : vector<1x16xf32> to vector<16xf32>
        %mul3A_844 = arith.mulf %get3A_843, %broadcast_in_dim3A_837 : vector<16xf32>
        %add3A_845 = arith.constant 7 : i32
        %add3A_846 = arith.addi %mul3A_31, %add3A_845 : i32
        %swap3A_847 = arith.index_cast %add3A_846 : i32 to index
        %swap3A_848 = arith.constant 0 : index
        %swap3A_849 = tpu.vector_load %arg11[%swap3A_847, %swap3A_848] {strides = array<i32>} : memref<80x128xf32, #tpu.memory_space<vmem>>, vector<1x16xf32>,
        %swap3A_850 = vector.shape_cast %swap3A_849 : vector<1x16xf32> to vector<16xf32>
        %swap3A_851 = vector.shape_cast %mul3A_844 : vector<16xf32> to vector<1x16xf32>
        tpu.vector_store %arg11[%swap3A_847, %swap3A_848], %swap3A_851 {strides = array<i32>} : memref<80x128xf32, #tpu.memory_space<vmem>>, vector<1x16xf32>,
        %add3A_852 = arith.constant 7 : i32
        %add3A_853 = arith.addi %mul3A_31, %add3A_852 : i32
        %get3A_854 = arith.index_cast %add3A_853 : i32 to index
        %get3A_855 = arith.constant 16 : index
        %get3A_856 = tpu.vector_load %arg11[%get3A_854, %get3A_855] {strides = array<i32>} : memref<80x128xf32, #tpu.memory_space<vmem>>, vector<1x16xf32>,
        %get3A_857 = vector.shape_cast %get3A_856 : vector<1x16xf32> to vector<16xf32>
        %mul3A_858 = arith.mulf %get3A_857, %broadcast_in_dim3A_837 : vector<16xf32>
        %add3A_859 = arith.constant 7 : i32
        %add3A_860 = arith.addi %mul3A_31, %add3A_859 : i32
        %swap3A_861 = arith.index_cast %add3A_860 : i32 to index
        %swap3A_862 = arith.constant 16 : index
        %swap3A_863 = tpu.vector_load %arg11[%swap3A_861, %swap3A_862] {strides = array<i32>} : memref<80x128xf32, #tpu.memory_space<vmem>>, vector<1x16xf32>,
        %swap3A_864 = vector.shape_cast %swap3A_863 : vector<1x16xf32> to vector<16xf32>
        %swap3A_865 = vector.shape_cast %mul3A_858 : vector<16xf32> to vector<1x16xf32>
        tpu.vector_store %arg11[%swap3A_861, %swap3A_862], %swap3A_865 {strides = array<i32>} : memref<80x128xf32, #tpu.memory_space<vmem>>, vector<1x16xf32>,
        %add3A_866 = arith.constant 7 : i32
        %add3A_867 = arith.addi %mul3A_31, %add3A_866 : i32
        %get3A_868 = arith.index_cast %add3A_867 : i32 to index
        %get3A_869 = arith.constant 32 : index
        %get3A_870 = tpu.vector_load %arg11[%get3A_868, %get3A_869] {strides = array<i32>} : memref<80x128xf32, #tpu.memory_space<vmem>>, vector<1x16xf32>,
        %get3A_871 = vector.shape_cast %get3A_870 : vector<1x16xf32> to vector<16xf32>
        %mul3A_872 = arith.mulf %get3A_871, %broadcast_in_dim3A_837 : vector<16xf32>
        %add3A_873 = arith.constant 7 : i32
        %add3A_874 = arith.addi %mul3A_31, %add3A_873 : i32
        %swap3A_875 = arith.index_cast %add3A_874 : i32 to index
        %swap3A_876 = arith.constant 32 : index
        %swap3A_877 = tpu.vector_load %arg11[%swap3A_875, %swap3A_876] {strides = array<i32>} : memref<80x128xf32, #tpu.memory_space<vmem>>, vector<1x16xf32>,
        %swap3A_878 = vector.shape_cast %swap3A_877 : vector<1x16xf32> to vector<16xf32>
        %swap3A_879 = vector.shape_cast %mul3A_872 : vector<16xf32> to vector<1x16xf32>
        tpu.vector_store %arg11[%swap3A_875, %swap3A_876], %swap3A_879 {strides = array<i32>} : memref<80x128xf32, #tpu.memory_space<vmem>>, vector<1x16xf32>,
        %add3A_880 = arith.constant 7 : i32
        %add3A_881 = arith.addi %mul3A_31, %add3A_880 : i32
        %get3A_882 = arith.index_cast %add3A_881 : i32 to index
        %get3A_883 = arith.constant 48 : index
        %get3A_884 = tpu.vector_load %arg11[%get3A_882, %get3A_883] {strides = array<i32>} : memref<80x128xf32, #tpu.memory_space<vmem>>, vector<1x16xf32>,
        %get3A_885 = vector.shape_cast %get3A_884 : vector<1x16xf32> to vector<16xf32>
        %mul3A_886 = arith.mulf %get3A_885, %broadcast_in_dim3A_837 : vector<16xf32>
        %add3A_887 = arith.constant 7 : i32
        %add3A_888 = arith.addi %mul3A_31, %add3A_887 : i32
        %swap3A_889 = arith.index_cast %add3A_888 : i32 to index
        %swap3A_890 = arith.constant 48 : index
        %swap3A_891 = tpu.vector_load %arg11[%swap3A_889, %swap3A_890] {strides = array<i32>} : memref<80x128xf32, #tpu.memory_space<vmem>>, vector<1x16xf32>,
        %swap3A_892 = vector.shape_cast %swap3A_891 : vector<1x16xf32> to vector<16xf32>
        %swap3A_893 = vector.shape_cast %mul3A_886 : vector<16xf32> to vector<1x16xf32>
        tpu.vector_store %arg11[%swap3A_889, %swap3A_890], %swap3A_893 {strides = array<i32>} : memref<80x128xf32, #tpu.memory_space<vmem>>, vector<1x16xf32>,
        %add3A_894 = arith.constant 7 : i32
        %add3A_895 = arith.addi %mul3A_31, %add3A_894 : i32
        %get3A_896 = arith.index_cast %add3A_895 : i32 to index
        %get3A_897 = arith.constant 64 : index
        %get3A_898 = tpu.vector_load %arg11[%get3A_896, %get3A_897] {strides = array<i32>} : memref<80x128xf32, #tpu.memory_space<vmem>>, vector<1x16xf32>,
        %get3A_899 = vector.shape_cast %get3A_898 : vector<1x16xf32> to vector<16xf32>
        %mul3A_900 = arith.mulf %get3A_899, %broadcast_in_dim3A_837 : vector<16xf32>
        %add3A_901 = arith.constant 7 : i32
        %add3A_902 = arith.addi %mul3A_31, %add3A_901 : i32
        %swap3A_903 = arith.index_cast %add3A_902 : i32 to index
        %swap3A_904 = arith.constant 64 : index
        %swap3A_905 = tpu.vector_load %arg11[%swap3A_903, %swap3A_904] {strides = array<i32>} : memref<80x128xf32, #tpu.memory_space<vmem>>, vector<1x16xf32>,
        %swap3A_906 = vector.shape_cast %swap3A_905 : vector<1x16xf32> to vector<16xf32>
        %swap3A_907 = vector.shape_cast %mul3A_900 : vector<16xf32> to vector<1x16xf32>
        tpu.vector_store %arg11[%swap3A_903, %swap3A_904], %swap3A_907 {strides = array<i32>} : memref<80x128xf32, #tpu.memory_space<vmem>>, vector<1x16xf32>,
        %add3A_908 = arith.constant 7 : i32
        %add3A_909 = arith.addi %mul3A_31, %add3A_908 : i32
        %get3A_910 = arith.index_cast %add3A_909 : i32 to index
        %get3A_911 = arith.constant 80 : index
        %get3A_912 = tpu.vector_load %arg11[%get3A_910, %get3A_911] {strides = array<i32>} : memref<80x128xf32, #tpu.memory_space<vmem>>, vector<1x16xf32>,
        %get3A_913 = vector.shape_cast %get3A_912 : vector<1x16xf32> to vector<16xf32>
        %mul3A_914 = arith.mulf %get3A_913, %broadcast_in_dim3A_837 : vector<16xf32>
        %add3A_915 = arith.constant 7 : i32
        %add3A_916 = arith.addi %mul3A_31, %add3A_915 : i32
        %swap3A_917 = arith.index_cast %add3A_916 : i32 to index
        %swap3A_918 = arith.constant 80 : index
        %swap3A_919 = tpu.vector_load %arg11[%swap3A_917, %swap3A_918] {strides = array<i32>} : memref<80x128xf32, #tpu.memory_space<vmem>>, vector<1x16xf32>,
        %swap3A_920 = vector.shape_cast %swap3A_919 : vector<1x16xf32> to vector<16xf32>
        %swap3A_921 = vector.shape_cast %mul3A_914 : vector<16xf32> to vector<1x16xf32>
        tpu.vector_store %arg11[%swap3A_917, %swap3A_918], %swap3A_921 {strides = array<i32>} : memref<80x128xf32, #tpu.memory_space<vmem>>, vector<1x16xf32>,
        %add3A_922 = arith.constant 7 : i32
        %add3A_923 = arith.addi %mul3A_31, %add3A_922 : i32
        %get3A_924 = arith.index_cast %add3A_923 : i32 to index
        %get3A_925 = arith.constant 96 : index
        %get3A_926 = tpu.vector_load %arg11[%get3A_924, %get3A_925] {strides = array<i32>} : memref<80x128xf32, #tpu.memory_space<vmem>>, vector<1x16xf32>,
        %get3A_927 = vector.shape_cast %get3A_926 : vector<1x16xf32> to vector<16xf32>
        %mul3A_928 = arith.mulf %get3A_927, %broadcast_in_dim3A_837 : vector<16xf32>
        %add3A_929 = arith.constant 7 : i32
        %add3A_930 = arith.addi %mul3A_31, %add3A_929 : i32
        %swap3A_931 = arith.index_cast %add3A_930 : i32 to index
        %swap3A_932 = arith.constant 96 : index
        %swap3A_933 = tpu.vector_load %arg11[%swap3A_931, %swap3A_932] {strides = array<i32>} : memref<80x128xf32, #tpu.memory_space<vmem>>, vector<1x16xf32>,
        %swap3A_934 = vector.shape_cast %swap3A_933 : vector<1x16xf32> to vector<16xf32>
        %swap3A_935 = vector.shape_cast %mul3A_928 : vector<16xf32> to vector<1x16xf32>
        tpu.vector_store %arg11[%swap3A_931, %swap3A_932], %swap3A_935 {strides = array<i32>} : memref<80x128xf32, #tpu.memory_space<vmem>>, vector<1x16xf32>,
        %add3A_936 = arith.constant 7 : i32
        %add3A_937 = arith.addi %mul3A_31, %add3A_936 : i32
        %get3A_938 = arith.index_cast %add3A_937 : i32 to index
        %get3A_939 = arith.constant 112 : index
        %get3A_940 = tpu.vector_load %arg11[%get3A_938, %get3A_939] {strides = array<i32>} : memref<80x128xf32, #tpu.memory_space<vmem>>, vector<1x16xf32>,
        %get3A_941 = vector.shape_cast %get3A_940 : vector<1x16xf32> to vector<16xf32>
        %mul3A_942 = arith.mulf %get3A_941, %broadcast_in_dim3A_837 : vector<16xf32>
        %add3A_943 = arith.constant 7 : i32
        %add3A_944 = arith.addi %mul3A_31, %add3A_943 : i32
        %swap3A_945 = arith.index_cast %add3A_944 : i32 to index
        %swap3A_946 = arith.constant 112 : index
        %swap3A_947 = tpu.vector_load %arg11[%swap3A_945, %swap3A_946] {strides = array<i32>} : memref<80x128xf32, #tpu.memory_space<vmem>>, vector<1x16xf32>,
        %swap3A_948 = vector.shape_cast %swap3A_947 : vector<1x16xf32> to vector<16xf32>
        %swap3A_949 = vector.shape_cast %mul3A_942 : vector<16xf32> to vector<1x16xf32>
        tpu.vector_store %arg11[%swap3A_945, %swap3A_946], %swap3A_949 {strides = array<i32>} : memref<80x128xf32, #tpu.memory_space<vmem>>, vector<1x16xf32>,
        %slice3A_950 = vector.extract_strided_slice %get3A_33 {offsets = [8], sizes = [1], strides = [1]} : vector<16xf32> to vector<1xf32>
        %squeeze3A_951 = vector.extract %slice3A_950[0] : f32 from vector<1xf32>
        %broadcast_in_dim3A_952 = vector.broadcast %squeeze3A_951 : f32 to vector<16xf32>
        %add3A_953 = arith.constant 8 : i32
        %add3A_954 = arith.addi %mul3A_31, %add3A_953 : i32
        %get3A_955 = arith.index_cast %add3A_954 : i32 to index
        %get3A_956 = arith.constant 0 : index
        %get3A_957 = tpu.vector_load %arg11[%get3A_955, %get3A_956] {strides = array<i32>} : memref<80x128xf32, #tpu.memory_space<vmem>>, vector<1x16xf32>,
        %get3A_958 = vector.shape_cast %get3A_957 : vector<1x16xf32> to vector<16xf32>
        %mul3A_959 = arith.mulf %get3A_958, %broadcast_in_dim3A_952 : vector<16xf32>
        %add3A_960 = arith.constant 8 : i32
        %add3A_961 = arith.addi %mul3A_31, %add3A_960 : i32
        %swap3A_962 = arith.index_cast %add3A_961 : i32 to index
        %swap3A_963 = arith.constant 0 : index
        %swap3A_964 = tpu.vector_load %arg11[%swap3A_962, %swap3A_963] {strides = array<i32>} : memref<80x128xf32, #tpu.memory_space<vmem>>, vector<1x16xf32>,
        %swap3A_965 = vector.shape_cast %swap3A_964 : vector<1x16xf32> to vector<16xf32>
        %swap3A_966 = vector.shape_cast %mul3A_959 : vector<16xf32> to vector<1x16xf32>
        tpu.vector_store %arg11[%swap3A_962, %swap3A_963], %swap3A_966 {strides = array<i32>} : memref<80x128xf32, #tpu.memory_space<vmem>>, vector<1x16xf32>,
        %add3A_967 = arith.constant 8 : i32
        %add3A_968 = arith.addi %mul3A_31, %add3A_967 : i32
        %get3A_969 = arith.index_cast %add3A_968 : i32 to index
        %get3A_970 = arith.constant 16 : index
        %get3A_971 = tpu.vector_load %arg11[%get3A_969, %get3A_970] {strides = array<i32>} : memref<80x128xf32, #tpu.memory_space<vmem>>, vector<1x16xf32>,
        %get3A_972 = vector.shape_cast %get3A_971 : vector<1x16xf32> to vector<16xf32>
        %mul3A_973 = arith.mulf %get3A_972, %broadcast_in_dim3A_952 : vector<16xf32>
        %add3A_974 = arith.constant 8 : i32
        %add3A_975 = arith.addi %mul3A_31, %add3A_974 : i32
        %swap3A_976 = arith.index_cast %add3A_975 : i32 to index
        %swap3A_977 = arith.constant 16 : index
        %swap3A_978 = tpu.vector_load %arg11[%swap3A_976, %swap3A_977] {strides = array<i32>} : memref<80x128xf32, #tpu.memory_space<vmem>>, vector<1x16xf32>,
        %swap3A_979 = vector.shape_cast %swap3A_978 : vector<1x16xf32> to vector<16xf32>
        %swap3A_980 = vector.shape_cast %mul3A_973 : vector<16xf32> to vector<1x16xf32>
        tpu.vector_store %arg11[%swap3A_976, %swap3A_977], %swap3A_980 {strides = array<i32>} : memref<80x128xf32, #tpu.memory_space<vmem>>, vector<1x16xf32>,
        %add3A_981 = arith.constant 8 : i32
        %add3A_982 = arith.addi %mul3A_31, %add3A_981 : i32
        %get3A_983 = arith.index_cast %add3A_982 : i32 to index
        %get3A_984 = arith.constant 32 : index
        %get3A_985 = tpu.vector_load %arg11[%get3A_983, %get3A_984] {strides = array<i32>} : memref<80x128xf32, #tpu.memory_space<vmem>>, vector<1x16xf32>,
        %get3A_986 = vector.shape_cast %get3A_985 : vector<1x16xf32> to vector<16xf32>
        %mul3A_987 = arith.mulf %get3A_986, %broadcast_in_dim3A_952 : vector<16xf32>
        %add3A_988 = arith.constant 8 : i32
        %add3A_989 = arith.addi %mul3A_31, %add3A_988 : i32
        %swap3A_990 = arith.index_cast %add3A_989 : i32 to index
        %swap3A_991 = arith.constant 32 : index
        %swap3A_992 = tpu.vector_load %arg11[%swap3A_990, %swap3A_991] {strides = array<i32>} : memref<80x128xf32, #tpu.memory_space<vmem>>, vector<1x16xf32>,
        %swap3A_993 = vector.shape_cast %swap3A_992 : vector<1x16xf32> to vector<16xf32>
        %swap3A_994 = vector.shape_cast %mul3A_987 : vector<16xf32> to vector<1x16xf32>
        tpu.vector_store %arg11[%swap3A_990, %swap3A_991], %swap3A_994 {strides = array<i32>} : memref<80x128xf32, #tpu.memory_space<vmem>>, vector<1x16xf32>,
        %add3A_995 = arith.constant 8 : i32
        %add3A_996 = arith.addi %mul3A_31, %add3A_995 : i32
        %get3A_997 = arith.index_cast %add3A_996 : i32 to index
        %get3A_998 = arith.constant 48 : index
        %get3A_999 = tpu.vector_load %arg11[%get3A_997, %get3A_998] {strides = array<i32>} : memref<80x128xf32, #tpu.memory_space<vmem>>, vector<1x16xf32>,
        %get3A_1000 = vector.shape_cast %get3A_999 : vector<1x16xf32> to vector<16xf32>
        %mul3A_1001 = arith.mulf %get3A_1000, %broadcast_in_dim3A_952 : vector<16xf32>
        %add3A_1002 = arith.constant 8 : i32
        %add3A_1003 = arith.addi %mul3A_31, %add3A_1002 : i32
        %swap3A_1004 = arith.index_cast %add3A_1003 : i32 to index
        %swap3A_1005 = arith.constant 48 : index
        %swap3A_1006 = tpu.vector_load %arg11[%swap3A_1004, %swap3A_1005] {strides = array<i32>} : memref<80x128xf32, #tpu.memory_space<vmem>>, vector<1x16xf32>,
        %swap3A_1007 = vector.shape_cast %swap3A_1006 : vector<1x16xf32> to vector<16xf32>
        %swap3A_1008 = vector.shape_cast %mul3A_1001 : vector<16xf32> to vector<1x16xf32>
        tpu.vector_store %arg11[%swap3A_1004, %swap3A_1005], %swap3A_1008 {strides = array<i32>} : memref<80x128xf32, #tpu.memory_space<vmem>>, vector<1x16xf32>,
        %add3A_1009 = arith.constant 8 : i32
        %add3A_1010 = arith.addi %mul3A_31, %add3A_1009 : i32
        %get3A_1011 = arith.index_cast %add3A_1010 : i32 to index
        %get3A_1012 = arith.constant 64 : index
        %get3A_1013 = tpu.vector_load %arg11[%get3A_1011, %get3A_1012] {strides = array<i32>} : memref<80x128xf32, #tpu.memory_space<vmem>>, vector<1x16xf32>,
        %get3A_1014 = vector.shape_cast %get3A_1013 : vector<1x16xf32> to vector<16xf32>
        %mul3A_1015 = arith.mulf %get3A_1014, %broadcast_in_dim3A_952 : vector<16xf32>
        %add3A_1016 = arith.constant 8 : i32
        %add3A_1017 = arith.addi %mul3A_31, %add3A_1016 : i32
        %swap3A_1018 = arith.index_cast %add3A_1017 : i32 to index
        %swap3A_1019 = arith.constant 64 : index
        %swap3A_1020 = tpu.vector_load %arg11[%swap3A_1018, %swap3A_1019] {strides = array<i32>} : memref<80x128xf32, #tpu.memory_space<vmem>>, vector<1x16xf32>,
        %swap3A_1021 = vector.shape_cast %swap3A_1020 : vector<1x16xf32> to vector<16xf32>
        %swap3A_1022 = vector.shape_cast %mul3A_1015 : vector<16xf32> to vector<1x16xf32>
        tpu.vector_store %arg11[%swap3A_1018, %swap3A_1019], %swap3A_1022 {strides = array<i32>} : memref<80x128xf32, #tpu.memory_space<vmem>>, vector<1x16xf32>,
        %add3A_1023 = arith.constant 8 : i32
        %add3A_1024 = arith.addi %mul3A_31, %add3A_1023 : i32
        %get3A_1025 = arith.index_cast %add3A_1024 : i32 to index
        %get3A_1026 = arith.constant 80 : index
        %get3A_1027 = tpu.vector_load %arg11[%get3A_1025, %get3A_1026] {strides = array<i32>} : memref<80x128xf32, #tpu.memory_space<vmem>>, vector<1x16xf32>,
        %get3A_1028 = vector.shape_cast %get3A_1027 : vector<1x16xf32> to vector<16xf32>
        %mul3A_1029 = arith.mulf %get3A_1028, %broadcast_in_dim3A_952 : vector<16xf32>
        %add3A_1030 = arith.constant 8 : i32
        %add3A_1031 = arith.addi %mul3A_31, %add3A_1030 : i32
        %swap3A_1032 = arith.index_cast %add3A_1031 : i32 to index
        %swap3A_1033 = arith.constant 80 : index
        %swap3A_1034 = tpu.vector_load %arg11[%swap3A_1032, %swap3A_1033] {strides = array<i32>} : memref<80x128xf32, #tpu.memory_space<vmem>>, vector<1x16xf32>,
        %swap3A_1035 = vector.shape_cast %swap3A_1034 : vector<1x16xf32> to vector<16xf32>
        %swap3A_1036 = vector.shape_cast %mul3A_1029 : vector<16xf32> to vector<1x16xf32>
        tpu.vector_store %arg11[%swap3A_1032, %swap3A_1033], %swap3A_1036 {strides = array<i32>} : memref<80x128xf32, #tpu.memory_space<vmem>>, vector<1x16xf32>,
        %add3A_1037 = arith.constant 8 : i32
        %add3A_1038 = arith.addi %mul3A_31, %add3A_1037 : i32
        %get3A_1039 = arith.index_cast %add3A_1038 : i32 to index
        %get3A_1040 = arith.constant 96 : index
        %get3A_1041 = tpu.vector_load %arg11[%get3A_1039, %get3A_1040] {strides = array<i32>} : memref<80x128xf32, #tpu.memory_space<vmem>>, vector<1x16xf32>,
        %get3A_1042 = vector.shape_cast %get3A_1041 : vector<1x16xf32> to vector<16xf32>
        %mul3A_1043 = arith.mulf %get3A_1042, %broadcast_in_dim3A_952 : vector<16xf32>
        %add3A_1044 = arith.constant 8 : i32
        %add3A_1045 = arith.addi %mul3A_31, %add3A_1044 : i32
        %swap3A_1046 = arith.index_cast %add3A_1045 : i32 to index
        %swap3A_1047 = arith.constant 96 : index
        %swap3A_1048 = tpu.vector_load %arg11[%swap3A_1046, %swap3A_1047] {strides = array<i32>} : memref<80x128xf32, #tpu.memory_space<vmem>>, vector<1x16xf32>,
        %swap3A_1049 = vector.shape_cast %swap3A_1048 : vector<1x16xf32> to vector<16xf32>
        %swap3A_1050 = vector.shape_cast %mul3A_1043 : vector<16xf32> to vector<1x16xf32>
        tpu.vector_store %arg11[%swap3A_1046, %swap3A_1047], %swap3A_1050 {strides = array<i32>} : memref<80x128xf32, #tpu.memory_space<vmem>>, vector<1x16xf32>,
        %add3A_1051 = arith.constant 8 : i32
        %add3A_1052 = arith.addi %mul3A_31, %add3A_1051 : i32
        %get3A_1053 = arith.index_cast %add3A_1052 : i32 to index
        %get3A_1054 = arith.constant 112 : index
        %get3A_1055 = tpu.vector_load %arg11[%get3A_1053, %get3A_1054] {strides = array<i32>} : memref<80x128xf32, #tpu.memory_space<vmem>>, vector<1x16xf32>,
        %get3A_1056 = vector.shape_cast %get3A_1055 : vector<1x16xf32> to vector<16xf32>
        %mul3A_1057 = arith.mulf %get3A_1056, %broadcast_in_dim3A_952 : vector<16xf32>
        %add3A_1058 = arith.constant 8 : i32
        %add3A_1059 = arith.addi %mul3A_31, %add3A_1058 : i32
        %swap3A_1060 = arith.index_cast %add3A_1059 : i32 to index
        %swap3A_1061 = arith.constant 112 : index
        %swap3A_1062 = tpu.vector_load %arg11[%swap3A_1060, %swap3A_1061] {strides = array<i32>} : memref<80x128xf32, #tpu.memory_space<vmem>>, vector<1x16xf32>,
        %swap3A_1063 = vector.shape_cast %swap3A_1062 : vector<1x16xf32> to vector<16xf32>
        %swap3A_1064 = vector.shape_cast %mul3A_1057 : vector<16xf32> to vector<1x16xf32>
        tpu.vector_store %arg11[%swap3A_1060, %swap3A_1061], %swap3A_1064 {strides = array<i32>} : memref<80x128xf32, #tpu.memory_space<vmem>>, vector<1x16xf32>,
        %slice3A_1065 = vector.extract_strided_slice %get3A_33 {offsets = [9], sizes = [1], strides = [1]} : vector<16xf32> to vector<1xf32>
        %squeeze3A_1066 = vector.extract %slice3A_1065[0] : f32 from vector<1xf32>
        %broadcast_in_dim3A_1067 = vector.broadcast %squeeze3A_1066 : f32 to vector<16xf32>
        %add3A_1068 = arith.constant 9 : i32
        %add3A_1069 = arith.addi %mul3A_31, %add3A_1068 : i32
        %get3A_1070 = arith.index_cast %add3A_1069 : i32 to index
        %get3A_1071 = arith.constant 0 : index
        %get3A_1072 = tpu.vector_load %arg11[%get3A_1070, %get3A_1071] {strides = array<i32>} : memref<80x128xf32, #tpu.memory_space<vmem>>, vector<1x16xf32>,
        %get3A_1073 = vector.shape_cast %get3A_1072 : vector<1x16xf32> to vector<16xf32>
        %mul3A_1074 = arith.mulf %get3A_1073, %broadcast_in_dim3A_1067 : vector<16xf32>
        %add3A_1075 = arith.constant 9 : i32
        %add3A_1076 = arith.addi %mul3A_31, %add3A_1075 : i32
        %swap3A_1077 = arith.index_cast %add3A_1076 : i32 to index
        %swap3A_1078 = arith.constant 0 : index
        %swap3A_1079 = tpu.vector_load %arg11[%swap3A_1077, %swap3A_1078] {strides = array<i32>} : memref<80x128xf32, #tpu.memory_space<vmem>>, vector<1x16xf32>,
        %swap3A_1080 = vector.shape_cast %swap3A_1079 : vector<1x16xf32> to vector<16xf32>
        %swap3A_1081 = vector.shape_cast %mul3A_1074 : vector<16xf32> to vector<1x16xf32>
        tpu.vector_store %arg11[%swap3A_1077, %swap3A_1078], %swap3A_1081 {strides = array<i32>} : memref<80x128xf32, #tpu.memory_space<vmem>>, vector<1x16xf32>,
        %add3A_1082 = arith.constant 9 : i32
        %add3A_1083 = arith.addi %mul3A_31, %add3A_1082 : i32
        %get3A_1084 = arith.index_cast %add3A_1083 : i32 to index
        %get3A_1085 = arith.constant 16 : index
        %get3A_1086 = tpu.vector_load %arg11[%get3A_1084, %get3A_1085] {strides = array<i32>} : memref<80x128xf32, #tpu.memory_space<vmem>>, vector<1x16xf32>,
        %get3A_1087 = vector.shape_cast %get3A_1086 : vector<1x16xf32> to vector<16xf32>
        %mul3A_1088 = arith.mulf %get3A_1087, %broadcast_in_dim3A_1067 : vector<16xf32>
        %add3A_1089 = arith.constant 9 : i32
        %add3A_1090 = arith.addi %mul3A_31, %add3A_1089 : i32
        %swap3A_1091 = arith.index_cast %add3A_1090 : i32 to index
        %swap3A_1092 = arith.constant 16 : index
        %swap3A_1093 = tpu.vector_load %arg11[%swap3A_1091, %swap3A_1092] {strides = array<i32>} : memref<80x128xf32, #tpu.memory_space<vmem>>, vector<1x16xf32>,
        %swap3A_1094 = vector.shape_cast %swap3A_1093 : vector<1x16xf32> to vector<16xf32>
        %swap3A_1095 = vector.shape_cast %mul3A_1088 : vector<16xf32> to vector<1x16xf32>
        tpu.vector_store %arg11[%swap3A_1091, %swap3A_1092], %swap3A_1095 {strides = array<i32>} : memref<80x128xf32, #tpu.memory_space<vmem>>, vector<1x16xf32>,
        %add3A_1096 = arith.constant 9 : i32
        %add3A_1097 = arith.addi %mul3A_31, %add3A_1096 : i32
        %get3A_1098 = arith.index_cast %add3A_1097 : i32 to index
        %get3A_1099 = arith.constant 32 : index
        %get3A_1100 = tpu.vector_load %arg11[%get3A_1098, %get3A_1099] {strides = array<i32>} : memref<80x128xf32, #tpu.memory_space<vmem>>, vector<1x16xf32>,
        %get3A_1101 = vector.shape_cast %get3A_1100 : vector<1x16xf32> to vector<16xf32>
        %mul3A_1102 = arith.mulf %get3A_1101, %broadcast_in_dim3A_1067 : vector<16xf32>
        %add3A_1103 = arith.constant 9 : i32
        %add3A_1104 = arith.addi %mul3A_31, %add3A_1103 : i32
        %swap3A_1105 = arith.index_cast %add3A_1104 : i32 to index
        %swap3A_1106 = arith.constant 32 : index
        %swap3A_1107 = tpu.vector_load %arg11[%swap3A_1105, %swap3A_1106] {strides = array<i32>} : memref<80x128xf32, #tpu.memory_space<vmem>>, vector<1x16xf32>,
        %swap3A_1108 = vector.shape_cast %swap3A_1107 : vector<1x16xf32> to vector<16xf32>
        %swap3A_1109 = vector.shape_cast %mul3A_1102 : vector<16xf32> to vector<1x16xf32>
        tpu.vector_store %arg11[%swap3A_1105, %swap3A_1106], %swap3A_1109 {strides = array<i32>} : memref<80x128xf32, #tpu.memory_space<vmem>>, vector<1x16xf32>,
        %add3A_1110 = arith.constant 9 : i32
        %add3A_1111 = arith.addi %mul3A_31, %add3A_1110 : i32
        %get3A_1112 = arith.index_cast %add3A_1111 : i32 to index
        %get3A_1113 = arith.constant 48 : index
        %get3A_1114 = tpu.vector_load %arg11[%get3A_1112, %get3A_1113] {strides = array<i32>} : memref<80x128xf32, #tpu.memory_space<vmem>>, vector<1x16xf32>,
        %get3A_1115 = vector.shape_cast %get3A_1114 : vector<1x16xf32> to vector<16xf32>
        %mul3A_1116 = arith.mulf %get3A_1115, %broadcast_in_dim3A_1067 : vector<16xf32>
        %add3A_1117 = arith.constant 9 : i32
        %add3A_1118 = arith.addi %mul3A_31, %add3A_1117 : i32
        %swap3A_1119 = arith.index_cast %add3A_1118 : i32 to index
        %swap3A_1120 = arith.constant 48 : index
        %swap3A_1121 = tpu.vector_load %arg11[%swap3A_1119, %swap3A_1120] {strides = array<i32>} : memref<80x128xf32, #tpu.memory_space<vmem>>, vector<1x16xf32>,
        %swap3A_1122 = vector.shape_cast %swap3A_1121 : vector<1x16xf32> to vector<16xf32>
        %swap3A_1123 = vector.shape_cast %mul3A_1116 : vector<16xf32> to vector<1x16xf32>
        tpu.vector_store %arg11[%swap3A_1119, %swap3A_1120], %swap3A_1123 {strides = array<i32>} : memref<80x128xf32, #tpu.memory_space<vmem>>, vector<1x16xf32>,
        %add3A_1124 = arith.constant 9 : i32
        %add3A_1125 = arith.addi %mul3A_31, %add3A_1124 : i32
        %get3A_1126 = arith.index_cast %add3A_1125 : i32 to index
        %get3A_1127 = arith.constant 64 : index
        %get3A_1128 = tpu.vector_load %arg11[%get3A_1126, %get3A_1127] {strides = array<i32>} : memref<80x128xf32, #tpu.memory_space<vmem>>, vector<1x16xf32>,
        %get3A_1129 = vector.shape_cast %get3A_1128 : vector<1x16xf32> to vector<16xf32>
        %mul3A_1130 = arith.mulf %get3A_1129, %broadcast_in_dim3A_1067 : vector<16xf32>
        %add3A_1131 = arith.constant 9 : i32
        %add3A_1132 = arith.addi %mul3A_31, %add3A_1131 : i32
        %swap3A_1133 = arith.index_cast %add3A_1132 : i32 to index
        %swap3A_1134 = arith.constant 64 : index
        %swap3A_1135 = tpu.vector_load %arg11[%swap3A_1133, %swap3A_1134] {strides = array<i32>} : memref<80x128xf32, #tpu.memory_space<vmem>>, vector<1x16xf32>,
        %swap3A_1136 = vector.shape_cast %swap3A_1135 : vector<1x16xf32> to vector<16xf32>
        %swap3A_1137 = vector.shape_cast %mul3A_1130 : vector<16xf32> to vector<1x16xf32>
        tpu.vector_store %arg11[%swap3A_1133, %swap3A_1134], %swap3A_1137 {strides = array<i32>} : memref<80x128xf32, #tpu.memory_space<vmem>>, vector<1x16xf32>,
        %add3A_1138 = arith.constant 9 : i32
        %add3A_1139 = arith.addi %mul3A_31, %add3A_1138 : i32
        %get3A_1140 = arith.index_cast %add3A_1139 : i32 to index
        %get3A_1141 = arith.constant 80 : index
        %get3A_1142 = tpu.vector_load %arg11[%get3A_1140, %get3A_1141] {strides = array<i32>} : memref<80x128xf32, #tpu.memory_space<vmem>>, vector<1x16xf32>,
        %get3A_1143 = vector.shape_cast %get3A_1142 : vector<1x16xf32> to vector<16xf32>
        %mul3A_1144 = arith.mulf %get3A_1143, %broadcast_in_dim3A_1067 : vector<16xf32>
        %add3A_1145 = arith.constant 9 : i32
        %add3A_1146 = arith.addi %mul3A_31, %add3A_1145 : i32
        %swap3A_1147 = arith.index_cast %add3A_1146 : i32 to index
        %swap3A_1148 = arith.constant 80 : index
        %swap3A_1149 = tpu.vector_load %arg11[%swap3A_1147, %swap3A_1148] {strides = array<i32>} : memref<80x128xf32, #tpu.memory_space<vmem>>, vector<1x16xf32>,
        %swap3A_1150 = vector.shape_cast %swap3A_1149 : vector<1x16xf32> to vector<16xf32>
        %swap3A_1151 = vector.shape_cast %mul3A_1144 : vector<16xf32> to vector<1x16xf32>
        tpu.vector_store %arg11[%swap3A_1147, %swap3A_1148], %swap3A_1151 {strides = array<i32>} : memref<80x128xf32, #tpu.memory_space<vmem>>, vector<1x16xf32>,
        %add3A_1152 = arith.constant 9 : i32
        %add3A_1153 = arith.addi %mul3A_31, %add3A_1152 : i32
        %get3A_1154 = arith.index_cast %add3A_1153 : i32 to index
        %get3A_1155 = arith.constant 96 : index
        %get3A_1156 = tpu.vector_load %arg11[%get3A_1154, %get3A_1155] {strides = array<i32>} : memref<80x128xf32, #tpu.memory_space<vmem>>, vector<1x16xf32>,
        %get3A_1157 = vector.shape_cast %get3A_1156 : vector<1x16xf32> to vector<16xf32>
        %mul3A_1158 = arith.mulf %get3A_1157, %broadcast_in_dim3A_1067 : vector<16xf32>
        %add3A_1159 = arith.constant 9 : i32
        %add3A_1160 = arith.addi %mul3A_31, %add3A_1159 : i32
        %swap3A_1161 = arith.index_cast %add3A_1160 : i32 to index
        %swap3A_1162 = arith.constant 96 : index
        %swap3A_1163 = tpu.vector_load %arg11[%swap3A_1161, %swap3A_1162] {strides = array<i32>} : memref<80x128xf32, #tpu.memory_space<vmem>>, vector<1x16xf32>,
        %swap3A_1164 = vector.shape_cast %swap3A_1163 : vector<1x16xf32> to vector<16xf32>
        %swap3A_1165 = vector.shape_cast %mul3A_1158 : vector<16xf32> to vector<1x16xf32>
        tpu.vector_store %arg11[%swap3A_1161, %swap3A_1162], %swap3A_1165 {strides = array<i32>} : memref<80x128xf32, #tpu.memory_space<vmem>>, vector<1x16xf32>,
        %add3A_1166 = arith.constant 9 : i32
        %add3A_1167 = arith.addi %mul3A_31, %add3A_1166 : i32
        %get3A_1168 = arith.index_cast %add3A_1167 : i32 to index
        %get3A_1169 = arith.constant 112 : index
        %get3A_1170 = tpu.vector_load %arg11[%get3A_1168, %get3A_1169] {strides = array<i32>} : memref<80x128xf32, #tpu.memory_space<vmem>>, vector<1x16xf32>,
        %get3A_1171 = vector.shape_cast %get3A_1170 : vector<1x16xf32> to vector<16xf32>
        %mul3A_1172 = arith.mulf %get3A_1171, %broadcast_in_dim3A_1067 : vector<16xf32>
        %add3A_1173 = arith.constant 9 : i32
        %add3A_1174 = arith.addi %mul3A_31, %add3A_1173 : i32
        %swap3A_1175 = arith.index_cast %add3A_1174 : i32 to index
        %swap3A_1176 = arith.constant 112 : index
        %swap3A_1177 = tpu.vector_load %arg11[%swap3A_1175, %swap3A_1176] {strides = array<i32>} : memref<80x128xf32, #tpu.memory_space<vmem>>, vector<1x16xf32>,
        %swap3A_1178 = vector.shape_cast %swap3A_1177 : vector<1x16xf32> to vector<16xf32>
        %swap3A_1179 = vector.shape_cast %mul3A_1172 : vector<16xf32> to vector<1x16xf32>
        tpu.vector_store %arg11[%swap3A_1175, %swap3A_1176], %swap3A_1179 {strides = array<i32>} : memref<80x128xf32, #tpu.memory_space<vmem>>, vector<1x16xf32>,
        %slice3A_1180 = vector.extract_strided_slice %get3A_33 {offsets = [10], sizes = [1], strides = [1]} : vector<16xf32> to vector<1xf32>
        %squeeze3A_1181 = vector.extract %slice3A_1180[0] : f32 from vector<1xf32>
        %broadcast_in_dim3A_1182 = vector.broadcast %squeeze3A_1181 : f32 to vector<16xf32>
        %add3A_1183 = arith.constant 10 : i32
        %add3A_1184 = arith.addi %mul3A_31, %add3A_1183 : i32
        %get3A_1185 = arith.index_cast %add3A_1184 : i32 to index
        %get3A_1186 = arith.constant 0 : index
        %get3A_1187 = tpu.vector_load %arg11[%get3A_1185, %get3A_1186] {strides = array<i32>} : memref<80x128xf32, #tpu.memory_space<vmem>>, vector<1x16xf32>,
        %get3A_1188 = vector.shape_cast %get3A_1187 : vector<1x16xf32> to vector<16xf32>
        %mul3A_1189 = arith.mulf %get3A_1188, %broadcast_in_dim3A_1182 : vector<16xf32>
        %add3A_1190 = arith.constant 10 : i32
        %add3A_1191 = arith.addi %mul3A_31, %add3A_1190 : i32
        %swap3A_1192 = arith.index_cast %add3A_1191 : i32 to index
        %swap3A_1193 = arith.constant 0 : index
        %swap3A_1194 = tpu.vector_load %arg11[%swap3A_1192, %swap3A_1193] {strides = array<i32>} : memref<80x128xf32, #tpu.memory_space<vmem>>, vector<1x16xf32>,
        %swap3A_1195 = vector.shape_cast %swap3A_1194 : vector<1x16xf32> to vector<16xf32>
        %swap3A_1196 = vector.shape_cast %mul3A_1189 : vector<16xf32> to vector<1x16xf32>
        tpu.vector_store %arg11[%swap3A_1192, %swap3A_1193], %swap3A_1196 {strides = array<i32>} : memref<80x128xf32, #tpu.memory_space<vmem>>, vector<1x16xf32>,
        %add3A_1197 = arith.constant 10 : i32
        %add3A_1198 = arith.addi %mul3A_31, %add3A_1197 : i32
        %get3A_1199 = arith.index_cast %add3A_1198 : i32 to index
        %get3A_1200 = arith.constant 16 : index
        %get3A_1201 = tpu.vector_load %arg11[%get3A_1199, %get3A_1200] {strides = array<i32>} : memref<80x128xf32, #tpu.memory_space<vmem>>, vector<1x16xf32>,
        %get3A_1202 = vector.shape_cast %get3A_1201 : vector<1x16xf32> to vector<16xf32>
        %mul3A_1203 = arith.mulf %get3A_1202, %broadcast_in_dim3A_1182 : vector<16xf32>
        %add3A_1204 = arith.constant 10 : i32
        %add3A_1205 = arith.addi %mul3A_31, %add3A_1204 : i32
        %swap3A_1206 = arith.index_cast %add3A_1205 : i32 to index
        %swap3A_1207 = arith.constant 16 : index
        %swap3A_1208 = tpu.vector_load %arg11[%swap3A_1206, %swap3A_1207] {strides = array<i32>} : memref<80x128xf32, #tpu.memory_space<vmem>>, vector<1x16xf32>,
        %swap3A_1209 = vector.shape_cast %swap3A_1208 : vector<1x16xf32> to vector<16xf32>
        %swap3A_1210 = vector.shape_cast %mul3A_1203 : vector<16xf32> to vector<1x16xf32>
        tpu.vector_store %arg11[%swap3A_1206, %swap3A_1207], %swap3A_1210 {strides = array<i32>} : memref<80x128xf32, #tpu.memory_space<vmem>>, vector<1x16xf32>,
        %add3A_1211 = arith.constant 10 : i32
        %add3A_1212 = arith.addi %mul3A_31, %add3A_1211 : i32
        %get3A_1213 = arith.index_cast %add3A_1212 : i32 to index
        %get3A_1214 = arith.constant 32 : index
        %get3A_1215 = tpu.vector_load %arg11[%get3A_1213, %get3A_1214] {strides = array<i32>} : memref<80x128xf32, #tpu.memory_space<vmem>>, vector<1x16xf32>,
        %get3A_1216 = vector.shape_cast %get3A_1215 : vector<1x16xf32> to vector<16xf32>
        %mul3A_1217 = arith.mulf %get3A_1216, %broadcast_in_dim3A_1182 : vector<16xf32>
        %add3A_1218 = arith.constant 10 : i32
        %add3A_1219 = arith.addi %mul3A_31, %add3A_1218 : i32
        %swap3A_1220 = arith.index_cast %add3A_1219 : i32 to index
        %swap3A_1221 = arith.constant 32 : index
        %swap3A_1222 = tpu.vector_load %arg11[%swap3A_1220, %swap3A_1221] {strides = array<i32>} : memref<80x128xf32, #tpu.memory_space<vmem>>, vector<1x16xf32>,
        %swap3A_1223 = vector.shape_cast %swap3A_1222 : vector<1x16xf32> to vector<16xf32>
        %swap3A_1224 = vector.shape_cast %mul3A_1217 : vector<16xf32> to vector<1x16xf32>
        tpu.vector_store %arg11[%swap3A_1220, %swap3A_1221], %swap3A_1224 {strides = array<i32>} : memref<80x128xf32, #tpu.memory_space<vmem>>, vector<1x16xf32>,
        %add3A_1225 = arith.constant 10 : i32
        %add3A_1226 = arith.addi %mul3A_31, %add3A_1225 : i32
        %get3A_1227 = arith.index_cast %add3A_1226 : i32 to index
        %get3A_1228 = arith.constant 48 : index
        %get3A_1229 = tpu.vector_load %arg11[%get3A_1227, %get3A_1228] {strides = array<i32>} : memref<80x128xf32, #tpu.memory_space<vmem>>, vector<1x16xf32>,
        %get3A_1230 = vector.shape_cast %get3A_1229 : vector<1x16xf32> to vector<16xf32>
        %mul3A_1231 = arith.mulf %get3A_1230, %broadcast_in_dim3A_1182 : vector<16xf32>
        %add3A_1232 = arith.constant 10 : i32
        %add3A_1233 = arith.addi %mul3A_31, %add3A_1232 : i32
        %swap3A_1234 = arith.index_cast %add3A_1233 : i32 to index
        %swap3A_1235 = arith.constant 48 : index
        %swap3A_1236 = tpu.vector_load %arg11[%swap3A_1234, %swap3A_1235] {strides = array<i32>} : memref<80x128xf32, #tpu.memory_space<vmem>>, vector<1x16xf32>,
        %swap3A_1237 = vector.shape_cast %swap3A_1236 : vector<1x16xf32> to vector<16xf32>
        %swap3A_1238 = vector.shape_cast %mul3A_1231 : vector<16xf32> to vector<1x16xf32>
        tpu.vector_store %arg11[%swap3A_1234, %swap3A_1235], %swap3A_1238 {strides = array<i32>} : memref<80x128xf32, #tpu.memory_space<vmem>>, vector<1x16xf32>,
        %add3A_1239 = arith.constant 10 : i32
        %add3A_1240 = arith.addi %mul3A_31, %add3A_1239 : i32
        %get3A_1241 = arith.index_cast %add3A_1240 : i32 to index
        %get3A_1242 = arith.constant 64 : index
        %get3A_1243 = tpu.vector_load %arg11[%get3A_1241, %get3A_1242] {strides = array<i32>} : memref<80x128xf32, #tpu.memory_space<vmem>>, vector<1x16xf32>,
        %get3A_1244 = vector.shape_cast %get3A_1243 : vector<1x16xf32> to vector<16xf32>
        %mul3A_1245 = arith.mulf %get3A_1244, %broadcast_in_dim3A_1182 : vector<16xf32>
        %add3A_1246 = arith.constant 10 : i32
        %add3A_1247 = arith.addi %mul3A_31, %add3A_1246 : i32
        %swap3A_1248 = arith.index_cast %add3A_1247 : i32 to index
        %swap3A_1249 = arith.constant 64 : index
        %swap3A_1250 = tpu.vector_load %arg11[%swap3A_1248, %swap3A_1249] {strides = array<i32>} : memref<80x128xf32, #tpu.memory_space<vmem>>, vector<1x16xf32>,
        %swap3A_1251 = vector.shape_cast %swap3A_1250 : vector<1x16xf32> to vector<16xf32>
        %swap3A_1252 = vector.shape_cast %mul3A_1245 : vector<16xf32> to vector<1x16xf32>
        tpu.vector_store %arg11[%swap3A_1248, %swap3A_1249], %swap3A_1252 {strides = array<i32>} : memref<80x128xf32, #tpu.memory_space<vmem>>, vector<1x16xf32>,
        %add3A_1253 = arith.constant 10 : i32
        %add3A_1254 = arith.addi %mul3A_31, %add3A_1253 : i32
        %get3A_1255 = arith.index_cast %add3A_1254 : i32 to index
        %get3A_1256 = arith.constant 80 : index
        %get3A_1257 = tpu.vector_load %arg11[%get3A_1255, %get3A_1256] {strides = array<i32>} : memref<80x128xf32, #tpu.memory_space<vmem>>, vector<1x16xf32>,
        %get3A_1258 = vector.shape_cast %get3A_1257 : vector<1x16xf32> to vector<16xf32>
        %mul3A_1259 = arith.mulf %get3A_1258, %broadcast_in_dim3A_1182 : vector<16xf32>
        %add3A_1260 = arith.constant 10 : i32
        %add3A_1261 = arith.addi %mul3A_31, %add3A_1260 : i32
        %swap3A_1262 = arith.index_cast %add3A_1261 : i32 to index
        %swap3A_1263 = arith.constant 80 : index
        %swap3A_1264 = tpu.vector_load %arg11[%swap3A_1262, %swap3A_1263] {strides = array<i32>} : memref<80x128xf32, #tpu.memory_space<vmem>>, vector<1x16xf32>,
        %swap3A_1265 = vector.shape_cast %swap3A_1264 : vector<1x16xf32> to vector<16xf32>
        %swap3A_1266 = vector.shape_cast %mul3A_1259 : vector<16xf32> to vector<1x16xf32>
        tpu.vector_store %arg11[%swap3A_1262, %swap3A_1263], %swap3A_1266 {strides = array<i32>} : memref<80x128xf32, #tpu.memory_space<vmem>>, vector<1x16xf32>,
        %add3A_1267 = arith.constant 10 : i32
        %add3A_1268 = arith.addi %mul3A_31, %add3A_1267 : i32
        %get3A_1269 = arith.index_cast %add3A_1268 : i32 to index
        %get3A_1270 = arith.constant 96 : index
        %get3A_1271 = tpu.vector_load %arg11[%get3A_1269, %get3A_1270] {strides = array<i32>} : memref<80x128xf32, #tpu.memory_space<vmem>>, vector<1x16xf32>,
        %get3A_1272 = vector.shape_cast %get3A_1271 : vector<1x16xf32> to vector<16xf32>
        %mul3A_1273 = arith.mulf %get3A_1272, %broadcast_in_dim3A_1182 : vector<16xf32>
        %add3A_1274 = arith.constant 10 : i32
        %add3A_1275 = arith.addi %mul3A_31, %add3A_1274 : i32
        %swap3A_1276 = arith.index_cast %add3A_1275 : i32 to index
        %swap3A_1277 = arith.constant 96 : index
        %swap3A_1278 = tpu.vector_load %arg11[%swap3A_1276, %swap3A_1277] {strides = array<i32>} : memref<80x128xf32, #tpu.memory_space<vmem>>, vector<1x16xf32>,
        %swap3A_1279 = vector.shape_cast %swap3A_1278 : vector<1x16xf32> to vector<16xf32>
        %swap3A_1280 = vector.shape_cast %mul3A_1273 : vector<16xf32> to vector<1x16xf32>
        tpu.vector_store %arg11[%swap3A_1276, %swap3A_1277], %swap3A_1280 {strides = array<i32>} : memref<80x128xf32, #tpu.memory_space<vmem>>, vector<1x16xf32>,
        %add3A_1281 = arith.constant 10 : i32
        %add3A_1282 = arith.addi %mul3A_31, %add3A_1281 : i32
        %get3A_1283 = arith.index_cast %add3A_1282 : i32 to index
        %get3A_1284 = arith.constant 112 : index
        %get3A_1285 = tpu.vector_load %arg11[%get3A_1283, %get3A_1284] {strides = array<i32>} : memref<80x128xf32, #tpu.memory_space<vmem>>, vector<1x16xf32>,
        %get3A_1286 = vector.shape_cast %get3A_1285 : vector<1x16xf32> to vector<16xf32>
        %mul3A_1287 = arith.mulf %get3A_1286, %broadcast_in_dim3A_1182 : vector<16xf32>
        %add3A_1288 = arith.constant 10 : i32
        %add3A_1289 = arith.addi %mul3A_31, %add3A_1288 : i32
        %swap3A_1290 = arith.index_cast %add3A_1289 : i32 to index
        %swap3A_1291 = arith.constant 112 : index
        %swap3A_1292 = tpu.vector_load %arg11[%swap3A_1290, %swap3A_1291] {strides = array<i32>} : memref<80x128xf32, #tpu.memory_space<vmem>>, vector<1x16xf32>,
        %swap3A_1293 = vector.shape_cast %swap3A_1292 : vector<1x16xf32> to vector<16xf32>
        %swap3A_1294 = vector.shape_cast %mul3A_1287 : vector<16xf32> to vector<1x16xf32>
        tpu.vector_store %arg11[%swap3A_1290, %swap3A_1291], %swap3A_1294 {strides = array<i32>} : memref<80x128xf32, #tpu.memory_space<vmem>>, vector<1x16xf32>,
        %slice3A_1295 = vector.extract_strided_slice %get3A_33 {offsets = [11], sizes = [1], strides = [1]} : vector<16xf32> to vector<1xf32>
        %squeeze3A_1296 = vector.extract %slice3A_1295[0] : f32 from vector<1xf32>
        %broadcast_in_dim3A_1297 = vector.broadcast %squeeze3A_1296 : f32 to vector<16xf32>
        %add3A_1298 = arith.constant 11 : i32
        %add3A_1299 = arith.addi %mul3A_31, %add3A_1298 : i32
        %get3A_1300 = arith.index_cast %add3A_1299 : i32 to index
        %get3A_1301 = arith.constant 0 : index
        %get3A_1302 = tpu.vector_load %arg11[%get3A_1300, %get3A_1301] {strides = array<i32>} : memref<80x128xf32, #tpu.memory_space<vmem>>, vector<1x16xf32>,
        %get3A_1303 = vector.shape_cast %get3A_1302 : vector<1x16xf32> to vector<16xf32>
        %mul3A_1304 = arith.mulf %get3A_1303, %broadcast_in_dim3A_1297 : vector<16xf32>
        %add3A_1305 = arith.constant 11 : i32
        %add3A_1306 = arith.addi %mul3A_31, %add3A_1305 : i32
        %swap3A_1307 = arith.index_cast %add3A_1306 : i32 to index
        %swap3A_1308 = arith.constant 0 : index
        %swap3A_1309 = tpu.vector_load %arg11[%swap3A_1307, %swap3A_1308] {strides = array<i32>} : memref<80x128xf32, #tpu.memory_space<vmem>>, vector<1x16xf32>,
        %swap3A_1310 = vector.shape_cast %swap3A_1309 : vector<1x16xf32> to vector<16xf32>
        %swap3A_1311 = vector.shape_cast %mul3A_1304 : vector<16xf32> to vector<1x16xf32>
        tpu.vector_store %arg11[%swap3A_1307, %swap3A_1308], %swap3A_1311 {strides = array<i32>} : memref<80x128xf32, #tpu.memory_space<vmem>>, vector<1x16xf32>,
        %add3A_1312 = arith.constant 11 : i32
        %add3A_1313 = arith.addi %mul3A_31, %add3A_1312 : i32
        %get3A_1314 = arith.index_cast %add3A_1313 : i32 to index
        %get3A_1315 = arith.constant 16 : index
        %get3A_1316 = tpu.vector_load %arg11[%get3A_1314, %get3A_1315] {strides = array<i32>} : memref<80x128xf32, #tpu.memory_space<vmem>>, vector<1x16xf32>,
        %get3A_1317 = vector.shape_cast %get3A_1316 : vector<1x16xf32> to vector<16xf32>
        %mul3A_1318 = arith.mulf %get3A_1317, %broadcast_in_dim3A_1297 : vector<16xf32>
        %add3A_1319 = arith.constant 11 : i32
        %add3A_1320 = arith.addi %mul3A_31, %add3A_1319 : i32
        %swap3A_1321 = arith.index_cast %add3A_1320 : i32 to index
        %swap3A_1322 = arith.constant 16 : index
        %swap3A_1323 = tpu.vector_load %arg11[%swap3A_1321, %swap3A_1322] {strides = array<i32>} : memref<80x128xf32, #tpu.memory_space<vmem>>, vector<1x16xf32>,
        %swap3A_1324 = vector.shape_cast %swap3A_1323 : vector<1x16xf32> to vector<16xf32>
        %swap3A_1325 = vector.shape_cast %mul3A_1318 : vector<16xf32> to vector<1x16xf32>
        tpu.vector_store %arg11[%swap3A_1321, %swap3A_1322], %swap3A_1325 {strides = array<i32>} : memref<80x128xf32, #tpu.memory_space<vmem>>, vector<1x16xf32>,
        %add3A_1326 = arith.constant 11 : i32
        %add3A_1327 = arith.addi %mul3A_31, %add3A_1326 : i32
        %get3A_1328 = arith.index_cast %add3A_1327 : i32 to index
        %get3A_1329 = arith.constant 32 : index
        %get3A_1330 = tpu.vector_load %arg11[%get3A_1328, %get3A_1329] {strides = array<i32>} : memref<80x128xf32, #tpu.memory_space<vmem>>, vector<1x16xf32>,
        %get3A_1331 = vector.shape_cast %get3A_1330 : vector<1x16xf32> to vector<16xf32>
        %mul3A_1332 = arith.mulf %get3A_1331, %broadcast_in_dim3A_1297 : vector<16xf32>
        %add3A_1333 = arith.constant 11 : i32
        %add3A_1334 = arith.addi %mul3A_31, %add3A_1333 : i32
        %swap3A_1335 = arith.index_cast %add3A_1334 : i32 to index
        %swap3A_1336 = arith.constant 32 : index
        %swap3A_1337 = tpu.vector_load %arg11[%swap3A_1335, %swap3A_1336] {strides = array<i32>} : memref<80x128xf32, #tpu.memory_space<vmem>>, vector<1x16xf32>,
        %swap3A_1338 = vector.shape_cast %swap3A_1337 : vector<1x16xf32> to vector<16xf32>
        %swap3A_1339 = vector.shape_cast %mul3A_1332 : vector<16xf32> to vector<1x16xf32>
        tpu.vector_store %arg11[%swap3A_1335, %swap3A_1336], %swap3A_1339 {strides = array<i32>} : memref<80x128xf32, #tpu.memory_space<vmem>>, vector<1x16xf32>,
        %add3A_1340 = arith.constant 11 : i32
        %add3A_1341 = arith.addi %mul3A_31, %add3A_1340 : i32
        %get3A_1342 = arith.index_cast %add3A_1341 : i32 to index
        %get3A_1343 = arith.constant 48 : index
        %get3A_1344 = tpu.vector_load %arg11[%get3A_1342, %get3A_1343] {strides = array<i32>} : memref<80x128xf32, #tpu.memory_space<vmem>>, vector<1x16xf32>,
        %get3A_1345 = vector.shape_cast %get3A_1344 : vector<1x16xf32> to vector<16xf32>
        %mul3A_1346 = arith.mulf %get3A_1345, %broadcast_in_dim3A_1297 : vector<16xf32>
        %add3A_1347 = arith.constant 11 : i32
        %add3A_1348 = arith.addi %mul3A_31, %add3A_1347 : i32
        %swap3A_1349 = arith.index_cast %add3A_1348 : i32 to index
        %swap3A_1350 = arith.constant 48 : index
        %swap3A_1351 = tpu.vector_load %arg11[%swap3A_1349, %swap3A_1350] {strides = array<i32>} : memref<80x128xf32, #tpu.memory_space<vmem>>, vector<1x16xf32>,
        %swap3A_1352 = vector.shape_cast %swap3A_1351 : vector<1x16xf32> to vector<16xf32>
        %swap3A_1353 = vector.shape_cast %mul3A_1346 : vector<16xf32> to vector<1x16xf32>
        tpu.vector_store %arg11[%swap3A_1349, %swap3A_1350], %swap3A_1353 {strides = array<i32>} : memref<80x128xf32, #tpu.memory_space<vmem>>, vector<1x16xf32>,
        %add3A_1354 = arith.constant 11 : i32
        %add3A_1355 = arith.addi %mul3A_31, %add3A_1354 : i32
        %get3A_1356 = arith.index_cast %add3A_1355 : i32 to index
        %get3A_1357 = arith.constant 64 : index
        %get3A_1358 = tpu.vector_load %arg11[%get3A_1356, %get3A_1357] {strides = array<i32>} : memref<80x128xf32, #tpu.memory_space<vmem>>, vector<1x16xf32>,
        %get3A_1359 = vector.shape_cast %get3A_1358 : vector<1x16xf32> to vector<16xf32>
        %mul3A_1360 = arith.mulf %get3A_1359, %broadcast_in_dim3A_1297 : vector<16xf32>
        %add3A_1361 = arith.constant 11 : i32
        %add3A_1362 = arith.addi %mul3A_31, %add3A_1361 : i32
        %swap3A_1363 = arith.index_cast %add3A_1362 : i32 to index
        %swap3A_1364 = arith.constant 64 : index
        %swap3A_1365 = tpu.vector_load %arg11[%swap3A_1363, %swap3A_1364] {strides = array<i32>} : memref<80x128xf32, #tpu.memory_space<vmem>>, vector<1x16xf32>,
        %swap3A_1366 = vector.shape_cast %swap3A_1365 : vector<1x16xf32> to vector<16xf32>
        %swap3A_1367 = vector.shape_cast %mul3A_1360 : vector<16xf32> to vector<1x16xf32>
        tpu.vector_store %arg11[%swap3A_1363, %swap3A_1364], %swap3A_1367 {strides = array<i32>} : memref<80x128xf32, #tpu.memory_space<vmem>>, vector<1x16xf32>,
        %add3A_1368 = arith.constant 11 : i32
        %add3A_1369 = arith.addi %mul3A_31, %add3A_1368 : i32
        %get3A_1370 = arith.index_cast %add3A_1369 : i32 to index
        %get3A_1371 = arith.constant 80 : index
        %get3A_1372 = tpu.vector_load %arg11[%get3A_1370, %get3A_1371] {strides = array<i32>} : memref<80x128xf32, #tpu.memory_space<vmem>>, vector<1x16xf32>,
        %get3A_1373 = vector.shape_cast %get3A_1372 : vector<1x16xf32> to vector<16xf32>
        %mul3A_1374 = arith.mulf %get3A_1373, %broadcast_in_dim3A_1297 : vector<16xf32>
        %add3A_1375 = arith.constant 11 : i32
        %add3A_1376 = arith.addi %mul3A_31, %add3A_1375 : i32
        %swap3A_1377 = arith.index_cast %add3A_1376 : i32 to index
        %swap3A_1378 = arith.constant 80 : index
        %swap3A_1379 = tpu.vector_load %arg11[%swap3A_1377, %swap3A_1378] {strides = array<i32>} : memref<80x128xf32, #tpu.memory_space<vmem>>, vector<1x16xf32>,
        %swap3A_1380 = vector.shape_cast %swap3A_1379 : vector<1x16xf32> to vector<16xf32>
        %swap3A_1381 = vector.shape_cast %mul3A_1374 : vector<16xf32> to vector<1x16xf32>
        tpu.vector_store %arg11[%swap3A_1377, %swap3A_1378], %swap3A_1381 {strides = array<i32>} : memref<80x128xf32, #tpu.memory_space<vmem>>, vector<1x16xf32>,
        %add3A_1382 = arith.constant 11 : i32
        %add3A_1383 = arith.addi %mul3A_31, %add3A_1382 : i32
        %get3A_1384 = arith.index_cast %add3A_1383 : i32 to index
        %get3A_1385 = arith.constant 96 : index
        %get3A_1386 = tpu.vector_load %arg11[%get3A_1384, %get3A_1385] {strides = array<i32>} : memref<80x128xf32, #tpu.memory_space<vmem>>, vector<1x16xf32>,
        %get3A_1387 = vector.shape_cast %get3A_1386 : vector<1x16xf32> to vector<16xf32>
        %mul3A_1388 = arith.mulf %get3A_1387, %broadcast_in_dim3A_1297 : vector<16xf32>
        %add3A_1389 = arith.constant 11 : i32
        %add3A_1390 = arith.addi %mul3A_31, %add3A_1389 : i32
        %swap3A_1391 = arith.index_cast %add3A_1390 : i32 to index
        %swap3A_1392 = arith.constant 96 : index
        %swap3A_1393 = tpu.vector_load %arg11[%swap3A_1391, %swap3A_1392] {strides = array<i32>} : memref<80x128xf32, #tpu.memory_space<vmem>>, vector<1x16xf32>,
        %swap3A_1394 = vector.shape_cast %swap3A_1393 : vector<1x16xf32> to vector<16xf32>
        %swap3A_1395 = vector.shape_cast %mul3A_1388 : vector<16xf32> to vector<1x16xf32>
        tpu.vector_store %arg11[%swap3A_1391, %swap3A_1392], %swap3A_1395 {strides = array<i32>} : memref<80x128xf32, #tpu.memory_space<vmem>>, vector<1x16xf32>,
        %add3A_1396 = arith.constant 11 : i32
        %add3A_1397 = arith.addi %mul3A_31, %add3A_1396 : i32
        %get3A_1398 = arith.index_cast %add3A_1397 : i32 to index
        %get3A_1399 = arith.constant 112 : index
        %get3A_1400 = tpu.vector_load %arg11[%get3A_1398, %get3A_1399] {strides = array<i32>} : memref<80x128xf32, #tpu.memory_space<vmem>>, vector<1x16xf32>,
        %get3A_1401 = vector.shape_cast %get3A_1400 : vector<1x16xf32> to vector<16xf32>
        %mul3A_1402 = arith.mulf %get3A_1401, %broadcast_in_dim3A_1297 : vector<16xf32>
        %add3A_1403 = arith.constant 11 : i32
        %add3A_1404 = arith.addi %mul3A_31, %add3A_1403 : i32
        %swap3A_1405 = arith.index_cast %add3A_1404 : i32 to index
        %swap3A_1406 = arith.constant 112 : index
        %swap3A_1407 = tpu.vector_load %arg11[%swap3A_1405, %swap3A_1406] {strides = array<i32>} : memref<80x128xf32, #tpu.memory_space<vmem>>, vector<1x16xf32>,
        %swap3A_1408 = vector.shape_cast %swap3A_1407 : vector<1x16xf32> to vector<16xf32>
        %swap3A_1409 = vector.shape_cast %mul3A_1402 : vector<16xf32> to vector<1x16xf32>
        tpu.vector_store %arg11[%swap3A_1405, %swap3A_1406], %swap3A_1409 {strides = array<i32>} : memref<80x128xf32, #tpu.memory_space<vmem>>, vector<1x16xf32>,
        %slice3A_1410 = vector.extract_strided_slice %get3A_33 {offsets = [12], sizes = [1], strides = [1]} : vector<16xf32> to vector<1xf32>
        %squeeze3A_1411 = vector.extract %slice3A_1410[0] : f32 from vector<1xf32>
        %broadcast_in_dim3A_1412 = vector.broadcast %squeeze3A_1411 : f32 to vector<16xf32>
        %add3A_1413 = arith.constant 12 : i32
        %add3A_1414 = arith.addi %mul3A_31, %add3A_1413 : i32
        %get3A_1415 = arith.index_cast %add3A_1414 : i32 to index
        %get3A_1416 = arith.constant 0 : index
        %get3A_1417 = tpu.vector_load %arg11[%get3A_1415, %get3A_1416] {strides = array<i32>} : memref<80x128xf32, #tpu.memory_space<vmem>>, vector<1x16xf32>,
        %get3A_1418 = vector.shape_cast %get3A_1417 : vector<1x16xf32> to vector<16xf32>
        %mul3A_1419 = arith.mulf %get3A_1418, %broadcast_in_dim3A_1412 : vector<16xf32>
        %add3A_1420 = arith.constant 12 : i32
        %add3A_1421 = arith.addi %mul3A_31, %add3A_1420 : i32
        %swap3A_1422 = arith.index_cast %add3A_1421 : i32 to index
        %swap3A_1423 = arith.constant 0 : index
        %swap3A_1424 = tpu.vector_load %arg11[%swap3A_1422, %swap3A_1423] {strides = array<i32>} : memref<80x128xf32, #tpu.memory_space<vmem>>, vector<1x16xf32>,
        %swap3A_1425 = vector.shape_cast %swap3A_1424 : vector<1x16xf32> to vector<16xf32>
        %swap3A_1426 = vector.shape_cast %mul3A_1419 : vector<16xf32> to vector<1x16xf32>
        tpu.vector_store %arg11[%swap3A_1422, %swap3A_1423], %swap3A_1426 {strides = array<i32>} : memref<80x128xf32, #tpu.memory_space<vmem>>, vector<1x16xf32>,
        %add3A_1427 = arith.constant 12 : i32
        %add3A_1428 = arith.addi %mul3A_31, %add3A_1427 : i32
        %get3A_1429 = arith.index_cast %add3A_1428 : i32 to index
        %get3A_1430 = arith.constant 16 : index
        %get3A_1431 = tpu.vector_load %arg11[%get3A_1429, %get3A_1430] {strides = array<i32>} : memref<80x128xf32, #tpu.memory_space<vmem>>, vector<1x16xf32>,
        %get3A_1432 = vector.shape_cast %get3A_1431 : vector<1x16xf32> to vector<16xf32>
        %mul3A_1433 = arith.mulf %get3A_1432, %broadcast_in_dim3A_1412 : vector<16xf32>
        %add3A_1434 = arith.constant 12 : i32
        %add3A_1435 = arith.addi %mul3A_31, %add3A_1434 : i32
        %swap3A_1436 = arith.index_cast %add3A_1435 : i32 to index
        %swap3A_1437 = arith.constant 16 : index
        %swap3A_1438 = tpu.vector_load %arg11[%swap3A_1436, %swap3A_1437] {strides = array<i32>} : memref<80x128xf32, #tpu.memory_space<vmem>>, vector<1x16xf32>,
        %swap3A_1439 = vector.shape_cast %swap3A_1438 : vector<1x16xf32> to vector<16xf32>
        %swap3A_1440 = vector.shape_cast %mul3A_1433 : vector<16xf32> to vector<1x16xf32>
        tpu.vector_store %arg11[%swap3A_1436, %swap3A_1437], %swap3A_1440 {strides = array<i32>} : memref<80x128xf32, #tpu.memory_space<vmem>>, vector<1x16xf32>,
        %add3A_1441 = arith.constant 12 : i32
        %add3A_1442 = arith.addi %mul3A_31, %add3A_1441 : i32
        %get3A_1443 = arith.index_cast %add3A_1442 : i32 to index
        %get3A_1444 = arith.constant 32 : index
        %get3A_1445 = tpu.vector_load %arg11[%get3A_1443, %get3A_1444] {strides = array<i32>} : memref<80x128xf32, #tpu.memory_space<vmem>>, vector<1x16xf32>,
        %get3A_1446 = vector.shape_cast %get3A_1445 : vector<1x16xf32> to vector<16xf32>
        %mul3A_1447 = arith.mulf %get3A_1446, %broadcast_in_dim3A_1412 : vector<16xf32>
        %add3A_1448 = arith.constant 12 : i32
        %add3A_1449 = arith.addi %mul3A_31, %add3A_1448 : i32
        %swap3A_1450 = arith.index_cast %add3A_1449 : i32 to index
        %swap3A_1451 = arith.constant 32 : index
        %swap3A_1452 = tpu.vector_load %arg11[%swap3A_1450, %swap3A_1451] {strides = array<i32>} : memref<80x128xf32, #tpu.memory_space<vmem>>, vector<1x16xf32>,
        %swap3A_1453 = vector.shape_cast %swap3A_1452 : vector<1x16xf32> to vector<16xf32>
        %swap3A_1454 = vector.shape_cast %mul3A_1447 : vector<16xf32> to vector<1x16xf32>
        tpu.vector_store %arg11[%swap3A_1450, %swap3A_1451], %swap3A_1454 {strides = array<i32>} : memref<80x128xf32, #tpu.memory_space<vmem>>, vector<1x16xf32>,
        %add3A_1455 = arith.constant 12 : i32
        %add3A_1456 = arith.addi %mul3A_31, %add3A_1455 : i32
        %get3A_1457 = arith.index_cast %add3A_1456 : i32 to index
        %get3A_1458 = arith.constant 48 : index
        %get3A_1459 = tpu.vector_load %arg11[%get3A_1457, %get3A_1458] {strides = array<i32>} : memref<80x128xf32, #tpu.memory_space<vmem>>, vector<1x16xf32>,
        %get3A_1460 = vector.shape_cast %get3A_1459 : vector<1x16xf32> to vector<16xf32>
        %mul3A_1461 = arith.mulf %get3A_1460, %broadcast_in_dim3A_1412 : vector<16xf32>
        %add3A_1462 = arith.constant 12 : i32
        %add3A_1463 = arith.addi %mul3A_31, %add3A_1462 : i32
        %swap3A_1464 = arith.index_cast %add3A_1463 : i32 to index
        %swap3A_1465 = arith.constant 48 : index
        %swap3A_1466 = tpu.vector_load %arg11[%swap3A_1464, %swap3A_1465] {strides = array<i32>} : memref<80x128xf32, #tpu.memory_space<vmem>>, vector<1x16xf32>,
        %swap3A_1467 = vector.shape_cast %swap3A_1466 : vector<1x16xf32> to vector<16xf32>
        %swap3A_1468 = vector.shape_cast %mul3A_1461 : vector<16xf32> to vector<1x16xf32>
        tpu.vector_store %arg11[%swap3A_1464, %swap3A_1465], %swap3A_1468 {strides = array<i32>} : memref<80x128xf32, #tpu.memory_space<vmem>>, vector<1x16xf32>,
        %add3A_1469 = arith.constant 12 : i32
        %add3A_1470 = arith.addi %mul3A_31, %add3A_1469 : i32
        %get3A_1471 = arith.index_cast %add3A_1470 : i32 to index
        %get3A_1472 = arith.constant 64 : index
        %get3A_1473 = tpu.vector_load %arg11[%get3A_1471, %get3A_1472] {strides = array<i32>} : memref<80x128xf32, #tpu.memory_space<vmem>>, vector<1x16xf32>,
        %get3A_1474 = vector.shape_cast %get3A_1473 : vector<1x16xf32> to vector<16xf32>
        %mul3A_1475 = arith.mulf %get3A_1474, %broadcast_in_dim3A_1412 : vector<16xf32>
        %add3A_1476 = arith.constant 12 : i32
        %add3A_1477 = arith.addi %mul3A_31, %add3A_1476 : i32
        %swap3A_1478 = arith.index_cast %add3A_1477 : i32 to index
        %swap3A_1479 = arith.constant 64 : index
        %swap3A_1480 = tpu.vector_load %arg11[%swap3A_1478, %swap3A_1479] {strides = array<i32>} : memref<80x128xf32, #tpu.memory_space<vmem>>, vector<1x16xf32>,
        %swap3A_1481 = vector.shape_cast %swap3A_1480 : vector<1x16xf32> to vector<16xf32>
        %swap3A_1482 = vector.shape_cast %mul3A_1475 : vector<16xf32> to vector<1x16xf32>
        tpu.vector_store %arg11[%swap3A_1478, %swap3A_1479], %swap3A_1482 {strides = array<i32>} : memref<80x128xf32, #tpu.memory_space<vmem>>, vector<1x16xf32>,
        %add3A_1483 = arith.constant 12 : i32
        %add3A_1484 = arith.addi %mul3A_31, %add3A_1483 : i32
        %get3A_1485 = arith.index_cast %add3A_1484 : i32 to index
        %get3A_1486 = arith.constant 80 : index
        %get3A_1487 = tpu.vector_load %arg11[%get3A_1485, %get3A_1486] {strides = array<i32>} : memref<80x128xf32, #tpu.memory_space<vmem>>, vector<1x16xf32>,
        %get3A_1488 = vector.shape_cast %get3A_1487 : vector<1x16xf32> to vector<16xf32>
        %mul3A_1489 = arith.mulf %get3A_1488, %broadcast_in_dim3A_1412 : vector<16xf32>
        %add3A_1490 = arith.constant 12 : i32
        %add3A_1491 = arith.addi %mul3A_31, %add3A_1490 : i32
        %swap3A_1492 = arith.index_cast %add3A_1491 : i32 to index
        %swap3A_1493 = arith.constant 80 : index
        %swap3A_1494 = tpu.vector_load %arg11[%swap3A_1492, %swap3A_1493] {strides = array<i32>} : memref<80x128xf32, #tpu.memory_space<vmem>>, vector<1x16xf32>,
        %swap3A_1495 = vector.shape_cast %swap3A_1494 : vector<1x16xf32> to vector<16xf32>
        %swap3A_1496 = vector.shape_cast %mul3A_1489 : vector<16xf32> to vector<1x16xf32>
        tpu.vector_store %arg11[%swap3A_1492, %swap3A_1493], %swap3A_1496 {strides = array<i32>} : memref<80x128xf32, #tpu.memory_space<vmem>>, vector<1x16xf32>,
        %add3A_1497 = arith.constant 12 : i32
        %add3A_1498 = arith.addi %mul3A_31, %add3A_1497 : i32
        %get3A_1499 = arith.index_cast %add3A_1498 : i32 to index
        %get3A_1500 = arith.constant 96 : index
        %get3A_1501 = tpu.vector_load %arg11[%get3A_1499, %get3A_1500] {strides = array<i32>} : memref<80x128xf32, #tpu.memory_space<vmem>>, vector<1x16xf32>,
        %get3A_1502 = vector.shape_cast %get3A_1501 : vector<1x16xf32> to vector<16xf32>
        %mul3A_1503 = arith.mulf %get3A_1502, %broadcast_in_dim3A_1412 : vector<16xf32>
        %add3A_1504 = arith.constant 12 : i32
        %add3A_1505 = arith.addi %mul3A_31, %add3A_1504 : i32
        %swap3A_1506 = arith.index_cast %add3A_1505 : i32 to index
        %swap3A_1507 = arith.constant 96 : index
        %swap3A_1508 = tpu.vector_load %arg11[%swap3A_1506, %swap3A_1507] {strides = array<i32>} : memref<80x128xf32, #tpu.memory_space<vmem>>, vector<1x16xf32>,
        %swap3A_1509 = vector.shape_cast %swap3A_1508 : vector<1x16xf32> to vector<16xf32>
        %swap3A_1510 = vector.shape_cast %mul3A_1503 : vector<16xf32> to vector<1x16xf32>
        tpu.vector_store %arg11[%swap3A_1506, %swap3A_1507], %swap3A_1510 {strides = array<i32>} : memref<80x128xf32, #tpu.memory_space<vmem>>, vector<1x16xf32>,
        %add3A_1511 = arith.constant 12 : i32
        %add3A_1512 = arith.addi %mul3A_31, %add3A_1511 : i32
        %get3A_1513 = arith.index_cast %add3A_1512 : i32 to index
        %get3A_1514 = arith.constant 112 : index
        %get3A_1515 = tpu.vector_load %arg11[%get3A_1513, %get3A_1514] {strides = array<i32>} : memref<80x128xf32, #tpu.memory_space<vmem>>, vector<1x16xf32>,
        %get3A_1516 = vector.shape_cast %get3A_1515 : vector<1x16xf32> to vector<16xf32>
        %mul3A_1517 = arith.mulf %get3A_1516, %broadcast_in_dim3A_1412 : vector<16xf32>
        %add3A_1518 = arith.constant 12 : i32
        %add3A_1519 = arith.addi %mul3A_31, %add3A_1518 : i32
        %swap3A_1520 = arith.index_cast %add3A_1519 : i32 to index
        %swap3A_1521 = arith.constant 112 : index
        %swap3A_1522 = tpu.vector_load %arg11[%swap3A_1520, %swap3A_1521] {strides = array<i32>} : memref<80x128xf32, #tpu.memory_space<vmem>>, vector<1x16xf32>,
        %swap3A_1523 = vector.shape_cast %swap3A_1522 : vector<1x16xf32> to vector<16xf32>
        %swap3A_1524 = vector.shape_cast %mul3A_1517 : vector<16xf32> to vector<1x16xf32>
        tpu.vector_store %arg11[%swap3A_1520, %swap3A_1521], %swap3A_1524 {strides = array<i32>} : memref<80x128xf32, #tpu.memory_space<vmem>>, vector<1x16xf32>,
        %slice3A_1525 = vector.extract_strided_slice %get3A_33 {offsets = [13], sizes = [1], strides = [1]} : vector<16xf32> to vector<1xf32>
        %squeeze3A_1526 = vector.extract %slice3A_1525[0] : f32 from vector<1xf32>
        %broadcast_in_dim3A_1527 = vector.broadcast %squeeze3A_1526 : f32 to vector<16xf32>
        %add3A_1528 = arith.constant 13 : i32
        %add3A_1529 = arith.addi %mul3A_31, %add3A_1528 : i32
        %get3A_1530 = arith.index_cast %add3A_1529 : i32 to index
        %get3A_1531 = arith.constant 0 : index
        %get3A_1532 = tpu.vector_load %arg11[%get3A_1530, %get3A_1531] {strides = array<i32>} : memref<80x128xf32, #tpu.memory_space<vmem>>, vector<1x16xf32>,
        %get3A_1533 = vector.shape_cast %get3A_1532 : vector<1x16xf32> to vector<16xf32>
        %mul3A_1534 = arith.mulf %get3A_1533, %broadcast_in_dim3A_1527 : vector<16xf32>
        %add3A_1535 = arith.constant 13 : i32
        %add3A_1536 = arith.addi %mul3A_31, %add3A_1535 : i32
        %swap3A_1537 = arith.index_cast %add3A_1536 : i32 to index
        %swap3A_1538 = arith.constant 0 : index
        %swap3A_1539 = tpu.vector_load %arg11[%swap3A_1537, %swap3A_1538] {strides = array<i32>} : memref<80x128xf32, #tpu.memory_space<vmem>>, vector<1x16xf32>,
        %swap3A_1540 = vector.shape_cast %swap3A_1539 : vector<1x16xf32> to vector<16xf32>
        %swap3A_1541 = vector.shape_cast %mul3A_1534 : vector<16xf32> to vector<1x16xf32>
        tpu.vector_store %arg11[%swap3A_1537, %swap3A_1538], %swap3A_1541 {strides = array<i32>} : memref<80x128xf32, #tpu.memory_space<vmem>>, vector<1x16xf32>,
        %add3A_1542 = arith.constant 13 : i32
        %add3A_1543 = arith.addi %mul3A_31, %add3A_1542 : i32
        %get3A_1544 = arith.index_cast %add3A_1543 : i32 to index
        %get3A_1545 = arith.constant 16 : index
        %get3A_1546 = tpu.vector_load %arg11[%get3A_1544, %get3A_1545] {strides = array<i32>} : memref<80x128xf32, #tpu.memory_space<vmem>>, vector<1x16xf32>,
        %get3A_1547 = vector.shape_cast %get3A_1546 : vector<1x16xf32> to vector<16xf32>
        %mul3A_1548 = arith.mulf %get3A_1547, %broadcast_in_dim3A_1527 : vector<16xf32>
        %add3A_1549 = arith.constant 13 : i32
        %add3A_1550 = arith.addi %mul3A_31, %add3A_1549 : i32
        %swap3A_1551 = arith.index_cast %add3A_1550 : i32 to index
        %swap3A_1552 = arith.constant 16 : index
        %swap3A_1553 = tpu.vector_load %arg11[%swap3A_1551, %swap3A_1552] {strides = array<i32>} : memref<80x128xf32, #tpu.memory_space<vmem>>, vector<1x16xf32>,
        %swap3A_1554 = vector.shape_cast %swap3A_1553 : vector<1x16xf32> to vector<16xf32>
        %swap3A_1555 = vector.shape_cast %mul3A_1548 : vector<16xf32> to vector<1x16xf32>
        tpu.vector_store %arg11[%swap3A_1551, %swap3A_1552], %swap3A_1555 {strides = array<i32>} : memref<80x128xf32, #tpu.memory_space<vmem>>, vector<1x16xf32>,
        %add3A_1556 = arith.constant 13 : i32
        %add3A_1557 = arith.addi %mul3A_31, %add3A_1556 : i32
        %get3A_1558 = arith.index_cast %add3A_1557 : i32 to index
        %get3A_1559 = arith.constant 32 : index
        %get3A_1560 = tpu.vector_load %arg11[%get3A_1558, %get3A_1559] {strides = array<i32>} : memref<80x128xf32, #tpu.memory_space<vmem>>, vector<1x16xf32>,
        %get3A_1561 = vector.shape_cast %get3A_1560 : vector<1x16xf32> to vector<16xf32>
        %mul3A_1562 = arith.mulf %get3A_1561, %broadcast_in_dim3A_1527 : vector<16xf32>
        %add3A_1563 = arith.constant 13 : i32
        %add3A_1564 = arith.addi %mul3A_31, %add3A_1563 : i32
        %swap3A_1565 = arith.index_cast %add3A_1564 : i32 to index
        %swap3A_1566 = arith.constant 32 : index
        %swap3A_1567 = tpu.vector_load %arg11[%swap3A_1565, %swap3A_1566] {strides = array<i32>} : memref<80x128xf32, #tpu.memory_space<vmem>>, vector<1x16xf32>,
        %swap3A_1568 = vector.shape_cast %swap3A_1567 : vector<1x16xf32> to vector<16xf32>
        %swap3A_1569 = vector.shape_cast %mul3A_1562 : vector<16xf32> to vector<1x16xf32>
        tpu.vector_store %arg11[%swap3A_1565, %swap3A_1566], %swap3A_1569 {strides = array<i32>} : memref<80x128xf32, #tpu.memory_space<vmem>>, vector<1x16xf32>,
        %add3A_1570 = arith.constant 13 : i32
        %add3A_1571 = arith.addi %mul3A_31, %add3A_1570 : i32
        %get3A_1572 = arith.index_cast %add3A_1571 : i32 to index
        %get3A_1573 = arith.constant 48 : index
        %get3A_1574 = tpu.vector_load %arg11[%get3A_1572, %get3A_1573] {strides = array<i32>} : memref<80x128xf32, #tpu.memory_space<vmem>>, vector<1x16xf32>,
        %get3A_1575 = vector.shape_cast %get3A_1574 : vector<1x16xf32> to vector<16xf32>
        %mul3A_1576 = arith.mulf %get3A_1575, %broadcast_in_dim3A_1527 : vector<16xf32>
        %add3A_1577 = arith.constant 13 : i32
        %add3A_1578 = arith.addi %mul3A_31, %add3A_1577 : i32
        %swap3A_1579 = arith.index_cast %add3A_1578 : i32 to index
        %swap3A_1580 = arith.constant 48 : index
        %swap3A_1581 = tpu.vector_load %arg11[%swap3A_1579, %swap3A_1580] {strides = array<i32>} : memref<80x128xf32, #tpu.memory_space<vmem>>, vector<1x16xf32>,
        %swap3A_1582 = vector.shape_cast %swap3A_1581 : vector<1x16xf32> to vector<16xf32>
        %swap3A_1583 = vector.shape_cast %mul3A_1576 : vector<16xf32> to vector<1x16xf32>
        tpu.vector_store %arg11[%swap3A_1579, %swap3A_1580], %swap3A_1583 {strides = array<i32>} : memref<80x128xf32, #tpu.memory_space<vmem>>, vector<1x16xf32>,
        %add3A_1584 = arith.constant 13 : i32
        %add3A_1585 = arith.addi %mul3A_31, %add3A_1584 : i32
        %get3A_1586 = arith.index_cast %add3A_1585 : i32 to index
        %get3A_1587 = arith.constant 64 : index
        %get3A_1588 = tpu.vector_load %arg11[%get3A_1586, %get3A_1587] {strides = array<i32>} : memref<80x128xf32, #tpu.memory_space<vmem>>, vector<1x16xf32>,
        %get3A_1589 = vector.shape_cast %get3A_1588 : vector<1x16xf32> to vector<16xf32>
        %mul3A_1590 = arith.mulf %get3A_1589, %broadcast_in_dim3A_1527 : vector<16xf32>
        %add3A_1591 = arith.constant 13 : i32
        %add3A_1592 = arith.addi %mul3A_31, %add3A_1591 : i32
        %swap3A_1593 = arith.index_cast %add3A_1592 : i32 to index
        %swap3A_1594 = arith.constant 64 : index
        %swap3A_1595 = tpu.vector_load %arg11[%swap3A_1593, %swap3A_1594] {strides = array<i32>} : memref<80x128xf32, #tpu.memory_space<vmem>>, vector<1x16xf32>,
        %swap3A_1596 = vector.shape_cast %swap3A_1595 : vector<1x16xf32> to vector<16xf32>
        %swap3A_1597 = vector.shape_cast %mul3A_1590 : vector<16xf32> to vector<1x16xf32>
        tpu.vector_store %arg11[%swap3A_1593, %swap3A_1594], %swap3A_1597 {strides = array<i32>} : memref<80x128xf32, #tpu.memory_space<vmem>>, vector<1x16xf32>,
        %add3A_1598 = arith.constant 13 : i32
        %add3A_1599 = arith.addi %mul3A_31, %add3A_1598 : i32
        %get3A_1600 = arith.index_cast %add3A_1599 : i32 to index
        %get3A_1601 = arith.constant 80 : index
        %get3A_1602 = tpu.vector_load %arg11[%get3A_1600, %get3A_1601] {strides = array<i32>} : memref<80x128xf32, #tpu.memory_space<vmem>>, vector<1x16xf32>,
        %get3A_1603 = vector.shape_cast %get3A_1602 : vector<1x16xf32> to vector<16xf32>
        %mul3A_1604 = arith.mulf %get3A_1603, %broadcast_in_dim3A_1527 : vector<16xf32>
        %add3A_1605 = arith.constant 13 : i32
        %add3A_1606 = arith.addi %mul3A_31, %add3A_1605 : i32
        %swap3A_1607 = arith.index_cast %add3A_1606 : i32 to index
        %swap3A_1608 = arith.constant 80 : index
        %swap3A_1609 = tpu.vector_load %arg11[%swap3A_1607, %swap3A_1608] {strides = array<i32>} : memref<80x128xf32, #tpu.memory_space<vmem>>, vector<1x16xf32>,
        %swap3A_1610 = vector.shape_cast %swap3A_1609 : vector<1x16xf32> to vector<16xf32>
        %swap3A_1611 = vector.shape_cast %mul3A_1604 : vector<16xf32> to vector<1x16xf32>
        tpu.vector_store %arg11[%swap3A_1607, %swap3A_1608], %swap3A_1611 {strides = array<i32>} : memref<80x128xf32, #tpu.memory_space<vmem>>, vector<1x16xf32>,
        %add3A_1612 = arith.constant 13 : i32
        %add3A_1613 = arith.addi %mul3A_31, %add3A_1612 : i32
        %get3A_1614 = arith.index_cast %add3A_1613 : i32 to index
        %get3A_1615 = arith.constant 96 : index
        %get3A_1616 = tpu.vector_load %arg11[%get3A_1614, %get3A_1615] {strides = array<i32>} : memref<80x128xf32, #tpu.memory_space<vmem>>, vector<1x16xf32>,
        %get3A_1617 = vector.shape_cast %get3A_1616 : vector<1x16xf32> to vector<16xf32>
        %mul3A_1618 = arith.mulf %get3A_1617, %broadcast_in_dim3A_1527 : vector<16xf32>
        %add3A_1619 = arith.constant 13 : i32
        %add3A_1620 = arith.addi %mul3A_31, %add3A_1619 : i32
        %swap3A_1621 = arith.index_cast %add3A_1620 : i32 to index
        %swap3A_1622 = arith.constant 96 : index
        %swap3A_1623 = tpu.vector_load %arg11[%swap3A_1621, %swap3A_1622] {strides = array<i32>} : memref<80x128xf32, #tpu.memory_space<vmem>>, vector<1x16xf32>,
        %swap3A_1624 = vector.shape_cast %swap3A_1623 : vector<1x16xf32> to vector<16xf32>
        %swap3A_1625 = vector.shape_cast %mul3A_1618 : vector<16xf32> to vector<1x16xf32>
        tpu.vector_store %arg11[%swap3A_1621, %swap3A_1622], %swap3A_1625 {strides = array<i32>} : memref<80x128xf32, #tpu.memory_space<vmem>>, vector<1x16xf32>,
        %add3A_1626 = arith.constant 13 : i32
        %add3A_1627 = arith.addi %mul3A_31, %add3A_1626 : i32
        %get3A_1628 = arith.index_cast %add3A_1627 : i32 to index
        %get3A_1629 = arith.constant 112 : index
        %get3A_1630 = tpu.vector_load %arg11[%get3A_1628, %get3A_1629] {strides = array<i32>} : memref<80x128xf32, #tpu.memory_space<vmem>>, vector<1x16xf32>,
        %get3A_1631 = vector.shape_cast %get3A_1630 : vector<1x16xf32> to vector<16xf32>
        %mul3A_1632 = arith.mulf %get3A_1631, %broadcast_in_dim3A_1527 : vector<16xf32>
        %add3A_1633 = arith.constant 13 : i32
        %add3A_1634 = arith.addi %mul3A_31, %add3A_1633 : i32
        %swap3A_1635 = arith.index_cast %add3A_1634 : i32 to index
        %swap3A_1636 = arith.constant 112 : index
        %swap3A_1637 = tpu.vector_load %arg11[%swap3A_1635, %swap3A_1636] {strides = array<i32>} : memref<80x128xf32, #tpu.memory_space<vmem>>, vector<1x16xf32>,
        %swap3A_1638 = vector.shape_cast %swap3A_1637 : vector<1x16xf32> to vector<16xf32>
        %swap3A_1639 = vector.shape_cast %mul3A_1632 : vector<16xf32> to vector<1x16xf32>
        tpu.vector_store %arg11[%swap3A_1635, %swap3A_1636], %swap3A_1639 {strides = array<i32>} : memref<80x128xf32, #tpu.memory_space<vmem>>, vector<1x16xf32>,
        %slice3A_1640 = vector.extract_strided_slice %get3A_33 {offsets = [14], sizes = [1], strides = [1]} : vector<16xf32> to vector<1xf32>
        %squeeze3A_1641 = vector.extract %slice3A_1640[0] : f32 from vector<1xf32>
        %broadcast_in_dim3A_1642 = vector.broadcast %squeeze3A_1641 : f32 to vector<16xf32>
        %add3A_1643 = arith.constant 14 : i32
        %add3A_1644 = arith.addi %mul3A_31, %add3A_1643 : i32
        %get3A_1645 = arith.index_cast %add3A_1644 : i32 to index
        %get3A_1646 = arith.constant 0 : index
        %get3A_1647 = tpu.vector_load %arg11[%get3A_1645, %get3A_1646] {strides = array<i32>} : memref<80x128xf32, #tpu.memory_space<vmem>>, vector<1x16xf32>,
        %get3A_1648 = vector.shape_cast %get3A_1647 : vector<1x16xf32> to vector<16xf32>
        %mul3A_1649 = arith.mulf %get3A_1648, %broadcast_in_dim3A_1642 : vector<16xf32>
        %add3A_1650 = arith.constant 14 : i32
        %add3A_1651 = arith.addi %mul3A_31, %add3A_1650 : i32
        %swap3A_1652 = arith.index_cast %add3A_1651 : i32 to index
        %swap3A_1653 = arith.constant 0 : index
        %swap3A_1654 = tpu.vector_load %arg11[%swap3A_1652, %swap3A_1653] {strides = array<i32>} : memref<80x128xf32, #tpu.memory_space<vmem>>, vector<1x16xf32>,
        %swap3A_1655 = vector.shape_cast %swap3A_1654 : vector<1x16xf32> to vector<16xf32>
        %swap3A_1656 = vector.shape_cast %mul3A_1649 : vector<16xf32> to vector<1x16xf32>
        tpu.vector_store %arg11[%swap3A_1652, %swap3A_1653], %swap3A_1656 {strides = array<i32>} : memref<80x128xf32, #tpu.memory_space<vmem>>, vector<1x16xf32>,
        %add3A_1657 = arith.constant 14 : i32
        %add3A_1658 = arith.addi %mul3A_31, %add3A_1657 : i32
        %get3A_1659 = arith.index_cast %add3A_1658 : i32 to index
        %get3A_1660 = arith.constant 16 : index
        %get3A_1661 = tpu.vector_load %arg11[%get3A_1659, %get3A_1660] {strides = array<i32>} : memref<80x128xf32, #tpu.memory_space<vmem>>, vector<1x16xf32>,
        %get3A_1662 = vector.shape_cast %get3A_1661 : vector<1x16xf32> to vector<16xf32>
        %mul3A_1663 = arith.mulf %get3A_1662, %broadcast_in_dim3A_1642 : vector<16xf32>
        %add3A_1664 = arith.constant 14 : i32
        %add3A_1665 = arith.addi %mul3A_31, %add3A_1664 : i32
        %swap3A_1666 = arith.index_cast %add3A_1665 : i32 to index
        %swap3A_1667 = arith.constant 16 : index
        %swap3A_1668 = tpu.vector_load %arg11[%swap3A_1666, %swap3A_1667] {strides = array<i32>} : memref<80x128xf32, #tpu.memory_space<vmem>>, vector<1x16xf32>,
        %swap3A_1669 = vector.shape_cast %swap3A_1668 : vector<1x16xf32> to vector<16xf32>
        %swap3A_1670 = vector.shape_cast %mul3A_1663 : vector<16xf32> to vector<1x16xf32>
        tpu.vector_store %arg11[%swap3A_1666, %swap3A_1667], %swap3A_1670 {strides = array<i32>} : memref<80x128xf32, #tpu.memory_space<vmem>>, vector<1x16xf32>,
        %add3A_1671 = arith.constant 14 : i32
        %add3A_1672 = arith.addi %mul3A_31, %add3A_1671 : i32
        %get3A_1673 = arith.index_cast %add3A_1672 : i32 to index
        %get3A_1674 = arith.constant 32 : index
        %get3A_1675 = tpu.vector_load %arg11[%get3A_1673, %get3A_1674] {strides = array<i32>} : memref<80x128xf32, #tpu.memory_space<vmem>>, vector<1x16xf32>,
        %get3A_1676 = vector.shape_cast %get3A_1675 : vector<1x16xf32> to vector<16xf32>
        %mul3A_1677 = arith.mulf %get3A_1676, %broadcast_in_dim3A_1642 : vector<16xf32>
        %add3A_1678 = arith.constant 14 : i32
        %add3A_1679 = arith.addi %mul3A_31, %add3A_1678 : i32
        %swap3A_1680 = arith.index_cast %add3A_1679 : i32 to index
        %swap3A_1681 = arith.constant 32 : index
        %swap3A_1682 = tpu.vector_load %arg11[%swap3A_1680, %swap3A_1681] {strides = array<i32>} : memref<80x128xf32, #tpu.memory_space<vmem>>, vector<1x16xf32>,
        %swap3A_1683 = vector.shape_cast %swap3A_1682 : vector<1x16xf32> to vector<16xf32>
        %swap3A_1684 = vector.shape_cast %mul3A_1677 : vector<16xf32> to vector<1x16xf32>
        tpu.vector_store %arg11[%swap3A_1680, %swap3A_1681], %swap3A_1684 {strides = array<i32>} : memref<80x128xf32, #tpu.memory_space<vmem>>, vector<1x16xf32>,
        %add3A_1685 = arith.constant 14 : i32
        %add3A_1686 = arith.addi %mul3A_31, %add3A_1685 : i32
        %get3A_1687 = arith.index_cast %add3A_1686 : i32 to index
        %get3A_1688 = arith.constant 48 : index
        %get3A_1689 = tpu.vector_load %arg11[%get3A_1687, %get3A_1688] {strides = array<i32>} : memref<80x128xf32, #tpu.memory_space<vmem>>, vector<1x16xf32>,
        %get3A_1690 = vector.shape_cast %get3A_1689 : vector<1x16xf32> to vector<16xf32>
        %mul3A_1691 = arith.mulf %get3A_1690, %broadcast_in_dim3A_1642 : vector<16xf32>
        %add3A_1692 = arith.constant 14 : i32
        %add3A_1693 = arith.addi %mul3A_31, %add3A_1692 : i32
        %swap3A_1694 = arith.index_cast %add3A_1693 : i32 to index
        %swap3A_1695 = arith.constant 48 : index
        %swap3A_1696 = tpu.vector_load %arg11[%swap3A_1694, %swap3A_1695] {strides = array<i32>} : memref<80x128xf32, #tpu.memory_space<vmem>>, vector<1x16xf32>,
        %swap3A_1697 = vector.shape_cast %swap3A_1696 : vector<1x16xf32> to vector<16xf32>
        %swap3A_1698 = vector.shape_cast %mul3A_1691 : vector<16xf32> to vector<1x16xf32>
        tpu.vector_store %arg11[%swap3A_1694, %swap3A_1695], %swap3A_1698 {strides = array<i32>} : memref<80x128xf32, #tpu.memory_space<vmem>>, vector<1x16xf32>,
        %add3A_1699 = arith.constant 14 : i32
        %add3A_1700 = arith.addi %mul3A_31, %add3A_1699 : i32
        %get3A_1701 = arith.index_cast %add3A_1700 : i32 to index
        %get3A_1702 = arith.constant 64 : index
        %get3A_1703 = tpu.vector_load %arg11[%get3A_1701, %get3A_1702] {strides = array<i32>} : memref<80x128xf32, #tpu.memory_space<vmem>>, vector<1x16xf32>,
        %get3A_1704 = vector.shape_cast %get3A_1703 : vector<1x16xf32> to vector<16xf32>
        %mul3A_1705 = arith.mulf %get3A_1704, %broadcast_in_dim3A_1642 : vector<16xf32>
        %add3A_1706 = arith.constant 14 : i32
        %add3A_1707 = arith.addi %mul3A_31, %add3A_1706 : i32
        %swap3A_1708 = arith.index_cast %add3A_1707 : i32 to index
        %swap3A_1709 = arith.constant 64 : index
        %swap3A_1710 = tpu.vector_load %arg11[%swap3A_1708, %swap3A_1709] {strides = array<i32>} : memref<80x128xf32, #tpu.memory_space<vmem>>, vector<1x16xf32>,
        %swap3A_1711 = vector.shape_cast %swap3A_1710 : vector<1x16xf32> to vector<16xf32>
        %swap3A_1712 = vector.shape_cast %mul3A_1705 : vector<16xf32> to vector<1x16xf32>
        tpu.vector_store %arg11[%swap3A_1708, %swap3A_1709], %swap3A_1712 {strides = array<i32>} : memref<80x128xf32, #tpu.memory_space<vmem>>, vector<1x16xf32>,
        %add3A_1713 = arith.constant 14 : i32
        %add3A_1714 = arith.addi %mul3A_31, %add3A_1713 : i32
        %get3A_1715 = arith.index_cast %add3A_1714 : i32 to index
        %get3A_1716 = arith.constant 80 : index
        %get3A_1717 = tpu.vector_load %arg11[%get3A_1715, %get3A_1716] {strides = array<i32>} : memref<80x128xf32, #tpu.memory_space<vmem>>, vector<1x16xf32>,
        %get3A_1718 = vector.shape_cast %get3A_1717 : vector<1x16xf32> to vector<16xf32>
        %mul3A_1719 = arith.mulf %get3A_1718, %broadcast_in_dim3A_1642 : vector<16xf32>
        %add3A_1720 = arith.constant 14 : i32
        %add3A_1721 = arith.addi %mul3A_31, %add3A_1720 : i32
        %swap3A_1722 = arith.index_cast %add3A_1721 : i32 to index
        %swap3A_1723 = arith.constant 80 : index
        %swap3A_1724 = tpu.vector_load %arg11[%swap3A_1722, %swap3A_1723] {strides = array<i32>} : memref<80x128xf32, #tpu.memory_space<vmem>>, vector<1x16xf32>,
        %swap3A_1725 = vector.shape_cast %swap3A_1724 : vector<1x16xf32> to vector<16xf32>
        %swap3A_1726 = vector.shape_cast %mul3A_1719 : vector<16xf32> to vector<1x16xf32>
        tpu.vector_store %arg11[%swap3A_1722, %swap3A_1723], %swap3A_1726 {strides = array<i32>} : memref<80x128xf32, #tpu.memory_space<vmem>>, vector<1x16xf32>,
        %add3A_1727 = arith.constant 14 : i32
        %add3A_1728 = arith.addi %mul3A_31, %add3A_1727 : i32
        %get3A_1729 = arith.index_cast %add3A_1728 : i32 to index
        %get3A_1730 = arith.constant 96 : index
        %get3A_1731 = tpu.vector_load %arg11[%get3A_1729, %get3A_1730] {strides = array<i32>} : memref<80x128xf32, #tpu.memory_space<vmem>>, vector<1x16xf32>,
        %get3A_1732 = vector.shape_cast %get3A_1731 : vector<1x16xf32> to vector<16xf32>
        %mul3A_1733 = arith.mulf %get3A_1732, %broadcast_in_dim3A_1642 : vector<16xf32>
        %add3A_1734 = arith.constant 14 : i32
        %add3A_1735 = arith.addi %mul3A_31, %add3A_1734 : i32
        %swap3A_1736 = arith.index_cast %add3A_1735 : i32 to index
        %swap3A_1737 = arith.constant 96 : index
        %swap3A_1738 = tpu.vector_load %arg11[%swap3A_1736, %swap3A_1737] {strides = array<i32>} : memref<80x128xf32, #tpu.memory_space<vmem>>, vector<1x16xf32>,
        %swap3A_1739 = vector.shape_cast %swap3A_1738 : vector<1x16xf32> to vector<16xf32>
        %swap3A_1740 = vector.shape_cast %mul3A_1733 : vector<16xf32> to vector<1x16xf32>
        tpu.vector_store %arg11[%swap3A_1736, %swap3A_1737], %swap3A_1740 {strides = array<i32>} : memref<80x128xf32, #tpu.memory_space<vmem>>, vector<1x16xf32>,
        %add3A_1741 = arith.constant 14 : i32
        %add3A_1742 = arith.addi %mul3A_31, %add3A_1741 : i32
        %get3A_1743 = arith.index_cast %add3A_1742 : i32 to index
        %get3A_1744 = arith.constant 112 : index
        %get3A_1745 = tpu.vector_load %arg11[%get3A_1743, %get3A_1744] {strides = array<i32>} : memref<80x128xf32, #tpu.memory_space<vmem>>, vector<1x16xf32>,
        %get3A_1746 = vector.shape_cast %get3A_1745 : vector<1x16xf32> to vector<16xf32>
        %mul3A_1747 = arith.mulf %get3A_1746, %broadcast_in_dim3A_1642 : vector<16xf32>
        %add3A_1748 = arith.constant 14 : i32
        %add3A_1749 = arith.addi %mul3A_31, %add3A_1748 : i32
        %swap3A_1750 = arith.index_cast %add3A_1749 : i32 to index
        %swap3A_1751 = arith.constant 112 : index
        %swap3A_1752 = tpu.vector_load %arg11[%swap3A_1750, %swap3A_1751] {strides = array<i32>} : memref<80x128xf32, #tpu.memory_space<vmem>>, vector<1x16xf32>,
        %swap3A_1753 = vector.shape_cast %swap3A_1752 : vector<1x16xf32> to vector<16xf32>
        %swap3A_1754 = vector.shape_cast %mul3A_1747 : vector<16xf32> to vector<1x16xf32>
        tpu.vector_store %arg11[%swap3A_1750, %swap3A_1751], %swap3A_1754 {strides = array<i32>} : memref<80x128xf32, #tpu.memory_space<vmem>>, vector<1x16xf32>,
        %slice3A_1755 = vector.extract_strided_slice %get3A_33 {offsets = [15], sizes = [1], strides = [1]} : vector<16xf32> to vector<1xf32>
        %squeeze3A_1756 = vector.extract %slice3A_1755[0] : f32 from vector<1xf32>
        %broadcast_in_dim3A_1757 = vector.broadcast %squeeze3A_1756 : f32 to vector<16xf32>
        %add3A_1758 = arith.constant 15 : i32
        %add3A_1759 = arith.addi %mul3A_31, %add3A_1758 : i32
        %get3A_1760 = arith.index_cast %add3A_1759 : i32 to index
        %get3A_1761 = arith.constant 0 : index
        %get3A_1762 = tpu.vector_load %arg11[%get3A_1760, %get3A_1761] {strides = array<i32>} : memref<80x128xf32, #tpu.memory_space<vmem>>, vector<1x16xf32>,
        %get3A_1763 = vector.shape_cast %get3A_1762 : vector<1x16xf32> to vector<16xf32>
        %mul3A_1764 = arith.mulf %get3A_1763, %broadcast_in_dim3A_1757 : vector<16xf32>
        %add3A_1765 = arith.constant 15 : i32
        %add3A_1766 = arith.addi %mul3A_31, %add3A_1765 : i32
        %swap3A_1767 = arith.index_cast %add3A_1766 : i32 to index
        %swap3A_1768 = arith.constant 0 : index
        %swap3A_1769 = tpu.vector_load %arg11[%swap3A_1767, %swap3A_1768] {strides = array<i32>} : memref<80x128xf32, #tpu.memory_space<vmem>>, vector<1x16xf32>,
        %swap3A_1770 = vector.shape_cast %swap3A_1769 : vector<1x16xf32> to vector<16xf32>
        %swap3A_1771 = vector.shape_cast %mul3A_1764 : vector<16xf32> to vector<1x16xf32>
        tpu.vector_store %arg11[%swap3A_1767, %swap3A_1768], %swap3A_1771 {strides = array<i32>} : memref<80x128xf32, #tpu.memory_space<vmem>>, vector<1x16xf32>,
        %add3A_1772 = arith.constant 15 : i32
        %add3A_1773 = arith.addi %mul3A_31, %add3A_1772 : i32
        %get3A_1774 = arith.index_cast %add3A_1773 : i32 to index
        %get3A_1775 = arith.constant 16 : index
        %get3A_1776 = tpu.vector_load %arg11[%get3A_1774, %get3A_1775] {strides = array<i32>} : memref<80x128xf32, #tpu.memory_space<vmem>>, vector<1x16xf32>,
        %get3A_1777 = vector.shape_cast %get3A_1776 : vector<1x16xf32> to vector<16xf32>
        %mul3A_1778 = arith.mulf %get3A_1777, %broadcast_in_dim3A_1757 : vector<16xf32>
        %add3A_1779 = arith.constant 15 : i32
        %add3A_1780 = arith.addi %mul3A_31, %add3A_1779 : i32
        %swap3A_1781 = arith.index_cast %add3A_1780 : i32 to index
        %swap3A_1782 = arith.constant 16 : index
        %swap3A_1783 = tpu.vector_load %arg11[%swap3A_1781, %swap3A_1782] {strides = array<i32>} : memref<80x128xf32, #tpu.memory_space<vmem>>, vector<1x16xf32>,
        %swap3A_1784 = vector.shape_cast %swap3A_1783 : vector<1x16xf32> to vector<16xf32>
        %swap3A_1785 = vector.shape_cast %mul3A_1778 : vector<16xf32> to vector<1x16xf32>
        tpu.vector_store %arg11[%swap3A_1781, %swap3A_1782], %swap3A_1785 {strides = array<i32>} : memref<80x128xf32, #tpu.memory_space<vmem>>, vector<1x16xf32>,
        %add3A_1786 = arith.constant 15 : i32
        %add3A_1787 = arith.addi %mul3A_31, %add3A_1786 : i32
        %get3A_1788 = arith.index_cast %add3A_1787 : i32 to index
        %get3A_1789 = arith.constant 32 : index
        %get3A_1790 = tpu.vector_load %arg11[%get3A_1788, %get3A_1789] {strides = array<i32>} : memref<80x128xf32, #tpu.memory_space<vmem>>, vector<1x16xf32>,
        %get3A_1791 = vector.shape_cast %get3A_1790 : vector<1x16xf32> to vector<16xf32>
        %mul3A_1792 = arith.mulf %get3A_1791, %broadcast_in_dim3A_1757 : vector<16xf32>
        %add3A_1793 = arith.constant 15 : i32
        %add3A_1794 = arith.addi %mul3A_31, %add3A_1793 : i32
        %swap3A_1795 = arith.index_cast %add3A_1794 : i32 to index
        %swap3A_1796 = arith.constant 32 : index
        %swap3A_1797 = tpu.vector_load %arg11[%swap3A_1795, %swap3A_1796] {strides = array<i32>} : memref<80x128xf32, #tpu.memory_space<vmem>>, vector<1x16xf32>,
        %swap3A_1798 = vector.shape_cast %swap3A_1797 : vector<1x16xf32> to vector<16xf32>
        %swap3A_1799 = vector.shape_cast %mul3A_1792 : vector<16xf32> to vector<1x16xf32>
        tpu.vector_store %arg11[%swap3A_1795, %swap3A_1796], %swap3A_1799 {strides = array<i32>} : memref<80x128xf32, #tpu.memory_space<vmem>>, vector<1x16xf32>,
        %add3A_1800 = arith.constant 15 : i32
        %add3A_1801 = arith.addi %mul3A_31, %add3A_1800 : i32
        %get3A_1802 = arith.index_cast %add3A_1801 : i32 to index
        %get3A_1803 = arith.constant 48 : index
        %get3A_1804 = tpu.vector_load %arg11[%get3A_1802, %get3A_1803] {strides = array<i32>} : memref<80x128xf32, #tpu.memory_space<vmem>>, vector<1x16xf32>,
        %get3A_1805 = vector.shape_cast %get3A_1804 : vector<1x16xf32> to vector<16xf32>
        %mul3A_1806 = arith.mulf %get3A_1805, %broadcast_in_dim3A_1757 : vector<16xf32>
        %add3A_1807 = arith.constant 15 : i32
        %add3A_1808 = arith.addi %mul3A_31, %add3A_1807 : i32
        %swap3A_1809 = arith.index_cast %add3A_1808 : i32 to index
        %swap3A_1810 = arith.constant 48 : index
        %swap3A_1811 = tpu.vector_load %arg11[%swap3A_1809, %swap3A_1810] {strides = array<i32>} : memref<80x128xf32, #tpu.memory_space<vmem>>, vector<1x16xf32>,
        %swap3A_1812 = vector.shape_cast %swap3A_1811 : vector<1x16xf32> to vector<16xf32>
        %swap3A_1813 = vector.shape_cast %mul3A_1806 : vector<16xf32> to vector<1x16xf32>
        tpu.vector_store %arg11[%swap3A_1809, %swap3A_1810], %swap3A_1813 {strides = array<i32>} : memref<80x128xf32, #tpu.memory_space<vmem>>, vector<1x16xf32>,
        %add3A_1814 = arith.constant 15 : i32
        %add3A_1815 = arith.addi %mul3A_31, %add3A_1814 : i32
        %get3A_1816 = arith.index_cast %add3A_1815 : i32 to index
        %get3A_1817 = arith.constant 64 : index
        %get3A_1818 = tpu.vector_load %arg11[%get3A_1816, %get3A_1817] {strides = array<i32>} : memref<80x128xf32, #tpu.memory_space<vmem>>, vector<1x16xf32>,
        %get3A_1819 = vector.shape_cast %get3A_1818 : vector<1x16xf32> to vector<16xf32>
        %mul3A_1820 = arith.mulf %get3A_1819, %broadcast_in_dim3A_1757 : vector<16xf32>
        %add3A_1821 = arith.constant 15 : i32
        %add3A_1822 = arith.addi %mul3A_31, %add3A_1821 : i32
        %swap3A_1823 = arith.index_cast %add3A_1822 : i32 to index
        %swap3A_1824 = arith.constant 64 : index
        %swap3A_1825 = tpu.vector_load %arg11[%swap3A_1823, %swap3A_1824] {strides = array<i32>} : memref<80x128xf32, #tpu.memory_space<vmem>>, vector<1x16xf32>,
        %swap3A_1826 = vector.shape_cast %swap3A_1825 : vector<1x16xf32> to vector<16xf32>
        %swap3A_1827 = vector.shape_cast %mul3A_1820 : vector<16xf32> to vector<1x16xf32>
        tpu.vector_store %arg11[%swap3A_1823, %swap3A_1824], %swap3A_1827 {strides = array<i32>} : memref<80x128xf32, #tpu.memory_space<vmem>>, vector<1x16xf32>,
        %add3A_1828 = arith.constant 15 : i32
        %add3A_1829 = arith.addi %mul3A_31, %add3A_1828 : i32
        %get3A_1830 = arith.index_cast %add3A_1829 : i32 to index
        %get3A_1831 = arith.constant 80 : index
        %get3A_1832 = tpu.vector_load %arg11[%get3A_1830, %get3A_1831] {strides = array<i32>} : memref<80x128xf32, #tpu.memory_space<vmem>>, vector<1x16xf32>,
        %get3A_1833 = vector.shape_cast %get3A_1832 : vector<1x16xf32> to vector<16xf32>
        %mul3A_1834 = arith.mulf %get3A_1833, %broadcast_in_dim3A_1757 : vector<16xf32>
        %add3A_1835 = arith.constant 15 : i32
        %add3A_1836 = arith.addi %mul3A_31, %add3A_1835 : i32
        %swap3A_1837 = arith.index_cast %add3A_1836 : i32 to index
        %swap3A_1838 = arith.constant 80 : index
        %swap3A_1839 = tpu.vector_load %arg11[%swap3A_1837, %swap3A_1838] {strides = array<i32>} : memref<80x128xf32, #tpu.memory_space<vmem>>, vector<1x16xf32>,
        %swap3A_1840 = vector.shape_cast %swap3A_1839 : vector<1x16xf32> to vector<16xf32>
        %swap3A_1841 = vector.shape_cast %mul3A_1834 : vector<16xf32> to vector<1x16xf32>
        tpu.vector_store %arg11[%swap3A_1837, %swap3A_1838], %swap3A_1841 {strides = array<i32>} : memref<80x128xf32, #tpu.memory_space<vmem>>, vector<1x16xf32>,
        %add3A_1842 = arith.constant 15 : i32
        %add3A_1843 = arith.addi %mul3A_31, %add3A_1842 : i32
        %get3A_1844 = arith.index_cast %add3A_1843 : i32 to index
        %get3A_1845 = arith.constant 96 : index
        %get3A_1846 = tpu.vector_load %arg11[%get3A_1844, %get3A_1845] {strides = array<i32>} : memref<80x128xf32, #tpu.memory_space<vmem>>, vector<1x16xf32>,
        %get3A_1847 = vector.shape_cast %get3A_1846 : vector<1x16xf32> to vector<16xf32>
        %mul3A_1848 = arith.mulf %get3A_1847, %broadcast_in_dim3A_1757 : vector<16xf32>
        %add3A_1849 = arith.constant 15 : i32
        %add3A_1850 = arith.addi %mul3A_31, %add3A_1849 : i32
        %swap3A_1851 = arith.index_cast %add3A_1850 : i32 to index
        %swap3A_1852 = arith.constant 96 : index
        %swap3A_1853 = tpu.vector_load %arg11[%swap3A_1851, %swap3A_1852] {strides = array<i32>} : memref<80x128xf32, #tpu.memory_space<vmem>>, vector<1x16xf32>,
        %swap3A_1854 = vector.shape_cast %swap3A_1853 : vector<1x16xf32> to vector<16xf32>
        %swap3A_1855 = vector.shape_cast %mul3A_1848 : vector<16xf32> to vector<1x16xf32>
        tpu.vector_store %arg11[%swap3A_1851, %swap3A_1852], %swap3A_1855 {strides = array<i32>} : memref<80x128xf32, #tpu.memory_space<vmem>>, vector<1x16xf32>,
        %add3A_1856 = arith.constant 15 : i32
        %add3A_1857 = arith.addi %mul3A_31, %add3A_1856 : i32
        %get3A_1858 = arith.index_cast %add3A_1857 : i32 to index
        %get3A_1859 = arith.constant 112 : index
        %get3A_1860 = tpu.vector_load %arg11[%get3A_1858, %get3A_1859] {strides = array<i32>} : memref<80x128xf32, #tpu.memory_space<vmem>>, vector<1x16xf32>,
        %get3A_1861 = vector.shape_cast %get3A_1860 : vector<1x16xf32> to vector<16xf32>
        %mul3A_1862 = arith.mulf %get3A_1861, %broadcast_in_dim3A_1757 : vector<16xf32>
        %add3A_1863 = arith.constant 15 : i32
        %add3A_1864 = arith.addi %mul3A_31, %add3A_1863 : i32
        %swap3A_1865 = arith.index_cast %add3A_1864 : i32 to index
        %swap3A_1866 = arith.constant 112 : index
        %swap3A_1867 = tpu.vector_load %arg11[%swap3A_1865, %swap3A_1866] {strides = array<i32>} : memref<80x128xf32, #tpu.memory_space<vmem>>, vector<1x16xf32>,
        %swap3A_1868 = vector.shape_cast %swap3A_1867 : vector<1x16xf32> to vector<16xf32>
        %swap3A_1869 = vector.shape_cast %mul3A_1862 : vector<16xf32> to vector<1x16xf32>
        tpu.vector_store %arg11[%swap3A_1865, %swap3A_1866], %swap3A_1869 {strides = array<i32>} : memref<80x128xf32, #tpu.memory_space<vmem>>, vector<1x16xf32>,
      }
      %scan3A_28 = arith.constant 5 : i32
      "tpu.region"() ({
        %run_scoped3A = tpu.sem_alloc : memref<!tpu.dma_semaphore, #tpu.memory_space<semaphore_mem>>
        %dma_start3A_29 = arith.constant 0 : i32
        %dma_start3A_30 = arith.constant 0 : i32
        %dma_start3A_31 = tpu.memref_slice %arg12[%dma_start3A_29, %dma_start3A_30] : memref<10240x128xf32, #tpu.memory_space<vmem_shared>> -> memref<10240x128xf32, #tpu.memory_space<vmem_shared>>
        tpu.enqueue_indirect_dma source(%arg11 : memref<80x128xf32, #tpu.memory_space<vmem>>) target(%dma_start3A_31 : memref<10240x128xf32, #tpu.memory_space<vmem_shared>>) offsets(%arg9 : memref<80xi32, #tpu.memory_space<vmem>>) semaphore(%run_scoped3A : memref<!tpu.dma_semaphore, #tpu.memory_space<semaphore_mem>>) {add = true}
        %dma_wait3A_32 = arith.constant 0 : i32
        %dma_wait3A_33 = arith.constant 0 : i32
        %dma_wait3A_34 = tpu.memref_slice %arg12[%dma_wait3A_32, %dma_wait3A_33] : memref<10240x128xf32, #tpu.memory_space<vmem_shared>> -> memref<10240x128xf32, #tpu.memory_space<vmem_shared>>
        tpu.wait_indirect_dma semaphore(%run_scoped3A : memref<!tpu.dma_semaphore, #tpu.memory_space<semaphore_mem>>) src(%arg11 : memref<80x128xf32, #tpu.memory_space<vmem>>) dst(%dma_wait3A_34 : memref<10240x128xf32, #tpu.memory_space<vmem_shared>>)
        tpu.yield
      }) : () -> ()
    }
    %scan3A_9 = arith.constant 125 : i32
    %barrier3A_10 = arith.constant 0 : index
    tpu.barrier barrier_id(%barrier3A_10)
    %mul3A_11 = arith.constant 640 : i32
    %mul3A_12 = arith.muli %arg1, %mul3A_11 : i32
    %mul3A_13 = arith.constant 640 : i32
    %mul3A_14 = arith.muli %arg1, %mul3A_13 : i32
    "tpu.region"() ({
      %run_scoped3A = tpu.sem_alloc : memref<!tpu.dma_semaphore, #tpu.memory_space<semaphore_mem>>
      %dma_start3A = arith.constant 0 : i32
      %dma_start3A_15 = tpu.memref_slice %arg7[%arg0, %mul3A_14, %dma_start3A] : memref<2x10240x128xf32, #tpu.memory_space<hbm>> -> memref<1x640x128xf32, #tpu.memory_space<hbm>>
      %dma_start3A_16 = tpu.memref_squeeze %dma_start3A_15 : memref<1x640x128xf32, #tpu.memory_space<hbm>> -> memref<640x128xf32, #tpu.memory_space<hbm>>
      %dma_start3A_17 = arith.constant 0 : i32
      %dma_start3A_18 = tpu.memref_slice %arg12[%mul3A_12, %dma_start3A_17] : memref<10240x128xf32, #tpu.memory_space<vmem_shared>> -> memref<640x128xf32, #tpu.memory_space<vmem_shared>>
      tpu.enqueue_dma source(%dma_start3A_18 : memref<640x128xf32, #tpu.memory_space<vmem_shared>>) target(%dma_start3A_16 : memref<640x128xf32, #tpu.memory_space<hbm>>) target_semaphore(%run_scoped3A : memref<!tpu.dma_semaphore, #tpu.memory_space<semaphore_mem>>)
      %dma_wait3A = arith.constant 0 : i32
      %dma_wait3A_19 = tpu.memref_slice %arg7[%arg0, %mul3A_14, %dma_wait3A] : memref<2x10240x128xf32, #tpu.memory_space<hbm>> -> memref<1x640x128xf32, #tpu.memory_space<hbm>>
      %dma_wait3A_20 = tpu.memref_squeeze %dma_wait3A_19 : memref<1x640x128xf32, #tpu.memory_space<hbm>> -> memref<640x128xf32, #tpu.memory_space<hbm>>
      %dma_wait3A_21 = arith.constant 0 : i32
      %dma_wait3A_22 = tpu.memref_slice %arg12[%mul3A_12, %dma_wait3A_21] : memref<10240x128xf32, #tpu.memory_space<vmem_shared>> -> memref<640x128xf32, #tpu.memory_space<vmem_shared>>
      tpu.wait_dma2 semaphore(%run_scoped3A : memref<!tpu.dma_semaphore, #tpu.memory_space<semaphore_mem>>) src(%dma_wait3A_22 : memref<640x128xf32, #tpu.memory_space<vmem_shared>>) dst(%dma_wait3A_20 : memref<640x128xf32, #tpu.memory_space<hbm>>)
      tpu.yield
    }) : () -> ()
    return
  }
}

module attributes {stable_mosaic.version = 14 : i64} {
  func.func @_sum_relu_mm_body(%arg0: i32, %arg1: memref<2x1000x128xf32, #tpu.memory_space<vmem>>, %arg2: memref<128x128xf32, #tpu.memory_space<vmem>>, %arg3: memref<1000x128xf32, #tpu.memory_space<vmem>>) attributes {dimension_semantics = [#tpu.dimension_semantics<arbitrary>], iteration_bounds = array<i64: 10>, scalar_prefetch = 0 : i64, scratch_operands = 0 : i64, tpu.core_type = #tpu.core_type<tc>, window_params = [{transform_indices = @transform_0, window_bounds = array<i64: 2, 1000, 128>}, {pipeline_mode = #tpu.pipeline_mode<synchronous>, transform_indices = @transform_1, window_bounds = array<i64: 128, 128>}, {transform_indices = @transform_2, window_bounds = array<i64: 1000, 128>}]} {
    %get3A = arith.constant 0 : index
    %get3A_0 = arith.constant 0 : index
    %get3A_1 = arith.constant 0 : index
    %get3A_2 = vector.load %arg1[%get3A, %get3A_0, %get3A_1] : memref<2x1000x128xf32, #tpu.memory_space<vmem>>, vector<1x1000x128xf32>
    %get3A_3 = vector.shape_cast %get3A_2 : vector<1x1000x128xf32> to vector<1000x128xf32>
    %get3A_4 = arith.constant 1 : index
    %get3A_5 = arith.constant 0 : index
    %get3A_6 = arith.constant 0 : index
    %get3A_7 = vector.load %arg1[%get3A_4, %get3A_5, %get3A_6] : memref<2x1000x128xf32, #tpu.memory_space<vmem>>, vector<1x1000x128xf32>
    %get3A_8 = vector.shape_cast %get3A_7 : vector<1x1000x128xf32> to vector<1000x128xf32>
    %add3A = arith.addf %get3A_3, %get3A_8 : vector<1000x128xf32>
    %max3A = arith.constant 0.000000e+00 : f32
    %max3A_9 = vector.broadcast %max3A : f32 to vector<1000x128xf32>
    %max3A_10 = arith.maximumf %add3A, %max3A_9 : vector<1000x128xf32>
    %get3A_11 = arith.constant 0 : index
    %get3A_12 = arith.constant 0 : index
    %get3A_13 = vector.load %arg2[%get3A_11, %get3A_12] : memref<128x128xf32, #tpu.memory_space<vmem>>, vector<128x128xf32>
    %dot_general3A = arith.constant dense<0.000000e+00> : vector<1000x128xf32>
    %dot_general3A_14 = tpu.matmul %max3A_10, %get3A_13, %dot_general3A {dimension_numbers = #tpu.dot_dimension_numbers<[1], [0], [0], [1], [0, 0, 1, 1], [], []>, transpose_lhs_hint = false} : vector<1000x128xf32>, vector<128x128xf32>, vector<1000x128xf32> -> vector<1000x128xf32>
    %swap3A = arith.constant 0 : index
    %swap3A_15 = arith.constant 0 : index
    %swap3A_16 = vector.load %arg3[%swap3A, %swap3A_15] : memref<1000x128xf32, #tpu.memory_space<vmem>>, vector<1000x128xf32>
    tpu.vector_store %arg3[%swap3A, %swap3A_15], %dot_general3A_14 {strides = array<i32>} : memref<1000x128xf32, #tpu.memory_space<vmem>>, vector<1000x128xf32>,
    return
  }
  func.func @transform_0(%arg0: i32) -> (i32, i32, i32) {
    %c0_i32 = arith.constant 0 : i32
    %c0_i32_0 = arith.constant 0 : i32
    %c0_i32_1 = arith.constant 0 : i32
    return %c0_i32, %arg0, %c0_i32_0 : i32, i32, i32
  }
  func.func @transform_1(%arg0: i32) -> (i32, i32) {
    %c0_i32 = arith.constant 0 : i32
    %c0_i32_0 = arith.constant 0 : i32
    %c0_i32_1 = arith.constant 0 : i32
    return %c0_i32, %c0_i32_0 : i32, i32
  }
  func.func @transform_2(%arg0: i32) -> (i32, i32) {
    %c0_i32 = arith.constant 0 : i32
    %c0_i32_0 = arith.constant 0 : i32
    return %arg0, %c0_i32 : i32, i32
  }
}

module attributes {stable_mosaic.version = 14 : i64} {
  func.func @_mm_body(%arg0: i32, %arg1: memref<1000x128xf32, #tpu.memory_space<vmem>>, %arg2: memref<128x128xf32, #tpu.memory_space<vmem>>, %arg3: memref<1000x128xf32, #tpu.memory_space<vmem>>) attributes {dimension_semantics = [#tpu.dimension_semantics<arbitrary>], iteration_bounds = array<i64: 10>, scalar_prefetch = 0 : i64, scratch_operands = 0 : i64, tpu.core_type = #tpu.core_type<tc>, window_params = [{transform_indices = @transform_0, window_bounds = array<i64: 1000, 128>}, {pipeline_mode = #tpu.pipeline_mode<synchronous>, transform_indices = @transform_1, window_bounds = array<i64: 128, 128>}, {transform_indices = @transform_2, window_bounds = array<i64: 1000, 128>}]} {
    %get3A = arith.constant 0 : index
    %get3A_0 = arith.constant 0 : index
    %get3A_1 = vector.load %arg1[%get3A, %get3A_0] : memref<1000x128xf32, #tpu.memory_space<vmem>>, vector<1000x128xf32>
    %get3A_2 = arith.constant 0 : index
    %get3A_3 = arith.constant 0 : index
    %get3A_4 = vector.load %arg2[%get3A_2, %get3A_3] : memref<128x128xf32, #tpu.memory_space<vmem>>, vector<128x128xf32>
    %dot_general3A = arith.constant dense<0.000000e+00> : vector<1000x128xf32>
    %dot_general3A_5 = tpu.matmul %get3A_1, %get3A_4, %dot_general3A {dimension_numbers = #tpu.dot_dimension_numbers<[1], [0], [0], [1], [0, 0, 1, 1], [], []>, transpose_lhs_hint = false} : vector<1000x128xf32>, vector<128x128xf32>, vector<1000x128xf32> -> vector<1000x128xf32>
    %swap3A = arith.constant 0 : index
    %swap3A_6 = arith.constant 0 : index
    %swap3A_7 = vector.load %arg3[%swap3A, %swap3A_6] : memref<1000x128xf32, #tpu.memory_space<vmem>>, vector<1000x128xf32>
    tpu.vector_store %arg3[%swap3A, %swap3A_6], %dot_general3A_5 {strides = array<i32>} : memref<1000x128xf32, #tpu.memory_space<vmem>>, vector<1000x128xf32>,
    return
  }
  func.func @transform_0(%arg0: i32) -> (i32, i32) {
    %c0_i32 = arith.constant 0 : i32
    %c0_i32_0 = arith.constant 0 : i32
    return %arg0, %c0_i32 : i32, i32
  }
  func.func @transform_1(%arg0: i32) -> (i32, i32) {
    %c0_i32 = arith.constant 0 : i32
    %c0_i32_0 = arith.constant 0 : i32
    %c0_i32_1 = arith.constant 0 : i32
    return %c0_i32, %c0_i32_0 : i32, i32
  }
  func.func @transform_2(%arg0: i32) -> (i32, i32) {
    %c0_i32 = arith.constant 0 : i32
    %c0_i32_0 = arith.constant 0 : i32
    return %arg0, %c0_i32 : i32, i32
  }
}

module attributes {stable_mosaic.version = 14 : i64} {
  func.func @_sum_relu_body(%arg0: i32, %arg1: memref<2x1000x128xf32, #tpu.memory_space<vmem>>, %arg2: memref<1000x128xf32, #tpu.memory_space<vmem>>) attributes {dimension_semantics = [#tpu.dimension_semantics<arbitrary>], iteration_bounds = array<i64: 10>, scalar_prefetch = 0 : i64, scratch_operands = 0 : i64, tpu.core_type = #tpu.core_type<tc>, window_params = [{transform_indices = @transform_0, window_bounds = array<i64: 2, 1000, 128>}, {transform_indices = @transform_1, window_bounds = array<i64: 1000, 128>}]} {
    %get3A = arith.constant 0 : index
    %get3A_0 = arith.constant 0 : index
    %get3A_1 = arith.constant 0 : index
    %get3A_2 = vector.load %arg1[%get3A, %get3A_0, %get3A_1] : memref<2x1000x128xf32, #tpu.memory_space<vmem>>, vector<1x1000x128xf32>
    %get3A_3 = vector.shape_cast %get3A_2 : vector<1x1000x128xf32> to vector<1000x128xf32>
    %get3A_4 = arith.constant 1 : index
    %get3A_5 = arith.constant 0 : index
    %get3A_6 = arith.constant 0 : index
    %get3A_7 = vector.load %arg1[%get3A_4, %get3A_5, %get3A_6] : memref<2x1000x128xf32, #tpu.memory_space<vmem>>, vector<1x1000x128xf32>
    %get3A_8 = vector.shape_cast %get3A_7 : vector<1x1000x128xf32> to vector<1000x128xf32>
    %add3A = arith.addf %get3A_3, %get3A_8 : vector<1000x128xf32>
    %max3A = arith.constant 0.000000e+00 : f32
    %max3A_9 = vector.broadcast %max3A : f32 to vector<1000x128xf32>
    %max3A_10 = arith.maximumf %add3A, %max3A_9 : vector<1000x128xf32>
    %swap3A = arith.constant 0 : index
    %swap3A_11 = arith.constant 0 : index
    %swap3A_12 = vector.load %arg2[%swap3A, %swap3A_11] : memref<1000x128xf32, #tpu.memory_space<vmem>>, vector<1000x128xf32>
    tpu.vector_store %arg2[%swap3A, %swap3A_11], %max3A_10 {strides = array<i32>} : memref<1000x128xf32, #tpu.memory_space<vmem>>, vector<1000x128xf32>,
    return
  }
  func.func @transform_0(%arg0: i32) -> (i32, i32, i32) {
    %c0_i32 = arith.constant 0 : i32
    %c0_i32_0 = arith.constant 0 : i32
    %c0_i32_1 = arith.constant 0 : i32
    return %c0_i32, %arg0, %c0_i32_0 : i32, i32, i32
  }
  func.func @transform_1(%arg0: i32) -> (i32, i32) {
    %c0_i32 = arith.constant 0 : i32
    %c0_i32_0 = arith.constant 0 : i32
    return %arg0, %c0_i32 : i32, i32
  }
}

</mosaic_0001>

<sc_bundles>
// kernel: kernel.10.cloned.1.call-start
scs
__scs_entry_jumppad:
0x0: {  	(pc) =	sbr.rel $0x88, $3  }
0x1: {  	(tag) =	ssettag $0x0;
	lr =	simm.s32 $0x1  }
0x2: {  	[smem:$0x3F9C] =	sst lr;
	_ =	strace $0xD0000000  }
0x3: {  	_ = 	snop  }
0x4: {  	_ = 	snop  }
0x5: {  	_ = 	snop  }
0x6: {  	_ = 	snop  }
0x7: {  	_ = 	snop  }
__scs_overlays_trampoline_lowered:
0x8: {  	[smem:$0x3FAB] =	sst s0  }
0x9: {  	[smem:$0x3FAC] =	sst s1  }
0xa: {  	[smem:$0x3FAD] =	sst s2  }
0xb: {  	[smem:$0x3FAE] =	sst s3  }
0xc: {  	[smem:$0x3FAF] =	sst s4  }
0xd: {  	[smem:$0x3FB0] =	sst s5  }
0xe: {  	[smem:$0x3FB1] =	sst s6  }
0xf: {  	[smem:$0x3FB2] =	sst s7  }
0x10: {  	[smem:$0x3FB3] =	sst s8  }
0x11: {  	[smem:$0x3FB4] =	sst s9;
	s0 =	simm.s32 @!p0 $0x0  }
0x12: {  	s1 =	sld [smem:$0x3F9A];
	s0 =	simm.s32 @p0 $0x1  }
0x13: {  	[smem:$0x3FB5] =	sst s0;
	s0 =	simm.s32 @!p1 $0x0  }
0x14: {  	s2 =	sld [smem:$0x3F99];
	s0 =	simm.s32 @p1 $0x1  }
0x15: {  	[smem:$0x3FB6] =	sst s0;
	s0 =	simm.s32 @!p2 $0x0  }
0x16: {  	s3 =	sld [smem:$0x3FDB];
	s0 =	simm.s32 @p2 $0x1  }
0x17: {  	s4 =	simm.s32 $0x1BF5;
	[smem:$0x3FB8] =	sst s0  }
0x18: {  	s0 =	sld [smem:$0x3F9B];
	_ =	swait.ge [sflag:s4], $0x0  }
0x19: {  	s7 =	sld [smem:$0x3F9C]  }
0x1a: {  	s8 =	sadd.s32 $0xFFFFE003, lr  }
0x1b: {  	s9 =	sadd.s32 $0xFFFFFEF7, lr;
	s5 =	simm.s32 $0xFFFFFFFF;
	p2 =	slt.u32 s8, $0xFFFFF086  }
0x1c: {  	p1 =	slt.u32 s9, $0xF7A;
	s5 =	simm.s32 @!p2 $0x0  }
0x1d: {  	s5 =	simm.s32 @p1 $0x1;
	p0 =	seq.s32 s7, s2  }
0x1e: {  	s7 =	smul.u32 @!p0 $0xF7A, s2;
	p2 =	seq.s32 @!p0 s5, $0x0  }
0x1f: {  	s9 =	smul.u32 $0xF7A, s1;
	s8 =	simm.s32 @!p0 $0x1BF5;
	p2 =	por !p2, p0  }
0x20: {  	[sflag:s8] =	ssyncset.s32 @!p0 $0xFFFFF086;
	s6 =	sadd.s32 @!p0 s3, s7;
	s7 =	simm.s32 @!p0 $0x108  }
0x21: {  	s3 =	sadd.s32 s3, s9;
	s6 =	sadd.s32 @!p0 $0x88, s6;
	s7 =	simm.s32 @p2 $0x1082  }
0x22: {  	[simem:s7], [sflag:s8] =	dma.local @!p0 [hbm:s6], $0xF7A  }
0x23: {  	s9 =	sor.u32 $0xD0000000, s2;
	s6 =	simm.s32 $0x108;
	_ =	swait.ge @!p0 [sflag:s8], $0x0  }
0x24: {  	s3 =	sadd.s32 $0x88, s3;
	s6 =	simm.s32 @!p1 $0x1082;
	[sflag:s4] =	ssyncset.s32 $0xFFFFF086  }
0x25: {  	[simem:s6], [sflag:s4] =	dma.local [hbm:s3], $0xF7A  }
0x26: {  	[smem:$0x3F9C] =	sst s1;
	(tag) =	ssettag s2;
	_ =	strace s9  }
0x27: {  	s1 =	sld [smem:$0x3FAC]  }
0x28: {  	s2 =	sld [smem:$0x3FAD]  }
0x29: {  	s4 =	sld [smem:$0x3FAF]  }
0x2a: {  	p0 =	seq.s32 s5, $0x0;
	s5 =	sld [smem:$0x3FB0]  }
0x2b: {  	s6 =	sld [smem:$0x3FB1]  }
0x2c: {  	s7 =	sld [smem:$0x3FB2]  }
0x2d: {  	s3 =	simm.s32 $0x108;
	s8 =	sld [smem:$0x3FB3]  }
0x2e: {  	s3 =	simm.s32 @!p0 $0x1082;
	s9 =	sld [smem:$0x3FB4]  }
0x2f: {  	lr =	sadd.s32 s0, s3;
	s0 =	sld [smem:$0x3FAB]  }
0x30: {  	s3 =	sld [smem:$0x3FAE]  }
0x31: {  	[smem:$0x3FB7] =	sst s10  }
0x32: {  	s10 =	sld [smem:$0x3FB5];
	_ =	sdelay $0x3  }
0x33: {  	p0 =	seq.s32 s10, $0x1;
	s10 =	sld [smem:$0x3FB7];
	_ =	sdelay $0x3  }
0x34: {  	[smem:$0x3FB7] =	sst s10  }
0x35: {  	s10 =	sld [smem:$0x3FB6];
	_ =	sdelay $0x3  }
0x36: {  	p1 =	seq.s32 s10, $0x1;
	s10 =	sld [smem:$0x3FB7];
	_ =	sdelay $0x3  }
0x37: {  	[smem:$0x3FB7] =	sst s10  }
0x38: {  	s10 =	sld [smem:$0x3FB8]  }
0x39: {  	_ = 	snop;
	(pc) =	sbr.ind lr, $3  }
0x3a: {  	_ = 	snop  }
0x3b: {  	_ = 	snop  }
0x3c: {  	p2 =	seq.s32 s10, $0x1;
	s10 =	sld [smem:$0x3FB7]  }
0x3d: {  	_ =	shalt  }
0x3e: {  	_ =	shalt  }
0x3f: {  	_ =	shalt  }
0x40: {  	_ =	shalt  }
0x41: {  	_ =	shalt  }
0x42: {  	_ =	shalt  }
0x43: {  	_ =	shalt  }
0x44: {  	_ =	shalt  }
0x45: {  	_ =	shalt  }
0x46: {  	_ =	shalt  }
0x47: {  	_ =	shalt  }
0x48: {  	_ =	shalt  }
0x49: {  	_ =	shalt  }
0x4a: {  	_ =	shalt  }
0x4b: {  	_ =	shalt  }
0x4c: {  	_ =	shalt  }
0x4d: {  	_ =	shalt  }
0x4e: {  	_ =	shalt  }
0x4f: {  	_ =	shalt  }
0x50: {  	_ =	shalt  }
0x51: {  	_ =	shalt  }
0x52: {  	_ =	shalt  }
0x53: {  	_ =	shalt  }
0x54: {  	_ =	shalt  }
0x55: {  	_ =	shalt  }
0x56: {  	_ =	shalt  }
0x57: {  	_ =	shalt  }
0x58: {  	_ =	shalt  }
0x59: {  	_ =	shalt  }
0x5a: {  	_ =	shalt  }
0x5b: {  	_ =	shalt  }
0x5c: {  	_ =	shalt  }
0x5d: {  	_ =	shalt  }
0x5e: {  	_ =	shalt  }
0x5f: {  	_ =	shalt  }
0x60: {  	_ =	shalt  }
0x61: {  	_ =	shalt  }
0x62: {  	_ =	shalt  }
0x63: {  	_ =	shalt  }
0x64: {  	_ =	shalt  }
0x65: {  	_ =	shalt  }
0x66: {  	_ =	shalt  }
0x67: {  	_ =	shalt  }
0x68: {  	_ =	shalt  }
0x69: {  	_ =	shalt  }
0x6a: {  	_ =	shalt  }
0x6b: {  	_ =	shalt  }
0x6c: {  	_ =	shalt  }
0x6d: {  	_ =	shalt  }
0x6e: {  	_ =	shalt  }
0x6f: {  	_ =	shalt  }
0x70: {  	_ =	shalt  }
0x71: {  	_ =	shalt  }
0x72: {  	_ =	shalt  }
0x73: {  	_ =	shalt  }
0x74: {  	_ =	shalt  }
0x75: {  	_ =	shalt  }
0x76: {  	_ =	shalt  }
0x77: {  	_ =	shalt  }
0x78: {  	_ =	shalt  }
0x79: {  	_ =	shalt  }
0x7a: {  	_ =	shalt  }
0x7b: {  	_ =	shalt  }
0x7c: {  	_ =	shalt  }
0x7d: {  	_ =	shalt  }
0x7e: {  	_ =	shalt  }
0x7f: {  	_ =	shalt  }
0x80: {  	_ =	shalt  }
0x81: {  	_ =	shalt  }
0x82: {  	_ =	shalt  }
0x83: {  	_ =	shalt  }
0x84: {  	_ =	shalt  }
0x85: {  	_ =	shalt  }
0x86: {  	_ =	shalt  }
0x87: {  	_ =	shalt  }
.Lfunc_end0:
.L_simem_size_0:
called_computation.1_lowered:
.L_overlay_start_0:
0x88: {  	s2 =	sld [smem:$0x3FD9]  }
0x89: {  	s3 =	sld [smem:$0x3FFE];
	_ =	sdelay $0x1  }
0x8a: {  	s1 =	srdreg.scid  }
0x8b: {  	s0 =	sand.u32 $0x1, s1  }
0x8c: {  	s17 =	sshll.u32 s0, $0xA;
	s2 =	sadd.s32 s3, s2  }
0x8d: {  	s2 =	sadd.s32 s2, s17  }
0x8e: {  	[smem:$0x3FC3] =	sst s2  }
0x8f: {  	_ = 	snop  }
0x90: {  	s2 =	sld [smem:$0x3FC7]  }
0x91: {  	s18 =	sld [smem:$0x3FD0];
	(tm) =	ssettm $0x1  }
0x92: {  	s4 =	sld [smem:$0x3FFB];
	_ =	sdelay $0x3  }
0x93: {  	_ =	strace s4  }
0x94: {  	s4 =	sld [smem:$0x3FFC];
	_ =	sdelay $0x3  }
0x95: {  	_ =	strace s4  }
0x96: {  	s4 =	sld [smem:$0x3FFD];
	_ =	sdelay $0x3  }
0x97: {  	_ =	strace s4  }
0x98: {  	_ =	strace $0x8FFFFFFF  }
0x99: {  	s19 =	sld [smem:$0x3FDB];
	_ =	sdelay $0x1  }
0x9a: {  	s5 =	simm.s32 $_scs_section_size  }
0x9b: {  	s6 =	simm.s32 $_size__tile_overlayer_lowered;
	s7 =	simm.s32 $_tile_overlayer_lowered  }
0x9c: {  	s22 =	simm.s32 $0x1BFF;
	s21 =	sshll.u32 s7, $0x1;
	s4 =	sadd.s32 s5, s19  }
0x9d: {  	s8 =	simm.s32 $0x0;
	s20 =	sshll.u32 s6, $0x1;
	s6 =	sadd.s32 s21, s4  }
0x9e: {  	[timem:s8], [sflag:s22] =	dma.local [hbm:s6], s20  }
0x9f: {  	_ =	swait.ge [sflag:s22], s20  }
0xa0: {  	s5 =	ssub.s32 $0x0, s20;
	[sflag:s22] =	ssyncset.done $0x0  }
0xa1: {  	[sflag:s22] =	ssyncadd.s32 s5;
	_ =	sdelay $0x1  }
0xa2: {  	s23 =	simm.s32 $0x1B8B  }
0xa3: {  	_ =	swait.ge [sflag:s23], $0x1  }
0xa4: {  	[sflag:s23] =	ssyncset.done $0x0  }
0xa5: {  	s25 =	simm.s32 $0x1B8E;
	s24 =	sld [smem:$0x3FFE];
	[sflag:s23] =	ssyncadd.s32 $0xFFFFFFFF  }
0xa6: {  	s26 =	simm.s32 $execute0_lowered;
	[smem:$0x3FD2] =	sst s25  }
0xa7: {  	s6 =	sshll.u32 s26, $0x1;
	_ =	strace $0x80000049;
	[dreg:$0x1] =	wrdreg $0xFFFFFFFF  }
0xa8: {  	s28 =	simm.s32 $_size_execute0_lowered;
	s4 =	sadd.s32 s4, s6;
	[dreg:$0x0] =	wrdreg $0x0  }
0xa9: {  	s6 =	sshll.u32 s28, $0x1;
	[dreg:$0x2] =	wrdreg s4  }
0xaa: {  	[dreg:$0x3] =	wrdreg s6  }
0xab: {  	[dreg:$0x4] =	wrdreg $0xC0  }
0xac: {  	_ =	task [dreg:s8], $0x5FFFF  }
0xad: {  	[dreg:$0x1] =	wrdreg $0xFFFFFFFF  }
0xae: {  	[dreg:$0x0] =	wrdreg $0x60  }
0xaf: {  	[dreg:$0x2] =	wrdreg s18  }
0xb0: {  	[dreg:$0x3] =	wrdreg s24  }
0xb1: {  	[dreg:$0x4] =	wrdreg s2  }
0xb2: {  	[dreg:$0x5] =	wrdreg $0x29800  }
0xb3: {  	[dreg:$0x6] =	wrdreg $0x9  }
0xb4: {  	_ =	task.clear_ibuf [dreg:s8], $0x7FFFF;
	_ =	strace $0x90000049  }
0xb5: {  	s29 =	simm.s32 $0x9;
	_ =	strace $0x8000004B  }
0xb6: {  	_ =	swait.ge [sflag:s29], $0x1  }
0xb7: {  	[sflag:s29] =	ssyncadd.s32 $0xFFFFFFFF  }
0xb8: {  	_ =	strace $0x9000004B  }
0xb9: {  	_ =	sfence  }
0xba: {  	s30 =	sld [smem:$0x0];
	_ =	sdelay $0x2  }
0xbb: {  	s31 =	sshll.u32 s1, $0xD;
	s1 =	sshrl.u32 s1, $0x2  }
0xbc: {  	s3 =	sand.u32 $0x4000, s31;
	s1 =	sadd.s32 s1, s30  }
0xbd: {  	s0 =	sor.u32 s3, s0;
	s1 =	sshll.u32 s1, $0x11  }
0xbe: {  	s0 =	sor.u32 s1, s0  }
0xbf: {  	s0 =	sadd.s32 $0x8F2B, s0  }
0xc0: {  	[sflag:s0] =	ssyncadd.remote.s32 $0x1  }
0xc1: {  	_ =	sfence.sel $0xFFFF  }
0xc2: {  	[dreg:$0x0] =	wrdreg $0xFFFFFFFF;
	(pc) =	sbr.abs _section_cstart, $3  }
0xc3: {  	[dreg:$0x1] =	wrdreg $0xFFFFFFFF  }
0xc4: {  	_ =	task.clear_ibuf [dreg:s8], $0x2FFFF;
	_ =	strace $0x9FFFFFFF  }
0xc5: {  	(tm) =	ssettm $0x7FFFFFFF  }
tec
execute0_lowered:
.L_overlay_start_1:
0x0: {  	(tag) =	ssettag $0x1  }
0x1: {  	s1 =	rddreg [dreg:$0x0]  }
0x2: {  	s9 =	rddreg [dreg:$0x1]  }
0x3: {  	s2 =	rddreg [dreg:$0x2]  }
0x4: {  	s3 =	rddreg [dreg:$0x3]  }
0x5: {  	s4 =	srdreg.scid;
	s0 =	rddreg [dreg:$0x4]  }
0x6: {  	s5 =	simm.s32 $0x0;
	s15 =	simm.s32 $0x80;
	s16 =	simm.s32 $0x100  }
0x7: {  	s17 =	simm.s32 $0x50;
	s18 =	simm.s32 $0x180;
	s19 =	simm.s32 $0x1  }
0x8: {  	s10 =	sand.u32 $0x1, s4;
	s4 =	stileid.u32;
	[smem:$0x7FF] =	sst s5  }
0x9: {  	s6 =	sadd.s32 $0xAC00, s9;
	s7 =	sadd.s32 $0xE00, s9;
	s11 =	smul.u32 $0x140000, s10  }
0xa: {  	s8 =	sadd.s32 $0x14A00, s9;
	s12 =	smul.u32 $0x14000, s4;
	_ =	strace $0x8000004A  }
0xb: {  	s28 =	ssub.s32 $0x2, s10;
	s14 =	smul.u32 $0x50000, s4;
	s29 =	sshll.u32 s4, $0x1  }
0xc: {  	s31 =	sshll.u32 s4, $0x6;
	s13 =	sshrl.u32 s28, $0x1;
	s10 =	sor.u32 s10, s29  }
0xd: {  	s11 =	sadd.s32 s12, s11;
	s12 =	ssub.s32 s28, s13;
	s30 =	sshrl.u32 s14, $0x2  }
0xe: {  	s10 =	smul.u32 $0x2710, s10;
	s11 =	sshrl.u32 s11, $0x3;
	s14 =	sadd.s32 s30, s3  }
0xf: {  	s12 =	smax.u32 s12, $0x1;
	s11 =	sadd.s32 s11, s9;
	s9 =	sor.u32 $0x1C02, s31  }
0x10: {  	s13 =	sshrl.u32 s14, $0x3;
	s14 =	simm.s32 $0x2;
	s11 =	sadd.s32 $0x17200, s11  }
.LBB2_1:
0x11: {  	[spmem:s13], [sflag:s9] =	dma.local [hbm:s8], $0x2800  }
0x12: {  	_ =	swait.ge [sflag:s14], $0x2800  }
0x13: {  	[sflag:s14] =	ssyncset.done $0x0  }
0x14: {  	[sflag:s14] =	ssyncadd.s32 $0xFFFFD800  }
0x15: {  	s20 =	simm.s32 $0x0;
	[bflag:$0x0] =	sbarrier.arrive $0xFFFF  }
.LBB2_2:
0x16: {  	s21 =	smul.u32 $0x50, s20;
	_ =	sdelay $0x1  }
0x17: {  	s21 =	sadd.s32 s10, s21  }
0x18: {  	s22 =	sshrl.u32 s21, $0x3  }
0x19: {  	s21 =	simm.s32 $0x0;
	s23 =	sadd.s32 s6, s22  }
0x1a: {  	[tilespmem:s21], [sflag:$0x2] =	stream.linear.gather [hbm4b:s23+s21], $0x50, $0x38;
	[tilespmem:$0x16980] =	vst v63  }
0x1b: {  	_ =	swait.ge [sflag:s14], $0x50  }
0x1c: {  	[sflag:s14] =	ssyncset.done $0x0  }
0x1d: {  	s31 =	sadd.s32 s7, s22;
	[sflag:s14] =	ssyncadd.s32 $0xFFFFFFB0  }
0x1e: {  	[tilespmem:s15], [sflag:$0x2] =	stream.linear.gather [hbm4b:s31+s21], $0x50, $0x38;
	[tilespmem:$0x16980] =	vst v63  }
0x1f: {  	_ =	swait.ge [sflag:s14], $0x50  }
0x20: {  	[sflag:s14] =	ssyncset.done $0x0  }
0x21: {  	s22 =	sadd.s32 s2, s22;
	[sflag:s14] =	ssyncadd.s32 $0xFFFFFFB0  }
0x22: {  	[tilespmem:s16], [sflag:$0x2] =	stream.linear.gather [hbm4b:s22+s21], $0x50, $0x38;
	[tilespmem:$0x16980] =	vst v63  }
0x23: {  	_ =	swait.ge [sflag:s14], $0x50  }
0x24: {  	[sflag:s14] =	ssyncset.done $0x0  }
0x25: {  	[sflag:s14] =	ssyncadd.s32 $0xFFFFFFB0  }
0x26: {  	[tilespmem:s18], [sflag:$0x1] =	stream.indirect.gather [hbm4b:s1+s17], $0x80, s21, s17, $0xb8;
	[tilespmem:$0x16980] =	vst v63  }
0x27: {  	_ =	swait.ge [sflag:s19], $0x2800  }
0x28: {  	[sflag:s19] =	ssyncset.done $0x0  }
0x29: {  	[sflag:s19] =	ssyncadd.s32 $0xFFFFD800  }
.LBB2_3:
0x2a: {  	s22 =	sshll.u32 s21, $0x4  }
0x2b: {  	s22 =	sand.u32 $0x3FFFFFF0, s22  }
0x2c: {  	s31 =	sshll.u32 s21, $0xB;
	v0 =	vld [tilespmem:s22+$0x100]  }
0x2d: {  	s22 =	sand.u32 $0x3FFFF800, s31  }
0x2e: {  	v1 =	vld [tilespmem:s22+$0x180]  }
0x2f: {  	v2 =	vld [tilespmem:s22+$0x190]  }
0x30: {  	v3 =	vld [tilespmem:s22+$0x1A0]  }
0x31: {  	v5 =	vld [tilespmem:s22+$0x1B0];
	v4 =	vbroadcast v0, $0x0  }
0x32: {  	v6 =	vld [tilespmem:s22+$0x1C0]  }
0x33: {  	v7 =	vld [tilespmem:s22+$0x1D0];
	v1 =	vmul.f32 v4, v1  }
0x34: {  	v8 =	vld [tilespmem:s22+$0x1E0];
	v2 =	vmul.f32 v2, v4  }
0x35: {  	v14 =	vld [tilespmem:s22+$0x1F0];
	v13 =	vmul.f32 v3, v4;
	[tilespmem:s22+$0x180] =	vst v1  }
0x36: {  	v16 =	vld [tilespmem:s22+$0x200];
	v15 =	vmul.f32 v5, v4;
	[tilespmem:s22+$0x190] =	vst v2  }
0x37: {  	v18 =	vld [tilespmem:s22+$0x210];
	v17 =	vmul.f32 v6, v4;
	[tilespmem:s22+$0x1A0] =	vst v13  }
0x38: {  	v20 =	vld [tilespmem:s22+$0x220];
	v19 =	vmul.f32 v7, v4;
	[tilespmem:s22+$0x1B0] =	vst v15  }
0x39: {  	v9 =	vld [tilespmem:s22+$0x230];
	v22 =	vbroadcast v0, $0x1;
	v21 =	vmul.f32 v8, v4;
	[tilespmem:s22+$0x1C0] =	vst v17  }
0x3a: {  	v24 =	vld [tilespmem:s22+$0x240];
	v23 =	vmul.f32 v14, v4;
	[tilespmem:s22+$0x1D0] =	vst v19  }
0x3b: {  	v26 =	vld [tilespmem:s22+$0x250];
	v25 =	vmul.f32 v16, v22;
	[tilespmem:s22+$0x1E0] =	vst v21  }
0x3c: {  	v28 =	vld [tilespmem:s22+$0x260];
	v27 =	vmul.f32 v18, v22;
	[tilespmem:s22+$0x1F0] =	vst v23  }
0x3d: {  	v30 =	vld [tilespmem:s22+$0x270];
	v29 =	vmul.f32 v20, v22;
	[tilespmem:s22+$0x200] =	vst v25  }
0x3e: {  	v32 =	vld [tilespmem:s22+$0x280];
	v31 =	vmul.f32 v9, v22;
	[tilespmem:s22+$0x210] =	vst v27  }
0x3f: {  	v34 =	vld [tilespmem:s22+$0x290];
	v33 =	vmul.f32 v24, v22;
	[tilespmem:s22+$0x220] =	vst v29  }
0x40: {  	v36 =	vld [tilespmem:s22+$0x2A0];
	v35 =	vmul.f32 v26, v22;
	[tilespmem:s22+$0x230] =	vst v31  }
0x41: {  	v39 =	vld [tilespmem:s22+$0x2B0];
	v38 =	vbroadcast v0, $0x2;
	v37 =	vmul.f32 v28, v22;
	[tilespmem:s22+$0x240] =	vst v33  }
0x42: {  	v41 =	vld [tilespmem:s22+$0x2C0];
	v40 =	vmul.f32 v30, v22;
	[tilespmem:s22+$0x250] =	vst v35  }
0x43: {  	v43 =	vld [tilespmem:s22+$0x2D0];
	v42 =	vmul.f32 v32, v38;
	[tilespmem:s22+$0x260] =	vst v37  }
0x44: {  	v45 =	vld [tilespmem:s22+$0x2E0];
	v44 =	vmul.f32 v34, v38;
	[tilespmem:s22+$0x270] =	vst v40  }
0x45: {  	v47 =	vld [tilespmem:s22+$0x2F0];
	v46 =	vmul.f32 v36, v38;
	[tilespmem:s22+$0x280] =	vst v42  }
0x46: {  	v49 =	vld [tilespmem:s22+$0x300];
	v48 =	vmul.f32 v39, v38;
	[tilespmem:s22+$0x290] =	vst v44  }
0x47: {  	v51 =	vld [tilespmem:s22+$0x310];
	v50 =	vmul.f32 v41, v38;
	[tilespmem:s22+$0x2A0] =	vst v46  }
0x48: {  	v53 =	vld [tilespmem:s22+$0x320];
	v52 =	vmul.f32 v43, v38;
	[tilespmem:s22+$0x2B0] =	vst v48  }
0x49: {  	v12 =	vld [tilespmem:s22+$0x370];
	v55 =	vbroadcast v0, $0x3;
	v54 =	vmul.f32 v45, v38;
	[tilespmem:s22+$0x2C0] =	vst v50  }
0x4a: {  	v56 =	vld [tilespmem:s22+$0x330];
	v57 =	vmul.f32 v47, v38;
	[tilespmem:s22+$0x2D0] =	vst v52  }
0x4b: {  	v58 =	vld [tilespmem:s22+$0x340];
	v59 =	vmul.f32 v49, v55;
	[tilespmem:s22+$0x2E0] =	vst v54  }
0x4c: {  	v60 =	vld [tilespmem:s22+$0x350];
	v61 =	vmul.f32 v51, v55;
	[tilespmem:s22+$0x2F0] =	vst v57  }
0x4d: {  	v62 =	vld [tilespmem:s22+$0x360];
	v63 =	vmul.f32 v53, v55;
	[tilespmem:s22+$0x300] =	vst v59  }
0x4e: {  	v14 =	vld [tilespmem:s22+$0x380];
	v22 =	vmul.f32 v12, v55;
	[tilespmem:s22+$0x310] =	vst v61  }
0x4f: {  	v16 =	vld [tilespmem:s22+$0x390];
	v13 =	vmul.f32 v56, v55;
	[tilespmem:s22+$0x320] =	vst v63  }
0x50: {  	v18 =	vld [tilespmem:s22+$0x3A0];
	v15 =	vmul.f32 v58, v55;
	[tilespmem:s22+$0x370] =	vst v22  }
0x51: {  	v20 =	vbroadcast v0, $0x4;
	v38 =	vld [tilespmem:s22+$0x430];
	v17 =	vmul.f32 v60, v55;
	[tilespmem:s22+$0x330] =	vst v13  }
0x52: {  	v19 =	vmul.f32 v62, v55;
	v21 =	vld [tilespmem:s22+$0x3B0];
	[tilespmem:s22+$0x340] =	vst v15  }
0x53: {  	v23 =	vld [tilespmem:s22+$0x3C0];
	[tilespmem:s22+$0x350] =	vst v17;
	v24 =	vmul.f32 v14, v20  }
0x54: {  	v25 =	vld [tilespmem:s22+$0x3D0];
	v37 =	vbroadcast v0, $0x5;
	[tilespmem:s22+$0x360] =	vst v19;
	v26 =	vmul.f32 v16, v20  }
0x55: {  	v27 =	vld [tilespmem:s22+$0x3E0];
	v28 =	vmul.f32 v18, v20;
	[tilespmem:s22+$0x380] =	vst v24  }
0x56: {  	v29 =	vld [tilespmem:s22+$0x3F0];
	v47 =	vmul.f32 v38, v37;
	[tilespmem:s22+$0x390] =	vst v26  }
0x57: {  	v31 =	vld [tilespmem:s22+$0x400];
	v30 =	vmul.f32 v21, v20;
	[tilespmem:s22+$0x3A0] =	vst v28  }
0x58: {  	v33 =	vld [tilespmem:s22+$0x410];
	v32 =	vmul.f32 v23, v20;
	[tilespmem:s22+$0x430] =	vst v47  }
0x59: {  	v35 =	vld [tilespmem:s22+$0x420];
	v34 =	vmul.f32 v25, v20;
	[tilespmem:s22+$0x3B0] =	vst v30  }
0x5a: {  	v40 =	vld [tilespmem:s22+$0x440];
	v36 =	vmul.f32 v27, v20;
	[tilespmem:s22+$0x3C0] =	vst v32  }
0x5b: {  	v42 =	vld [tilespmem:s22+$0x450];
	v39 =	vmul.f32 v29, v20;
	[tilespmem:s22+$0x3D0] =	vst v34  }
0x5c: {  	v44 =	vld [tilespmem:s22+$0x460];
	v41 =	vmul.f32 v31, v37;
	[tilespmem:s22+$0x3E0] =	vst v36  }
0x5d: {  	v46 =	vld [tilespmem:s22+$0x470];
	v43 =	vmul.f32 v33, v37;
	[tilespmem:s22+$0x3F0] =	vst v39  }
0x5e: {  	v48 =	vld [tilespmem:s22+$0x480];
	v45 =	vmul.f32 v35, v37;
	[tilespmem:s22+$0x400] =	vst v41  }
0x5f: {  	v50 =	vld [tilespmem:s22+$0x490];
	v49 =	vmul.f32 v40, v37;
	[tilespmem:s22+$0x410] =	vst v43  }
0x60: {  	v52 =	vld [tilespmem:s22+$0x4A0];
	v51 =	vmul.f32 v42, v37;
	[tilespmem:s22+$0x420] =	vst v45  }
0x61: {  	v54 =	vbroadcast v0, $0x6;
	v55 =	vld [tilespmem:s22+$0x4B0];
	v53 =	vmul.f32 v44, v37;
	[tilespmem:s22+$0x440] =	vst v49  }
0x62: {  	v57 =	vld [tilespmem:s22+$0x4C0];
	v56 =	vmul.f32 v46, v37;
	[tilespmem:s22+$0x450] =	vst v51  }
0x63: {  	v59 =	vld [tilespmem:s22+$0x4D0];
	v58 =	vmul.f32 v48, v54;
	[tilespmem:s22+$0x460] =	vst v53  }
0x64: {  	v61 =	vld [tilespmem:s22+$0x4E0];
	v60 =	vmul.f32 v50, v54;
	[tilespmem:s22+$0x470] =	vst v56  }
0x65: {  	v63 =	vld [tilespmem:s22+$0x4F0];
	v62 =	vmul.f32 v52, v54;
	[tilespmem:s22+$0x480] =	vst v58  }
0x66: {  	v22 =	vld [tilespmem:s22+$0x540];
	v12 =	vmul.f32 v55, v54;
	[tilespmem:s22+$0x490] =	vst v60  }
0x67: {  	v13 =	vld [tilespmem:s22+$0x500];
	v14 =	vmul.f32 v57, v54;
	[tilespmem:s22+$0x4A0] =	vst v62  }
0x68: {  	v15 =	vld [tilespmem:s22+$0x510];
	v16 =	vmul.f32 v59, v54;
	[tilespmem:s22+$0x4B0] =	vst v12  }
0x69: {  	v17 =	vld [tilespmem:s22+$0x520];
	v19 =	vbroadcast v0, $0x7;
	v18 =	vmul.f32 v61, v54;
	[tilespmem:s22+$0x4C0] =	vst v14  }
0x6a: {  	v20 =	vld [tilespmem:s22+$0x530];
	v21 =	vmul.f32 v63, v54;
	[tilespmem:s22+$0x4D0] =	vst v16  }
0x6b: {  	v24 =	vld [tilespmem:s22+$0x550];
	v31 =	vmul.f32 v22, v19;
	[tilespmem:s22+$0x4E0] =	vst v18  }
0x6c: {  	v26 =	vld [tilespmem:s22+$0x560];
	v23 =	vmul.f32 v13, v19;
	[tilespmem:s22+$0x4F0] =	vst v21  }
0x6d: {  	v28 =	vld [tilespmem:s22+$0x570];
	v25 =	vmul.f32 v15, v19;
	[tilespmem:s22+$0x540] =	vst v31  }
0x6e: {  	v37 =	vld [tilespmem:s22+$0x5B0];
	v27 =	vmul.f32 v17, v19;
	[tilespmem:s22+$0x500] =	vst v23  }
0x6f: {  	v47 =	vld [tilespmem:s22+$0x600];
	[tilespmem:s22+$0x510] =	vst v25;
	v29 =	vmul.f32 v20, v19  }
0x70: {  	v54 =	vld [tilespmem:s22+$0x630];
	[tilespmem:s22+$0x520] =	vst v27;
	v33 =	vmul.f32 v24, v19  }
0x71: {  	v30 =	vld [tilespmem:s22+$0x580];
	v36 =	vbroadcast v0, $0x8;
	v35 =	vmul.f32 v26, v19;
	[tilespmem:s22+$0x530] =	vst v29  }
0x72: {  	v32 =	vld [tilespmem:s22+$0x590];
	v53 =	vbroadcast v0, $0x9;
	v38 =	vmul.f32 v28, v19;
	[tilespmem:s22+$0x550] =	vst v33  }
0x73: {  	v34 =	vld [tilespmem:s22+$0x5A0];
	v46 =	vmul.f32 v37, v36;
	[tilespmem:s22+$0x560] =	vst v35  }
0x74: {  	v39 =	vld [tilespmem:s22+$0x5C0];
	v57 =	vmul.f32 v47, v53;
	[tilespmem:s22+$0x570] =	vst v38  }
0x75: {  	v41 =	vld [tilespmem:s22+$0x5D0];
	v63 =	vmul.f32 v54, v53;
	[tilespmem:s22+$0x5B0] =	vst v46  }
0x76: {  	v43 =	vld [tilespmem:s22+$0x5E0];
	v40 =	vmul.f32 v30, v36;
	[tilespmem:s22+$0x600] =	vst v57  }
0x77: {  	v45 =	vld [tilespmem:s22+$0x5F0];
	v42 =	vmul.f32 v32, v36;
	[tilespmem:s22+$0x630] =	vst v63  }
0x78: {  	v49 =	vld [tilespmem:s22+$0x610];
	v44 =	vmul.f32 v34, v36;
	[tilespmem:s22+$0x580] =	vst v40  }
0x79: {  	v51 =	vld [tilespmem:s22+$0x620];
	v48 =	vmul.f32 v39, v36;
	[tilespmem:s22+$0x590] =	vst v42  }
0x7a: {  	v56 =	vld [tilespmem:s22+$0x640];
	v50 =	vmul.f32 v41, v36;
	[tilespmem:s22+$0x5A0] =	vst v44  }
0x7b: {  	v58 =	vld [tilespmem:s22+$0x650];
	v52 =	vmul.f32 v43, v36;
	[tilespmem:s22+$0x5C0] =	vst v48  }
0x7c: {  	v60 =	vld [tilespmem:s22+$0x660];
	v55 =	vmul.f32 v45, v36;
	[tilespmem:s22+$0x5D0] =	vst v50  }
0x7d: {  	v62 =	vld [tilespmem:s22+$0x670];
	v59 =	vmul.f32 v49, v53;
	[tilespmem:s22+$0x5E0] =	vst v52  }
0x7e: {  	v12 =	vld [tilespmem:s22+$0x680];
	v61 =	vmul.f32 v51, v53;
	[tilespmem:s22+$0x5F0] =	vst v55  }
0x7f: {  	v14 =	vld [tilespmem:s22+$0x690];
	v13 =	vmul.f32 v56, v53;
	[tilespmem:s22+$0x610] =	vst v59  }
0x80: {  	v16 =	vld [tilespmem:s22+$0x6A0];
	v15 =	vmul.f32 v58, v53;
	[tilespmem:s22+$0x620] =	vst v61  }
0x81: {  	v18 =	vbroadcast v0, $0xA;
	v21 =	vld [tilespmem:s22+$0x6C0];
	v17 =	vmul.f32 v60, v53;
	[tilespmem:s22+$0x640] =	vst v13  }
0x82: {  	v23 =	vld [tilespmem:s22+$0x6D0];
	v20 =	vmul.f32 v62, v53;
	[tilespmem:s22+$0x650] =	vst v15  }
0x83: {  	v25 =	vld [tilespmem:s22+$0x6E0];
	v22 =	vmul.f32 v12, v18;
	[tilespmem:s22+$0x660] =	vst v17  }
0x84: {  	v27 =	vld [tilespmem:s22+$0x6F0];
	v24 =	vmul.f32 v14, v18;
	[tilespmem:s22+$0x670] =	vst v20  }
0x85: {  	v31 =	vld [tilespmem:s22+$0x710];
	v26 =	vmul.f32 v16, v18;
	[tilespmem:s22+$0x680] =	vst v22  }
0x86: {  	v19 =	vld [tilespmem:s22+$0x6B0];
	v30 =	vmul.f32 v21, v18;
	[tilespmem:s22+$0x690] =	vst v24  }
0x87: {  	v29 =	vld [tilespmem:s22+$0x700];
	[tilespmem:s22+$0x6A0] =	vst v26;
	v32 =	vmul.f32 v23, v18  }
0x88: {  	v33 =	vld [tilespmem:s22+$0x720];
	v35 =	vbroadcast v0, $0xB;
	[tilespmem:s22+$0x6C0] =	vst v30;
	v34 =	vmul.f32 v25, v18  }
0x89: {  	v36 =	vld [tilespmem:s22+$0x730];
	v37 =	vmul.f32 v27, v18;
	[tilespmem:s22+$0x6D0] =	vst v32  }
0x8a: {  	v38 =	vld [tilespmem:s22+$0x740];
	v41 =	vmul.f32 v31, v35;
	[tilespmem:s22+$0x6E0] =	vst v34  }
0x8b: {  	v46 =	vld [tilespmem:s22+$0x780];
	v28 =	vmul.f32 v19, v18;
	[tilespmem:s22+$0x6F0] =	vst v37  }
0x8c: {  	v53 =	vld [tilespmem:s22+$0x7B0];
	[tilespmem:s22+$0x710] =	vst v41;
	v39 =	vmul.f32 v29, v35  }
0x8d: {  	v57 =	vld [tilespmem:s22+$0x7D0];
	[tilespmem:s22+$0x6B0] =	vst v28;
	v43 =	vmul.f32 v33, v35  }
0x8e: {  	v63 =	vld [tilespmem:s22+$0x800];
	v52 =	vbroadcast v0, $0xC;
	v45 =	vmul.f32 v36, v35;
	[tilespmem:s22+$0x700] =	vst v39  }
0x8f: {  	v40 =	vld [tilespmem:s22+$0x750];
	v47 =	vmul.f32 v38, v35;
	[tilespmem:s22+$0x720] =	vst v43  }
0x90: {  	v42 =	vld [tilespmem:s22+$0x760];
	v56 =	vmul.f32 v46, v52;
	[tilespmem:s22+$0x730] =	vst v45  }
0x91: {  	v44 =	vld [tilespmem:s22+$0x770];
	v17 =	vbroadcast v0, $0xD;
	v62 =	vmul.f32 v53, v52;
	[tilespmem:s22+$0x740] =	vst v47  }
0x92: {  	v48 =	vld [tilespmem:s22+$0x790];
	v14 =	vmul.f32 v57, v52;
	[tilespmem:s22+$0x780] =	vst v56  }
0x93: {  	v50 =	vld [tilespmem:s22+$0x7A0];
	v21 =	vmul.f32 v63, v17;
	[tilespmem:s22+$0x7B0] =	vst v62  }
0x94: {  	v55 =	vld [tilespmem:s22+$0x7C0];
	v49 =	vmul.f32 v40, v35;
	[tilespmem:s22+$0x7D0] =	vst v14  }
0x95: {  	v59 =	vld [tilespmem:s22+$0x7E0];
	v51 =	vmul.f32 v42, v35;
	[tilespmem:s22+$0x800] =	vst v21  }
0x96: {  	v61 =	vld [tilespmem:s22+$0x7F0];
	v54 =	vmul.f32 v44, v35;
	[tilespmem:s22+$0x750] =	vst v49  }
0x97: {  	v13 =	vld [tilespmem:s22+$0x810];
	v58 =	vmul.f32 v48, v52;
	[tilespmem:s22+$0x760] =	vst v51  }
0x98: {  	v15 =	vld [tilespmem:s22+$0x820];
	v60 =	vmul.f32 v50, v52;
	[tilespmem:s22+$0x770] =	vst v54  }
0x99: {  	v20 =	vld [tilespmem:s22+$0x840];
	v12 =	vmul.f32 v55, v52;
	[tilespmem:s22+$0x790] =	vst v58  }
0x9a: {  	v22 =	vld [tilespmem:s22+$0x850];
	v16 =	vmul.f32 v59, v52;
	[tilespmem:s22+$0x7A0] =	vst v60  }
0x9b: {  	v24 =	vld [tilespmem:s22+$0x860];
	v19 =	vmul.f32 v61, v52;
	[tilespmem:s22+$0x7C0] =	vst v12  }
0x9c: {  	v26 =	vld [tilespmem:s22+$0x870];
	v23 =	vmul.f32 v13, v17;
	[tilespmem:s22+$0x7E0] =	vst v16  }
0x9d: {  	v30 =	vld [tilespmem:s22+$0x890];
	v25 =	vmul.f32 v15, v17;
	[tilespmem:s22+$0x7F0] =	vst v19  }
0x9e: {  	v18 =	vld [tilespmem:s22+$0x830];
	v29 =	vmul.f32 v20, v17;
	[tilespmem:s22+$0x810] =	vst v23  }
0x9f: {  	v32 =	vld [tilespmem:s22+$0x8A0];
	v31 =	vmul.f32 v22, v17;
	[tilespmem:s22+$0x820] =	vst v25  }
0xa0: {  	v34 =	vbroadcast v0, $0xE;
	v37 =	vld [tilespmem:s22+$0x8C0];
	v33 =	vmul.f32 v24, v17;
	[tilespmem:s22+$0x840] =	vst v29  }
0xa1: {  	v41 =	vld [tilespmem:s22+$0x8E0];
	v36 =	vmul.f32 v26, v17;
	[tilespmem:s22+$0x850] =	vst v31  }
0xa2: {  	v28 =	vld [tilespmem:s22+$0x880];
	v40 =	vmul.f32 v30, v34;
	[tilespmem:s22+$0x860] =	vst v33  }
0xa3: {  	v53 =	vld [tilespmem:s22+$0x940];
	v27 =	vmul.f32 v18, v17;
	[tilespmem:s22+$0x870] =	vst v36  }
0xa4: {  	v57 =	vld [tilespmem:s22+$0x960];
	v42 =	vmul.f32 v32, v34;
	[tilespmem:s22+$0x890] =	vst v40  }
0xa5: {  	v35 =	vld [tilespmem:s22+$0x8B0];
	v46 =	vmul.f32 v37, v34;
	[tilespmem:s22+$0x830] =	vst v27  }
0xa6: {  	v0 =	vbroadcast v0, $0xF;
	v39 =	vld [tilespmem:s22+$0x8D0];
	v50 =	vmul.f32 v41, v34;
	[tilespmem:s22+$0x8A0] =	vst v42  }
0xa7: {  	v43 =	vld [tilespmem:s22+$0x8F0];
	v38 =	vmul.f32 v28, v34;
	[tilespmem:s22+$0x8C0] =	vst v46  }
0xa8: {  	v45 =	vld [tilespmem:s22+$0x900];
	v61 =	vmul.f32 v53, v0;
	[tilespmem:s22+$0x8E0] =	vst v50  }
0xa9: {  	v47 =	vld [tilespmem:s22+$0x910];
	v63 =	vmul.f32 v57, v0;
	[tilespmem:s22+$0x880] =	vst v38  }
0xaa: {  	v55 =	vld [tilespmem:s22+$0x950];
	v44 =	vmul.f32 v35, v34;
	[tilespmem:s22+$0x940] =	vst v61  }
0xab: {  	v49 =	vld [tilespmem:s22+$0x920];
	v48 =	vmul.f32 v39, v34;
	[tilespmem:s22+$0x960] =	vst v63  }
0xac: {  	v51 =	vld [tilespmem:s22+$0x930];
	v52 =	vmul.f32 v43, v34;
	[tilespmem:s22+$0x8B0] =	vst v44  }
0xad: {  	v59 =	vld [tilespmem:s22+$0x970];
	v54 =	vmul.f32 v45, v0;
	[tilespmem:s22+$0x8D0] =	vst v48  }
0xae: {  	v56 =	vmul.f32 v47, v0;
	[tilespmem:s22+$0x8F0] =	vst v52  }
0xaf: {  	p0 =	sne.s32 s21, $0x4;
	v62 =	vmul.f32 v55, v0;
	[tilespmem:s22+$0x900] =	vst v54  }
.Ltmp0:
0xb0: {  	v58 =	vmul.f32 v49, v0;
	[tilespmem:s22+$0x910] =	vst v56;
	(pc) =	sbr.rel @p0 .LBB2_3-.Ltmp0, $4  }
0xb1: {  	v60 =	vmul.f32 v51, v0;
	[tilespmem:s22+$0x950] =	vst v62  }
0xb2: {  	v0 =	vmul.f32 v59, v0;
	[tilespmem:s22+$0x920] =	vst v58  }
0xb3: {  	[tilespmem:s22+$0x930] =	vst v60  }
0xb4: {  	s21 =	sadd.s32 $0x1, s21;
	[tilespmem:s22+$0x970] =	vst v0  }
0xb5: {  	s20 =	sadd.s32 $0x1, s20  }
0xb6: {  	p0 =	sne.s32 s20, $0x7D  }
.Ltmp1:
0xb7: {  	_ = 	snop;
	(pc) =	sbr.rel @p0 .LBB2_2-.Ltmp1, $4  }
0xb8: {  	[spmem:s3] =	stream.indirect.scatter.add.f32 [tilespmem:s18], [sflag:$0x2], $0x80, s15, s17, $0xb8;
	[tilespmem:$0x16980] =	vst v63  }
0xb9: {  	_ =	swait.ge [sflag:s14], $0x2800  }
0xba: {  	[sflag:s14] =	ssyncset.done $0x0  }
0xbb: {  	[sflag:s14] =	ssyncadd.s32 $0xFFFFD800  }
0xbc: {  	s5 =	sadd.s32 $0x1, s5  }
0xbd: {  	p0 =	sne.s32 s5, s12  }
.Ltmp2:
0xbe: {  	[bflag:$0x0] =	sbarrier.arrive $0xFFFF;
	(pc) =	sbr.rel @p0 .LBB2_1-.Ltmp2, $4  }
0xbf: {  	[hbm:s11], [sflag:s9] =	dma.local [spmem:s13], $0x2800  }
0xc0: {  	_ =	swait.ge [sflag:s14], $0x2800  }
0xc1: {  	[sflag:s14] =	ssyncset.done $0x0  }
0xc2: {  	[sflag:s14] =	ssyncadd.s32 $0xFFFFD800  }
0xc3: {  	_ =	sfence.sel $0x180000  }
0xc4: {  	[bflag:$0x0] =	sbarrier.arrive $0xFFFF  }
0xc5: {  	p0 =	sne.s32 s4, $0x0;
	_ =	strace $0x9000004A  }
0xc6: {  	s0 =	sadd.s32 @!p0 $0x100000, s0;
	[bflag:$0x2] =	sbarrier.arrive $0xFFFF  }
0xc7: {  	[sflag:s0] =	ssyncadd.tile.s32 @!p0 $0x1;
	_ =	shalt  }
.Lfunc_end2:
_tile_overlayer_lowered:
.L_overlay_start_2:
0xc8: {  	(tag) =	ssettag $0x2  }
0xc9: {  	s0 =	rddreg [dreg:$0x0];
	s2 =	stileid.u32  }
0xca: {  	s1 =	rddreg [dreg:$0x1];
	p0 =	sne.s32 s2, $0x0  }
0xcb: {  	s3 =	rddreg [dreg:$0x2];
	[bflag:$0x3] =	sbarrier.arrive $0xFFFF;
	s2 =	simm.s32 @!p0 $0x1C02  }
0xcc: {  	[timem:s3], [sflag:s2] =	dma.local @!p0 [hbm:s0], s1  }
0xcd: {  	s0 =	simm.s32 @!p0 $0x2  }
0xce: {  	_ =	swait.ge @!p0 [sflag:s0], s1  }
0xcf: {  	s1 =	ssub.s32 @!p0 $0x0, s1;
	[sflag:s0] =	ssyncset.done @!p0 $0x0  }
0xd0: {  	[sflag:s0] =	ssyncadd.s32 @!p0 s1  }
0xd1: {  	[bflag:$0x3] =	sbarrier.arrive $0xFFFF  }
0xd2: {  	_ =	shalt  }

// kernel: kernel.7.cloned.1.call-start
scs
__scs_entry_jumppad:
0x0: {  	(pc) =	sbr.rel $0x88, $3  }
0x1: {  	(tag) =	ssettag $0x0;
	lr =	simm.s32 $0x1  }
0x2: {  	[smem:$0x3F9C] =	sst lr;
	_ =	strace $0xD0000000  }
0x3: {  	_ = 	snop  }
0x4: {  	_ = 	snop  }
0x5: {  	_ = 	snop  }
0x6: {  	_ = 	snop  }
0x7: {  	_ = 	snop  }
__scs_overlays_trampoline_lowered:
0x8: {  	[smem:$0x3FAB] =	sst s0  }
0x9: {  	[smem:$0x3FAC] =	sst s1  }
0xa: {  	[smem:$0x3FAD] =	sst s2  }
0xb: {  	[smem:$0x3FAE] =	sst s3  }
0xc: {  	[smem:$0x3FAF] =	sst s4  }
0xd: {  	[smem:$0x3FB0] =	sst s5  }
0xe: {  	[smem:$0x3FB1] =	sst s6  }
0xf: {  	[smem:$0x3FB2] =	sst s7  }
0x10: {  	[smem:$0x3FB3] =	sst s8  }
0x11: {  	[smem:$0x3FB4] =	sst s9;
	s0 =	simm.s32 @!p0 $0x0  }
0x12: {  	s1 =	sld [smem:$0x3F9A];
	s0 =	simm.s32 @p0 $0x1  }
0x13: {  	[smem:$0x3FB5] =	sst s0;
	s0 =	simm.s32 @!p1 $0x0  }
0x14: {  	s2 =	sld [smem:$0x3F99];
	s0 =	simm.s32 @p1 $0x1  }
0x15: {  	[smem:$0x3FB6] =	sst s0;
	s0 =	simm.s32 @!p2 $0x0  }
0x16: {  	s3 =	sld [smem:$0x3FDB];
	s0 =	simm.s32 @p2 $0x1  }
0x17: {  	s4 =	simm.s32 $0x1BF5;
	[smem:$0x3FB8] =	sst s0  }
0x18: {  	s0 =	sld [smem:$0x3F9B];
	_ =	swait.ge [sflag:s4], $0x0  }
0x19: {  	s7 =	sld [smem:$0x3F9C]  }
0x1a: {  	s8 =	sadd.s32 $0xFFFFE003, lr  }
0x1b: {  	s9 =	sadd.s32 $0xFFFFFEF7, lr;
	s5 =	simm.s32 $0xFFFFFFFF;
	p2 =	slt.u32 s8, $0xFFFFF086  }
0x1c: {  	p1 =	slt.u32 s9, $0xF7A;
	s5 =	simm.s32 @!p2 $0x0  }
0x1d: {  	s5 =	simm.s32 @p1 $0x1;
	p0 =	seq.s32 s7, s2  }
0x1e: {  	s7 =	smul.u32 @!p0 $0xF7A, s2;
	p2 =	seq.s32 @!p0 s5, $0x0  }
0x1f: {  	s9 =	smul.u32 $0xF7A, s1;
	s8 =	simm.s32 @!p0 $0x1BF5;
	p2 =	por !p2, p0  }
0x20: {  	[sflag:s8] =	ssyncset.s32 @!p0 $0xFFFFF086;
	s6 =	sadd.s32 @!p0 s3, s7;
	s7 =	simm.s32 @!p0 $0x108  }
0x21: {  	s3 =	sadd.s32 s3, s9;
	s6 =	sadd.s32 @!p0 $0x88, s6;
	s7 =	simm.s32 @p2 $0x1082  }
0x22: {  	[simem:s7], [sflag:s8] =	dma.local @!p0 [hbm:s6], $0xF7A  }
0x23: {  	s9 =	sor.u32 $0xD0000000, s2;
	s6 =	simm.s32 $0x108;
	_ =	swait.ge @!p0 [sflag:s8], $0x0  }
0x24: {  	s3 =	sadd.s32 $0x88, s3;
	s6 =	simm.s32 @!p1 $0x1082;
	[sflag:s4] =	ssyncset.s32 $0xFFFFF086  }
0x25: {  	[simem:s6], [sflag:s4] =	dma.local [hbm:s3], $0xF7A  }
0x26: {  	[smem:$0x3F9C] =	sst s1;
	(tag) =	ssettag s2;
	_ =	strace s9  }
0x27: {  	s1 =	sld [smem:$0x3FAC]  }
0x28: {  	s2 =	sld [smem:$0x3FAD]  }
0x29: {  	s4 =	sld [smem:$0x3FAF]  }
0x2a: {  	p0 =	seq.s32 s5, $0x0;
	s5 =	sld [smem:$0x3FB0]  }
0x2b: {  	s6 =	sld [smem:$0x3FB1]  }
0x2c: {  	s7 =	sld [smem:$0x3FB2]  }
0x2d: {  	s3 =	simm.s32 $0x108;
	s8 =	sld [smem:$0x3FB3]  }
0x2e: {  	s3 =	simm.s32 @!p0 $0x1082;
	s9 =	sld [smem:$0x3FB4]  }
0x2f: {  	lr =	sadd.s32 s0, s3;
	s0 =	sld [smem:$0x3FAB]  }
0x30: {  	s3 =	sld [smem:$0x3FAE]  }
0x31: {  	[smem:$0x3FB7] =	sst s10  }
0x32: {  	s10 =	sld [smem:$0x3FB5];
	_ =	sdelay $0x3  }
0x33: {  	p0 =	seq.s32 s10, $0x1;
	s10 =	sld [smem:$0x3FB7];
	_ =	sdelay $0x3  }
0x34: {  	[smem:$0x3FB7] =	sst s10  }
0x35: {  	s10 =	sld [smem:$0x3FB6];
	_ =	sdelay $0x3  }
0x36: {  	p1 =	seq.s32 s10, $0x1;
	s10 =	sld [smem:$0x3FB7];
	_ =	sdelay $0x3  }
0x37: {  	[smem:$0x3FB7] =	sst s10  }
0x38: {  	s10 =	sld [smem:$0x3FB8]  }
0x39: {  	_ = 	snop;
	(pc) =	sbr.ind lr, $3  }
0x3a: {  	_ = 	snop  }
0x3b: {  	_ = 	snop  }
0x3c: {  	p2 =	seq.s32 s10, $0x1;
	s10 =	sld [smem:$0x3FB7]  }
0x3d: {  	_ =	shalt  }
0x3e: {  	_ =	shalt  }
0x3f: {  	_ =	shalt  }
0x40: {  	_ =	shalt  }
0x41: {  	_ =	shalt  }
0x42: {  	_ =	shalt  }
0x43: {  	_ =	shalt  }
0x44: {  	_ =	shalt  }
0x45: {  	_ =	shalt  }
0x46: {  	_ =	shalt  }
0x47: {  	_ =	shalt  }
0x48: {  	_ =	shalt  }
0x49: {  	_ =	shalt  }
0x4a: {  	_ =	shalt  }
0x4b: {  	_ =	shalt  }
0x4c: {  	_ =	shalt  }
0x4d: {  	_ =	shalt  }
0x4e: {  	_ =	shalt  }
0x4f: {  	_ =	shalt  }
0x50: {  	_ =	shalt  }
0x51: {  	_ =	shalt  }
0x52: {  	_ =	shalt  }
0x53: {  	_ =	shalt  }
0x54: {  	_ =	shalt  }
0x55: {  	_ =	shalt  }
0x56: {  	_ =	shalt  }
0x57: {  	_ =	shalt  }
0x58: {  	_ =	shalt  }
0x59: {  	_ =	shalt  }
0x5a: {  	_ =	shalt  }
0x5b: {  	_ =	shalt  }
0x5c: {  	_ =	shalt  }
0x5d: {  	_ =	shalt  }
0x5e: {  	_ =	shalt  }
0x5f: {  	_ =	shalt  }
0x60: {  	_ =	shalt  }
0x61: {  	_ =	shalt  }
0x62: {  	_ =	shalt  }
0x63: {  	_ =	shalt  }
0x64: {  	_ =	shalt  }
0x65: {  	_ =	shalt  }
0x66: {  	_ =	shalt  }
0x67: {  	_ =	shalt  }
0x68: {  	_ =	shalt  }
0x69: {  	_ =	shalt  }
0x6a: {  	_ =	shalt  }
0x6b: {  	_ =	shalt  }
0x6c: {  	_ =	shalt  }
0x6d: {  	_ =	shalt  }
0x6e: {  	_ =	shalt  }
0x6f: {  	_ =	shalt  }
0x70: {  	_ =	shalt  }
0x71: {  	_ =	shalt  }
0x72: {  	_ =	shalt  }
0x73: {  	_ =	shalt  }
0x74: {  	_ =	shalt  }
0x75: {  	_ =	shalt  }
0x76: {  	_ =	shalt  }
0x77: {  	_ =	shalt  }
0x78: {  	_ =	shalt  }
0x79: {  	_ =	shalt  }
0x7a: {  	_ =	shalt  }
0x7b: {  	_ =	shalt  }
0x7c: {  	_ =	shalt  }
0x7d: {  	_ =	shalt  }
0x7e: {  	_ =	shalt  }
0x7f: {  	_ =	shalt  }
0x80: {  	_ =	shalt  }
0x81: {  	_ =	shalt  }
0x82: {  	_ =	shalt  }
0x83: {  	_ =	shalt  }
0x84: {  	_ =	shalt  }
0x85: {  	_ =	shalt  }
0x86: {  	_ =	shalt  }
0x87: {  	_ =	shalt  }
.Lfunc_end0:
.L_simem_size_0:
called_computation_lowered:
.L_overlay_start_0:
0x88: {  	s2 =	sld [smem:$0x3FD9]  }
0x89: {  	s3 =	sld [smem:$0x3FFE];
	_ =	sdelay $0x1  }
0x8a: {  	s1 =	srdreg.scid  }
0x8b: {  	s0 =	sand.u32 $0x1, s1  }
0x8c: {  	s17 =	sshll.u32 s0, $0xA;
	s2 =	sadd.s32 s3, s2  }
0x8d: {  	s2 =	sadd.s32 s2, s17  }
0x8e: {  	[smem:$0x3FC3] =	sst s2  }
0x8f: {  	_ = 	snop  }
0x90: {  	s2 =	sld [smem:$0x3FC7]  }
0x91: {  	s18 =	sld [smem:$0x3FD0];
	(tm) =	ssettm $0x1  }
0x92: {  	s4 =	sld [smem:$0x3FFB];
	_ =	sdelay $0x3  }
0x93: {  	_ =	strace s4  }
0x94: {  	s4 =	sld [smem:$0x3FFC];
	_ =	sdelay $0x3  }
0x95: {  	_ =	strace s4  }
0x96: {  	s4 =	sld [smem:$0x3FFD];
	_ =	sdelay $0x3  }
0x97: {  	_ =	strace s4  }
0x98: {  	_ =	strace $0x8FFFFFFF  }
0x99: {  	s19 =	sld [smem:$0x3FDB];
	_ =	sdelay $0x1  }
0x9a: {  	s5 =	simm.s32 $_scs_section_size  }
0x9b: {  	s6 =	simm.s32 $_size__tile_overlayer_lowered;
	s7 =	simm.s32 $_tile_overlayer_lowered  }
0x9c: {  	s22 =	simm.s32 $0x1BFF;
	s21 =	sshll.u32 s7, $0x1;
	s4 =	sadd.s32 s5, s19  }
0x9d: {  	s8 =	simm.s32 $0x0;
	s20 =	sshll.u32 s6, $0x1;
	s6 =	sadd.s32 s21, s4  }
0x9e: {  	[timem:s8], [sflag:s22] =	dma.local [hbm:s6], s20  }
0x9f: {  	_ =	swait.ge [sflag:s22], s20  }
0xa0: {  	s5 =	ssub.s32 $0x0, s20;
	[sflag:s22] =	ssyncset.done $0x0  }
0xa1: {  	[sflag:s22] =	ssyncadd.s32 s5;
	_ =	sdelay $0x1  }
0xa2: {  	s23 =	simm.s32 $0x1B8B  }
0xa3: {  	_ =	swait.ge [sflag:s23], $0x1  }
0xa4: {  	[sflag:s23] =	ssyncset.done $0x0  }
0xa5: {  	s25 =	simm.s32 $0x1B8E;
	s24 =	sld [smem:$0x3FFE];
	[sflag:s23] =	ssyncadd.s32 $0xFFFFFFFF  }
0xa6: {  	s26 =	simm.s32 $execute0_lowered;
	[smem:$0x3FD2] =	sst s25  }
0xa7: {  	s6 =	sshll.u32 s26, $0x1;
	_ =	strace $0x80000046;
	[dreg:$0x1] =	wrdreg $0xFFFFFFFF  }
0xa8: {  	s28 =	simm.s32 $_size_execute0_lowered;
	s4 =	sadd.s32 s4, s6;
	[dreg:$0x0] =	wrdreg $0x0  }
0xa9: {  	s6 =	sshll.u32 s28, $0x1;
	[dreg:$0x2] =	wrdreg s4  }
0xaa: {  	[dreg:$0x3] =	wrdreg s6  }
0xab: {  	[dreg:$0x4] =	wrdreg $0xC0  }
0xac: {  	_ =	task [dreg:s8], $0x5FFFF  }
0xad: {  	[dreg:$0x1] =	wrdreg $0xFFFFFFFF  }
0xae: {  	[dreg:$0x0] =	wrdreg $0x60  }
0xaf: {  	[dreg:$0x2] =	wrdreg s18  }
0xb0: {  	[dreg:$0x3] =	wrdreg s24  }
0xb1: {  	[dreg:$0x4] =	wrdreg s2  }
0xb2: {  	[dreg:$0x5] =	wrdreg $0x29800  }
0xb3: {  	[dreg:$0x6] =	wrdreg $0x9  }
0xb4: {  	_ =	task.clear_ibuf [dreg:s8], $0x7FFFF;
	_ =	strace $0x90000046  }
0xb5: {  	s29 =	simm.s32 $0x9;
	_ =	strace $0x80000048  }
0xb6: {  	_ =	swait.ge [sflag:s29], $0x1  }
0xb7: {  	[sflag:s29] =	ssyncadd.s32 $0xFFFFFFFF  }
0xb8: {  	_ =	strace $0x90000048  }
0xb9: {  	_ =	sfence  }
0xba: {  	s30 =	sld [smem:$0x0];
	_ =	sdelay $0x2  }
0xbb: {  	s31 =	sshll.u32 s1, $0xD;
	s1 =	sshrl.u32 s1, $0x2  }
0xbc: {  	s3 =	sand.u32 $0x4000, s31;
	s1 =	sadd.s32 s1, s30  }
0xbd: {  	s0 =	sor.u32 s3, s0;
	s1 =	sshll.u32 s1, $0x11  }
0xbe: {  	s0 =	sor.u32 s1, s0  }
0xbf: {  	s0 =	sadd.s32 $0x8F2B, s0  }
0xc0: {  	[sflag:s0] =	ssyncadd.remote.s32 $0x1  }
0xc1: {  	_ =	sfence.sel $0xFFFF  }
0xc2: {  	[dreg:$0x0] =	wrdreg $0xFFFFFFFF;
	(pc) =	sbr.abs _section_cstart, $3  }
0xc3: {  	[dreg:$0x1] =	wrdreg $0xFFFFFFFF  }
0xc4: {  	_ =	task.clear_ibuf [dreg:s8], $0x2FFFF;
	_ =	strace $0x9FFFFFFF  }
0xc5: {  	(tm) =	ssettm $0x7FFFFFFF  }
tec
execute0_lowered:
.L_overlay_start_1:
0x0: {  	(tag) =	ssettag $0x1  }
0x1: {  	s1 =	rddreg [dreg:$0x0]  }
0x2: {  	s9 =	rddreg [dreg:$0x1]  }
0x3: {  	s2 =	rddreg [dreg:$0x2]  }
0x4: {  	s3 =	rddreg [dreg:$0x3]  }
0x5: {  	s4 =	srdreg.scid;
	s0 =	rddreg [dreg:$0x4]  }
0x6: {  	s5 =	simm.s32 $0x0;
	s15 =	simm.s32 $0x80;
	s16 =	simm.s32 $0x100  }
0x7: {  	s17 =	simm.s32 $0x50;
	s18 =	simm.s32 $0x180;
	s19 =	simm.s32 $0x1  }
0x8: {  	s10 =	sand.u32 $0x1, s4;
	s4 =	stileid.u32;
	[smem:$0x7FF] =	sst s5  }
0x9: {  	s6 =	sadd.s32 $0xAC00, s9;
	s7 =	sadd.s32 $0xE00, s9;
	s11 =	smul.u32 $0x140000, s10  }
0xa: {  	s8 =	sadd.s32 $0x14A00, s9;
	s12 =	smul.u32 $0x14000, s4;
	_ =	strace $0x80000047  }
0xb: {  	s28 =	ssub.s32 $0x2, s10;
	s14 =	smul.u32 $0x50000, s4;
	s29 =	sshll.u32 s4, $0x1  }
0xc: {  	s31 =	sshll.u32 s4, $0x6;
	s13 =	sshrl.u32 s28, $0x1;
	s10 =	sor.u32 s10, s29  }
0xd: {  	s11 =	sadd.s32 s12, s11;
	s12 =	ssub.s32 s28, s13;
	s30 =	sshrl.u32 s14, $0x2  }
0xe: {  	s10 =	smul.u32 $0x2710, s10;
	s11 =	sshrl.u32 s11, $0x3;
	s14 =	sadd.s32 s30, s3  }
0xf: {  	s12 =	smax.u32 s12, $0x1;
	s11 =	sadd.s32 s11, s9;
	s9 =	sor.u32 $0x1C02, s31  }
0x10: {  	s13 =	sshrl.u32 s14, $0x3;
	s14 =	simm.s32 $0x2;
	s11 =	sadd.s32 $0x17200, s11  }
.LBB2_1:
0x11: {  	[spmem:s13], [sflag:s9] =	dma.local [hbm:s8], $0x2800  }
0x12: {  	_ =	swait.ge [sflag:s14], $0x2800  }
0x13: {  	[sflag:s14] =	ssyncset.done $0x0  }
0x14: {  	[sflag:s14] =	ssyncadd.s32 $0xFFFFD800  }
0x15: {  	s20 =	simm.s32 $0x0;
	[bflag:$0x0] =	sbarrier.arrive $0xFFFF  }
.LBB2_2:
0x16: {  	s21 =	smul.u32 $0x50, s20;
	_ =	sdelay $0x1  }
0x17: {  	s21 =	sadd.s32 s10, s21  }
0x18: {  	s22 =	sshrl.u32 s21, $0x3  }
0x19: {  	s21 =	simm.s32 $0x0;
	s23 =	sadd.s32 s6, s22  }
0x1a: {  	[tilespmem:s21], [sflag:$0x2] =	stream.linear.gather [hbm4b:s23+s21], $0x50, $0x38;
	[tilespmem:$0x16980] =	vst v63  }
0x1b: {  	_ =	swait.ge [sflag:s14], $0x50  }
0x1c: {  	[sflag:s14] =	ssyncset.done $0x0  }
0x1d: {  	s31 =	sadd.s32 s7, s22;
	[sflag:s14] =	ssyncadd.s32 $0xFFFFFFB0  }
0x1e: {  	[tilespmem:s15], [sflag:$0x2] =	stream.linear.gather [hbm4b:s31+s21], $0x50, $0x38;
	[tilespmem:$0x16980] =	vst v63  }
0x1f: {  	_ =	swait.ge [sflag:s14], $0x50  }
0x20: {  	[sflag:s14] =	ssyncset.done $0x0  }
0x21: {  	s22 =	sadd.s32 s2, s22;
	[sflag:s14] =	ssyncadd.s32 $0xFFFFFFB0  }
0x22: {  	[tilespmem:s16], [sflag:$0x2] =	stream.linear.gather [hbm4b:s22+s21], $0x50, $0x38;
	[tilespmem:$0x16980] =	vst v63  }
0x23: {  	_ =	swait.ge [sflag:s14], $0x50  }
0x24: {  	[sflag:s14] =	ssyncset.done $0x0  }
0x25: {  	[sflag:s14] =	ssyncadd.s32 $0xFFFFFFB0  }
0x26: {  	[tilespmem:s18], [sflag:$0x1] =	stream.indirect.gather [hbm4b:s1+s17], $0x80, s21, s17, $0xb8;
	[tilespmem:$0x16980] =	vst v63  }
0x27: {  	_ =	swait.ge [sflag:s19], $0x2800  }
0x28: {  	[sflag:s19] =	ssyncset.done $0x0  }
0x29: {  	[sflag:s19] =	ssyncadd.s32 $0xFFFFD800  }
.LBB2_3:
0x2a: {  	s22 =	sshll.u32 s21, $0x4  }
0x2b: {  	s22 =	sand.u32 $0x3FFFFFF0, s22  }
0x2c: {  	s31 =	sshll.u32 s21, $0xB;
	v0 =	vld [tilespmem:s22+$0x100]  }
0x2d: {  	s22 =	sand.u32 $0x3FFFF800, s31  }
0x2e: {  	v1 =	vld [tilespmem:s22+$0x180]  }
0x2f: {  	v2 =	vld [tilespmem:s22+$0x190]  }
0x30: {  	v3 =	vld [tilespmem:s22+$0x1A0]  }
0x31: {  	v5 =	vld [tilespmem:s22+$0x1B0];
	v4 =	vbroadcast v0, $0x0  }
0x32: {  	v6 =	vld [tilespmem:s22+$0x1C0]  }
0x33: {  	v7 =	vld [tilespmem:s22+$0x1D0];
	v1 =	vmul.f32 v4, v1  }
0x34: {  	v8 =	vld [tilespmem:s22+$0x1E0];
	v2 =	vmul.f32 v2, v4  }
0x35: {  	v14 =	vld [tilespmem:s22+$0x1F0];
	v13 =	vmul.f32 v3, v4;
	[tilespmem:s22+$0x180] =	vst v1  }
0x36: {  	v16 =	vld [tilespmem:s22+$0x200];
	v15 =	vmul.f32 v5, v4;
	[tilespmem:s22+$0x190] =	vst v2  }
0x37: {  	v18 =	vld [tilespmem:s22+$0x210];
	v17 =	vmul.f32 v6, v4;
	[tilespmem:s22+$0x1A0] =	vst v13  }
0x38: {  	v20 =	vld [tilespmem:s22+$0x220];
	v19 =	vmul.f32 v7, v4;
	[tilespmem:s22+$0x1B0] =	vst v15  }
0x39: {  	v9 =	vld [tilespmem:s22+$0x230];
	v22 =	vbroadcast v0, $0x1;
	v21 =	vmul.f32 v8, v4;
	[tilespmem:s22+$0x1C0] =	vst v17  }
0x3a: {  	v24 =	vld [tilespmem:s22+$0x240];
	v23 =	vmul.f32 v14, v4;
	[tilespmem:s22+$0x1D0] =	vst v19  }
0x3b: {  	v26 =	vld [tilespmem:s22+$0x250];
	v25 =	vmul.f32 v16, v22;
	[tilespmem:s22+$0x1E0] =	vst v21  }
0x3c: {  	v28 =	vld [tilespmem:s22+$0x260];
	v27 =	vmul.f32 v18, v22;
	[tilespmem:s22+$0x1F0] =	vst v23  }
0x3d: {  	v30 =	vld [tilespmem:s22+$0x270];
	v29 =	vmul.f32 v20, v22;
	[tilespmem:s22+$0x200] =	vst v25  }
0x3e: {  	v32 =	vld [tilespmem:s22+$0x280];
	v31 =	vmul.f32 v9, v22;
	[tilespmem:s22+$0x210] =	vst v27  }
0x3f: {  	v34 =	vld [tilespmem:s22+$0x290];
	v33 =	vmul.f32 v24, v22;
	[tilespmem:s22+$0x220] =	vst v29  }
0x40: {  	v36 =	vld [tilespmem:s22+$0x2A0];
	v35 =	vmul.f32 v26, v22;
	[tilespmem:s22+$0x230] =	vst v31  }
0x41: {  	v39 =	vld [tilespmem:s22+$0x2B0];
	v38 =	vbroadcast v0, $0x2;
	v37 =	vmul.f32 v28, v22;
	[tilespmem:s22+$0x240] =	vst v33  }
0x42: {  	v41 =	vld [tilespmem:s22+$0x2C0];
	v40 =	vmul.f32 v30, v22;
	[tilespmem:s22+$0x250] =	vst v35  }
0x43: {  	v43 =	vld [tilespmem:s22+$0x2D0];
	v42 =	vmul.f32 v32, v38;
	[tilespmem:s22+$0x260] =	vst v37  }
0x44: {  	v45 =	vld [tilespmem:s22+$0x2E0];
	v44 =	vmul.f32 v34, v38;
	[tilespmem:s22+$0x270] =	vst v40  }
0x45: {  	v47 =	vld [tilespmem:s22+$0x2F0];
	v46 =	vmul.f32 v36, v38;
	[tilespmem:s22+$0x280] =	vst v42  }
0x46: {  	v49 =	vld [tilespmem:s22+$0x300];
	v48 =	vmul.f32 v39, v38;
	[tilespmem:s22+$0x290] =	vst v44  }
0x47: {  	v51 =	vld [tilespmem:s22+$0x310];
	v50 =	vmul.f32 v41, v38;
	[tilespmem:s22+$0x2A0] =	vst v46  }
0x48: {  	v53 =	vld [tilespmem:s22+$0x320];
	v52 =	vmul.f32 v43, v38;
	[tilespmem:s22+$0x2B0] =	vst v48  }
0x49: {  	v12 =	vld [tilespmem:s22+$0x370];
	v55 =	vbroadcast v0, $0x3;
	v54 =	vmul.f32 v45, v38;
	[tilespmem:s22+$0x2C0] =	vst v50  }
0x4a: {  	v56 =	vld [tilespmem:s22+$0x330];
	v57 =	vmul.f32 v47, v38;
	[tilespmem:s22+$0x2D0] =	vst v52  }
0x4b: {  	v58 =	vld [tilespmem:s22+$0x340];
	v59 =	vmul.f32 v49, v55;
	[tilespmem:s22+$0x2E0] =	vst v54  }
0x4c: {  	v60 =	vld [tilespmem:s22+$0x350];
	v61 =	vmul.f32 v51, v55;
	[tilespmem:s22+$0x2F0] =	vst v57  }
0x4d: {  	v62 =	vld [tilespmem:s22+$0x360];
	v63 =	vmul.f32 v53, v55;
	[tilespmem:s22+$0x300] =	vst v59  }
0x4e: {  	v14 =	vld [tilespmem:s22+$0x380];
	v22 =	vmul.f32 v12, v55;
	[tilespmem:s22+$0x310] =	vst v61  }
0x4f: {  	v16 =	vld [tilespmem:s22+$0x390];
	v13 =	vmul.f32 v56, v55;
	[tilespmem:s22+$0x320] =	vst v63  }
0x50: {  	v18 =	vld [tilespmem:s22+$0x3A0];
	v15 =	vmul.f32 v58, v55;
	[tilespmem:s22+$0x370] =	vst v22  }
0x51: {  	v20 =	vbroadcast v0, $0x4;
	v38 =	vld [tilespmem:s22+$0x430];
	v17 =	vmul.f32 v60, v55;
	[tilespmem:s22+$0x330] =	vst v13  }
0x52: {  	v19 =	vmul.f32 v62, v55;
	v21 =	vld [tilespmem:s22+$0x3B0];
	[tilespmem:s22+$0x340] =	vst v15  }
0x53: {  	v23 =	vld [tilespmem:s22+$0x3C0];
	[tilespmem:s22+$0x350] =	vst v17;
	v24 =	vmul.f32 v14, v20  }
0x54: {  	v25 =	vld [tilespmem:s22+$0x3D0];
	v37 =	vbroadcast v0, $0x5;
	[tilespmem:s22+$0x360] =	vst v19;
	v26 =	vmul.f32 v16, v20  }
0x55: {  	v27 =	vld [tilespmem:s22+$0x3E0];
	v28 =	vmul.f32 v18, v20;
	[tilespmem:s22+$0x380] =	vst v24  }
0x56: {  	v29 =	vld [tilespmem:s22+$0x3F0];
	v47 =	vmul.f32 v38, v37;
	[tilespmem:s22+$0x390] =	vst v26  }
0x57: {  	v31 =	vld [tilespmem:s22+$0x400];
	v30 =	vmul.f32 v21, v20;
	[tilespmem:s22+$0x3A0] =	vst v28  }
0x58: {  	v33 =	vld [tilespmem:s22+$0x410];
	v32 =	vmul.f32 v23, v20;
	[tilespmem:s22+$0x430] =	vst v47  }
0x59: {  	v35 =	vld [tilespmem:s22+$0x420];
	v34 =	vmul.f32 v25, v20;
	[tilespmem:s22+$0x3B0] =	vst v30  }
0x5a: {  	v40 =	vld [tilespmem:s22+$0x440];
	v36 =	vmul.f32 v27, v20;
	[tilespmem:s22+$0x3C0] =	vst v32  }
0x5b: {  	v42 =	vld [tilespmem:s22+$0x450];
	v39 =	vmul.f32 v29, v20;
	[tilespmem:s22+$0x3D0] =	vst v34  }
0x5c: {  	v44 =	vld [tilespmem:s22+$0x460];
	v41 =	vmul.f32 v31, v37;
	[tilespmem:s22+$0x3E0] =	vst v36  }
0x5d: {  	v46 =	vld [tilespmem:s22+$0x470];
	v43 =	vmul.f32 v33, v37;
	[tilespmem:s22+$0x3F0] =	vst v39  }
0x5e: {  	v48 =	vld [tilespmem:s22+$0x480];
	v45 =	vmul.f32 v35, v37;
	[tilespmem:s22+$0x400] =	vst v41  }
0x5f: {  	v50 =	vld [tilespmem:s22+$0x490];
	v49 =	vmul.f32 v40, v37;
	[tilespmem:s22+$0x410] =	vst v43  }
0x60: {  	v52 =	vld [tilespmem:s22+$0x4A0];
	v51 =	vmul.f32 v42, v37;
	[tilespmem:s22+$0x420] =	vst v45  }
0x61: {  	v54 =	vbroadcast v0, $0x6;
	v55 =	vld [tilespmem:s22+$0x4B0];
	v53 =	vmul.f32 v44, v37;
	[tilespmem:s22+$0x440] =	vst v49  }
0x62: {  	v57 =	vld [tilespmem:s22+$0x4C0];
	v56 =	vmul.f32 v46, v37;
	[tilespmem:s22+$0x450] =	vst v51  }
0x63: {  	v59 =	vld [tilespmem:s22+$0x4D0];
	v58 =	vmul.f32 v48, v54;
	[tilespmem:s22+$0x460] =	vst v53  }
0x64: {  	v61 =	vld [tilespmem:s22+$0x4E0];
	v60 =	vmul.f32 v50, v54;
	[tilespmem:s22+$0x470] =	vst v56  }
0x65: {  	v63 =	vld [tilespmem:s22+$0x4F0];
	v62 =	vmul.f32 v52, v54;
	[tilespmem:s22+$0x480] =	vst v58  }
0x66: {  	v22 =	vld [tilespmem:s22+$0x540];
	v12 =	vmul.f32 v55, v54;
	[tilespmem:s22+$0x490] =	vst v60  }
0x67: {  	v13 =	vld [tilespmem:s22+$0x500];
	v14 =	vmul.f32 v57, v54;
	[tilespmem:s22+$0x4A0] =	vst v62  }
0x68: {  	v15 =	vld [tilespmem:s22+$0x510];
	v16 =	vmul.f32 v59, v54;
	[tilespmem:s22+$0x4B0] =	vst v12  }
0x69: {  	v17 =	vld [tilespmem:s22+$0x520];
	v19 =	vbroadcast v0, $0x7;
	v18 =	vmul.f32 v61, v54;
	[tilespmem:s22+$0x4C0] =	vst v14  }
0x6a: {  	v20 =	vld [tilespmem:s22+$0x530];
	v21 =	vmul.f32 v63, v54;
	[tilespmem:s22+$0x4D0] =	vst v16  }
0x6b: {  	v24 =	vld [tilespmem:s22+$0x550];
	v31 =	vmul.f32 v22, v19;
	[tilespmem:s22+$0x4E0] =	vst v18  }
0x6c: {  	v26 =	vld [tilespmem:s22+$0x560];
	v23 =	vmul.f32 v13, v19;
	[tilespmem:s22+$0x4F0] =	vst v21  }
0x6d: {  	v28 =	vld [tilespmem:s22+$0x570];
	v25 =	vmul.f32 v15, v19;
	[tilespmem:s22+$0x540] =	vst v31  }
0x6e: {  	v37 =	vld [tilespmem:s22+$0x5B0];
	v27 =	vmul.f32 v17, v19;
	[tilespmem:s22+$0x500] =	vst v23  }
0x6f: {  	v47 =	vld [tilespmem:s22+$0x600];
	[tilespmem:s22+$0x510] =	vst v25;
	v29 =	vmul.f32 v20, v19  }
0x70: {  	v54 =	vld [tilespmem:s22+$0x630];
	[tilespmem:s22+$0x520] =	vst v27;
	v33 =	vmul.f32 v24, v19  }
0x71: {  	v30 =	vld [tilespmem:s22+$0x580];
	v36 =	vbroadcast v0, $0x8;
	v35 =	vmul.f32 v26, v19;
	[tilespmem:s22+$0x530] =	vst v29  }
0x72: {  	v32 =	vld [tilespmem:s22+$0x590];
	v53 =	vbroadcast v0, $0x9;
	v38 =	vmul.f32 v28, v19;
	[tilespmem:s22+$0x550] =	vst v33  }
0x73: {  	v34 =	vld [tilespmem:s22+$0x5A0];
	v46 =	vmul.f32 v37, v36;
	[tilespmem:s22+$0x560] =	vst v35  }
0x74: {  	v39 =	vld [tilespmem:s22+$0x5C0];
	v57 =	vmul.f32 v47, v53;
	[tilespmem:s22+$0x570] =	vst v38  }
0x75: {  	v41 =	vld [tilespmem:s22+$0x5D0];
	v63 =	vmul.f32 v54, v53;
	[tilespmem:s22+$0x5B0] =	vst v46  }
0x76: {  	v43 =	vld [tilespmem:s22+$0x5E0];
	v40 =	vmul.f32 v30, v36;
	[tilespmem:s22+$0x600] =	vst v57  }
0x77: {  	v45 =	vld [tilespmem:s22+$0x5F0];
	v42 =	vmul.f32 v32, v36;
	[tilespmem:s22+$0x630] =	vst v63  }
0x78: {  	v49 =	vld [tilespmem:s22+$0x610];
	v44 =	vmul.f32 v34, v36;
	[tilespmem:s22+$0x580] =	vst v40  }
0x79: {  	v51 =	vld [tilespmem:s22+$0x620];
	v48 =	vmul.f32 v39, v36;
	[tilespmem:s22+$0x590] =	vst v42  }
0x7a: {  	v56 =	vld [tilespmem:s22+$0x640];
	v50 =	vmul.f32 v41, v36;
	[tilespmem:s22+$0x5A0] =	vst v44  }
0x7b: {  	v58 =	vld [tilespmem:s22+$0x650];
	v52 =	vmul.f32 v43, v36;
	[tilespmem:s22+$0x5C0] =	vst v48  }
0x7c: {  	v60 =	vld [tilespmem:s22+$0x660];
	v55 =	vmul.f32 v45, v36;
	[tilespmem:s22+$0x5D0] =	vst v50  }
0x7d: {  	v62 =	vld [tilespmem:s22+$0x670];
	v59 =	vmul.f32 v49, v53;
	[tilespmem:s22+$0x5E0] =	vst v52  }
0x7e: {  	v12 =	vld [tilespmem:s22+$0x680];
	v61 =	vmul.f32 v51, v53;
	[tilespmem:s22+$0x5F0] =	vst v55  }
0x7f: {  	v14 =	vld [tilespmem:s22+$0x690];
	v13 =	vmul.f32 v56, v53;
	[tilespmem:s22+$0x610] =	vst v59  }
0x80: {  	v16 =	vld [tilespmem:s22+$0x6A0];
	v15 =	vmul.f32 v58, v53;
	[tilespmem:s22+$0x620] =	vst v61  }
0x81: {  	v18 =	vbroadcast v0, $0xA;
	v21 =	vld [tilespmem:s22+$0x6C0];
	v17 =	vmul.f32 v60, v53;
	[tilespmem:s22+$0x640] =	vst v13  }
0x82: {  	v23 =	vld [tilespmem:s22+$0x6D0];
	v20 =	vmul.f32 v62, v53;
	[tilespmem:s22+$0x650] =	vst v15  }
0x83: {  	v25 =	vld [tilespmem:s22+$0x6E0];
	v22 =	vmul.f32 v12, v18;
	[tilespmem:s22+$0x660] =	vst v17  }
0x84: {  	v27 =	vld [tilespmem:s22+$0x6F0];
	v24 =	vmul.f32 v14, v18;
	[tilespmem:s22+$0x670] =	vst v20  }
0x85: {  	v31 =	vld [tilespmem:s22+$0x710];
	v26 =	vmul.f32 v16, v18;
	[tilespmem:s22+$0x680] =	vst v22  }
0x86: {  	v19 =	vld [tilespmem:s22+$0x6B0];
	v30 =	vmul.f32 v21, v18;
	[tilespmem:s22+$0x690] =	vst v24  }
0x87: {  	v29 =	vld [tilespmem:s22+$0x700];
	[tilespmem:s22+$0x6A0] =	vst v26;
	v32 =	vmul.f32 v23, v18  }
0x88: {  	v33 =	vld [tilespmem:s22+$0x720];
	v35 =	vbroadcast v0, $0xB;
	[tilespmem:s22+$0x6C0] =	vst v30;
	v34 =	vmul.f32 v25, v18  }
0x89: {  	v36 =	vld [tilespmem:s22+$0x730];
	v37 =	vmul.f32 v27, v18;
	[tilespmem:s22+$0x6D0] =	vst v32  }
0x8a: {  	v38 =	vld [tilespmem:s22+$0x740];
	v41 =	vmul.f32 v31, v35;
	[tilespmem:s22+$0x6E0] =	vst v34  }
0x8b: {  	v46 =	vld [tilespmem:s22+$0x780];
	v28 =	vmul.f32 v19, v18;
	[tilespmem:s22+$0x6F0] =	vst v37  }
0x8c: {  	v53 =	vld [tilespmem:s22+$0x7B0];
	[tilespmem:s22+$0x710] =	vst v41;
	v39 =	vmul.f32 v29, v35  }
0x8d: {  	v57 =	vld [tilespmem:s22+$0x7D0];
	[tilespmem:s22+$0x6B0] =	vst v28;
	v43 =	vmul.f32 v33, v35  }
0x8e: {  	v63 =	vld [tilespmem:s22+$0x800];
	v52 =	vbroadcast v0, $0xC;
	v45 =	vmul.f32 v36, v35;
	[tilespmem:s22+$0x700] =	vst v39  }
0x8f: {  	v40 =	vld [tilespmem:s22+$0x750];
	v47 =	vmul.f32 v38, v35;
	[tilespmem:s22+$0x720] =	vst v43  }
0x90: {  	v42 =	vld [tilespmem:s22+$0x760];
	v56 =	vmul.f32 v46, v52;
	[tilespmem:s22+$0x730] =	vst v45  }
0x91: {  	v44 =	vld [tilespmem:s22+$0x770];
	v17 =	vbroadcast v0, $0xD;
	v62 =	vmul.f32 v53, v52;
	[tilespmem:s22+$0x740] =	vst v47  }
0x92: {  	v48 =	vld [tilespmem:s22+$0x790];
	v14 =	vmul.f32 v57, v52;
	[tilespmem:s22+$0x780] =	vst v56  }
0x93: {  	v50 =	vld [tilespmem:s22+$0x7A0];
	v21 =	vmul.f32 v63, v17;
	[tilespmem:s22+$0x7B0] =	vst v62  }
0x94: {  	v55 =	vld [tilespmem:s22+$0x7C0];
	v49 =	vmul.f32 v40, v35;
	[tilespmem:s22+$0x7D0] =	vst v14  }
0x95: {  	v59 =	vld [tilespmem:s22+$0x7E0];
	v51 =	vmul.f32 v42, v35;
	[tilespmem:s22+$0x800] =	vst v21  }
0x96: {  	v61 =	vld [tilespmem:s22+$0x7F0];
	v54 =	vmul.f32 v44, v35;
	[tilespmem:s22+$0x750] =	vst v49  }
0x97: {  	v13 =	vld [tilespmem:s22+$0x810];
	v58 =	vmul.f32 v48, v52;
	[tilespmem:s22+$0x760] =	vst v51  }
0x98: {  	v15 =	vld [tilespmem:s22+$0x820];
	v60 =	vmul.f32 v50, v52;
	[tilespmem:s22+$0x770] =	vst v54  }
0x99: {  	v20 =	vld [tilespmem:s22+$0x840];
	v12 =	vmul.f32 v55, v52;
	[tilespmem:s22+$0x790] =	vst v58  }
0x9a: {  	v22 =	vld [tilespmem:s22+$0x850];
	v16 =	vmul.f32 v59, v52;
	[tilespmem:s22+$0x7A0] =	vst v60  }
0x9b: {  	v24 =	vld [tilespmem:s22+$0x860];
	v19 =	vmul.f32 v61, v52;
	[tilespmem:s22+$0x7C0] =	vst v12  }
0x9c: {  	v26 =	vld [tilespmem:s22+$0x870];
	v23 =	vmul.f32 v13, v17;
	[tilespmem:s22+$0x7E0] =	vst v16  }
0x9d: {  	v30 =	vld [tilespmem:s22+$0x890];
	v25 =	vmul.f32 v15, v17;
	[tilespmem:s22+$0x7F0] =	vst v19  }
0x9e: {  	v18 =	vld [tilespmem:s22+$0x830];
	v29 =	vmul.f32 v20, v17;
	[tilespmem:s22+$0x810] =	vst v23  }
0x9f: {  	v32 =	vld [tilespmem:s22+$0x8A0];
	v31 =	vmul.f32 v22, v17;
	[tilespmem:s22+$0x820] =	vst v25  }
0xa0: {  	v34 =	vbroadcast v0, $0xE;
	v37 =	vld [tilespmem:s22+$0x8C0];
	v33 =	vmul.f32 v24, v17;
	[tilespmem:s22+$0x840] =	vst v29  }
0xa1: {  	v41 =	vld [tilespmem:s22+$0x8E0];
	v36 =	vmul.f32 v26, v17;
	[tilespmem:s22+$0x850] =	vst v31  }
0xa2: {  	v28 =	vld [tilespmem:s22+$0x880];
	v40 =	vmul.f32 v30, v34;
	[tilespmem:s22+$0x860] =	vst v33  }
0xa3: {  	v53 =	vld [tilespmem:s22+$0x940];
	v27 =	vmul.f32 v18, v17;
	[tilespmem:s22+$0x870] =	vst v36  }
0xa4: {  	v57 =	vld [tilespmem:s22+$0x960];
	v42 =	vmul.f32 v32, v34;
	[tilespmem:s22+$0x890] =	vst v40  }
0xa5: {  	v35 =	vld [tilespmem:s22+$0x8B0];
	v46 =	vmul.f32 v37, v34;
	[tilespmem:s22+$0x830] =	vst v27  }
0xa6: {  	v0 =	vbroadcast v0, $0xF;
	v39 =	vld [tilespmem:s22+$0x8D0];
	v50 =	vmul.f32 v41, v34;
	[tilespmem:s22+$0x8A0] =	vst v42  }
0xa7: {  	v43 =	vld [tilespmem:s22+$0x8F0];
	v38 =	vmul.f32 v28, v34;
	[tilespmem:s22+$0x8C0] =	vst v46  }
0xa8: {  	v45 =	vld [tilespmem:s22+$0x900];
	v61 =	vmul.f32 v53, v0;
	[tilespmem:s22+$0x8E0] =	vst v50  }
0xa9: {  	v47 =	vld [tilespmem:s22+$0x910];
	v63 =	vmul.f32 v57, v0;
	[tilespmem:s22+$0x880] =	vst v38  }
0xaa: {  	v55 =	vld [tilespmem:s22+$0x950];
	v44 =	vmul.f32 v35, v34;
	[tilespmem:s22+$0x940] =	vst v61  }
0xab: {  	v49 =	vld [tilespmem:s22+$0x920];
	v48 =	vmul.f32 v39, v34;
	[tilespmem:s22+$0x960] =	vst v63  }
0xac: {  	v51 =	vld [tilespmem:s22+$0x930];
	v52 =	vmul.f32 v43, v34;
	[tilespmem:s22+$0x8B0] =	vst v44  }
0xad: {  	v59 =	vld [tilespmem:s22+$0x970];
	v54 =	vmul.f32 v45, v0;
	[tilespmem:s22+$0x8D0] =	vst v48  }
0xae: {  	v56 =	vmul.f32 v47, v0;
	[tilespmem:s22+$0x8F0] =	vst v52  }
0xaf: {  	p0 =	sne.s32 s21, $0x4;
	v62 =	vmul.f32 v55, v0;
	[tilespmem:s22+$0x900] =	vst v54  }
.Ltmp0:
0xb0: {  	v58 =	vmul.f32 v49, v0;
	[tilespmem:s22+$0x910] =	vst v56;
	(pc) =	sbr.rel @p0 .LBB2_3-.Ltmp0, $4  }
0xb1: {  	v60 =	vmul.f32 v51, v0;
	[tilespmem:s22+$0x950] =	vst v62  }
0xb2: {  	v0 =	vmul.f32 v59, v0;
	[tilespmem:s22+$0x920] =	vst v58  }
0xb3: {  	[tilespmem:s22+$0x930] =	vst v60  }
0xb4: {  	s21 =	sadd.s32 $0x1, s21;
	[tilespmem:s22+$0x970] =	vst v0  }
0xb5: {  	s20 =	sadd.s32 $0x1, s20  }
0xb6: {  	p0 =	sne.s32 s20, $0x7D  }
.Ltmp1:
0xb7: {  	_ = 	snop;
	(pc) =	sbr.rel @p0 .LBB2_2-.Ltmp1, $4  }
0xb8: {  	[spmem:s3] =	stream.indirect.scatter.add.f32 [tilespmem:s18], [sflag:$0x2], $0x80, s15, s17, $0xb8;
	[tilespmem:$0x16980] =	vst v63  }
0xb9: {  	_ =	swait.ge [sflag:s14], $0x2800  }
0xba: {  	[sflag:s14] =	ssyncset.done $0x0  }
0xbb: {  	[sflag:s14] =	ssyncadd.s32 $0xFFFFD800  }
0xbc: {  	s5 =	sadd.s32 $0x1, s5  }
0xbd: {  	p0 =	sne.s32 s5, s12  }
.Ltmp2:
0xbe: {  	[bflag:$0x0] =	sbarrier.arrive $0xFFFF;
	(pc) =	sbr.rel @p0 .LBB2_1-.Ltmp2, $4  }
0xbf: {  	[hbm:s11], [sflag:s9] =	dma.local [spmem:s13], $0x2800  }
0xc0: {  	_ =	swait.ge [sflag:s14], $0x2800  }
0xc1: {  	[sflag:s14] =	ssyncset.done $0x0  }
0xc2: {  	[sflag:s14] =	ssyncadd.s32 $0xFFFFD800  }
0xc3: {  	_ =	sfence.sel $0x180000  }
0xc4: {  	[bflag:$0x0] =	sbarrier.arrive $0xFFFF  }
0xc5: {  	p0 =	sne.s32 s4, $0x0;
	_ =	strace $0x90000047  }
0xc6: {  	s0 =	sadd.s32 @!p0 $0x100000, s0;
	[bflag:$0x2] =	sbarrier.arrive $0xFFFF  }
0xc7: {  	[sflag:s0] =	ssyncadd.tile.s32 @!p0 $0x1;
	_ =	shalt  }
.Lfunc_end2:
_tile_overlayer_lowered:
.L_overlay_start_2:
0xc8: {  	(tag) =	ssettag $0x2  }
0xc9: {  	s0 =	rddreg [dreg:$0x0];
	s2 =	stileid.u32  }
0xca: {  	s1 =	rddreg [dreg:$0x1];
	p0 =	sne.s32 s2, $0x0  }
0xcb: {  	s3 =	rddreg [dreg:$0x2];
	[bflag:$0x3] =	sbarrier.arrive $0xFFFF;
	s2 =	simm.s32 @!p0 $0x1C02  }
0xcc: {  	[timem:s3], [sflag:s2] =	dma.local @!p0 [hbm:s0], s1  }
0xcd: {  	s0 =	simm.s32 @!p0 $0x2  }
0xce: {  	_ =	swait.ge @!p0 [sflag:s0], s1  }
0xcf: {  	s1 =	ssub.s32 @!p0 $0x0, s1;
	[sflag:s0] =	ssyncset.done @!p0 $0x0  }
0xd0: {  	[sflag:s0] =	ssyncadd.s32 @!p0 s1  }
0xd1: {  	[bflag:$0x3] =	sbarrier.arrive $0xFFFF  }
0xd2: {  	_ =	shalt  }

</sc_bundles>
